<compile_context>
chip_gen: v7x
topology: tpu7x:2x2x1
jax: 0.10.2.dev20260603
libtpu: 0.0.44.dev20260713+nightly
codegen_flags: <defaults>
</compile_context>

<pallas_src>
import functools

import jax
import jax.numpy as jnp
from jax import lax
from jax.experimental import pallas as pl
from jax.experimental.pallas import tpu as pltpu
from jax.experimental.pallas import tpu_sc as plsc

KNN_K = 16
LANES = 16


def _build_sc_kernel(B, P, N, D):
    NC, NS = 2, 16
    NW = NC * NS
    QW = (B * P) // NW
    WPB = NW // B
    NB = N // LANES
    NP = QW // 2
    OW = 2 * D * KNN_K
    mesh = plsc.VectorSubcoreMesh(
        core_axis_name="c", subcore_axis_name="s",
        num_cores=NC, num_subcores=NS)

    @functools.partial(
        pl.kernel,
        out_type=jax.ShapeDtypeStruct((B, P * OW), jnp.float32),
        mesh=mesh,
        compiler_params=pltpu.CompilerParams(
            needs_layout_passes=False, use_tc_tiling_on_sc=False),
        scratch_types=[
            pltpu.VMEM((3 * N,), jnp.float32),
            pltpu.VMEM((QW * 3 * LANES,), jnp.float32),
            pltpu.VMEM((QW * D,), jnp.float32),
            pltpu.VMEM((2 * N,), jnp.float32),
            pltpu.VMEM((LANES,), jnp.float32),
            pltpu.VMEM((N + LANES,), jnp.float32),
            pltpu.VMEM((N + LANES,), jnp.int32),
            pltpu.VMEM((4 * KNN_K, D), jnp.float32),
            pltpu.VMEM((4 * OW,), jnp.float32),
            pltpu.SemaphoreType.DMA,
            pltpu.SemaphoreType.DMA,
        ],
    )
    def knn_combine(reft_hbm, qb_hbm, prev_hbm, cur_hbm, out_hbm,
                    refv, qv, curv, dists, rotv, bufd, bufi, rowsv,
                    outv, sem_g, sem_o):
        wid = lax.axis_index("s") * NC + lax.axis_index("c")
        b = wid // WPB
        q0 = (wid % WPB) * QW

        pltpu.sync_copy(reft_hbm.at[b], refv)
        pltpu.sync_copy(qb_hbm.at[b, pl.ds(q0 * 3 * LANES, QW * 3 * LANES)],
                        qv)
        pltpu.sync_copy(cur_hbm.at[b, pl.ds(q0 * D, QW * D)], curv)

        iota = lax.iota(jnp.int32, LANES)
        infv = jnp.full((LANES,), jnp.inf, jnp.float32)
        zerov = jnp.zeros((LANES,), jnp.int32)

        def lane_max_splat(vec):
            for s in (8, 4, 2, 1):
                rotv[...] = vec
                vec = jnp.maximum(
                    vec, plsc.load_gather(rotv, [(iota + s) & (LANES - 1)]))
            return vec

        def select_topk(doff, tvec):
            def pass_b(blk, off):
                base = blk * LANES
                d = dists[pl.ds(doff + base, LANES)]
                m = d <= tvec
                pos = off + plsc.cumsum(m.astype(jnp.int32)) - 1
                plsc.store_scatter(bufd, [pos], d, mask=m)
                plsc.store_scatter(bufi, [pos], base + iota, mask=m)
                return off + plsc.all_reduce_population_count(m)

            offv = plsc.parallel_loop(0, NB, unroll=16, carry=zerov)(pass_b)
            num_cand = jnp.sum(jnp.where(iota == 0, offv, 0))
            padpos = offv + iota
            plsc.store_scatter(bufd, [padpos], infv)
            plsc.store_scatter(bufi, [padpos], zerov)

            topd, topi = plsc.sort_key_val(bufd[pl.ds(0, LANES)],
                                           bufi[pl.ds(0, LANES)])

            def merge(j, ti):
                t, i = ti
                dj, ij = plsc.sort_key_val(bufd[pl.ds(j * LANES, LANES)],
                                           bufi[pl.ds(j * LANES, LANES)])
                dr = lax.rev(dj, (0,))
                ir = lax.rev(ij, (0,))
                keep = t <= dr
                st, si = plsc.sort_key_val(jnp.where(keep, t, dr),
                                           jnp.where(keep, i, ir))
                return (st, si)

            nblk = (num_cand + (LANES - 1)) // LANES
            _, topi = lax.fori_loop(1, nblk, merge, (topd, topi))
            return topi

        def compute_pair(p):
            qa = 2 * p
            abase = qa * 3 * LANES
            qxa = qv[pl.ds(abase, LANES)]
            qya = qv[pl.ds(abase + LANES, LANES)]
            qza = qv[pl.ds(abase + 2 * LANES, LANES)]
            qxb = qv[pl.ds(abase + 3 * LANES, LANES)]
            qyb = qv[pl.ds(abase + 4 * LANES, LANES)]
            qzb = qv[pl.ds(abase + 5 * LANES, LANES)]

            def pass_a(blk, carry):
                macc_a, macc_b = carry
                base = blk * LANES
                rx = refv[pl.ds(base, LANES)]
                ry = refv[pl.ds(N + base, LANES)]
                rz = refv[pl.ds(2 * N + base, LANES)]
                dxa = rx - qxa
                dya = ry - qya
                dza = rz - qza
                da = dxa * dxa + dya * dya + dza * dza
                dists[pl.ds(base, LANES)] = da
                dxb = rx - qxb
                dyb = ry - qyb
                dzb = rz - qzb
                db = dxb * dxb + dyb * dyb + dzb * dzb
                dists[pl.ds(N + base, LANES)] = db
                return (jnp.minimum(macc_a, da), jnp.minimum(macc_b, db))

            macc_a, macc_b = plsc.parallel_loop(
                0, NB, unroll=16, carry=(infv, infv))(pass_a)
            ta = lane_max_splat(macc_a)
            tb = lane_max_splat(macc_b)

            topi_a = select_topk(0, ta)
            pltpu.async_copy(
                prev_hbm.at[topi_a],
                rowsv.at[pl.ds((qa & 3) * KNN_K, KNN_K)], sem_g)
            topi_b = select_topk(N, tb)
            pltpu.async_copy(
                prev_hbm.at[topi_b],
                rowsv.at[pl.ds(((qa + 1) & 3) * KNN_K, KNN_K)], sem_g)

        def assemble(qq):
            s1 = qq & 3
            rbase = s1 * KNN_K
            obase = s1 * OW
            for c in range(D // LANES):
                cu = curv[pl.ds(qq * D + c * LANES, LANES)]
                col = c * LANES + iota
                for k in range(KNN_K):
                    row = plsc.load_gather(
                        rowsv, [jnp.full((LANES,), rbase + k, jnp.int32), col])
                    outv[pl.ds(obase + k * 2 * D + c * LANES, LANES)] = (
                        row - cu)
                    outv[pl.ds(obase + k * 2 * D + D + c * LANES, LANES)] = cu
            pltpu.async_copy(outv.at[pl.ds(obase, OW)],
                             out_hbm.at[b, pl.ds((q0 + qq) * OW, OW)], sem_o)

        def pipe(p, carry):
            @pl.when(p < NP)
            def _():
                compute_pair(p)

            @pl.when(p > 0)
            def _():
                qa = 2 * (p - 1)
                pltpu.make_async_copy(
                    prev_hbm.at[pl.ds(0, KNN_K)],
                    rowsv.at[pl.ds((qa & 3) * KNN_K, KNN_K)],
                    sem_g).wait()
                pltpu.make_async_copy(
                    prev_hbm.at[pl.ds(0, KNN_K)],
                    rowsv.at[pl.ds(((qa + 1) & 3) * KNN_K, KNN_K)],
                    sem_g).wait()

                @pl.when(p >= 3)
                def _():
                    for _ in range(2):
                        pltpu.make_async_copy(
                            outv.at[pl.ds(0, OW)],
                            out_hbm.at[b, pl.ds(0, OW)], sem_o).wait()

                assemble(qa)
                assemble(qa + 1)
            return carry

        lax.fori_loop(0, NP + 1, pipe, 0)
        for _ in range(4):
            pltpu.make_async_copy(outv.at[pl.ds(0, OW)],
                                  out_hbm.at[b, pl.ds(0, OW)], sem_o).wait()

    return knn_combine


def kernel(points_ref, points_query, previous_features, current_features):
    B, N, _ = points_ref.shape
    P = points_query.shape[1]
    D = previous_features.shape[-1]
    reft = jnp.transpose(points_ref, (0, 2, 1)).reshape(B, 3 * N)
    qb = jnp.broadcast_to(points_query[:, :, :, None],
                          (B, P, 3, LANES)).reshape(B, P * 3 * LANES)
    prev0 = previous_features[0]
    cur = current_features.reshape(B, P * D)
    fn = _build_sc_kernel(B, P, N, D)
    out = fn(reft, qb, prev0, cur)
    return out.reshape(B, P * KNN_K, 2 * D)

# --- scband reference (transcript-rebuilt; emitter-appended) ---
"""Pipeline reference for scband-feature-combination-88201448391101 (READ-ONLY COPY).

The authoritative reference and input builder live on the scoring server;
editing this copy changes nothing except your own understanding.
"""

import jax, jax.numpy as jnp
import numpy as np

KNN = 16


def knn_point(k, xyz1, xyz2):
    # xyz1: [B, N, 3] reference points, xyz2: [B, P, 3] query points
    # returns (dist, idx) where idx: [B, P, k] indexes into N of xyz1
    d = jnp.sum(jnp.square(xyz2[:, :, None, :] - xyz1[:, None, :, :]), axis=-1)  # [B, P, N]
    neg_d, idx = jax.lax.top_k(-d, k)
    return -neg_d, idx


def setup_inputs(seed: int = 0) -> dict:
    key = jax.random.key(seed)
    k1, k2, k3, k4 = jax.random.split(key, 4)
    points_ref = jax.random.normal(k1, (4, 4096, 3), dtype=jnp.float32)
    points_query = jax.random.normal(k2, (4, 2048, 3), dtype=jnp.float32)
    previous_features = jax.random.normal(k3, (4, 4096, 64), dtype=jnp.float32)
    current_features = jax.random.normal(k4, (4, 2048, 64), dtype=jnp.float32)
    return {
        "points_ref": points_ref,
        "points_query": points_query,
        "previous_features": previous_features,
        "current_features": current_features,
    }


def reference(points_ref, points_query, previous_features, current_features):
    # Faithful translation of FeatureCombination.call with
    # inputs = [points_ref, points_query, previous_features, current_features]
    _, knn_output_idx = knn_point(KNN, points_ref, points_query)  # [B, P, KNN]
    batch_num = knn_output_idx.shape[0]
    point_num = knn_output_idx.shape[1]
    knn_output_idx = knn_output_idx.astype(jnp.int32)
    knn_output_idx = knn_output_idx.reshape(-1, KNN)  # [B*P, KNN]
    prev = previous_features.reshape(-1, previous_features.shape[-1])  # [B*N, d]
    cur = current_features.reshape(-1, current_features.shape[-1])     # [B*P, d]
    # NOTE: original TF code gathers from the flattened [B*N, d] table with
    # per-batch indices (batch_dims=0) -- reproduced faithfully here.
    previous_selected = jnp.take(prev, knn_output_idx, axis=0)          # [B*P, KNN, d]
    current_selected = jnp.tile(cur[:, None, :], (1, KNN, 1))           # [B*P, KNN, d]
    intermediate_f = jnp.concatenate(
        [previous_selected - current_selected, current_selected], axis=-1
    )  # [B*P, KNN, 2d]
    intermediate_f = intermediate_f.reshape(batch_num, point_num * KNN, -1)
    return intermediate_f

if __name__ == "__main__":
    import jax
    _d = setup_inputs()
    print(jax.jit(kernel)(*tuple(_d.values())))

</pallas_src>

<mosaic_0001>
#map = affine_map<(d0, d1) -> (0, 0)>
module attributes {stable_mosaic.version = 14 : i64} {
  func.func @knn_combine(%arg0: i32, %arg1: i32, %arg2: memref<4x12288xf32, #tpu.memory_space<hbm>>, %arg3: memref<4x98304xf32, #tpu.memory_space<hbm>>, %arg4: memref<4096x64xf32, #tpu.memory_space<hbm>>, %arg5: memref<4x131072xf32, #tpu.memory_space<hbm>>, %arg6: memref<4x4194304xf32, #tpu.memory_space<hbm>>, %arg7: memref<12288xf32, #tpu.memory_space<vmem>>, %arg8: memref<12288xf32, #tpu.memory_space<vmem>>, %arg9: memref<16384xf32, #tpu.memory_space<vmem>>, %arg10: memref<8192xf32, #tpu.memory_space<vmem>>, %arg11: memref<16xf32, #tpu.memory_space<vmem>>, %arg12: memref<4112xf32, #tpu.memory_space<vmem>>, %arg13: memref<4112xi32, #tpu.memory_space<vmem>>, %arg14: memref<64x64xf32, #tpu.memory_space<vmem>>, %arg15: memref<8192xf32, #tpu.memory_space<vmem>>, %arg16: memref<!tpu.dma_semaphore, #tpu.memory_space<semaphore_mem>>, %arg17: memref<!tpu.dma_semaphore, #tpu.memory_space<semaphore_mem>>) attributes {dimension_semantics = [#tpu.dimension_semantics<core_parallel>, #tpu.dimension_semantics<subcore_parallel>], iteration_bounds = array<i64: 2, 16>, scalar_prefetch = 0 : i64, scratch_operands = 11 : i64, tpu.core_type = #tpu.core_type<sc_vector_subcore>, window_params = [{transform_indices = #map}, {transform_indices = #map}, {transform_indices = #map}, {transform_indices = #map}, {transform_indices = #map}]} {
    %mul3A = arith.constant 2 : i32
    %mul3A_0 = arith.muli %arg1, %mul3A : i32
    %add3A = arith.addi %mul3A_0, %arg0 : i32
    %jit3A = arith.constant 8 : i32
    %div3A = arith.divsi %add3A, %jit3A : i32
    %sign3A = arith.constant 0 : i32
    %sign3A_1 = arith.cmpi sgt, %add3A, %sign3A : i32
    %sign3A_2 = arith.extui %sign3A_1 : i1 to i32
    %sign3A_3 = arith.constant 0 : i32
    %sign3A_4 = arith.cmpi slt, %add3A, %sign3A_3 : i32
    %sign3A_5 = arith.extui %sign3A_4 : i1 to i32
    %sign3A_6 = arith.subi %sign3A_2, %sign3A_5 : i32
    %sign3A_7 = arith.constant 0 : i32
    %sign3A_8 = arith.cmpi sgt, %jit3A, %sign3A_7 : i32
    %sign3A_9 = arith.extui %sign3A_8 : i1 to i32
    %sign3A_10 = arith.constant 0 : i32
    %sign3A_11 = arith.cmpi slt, %jit3A, %sign3A_10 : i32
    %sign3A_12 = arith.extui %sign3A_11 : i1 to i32
    %sign3A_13 = arith.subi %sign3A_9, %sign3A_12 : i32
    %ne3A = arith.cmpi ne, %sign3A_6, %sign3A_13 : i32
    %rem3A = arith.remsi %add3A, %jit3A : i32
    %ne3A_14 = arith.constant 0 : i32
    %ne3A_15 = arith.cmpi ne, %rem3A, %ne3A_14 : i32
    %and3A = arith.andi %ne3A, %ne3A_15 : i1
    %sub3A = arith.constant 1 : i32
    %sub3A_16 = arith.subi %div3A, %sub3A : i32
    %select_n3A = arith.select %and3A, %sub3A_16, %div3A : i32
    %jit3A_17 = arith.constant 8 : i32
    %eq3A = arith.constant 0 : i32
    %eq3A_18 = arith.cmpi eq, %jit3A_17, %eq3A : i32
    %jit3A_19 = arith.constant 1 : i32
    %select_n3A_20 = arith.select %eq3A_18, %jit3A_19, %jit3A_17 : i32
    %rem3A_21 = arith.remsi %add3A, %select_n3A_20 : i32
    %ne3A_22 = arith.constant 0 : i32
    %ne3A_23 = arith.cmpi ne, %rem3A_21, %ne3A_22 : i32
    %lt3A = arith.constant 0 : i32
    %lt3A_24 = arith.cmpi slt, %rem3A_21, %lt3A : i32
    %lt3A_25 = arith.constant 0 : i32
    %lt3A_26 = arith.cmpi slt, %select_n3A_20, %lt3A_25 : i32
    %ne3A_27 = arith.xori %lt3A_24, %lt3A_26 : i1
    %and3A_28 = arith.andi %ne3A_27, %ne3A_23 : i1
    %add3A_29 = arith.addi %rem3A_21, %select_n3A_20 : i32
    %select_n3A_30 = arith.select %and3A_28, %add3A_29, %rem3A_21 : i32
    %mul3A_31 = arith.constant 256 : i32
    %mul3A_32 = arith.muli %select_n3A_30, %mul3A_31 : i32
    "tpu.region"() ({
      %run_scoped3A = tpu.sem_alloc : memref<!tpu.dma_semaphore, #tpu.memory_space<semaphore_mem>>
      %dma_start3A = arith.constant 0 : i32
      %dma_start3A_86 = tpu.memref_slice %arg2[%select_n3A, %dma_start3A] : memref<4x12288xf32, #tpu.memory_space<hbm>> -> memref<1x12288xf32, #tpu.memory_space<hbm>>
      %dma_start3A_87 = tpu.memref_squeeze %dma_start3A_86 : memref<1x12288xf32, #tpu.memory_space<hbm>> -> memref<12288xf32, #tpu.memory_space<hbm>>
      %dma_start3A_88 = arith.constant 0 : i32
      %dma_start3A_89 = tpu.memref_slice %arg2[%select_n3A, %dma_start3A_88] : memref<4x12288xf32, #tpu.memory_space<hbm>> -> memref<1x12288xf32, #tpu.memory_space<hbm>>
      %dma_start3A_90 = tpu.memref_squeeze %dma_start3A_89 : memref<1x12288xf32, #tpu.memory_space<hbm>> -> memref<12288xf32, #tpu.memory_space<hbm>>
      tpu.enqueue_dma source(%dma_start3A_90 : memref<12288xf32, #tpu.memory_space<hbm>>) target(%arg7 : memref<12288xf32, #tpu.memory_space<vmem>>) target_semaphore(%run_scoped3A : memref<!tpu.dma_semaphore, #tpu.memory_space<semaphore_mem>>)
      %dma_wait3A_91 = arith.constant 0 : i32
      %dma_wait3A_92 = tpu.memref_slice %arg2[%select_n3A, %dma_wait3A_91] : memref<4x12288xf32, #tpu.memory_space<hbm>> -> memref<1x12288xf32, #tpu.memory_space<hbm>>
      %dma_wait3A_93 = tpu.memref_squeeze %dma_wait3A_92 : memref<1x12288xf32, #tpu.memory_space<hbm>> -> memref<12288xf32, #tpu.memory_space<hbm>>
      %dma_wait3A_94 = arith.constant 0 : i32
      %dma_wait3A_95 = tpu.memref_slice %arg2[%select_n3A, %dma_wait3A_94] : memref<4x12288xf32, #tpu.memory_space<hbm>> -> memref<1x12288xf32, #tpu.memory_space<hbm>>
      %dma_wait3A_96 = tpu.memref_squeeze %dma_wait3A_95 : memref<1x12288xf32, #tpu.memory_space<hbm>> -> memref<12288xf32, #tpu.memory_space<hbm>>
      tpu.wait_dma2 semaphore(%run_scoped3A : memref<!tpu.dma_semaphore, #tpu.memory_space<semaphore_mem>>) src(%dma_wait3A_96 : memref<12288xf32, #tpu.memory_space<hbm>>) dst(%arg7 : memref<12288xf32, #tpu.memory_space<vmem>>)
      tpu.yield
    }) : () -> ()
    %mul3A_33 = arith.constant 3 : i32
    %mul3A_34 = arith.muli %mul3A_32, %mul3A_33 : i32
    %mul3A_35 = arith.constant 16 : i32
    %mul3A_36 = arith.muli %mul3A_34, %mul3A_35 : i32
    "tpu.region"() ({
      %run_scoped3A = tpu.sem_alloc : memref<!tpu.dma_semaphore, #tpu.memory_space<semaphore_mem>>
      %dma_start3A = tpu.memref_slice %arg3[%select_n3A, %mul3A_36] : memref<4x98304xf32, #tpu.memory_space<hbm>> -> memref<1x12288xf32, #tpu.memory_space<hbm>>
      %dma_start3A_86 = tpu.memref_squeeze %dma_start3A : memref<1x12288xf32, #tpu.memory_space<hbm>> -> memref<12288xf32, #tpu.memory_space<hbm>>
      %dma_start3A_87 = tpu.memref_slice %arg3[%select_n3A, %mul3A_36] : memref<4x98304xf32, #tpu.memory_space<hbm>> -> memref<1x12288xf32, #tpu.memory_space<hbm>>
      %dma_start3A_88 = tpu.memref_squeeze %dma_start3A_87 : memref<1x12288xf32, #tpu.memory_space<hbm>> -> memref<12288xf32, #tpu.memory_space<hbm>>
      tpu.enqueue_dma source(%dma_start3A_88 : memref<12288xf32, #tpu.memory_space<hbm>>) target(%arg8 : memref<12288xf32, #tpu.memory_space<vmem>>) target_semaphore(%run_scoped3A : memref<!tpu.dma_semaphore, #tpu.memory_space<semaphore_mem>>)
      %dma_wait3A_89 = tpu.memref_slice %arg3[%select_n3A, %mul3A_36] : memref<4x98304xf32, #tpu.memory_space<hbm>> -> memref<1x12288xf32, #tpu.memory_space<hbm>>
      %dma_wait3A_90 = tpu.memref_squeeze %dma_wait3A_89 : memref<1x12288xf32, #tpu.memory_space<hbm>> -> memref<12288xf32, #tpu.memory_space<hbm>>
      %dma_wait3A_91 = tpu.memref_slice %arg3[%select_n3A, %mul3A_36] : memref<4x98304xf32, #tpu.memory_space<hbm>> -> memref<1x12288xf32, #tpu.memory_space<hbm>>
      %dma_wait3A_92 = tpu.memref_squeeze %dma_wait3A_91 : memref<1x12288xf32, #tpu.memory_space<hbm>> -> memref<12288xf32, #tpu.memory_space<hbm>>
      tpu.wait_dma2 semaphore(%run_scoped3A : memref<!tpu.dma_semaphore, #tpu.memory_space<semaphore_mem>>) src(%dma_wait3A_92 : memref<12288xf32, #tpu.memory_space<hbm>>) dst(%arg8 : memref<12288xf32, #tpu.memory_space<vmem>>)
      tpu.yield
    }) : () -> ()
    %mul3A_37 = arith.constant 64 : i32
    %mul3A_38 = arith.muli %mul3A_32, %mul3A_37 : i32
    "tpu.region"() ({
      %run_scoped3A = tpu.sem_alloc : memref<!tpu.dma_semaphore, #tpu.memory_space<semaphore_mem>>
      %dma_start3A = tpu.memref_slice %arg5[%select_n3A, %mul3A_38] : memref<4x131072xf32, #tpu.memory_space<hbm>> -> memref<1x16384xf32, #tpu.memory_space<hbm>>
      %dma_start3A_86 = tpu.memref_squeeze %dma_start3A : memref<1x16384xf32, #tpu.memory_space<hbm>> -> memref<16384xf32, #tpu.memory_space<hbm>>
      %dma_start3A_87 = tpu.memref_slice %arg5[%select_n3A, %mul3A_38] : memref<4x131072xf32, #tpu.memory_space<hbm>> -> memref<1x16384xf32, #tpu.memory_space<hbm>>
      %dma_start3A_88 = tpu.memref_squeeze %dma_start3A_87 : memref<1x16384xf32, #tpu.memory_space<hbm>> -> memref<16384xf32, #tpu.memory_space<hbm>>
      tpu.enqueue_dma source(%dma_start3A_88 : memref<16384xf32, #tpu.memory_space<hbm>>) target(%arg9 : memref<16384xf32, #tpu.memory_space<vmem>>) target_semaphore(%run_scoped3A : memref<!tpu.dma_semaphore, #tpu.memory_space<semaphore_mem>>)
      %dma_wait3A_89 = tpu.memref_slice %arg5[%select_n3A, %mul3A_38] : memref<4x131072xf32, #tpu.memory_space<hbm>> -> memref<1x16384xf32, #tpu.memory_space<hbm>>
      %dma_wait3A_90 = tpu.memref_squeeze %dma_wait3A_89 : memref<1x16384xf32, #tpu.memory_space<hbm>> -> memref<16384xf32, #tpu.memory_space<hbm>>
      %dma_wait3A_91 = tpu.memref_slice %arg5[%select_n3A, %mul3A_38] : memref<4x131072xf32, #tpu.memory_space<hbm>> -> memref<1x16384xf32, #tpu.memory_space<hbm>>
      %dma_wait3A_92 = tpu.memref_squeeze %dma_wait3A_91 : memref<1x16384xf32, #tpu.memory_space<hbm>> -> memref<16384xf32, #tpu.memory_space<hbm>>
      tpu.wait_dma2 semaphore(%run_scoped3A : memref<!tpu.dma_semaphore, #tpu.memory_space<semaphore_mem>>) src(%dma_wait3A_92 : memref<16384xf32, #tpu.memory_space<hbm>>) dst(%arg9 : memref<16384xf32, #tpu.memory_space<vmem>>)
      tpu.yield
    }) : () -> ()
    %iota3A = tpu.iota {dimensions = array<i32: 0>} : vector<16xi32>
    %broadcast_in_dim3A = arith.constant 0x7F800000 : f32
    %broadcast_in_dim3A_39 = vector.broadcast %broadcast_in_dim3A : f32 to vector<16xf32>
    %broadcast_in_dim3A_40 = arith.constant 0 : i32
    %broadcast_in_dim3A_41 = vector.broadcast %broadcast_in_dim3A_40 : i32 to vector<16xi32>
    %scan3A = arith.constant 0 : i32
    %scan3A_42 = arith.constant 0 : i32
    %scan3A_43 = arith.constant 129 : i32
    %scan3A_44 = arith.addi %scan3A_42, %scan3A_43 : i32
    %scan3A_45 = arith.constant 1 : i32
    scf.for %scan3A_86 = %scan3A_42 to %scan3A_44 step %scan3A_45  : i32 {
      %lt3A_87 = arith.constant 128 : i32
      %lt3A_88 = arith.cmpi slt, %scan3A_86, %lt3A_87 : i32
      %convert_element_type3A = arith.extui %lt3A_88 : i1 to i32
      %cond3A = arith.constant 0 : i32
      %cond3A_89 = arith.cmpi ne, %convert_element_type3A, %cond3A : i32
      scf.if %cond3A_89 {
        %mul3A_94 = arith.constant 2 : i32
        %mul3A_95 = arith.muli %mul3A_94, %scan3A_86 : i32
        %mul3A_96 = arith.constant 3 : i32
        %mul3A_97 = arith.muli %mul3A_95, %mul3A_96 : i32
        %mul3A_98 = arith.constant 16 : i32
        %mul3A_99 = arith.muli %mul3A_97, %mul3A_98 : i32
        %get3A = arith.index_cast %mul3A_99 : i32 to index
        %get3A_100 = tpu.vector_load %arg8[%get3A] {strides = array<i32>} : memref<12288xf32, #tpu.memory_space<vmem>>, vector<16xf32>,
        %add3A_101 = arith.constant 16 : i32
        %add3A_102 = arith.addi %mul3A_99, %add3A_101 : i32
        %get3A_103 = arith.index_cast %add3A_102 : i32 to index
        %get3A_104 = tpu.vector_load %arg8[%get3A_103] {strides = array<i32>} : memref<12288xf32, #tpu.memory_space<vmem>>, vector<16xf32>,
        %add3A_105 = arith.constant 32 : i32
        %add3A_106 = arith.addi %mul3A_99, %add3A_105 : i32
        %get3A_107 = arith.index_cast %add3A_106 : i32 to index
        %get3A_108 = tpu.vector_load %arg8[%get3A_107] {strides = array<i32>} : memref<12288xf32, #tpu.memory_space<vmem>>, vector<16xf32>,
        %add3A_109 = arith.constant 48 : i32
        %add3A_110 = arith.addi %mul3A_99, %add3A_109 : i32
        %get3A_111 = arith.index_cast %add3A_110 : i32 to index
        %get3A_112 = tpu.vector_load %arg8[%get3A_111] {strides = array<i32>} : memref<12288xf32, #tpu.memory_space<vmem>>, vector<16xf32>,
        %add3A_113 = arith.constant 64 : i32
        %add3A_114 = arith.addi %mul3A_99, %add3A_113 : i32
        %get3A_115 = arith.index_cast %add3A_114 : i32 to index
        %get3A_116 = tpu.vector_load %arg8[%get3A_115] {strides = array<i32>} : memref<12288xf32, #tpu.memory_space<vmem>>, vector<16xf32>,
        %add3A_117 = arith.constant 80 : i32
        %add3A_118 = arith.addi %mul3A_99, %add3A_117 : i32
        %get3A_119 = arith.index_cast %add3A_118 : i32 to index
        %get3A_120 = tpu.vector_load %arg8[%get3A_119] {strides = array<i32>} : memref<12288xf32, #tpu.memory_space<vmem>>, vector<16xf32>,
        %parallel_loop3A = arith.constant 0 : i32
        %parallel_loop3A_121 = arith.constant 256 : i32
        %parallel_loop3A_122 = arith.constant 1 : i32
        %parallel_loop3A_123:2 = scf.for %parallel_loop3A_337 = %parallel_loop3A to %parallel_loop3A_121 step %parallel_loop3A_122 iter_args(%parallel_loop3A_338 = %broadcast_in_dim3A_39, %parallel_loop3A_339 = %broadcast_in_dim3A_39) -> (vector<16xf32>, vector<16xf32>)  : i32 {
          %parallel_loop3A_340 = arith.constant 16 : i32
          %parallel_loop3A_341 = arith.muli %parallel_loop3A_337, %parallel_loop3A_340 : i32
          %parallel_loop3A_342 = arith.index_cast %parallel_loop3A_341 : i32 to index
          %parallel_loop3A_343 = tpu.vector_load %arg7[%parallel_loop3A_342] {strides = array<i32>} : memref<12288xf32, #tpu.memory_space<vmem>>, vector<16xf32>,
          %parallel_loop3A_344 = arith.constant 4096 : i32
          %parallel_loop3A_345 = arith.addi %parallel_loop3A_344, %parallel_loop3A_341 : i32
          %parallel_loop3A_346 = arith.index_cast %parallel_loop3A_345 : i32 to index
          %parallel_loop3A_347 = tpu.vector_load %arg7[%parallel_loop3A_346] {strides = array<i32>} : memref<12288xf32, #tpu.memory_space<vmem>>, vector<16xf32>,
          %parallel_loop3A_348 = arith.constant 8192 : i32
          %parallel_loop3A_349 = arith.addi %parallel_loop3A_348, %parallel_loop3A_341 : i32
          %parallel_loop3A_350 = arith.index_cast %parallel_loop3A_349 : i32 to index
          %parallel_loop3A_351 = tpu.vector_load %arg7[%parallel_loop3A_350] {strides = array<i32>} : memref<12288xf32, #tpu.memory_space<vmem>>, vector<16xf32>,
          %parallel_loop3A_352 = arith.subf %parallel_loop3A_343, %get3A_100 : vector<16xf32>
          %parallel_loop3A_353 = arith.subf %parallel_loop3A_347, %get3A_104 : vector<16xf32>
          %parallel_loop3A_354 = arith.subf %parallel_loop3A_351, %get3A_108 : vector<16xf32>
          %parallel_loop3A_355 = arith.mulf %parallel_loop3A_352, %parallel_loop3A_352 : vector<16xf32>
          %parallel_loop3A_356 = arith.mulf %parallel_loop3A_353, %parallel_loop3A_353 : vector<16xf32>
          %parallel_loop3A_357 = arith.addf %parallel_loop3A_355, %parallel_loop3A_356 : vector<16xf32>
          %parallel_loop3A_358 = arith.mulf %parallel_loop3A_354, %parallel_loop3A_354 : vector<16xf32>
          %parallel_loop3A_359 = arith.addf %parallel_loop3A_357, %parallel_loop3A_358 : vector<16xf32>
          %parallel_loop3A_360 = arith.index_cast %parallel_loop3A_341 : i32 to index
          %parallel_loop3A_361 = tpu.vector_load %arg10[%parallel_loop3A_360] {strides = array<i32>} : memref<8192xf32, #tpu.memory_space<vmem>>, vector<16xf32>,
          tpu.vector_store %arg10[%parallel_loop3A_360], %parallel_loop3A_359 {strides = array<i32>} : memref<8192xf32, #tpu.memory_space<vmem>>, vector<16xf32>,
          %parallel_loop3A_362 = arith.subf %parallel_loop3A_343, %get3A_112 : vector<16xf32>
          %parallel_loop3A_363 = arith.subf %parallel_loop3A_347, %get3A_116 : vector<16xf32>
          %parallel_loop3A_364 = arith.subf %parallel_loop3A_351, %get3A_120 : vector<16xf32>
          %parallel_loop3A_365 = arith.mulf %parallel_loop3A_362, %parallel_loop3A_362 : vector<16xf32>
          %parallel_loop3A_366 = arith.mulf %parallel_loop3A_363, %parallel_loop3A_363 : vector<16xf32>
          %parallel_loop3A_367 = arith.addf %parallel_loop3A_365, %parallel_loop3A_366 : vector<16xf32>
          %parallel_loop3A_368 = arith.mulf %parallel_loop3A_364, %parallel_loop3A_364 : vector<16xf32>
          %parallel_loop3A_369 = arith.addf %parallel_loop3A_367, %parallel_loop3A_368 : vector<16xf32>
          %parallel_loop3A_370 = arith.constant 4096 : i32
          %parallel_loop3A_371 = arith.addi %parallel_loop3A_370, %parallel_loop3A_341 : i32
          %parallel_loop3A_372 = arith.index_cast %parallel_loop3A_371 : i32 to index
          %parallel_loop3A_373 = tpu.vector_load %arg10[%parallel_loop3A_372] {strides = array<i32>} : memref<8192xf32, #tpu.memory_space<vmem>>, vector<16xf32>,
          tpu.vector_store %arg10[%parallel_loop3A_372], %parallel_loop3A_369 {strides = array<i32>} : memref<8192xf32, #tpu.memory_space<vmem>>, vector<16xf32>,
          %parallel_loop3A_374 = arith.minimumf %parallel_loop3A_338, %parallel_loop3A_359 : vector<16xf32>
          %parallel_loop3A_375 = arith.minimumf %parallel_loop3A_339, %parallel_loop3A_369 : vector<16xf32>
          scf.yield %parallel_loop3A_374, %parallel_loop3A_375 : vector<16xf32>, vector<16xf32>
        } {sc.loop_unroll_factor = 16 : i64, sc.parallel_access}
        %swap3A = arith.constant 0 : index
        %swap3A_124 = tpu.vector_load %arg11[%swap3A] {strides = array<i32>} : memref<16xf32, #tpu.memory_space<vmem>>, vector<16xf32>,
        tpu.vector_store %arg11[%swap3A], %parallel_loop3A_123#0 {strides = array<i32>} : memref<16xf32, #tpu.memory_space<vmem>>, vector<16xf32>,
        %add3A_125 = arith.constant 8 : i32
        %add3A_126 = vector.broadcast %add3A_125 : i32 to vector<16xi32>
        %add3A_127 = arith.addi %iota3A, %add3A_126 : vector<16xi32>
        %and3A_128 = arith.constant 15 : i32
        %and3A_129 = vector.broadcast %and3A_128 : i32 to vector<16xi32>
        %and3A_130 = arith.andi %add3A_127, %and3A_129 : vector<16xi32>
        %gather3A = tpu.vector_load_idx %arg11[%and3A_130] : memref<16xf32, #tpu.memory_space<vmem>>[vector<16xi32>], vector<16xf32>,
        %max3A = arith.maximumf %parallel_loop3A_123#0, %gather3A : vector<16xf32>
        %swap3A_131 = arith.constant 0 : index
        %swap3A_132 = tpu.vector_load %arg11[%swap3A_131] {strides = array<i32>} : memref<16xf32, #tpu.memory_space<vmem>>, vector<16xf32>,
        tpu.vector_store %arg11[%swap3A_131], %max3A {strides = array<i32>} : memref<16xf32, #tpu.memory_space<vmem>>, vector<16xf32>,
        %add3A_133 = arith.constant 4 : i32
        %add3A_134 = vector.broadcast %add3A_133 : i32 to vector<16xi32>
        %add3A_135 = arith.addi %iota3A, %add3A_134 : vector<16xi32>
        %and3A_136 = arith.constant 15 : i32
        %and3A_137 = vector.broadcast %and3A_136 : i32 to vector<16xi32>
        %and3A_138 = arith.andi %add3A_135, %and3A_137 : vector<16xi32>
        %gather3A_139 = tpu.vector_load_idx %arg11[%and3A_138] : memref<16xf32, #tpu.memory_space<vmem>>[vector<16xi32>], vector<16xf32>,
        %max3A_140 = arith.maximumf %max3A, %gather3A_139 : vector<16xf32>
        %swap3A_141 = arith.constant 0 : index
        %swap3A_142 = tpu.vector_load %arg11[%swap3A_141] {strides = array<i32>} : memref<16xf32, #tpu.memory_space<vmem>>, vector<16xf32>,
        tpu.vector_store %arg11[%swap3A_141], %max3A_140 {strides = array<i32>} : memref<16xf32, #tpu.memory_space<vmem>>, vector<16xf32>,
        %add3A_143 = arith.constant 2 : i32
        %add3A_144 = vector.broadcast %add3A_143 : i32 to vector<16xi32>
        %add3A_145 = arith.addi %iota3A, %add3A_144 : vector<16xi32>
        %and3A_146 = arith.constant 15 : i32
        %and3A_147 = vector.broadcast %and3A_146 : i32 to vector<16xi32>
        %and3A_148 = arith.andi %add3A_145, %and3A_147 : vector<16xi32>
        %gather3A_149 = tpu.vector_load_idx %arg11[%and3A_148] : memref<16xf32, #tpu.memory_space<vmem>>[vector<16xi32>], vector<16xf32>,
        %max3A_150 = arith.maximumf %max3A_140, %gather3A_149 : vector<16xf32>
        %swap3A_151 = arith.constant 0 : index
        %swap3A_152 = tpu.vector_load %arg11[%swap3A_151] {strides = array<i32>} : memref<16xf32, #tpu.memory_space<vmem>>, vector<16xf32>,
        tpu.vector_store %arg11[%swap3A_151], %max3A_150 {strides = array<i32>} : memref<16xf32, #tpu.memory_space<vmem>>, vector<16xf32>,
        %add3A_153 = arith.constant 1 : i32
        %add3A_154 = vector.broadcast %add3A_153 : i32 to vector<16xi32>
        %add3A_155 = arith.addi %iota3A, %add3A_154 : vector<16xi32>
        %and3A_156 = arith.constant 15 : i32
        %and3A_157 = vector.broadcast %and3A_156 : i32 to vector<16xi32>
        %and3A_158 = arith.andi %add3A_155, %and3A_157 : vector<16xi32>
        %gather3A_159 = tpu.vector_load_idx %arg11[%and3A_158] : memref<16xf32, #tpu.memory_space<vmem>>[vector<16xi32>], vector<16xf32>,
        %max3A_160 = arith.maximumf %max3A_150, %gather3A_159 : vector<16xf32>
        %swap3A_161 = arith.constant 0 : index
        %swap3A_162 = tpu.vector_load %arg11[%swap3A_161] {strides = array<i32>} : memref<16xf32, #tpu.memory_space<vmem>>, vector<16xf32>,
        tpu.vector_store %arg11[%swap3A_161], %parallel_loop3A_123#1 {strides = array<i32>} : memref<16xf32, #tpu.memory_space<vmem>>, vector<16xf32>,
        %add3A_163 = arith.constant 8 : i32
        %add3A_164 = vector.broadcast %add3A_163 : i32 to vector<16xi32>
        %add3A_165 = arith.addi %iota3A, %add3A_164 : vector<16xi32>
        %and3A_166 = arith.constant 15 : i32
        %and3A_167 = vector.broadcast %and3A_166 : i32 to vector<16xi32>
        %and3A_168 = arith.andi %add3A_165, %and3A_167 : vector<16xi32>
        %gather3A_169 = tpu.vector_load_idx %arg11[%and3A_168] : memref<16xf32, #tpu.memory_space<vmem>>[vector<16xi32>], vector<16xf32>,
        %max3A_170 = arith.maximumf %parallel_loop3A_123#1, %gather3A_169 : vector<16xf32>
        %swap3A_171 = arith.constant 0 : index
        %swap3A_172 = tpu.vector_load %arg11[%swap3A_171] {strides = array<i32>} : memref<16xf32, #tpu.memory_space<vmem>>, vector<16xf32>,
        tpu.vector_store %arg11[%swap3A_171], %max3A_170 {strides = array<i32>} : memref<16xf32, #tpu.memory_space<vmem>>, vector<16xf32>,
        %add3A_173 = arith.constant 4 : i32
        %add3A_174 = vector.broadcast %add3A_173 : i32 to vector<16xi32>
        %add3A_175 = arith.addi %iota3A, %add3A_174 : vector<16xi32>
        %and3A_176 = arith.constant 15 : i32
        %and3A_177 = vector.broadcast %and3A_176 : i32 to vector<16xi32>
        %and3A_178 = arith.andi %add3A_175, %and3A_177 : vector<16xi32>
        %gather3A_179 = tpu.vector_load_idx %arg11[%and3A_178] : memref<16xf32, #tpu.memory_space<vmem>>[vector<16xi32>], vector<16xf32>,
        %max3A_180 = arith.maximumf %max3A_170, %gather3A_179 : vector<16xf32>
        %swap3A_181 = arith.constant 0 : index
        %swap3A_182 = tpu.vector_load %arg11[%swap3A_181] {strides = array<i32>} : memref<16xf32, #tpu.memory_space<vmem>>, vector<16xf32>,
        tpu.vector_store %arg11[%swap3A_181], %max3A_180 {strides = array<i32>} : memref<16xf32, #tpu.memory_space<vmem>>, vector<16xf32>,
        %add3A_183 = arith.constant 2 : i32
        %add3A_184 = vector.broadcast %add3A_183 : i32 to vector<16xi32>
        %add3A_185 = arith.addi %iota3A, %add3A_184 : vector<16xi32>
        %and3A_186 = arith.constant 15 : i32
        %and3A_187 = vector.broadcast %and3A_186 : i32 to vector<16xi32>
        %and3A_188 = arith.andi %add3A_185, %and3A_187 : vector<16xi32>
        %gather3A_189 = tpu.vector_load_idx %arg11[%and3A_188] : memref<16xf32, #tpu.memory_space<vmem>>[vector<16xi32>], vector<16xf32>,
        %max3A_190 = arith.maximumf %max3A_180, %gather3A_189 : vector<16xf32>
        %swap3A_191 = arith.constant 0 : index
        %swap3A_192 = tpu.vector_load %arg11[%swap3A_191] {strides = array<i32>} : memref<16xf32, #tpu.memory_space<vmem>>, vector<16xf32>,
        tpu.vector_store %arg11[%swap3A_191], %max3A_190 {strides = array<i32>} : memref<16xf32, #tpu.memory_space<vmem>>, vector<16xf32>,
        %add3A_193 = arith.constant 1 : i32
        %add3A_194 = vector.broadcast %add3A_193 : i32 to vector<16xi32>
        %add3A_195 = arith.addi %iota3A, %add3A_194 : vector<16xi32>
        %and3A_196 = arith.constant 15 : i32
        %and3A_197 = vector.broadcast %and3A_196 : i32 to vector<16xi32>
        %and3A_198 = arith.andi %add3A_195, %and3A_197 : vector<16xi32>
        %gather3A_199 = tpu.vector_load_idx %arg11[%and3A_198] : memref<16xf32, #tpu.memory_space<vmem>>[vector<16xi32>], vector<16xf32>,
        %max3A_200 = arith.maximumf %max3A_190, %gather3A_199 : vector<16xf32>
        %parallel_loop3A_201 = arith.constant 0 : i32
        %parallel_loop3A_202 = arith.constant 256 : i32
        %parallel_loop3A_203 = arith.constant 1 : i32
        %parallel_loop3A_204 = scf.for %parallel_loop3A_337 = %parallel_loop3A_201 to %parallel_loop3A_202 step %parallel_loop3A_203 iter_args(%parallel_loop3A_338 = %broadcast_in_dim3A_41) -> (vector<16xi32>)  : i32 {
          %parallel_loop3A_339 = arith.constant 16 : i32
          %parallel_loop3A_340 = arith.muli %parallel_loop3A_337, %parallel_loop3A_339 : i32
          %parallel_loop3A_341 = arith.constant 0 : i32
          %parallel_loop3A_342 = arith.addi %parallel_loop3A_341, %parallel_loop3A_340 : i32
          %parallel_loop3A_343 = arith.index_cast %parallel_loop3A_342 : i32 to index
          %parallel_loop3A_344 = tpu.vector_load %arg10[%parallel_loop3A_343] {strides = array<i32>} : memref<8192xf32, #tpu.memory_space<vmem>>, vector<16xf32>,
          %parallel_loop3A_345 = arith.cmpf ole, %parallel_loop3A_344, %max3A_160 : vector<16xf32>
          %parallel_loop3A_346 = arith.extui %parallel_loop3A_345 : vector<16xi1> to vector<16xi32>
          %parallel_loop3A_347 = arith.constant true
          %parallel_loop3A_348 = vector.broadcast %parallel_loop3A_347 : i1 to vector<16xi1>
          %parallel_loop3A_349 = tpu.scan <sum>, %parallel_loop3A_346 masked %parallel_loop3A_348 : vector<16xi32>, vector<16xi1> -> vector<16xi32>
          %parallel_loop3A_350 = arith.addi %parallel_loop3A_338, %parallel_loop3A_349 : vector<16xi32>
          %parallel_loop3A_351 = arith.constant 1 : i32
          %parallel_loop3A_352 = vector.broadcast %parallel_loop3A_351 : i32 to vector<16xi32>
          %parallel_loop3A_353 = arith.subi %parallel_loop3A_350, %parallel_loop3A_352 : vector<16xi32>
          tpu.vector_store_idx %arg12[%parallel_loop3A_353], %parallel_loop3A_344 masked %parallel_loop3A_345 : memref<4112xf32, #tpu.memory_space<vmem>>[vector<16xi32>], vector<16xf32>, vector<16xi1>
          %parallel_loop3A_354 = vector.broadcast %parallel_loop3A_340 : i32 to vector<16xi32>
          %parallel_loop3A_355 = arith.addi %parallel_loop3A_354, %iota3A : vector<16xi32>
          tpu.vector_store_idx %arg13[%parallel_loop3A_353], %parallel_loop3A_355 masked %parallel_loop3A_345 : memref<4112xi32, #tpu.memory_space<vmem>>[vector<16xi32>], vector<16xi32>, vector<16xi1>
          %parallel_loop3A_356 = tpu.all_reduce %parallel_loop3A_345 {dim = 0 : i64, kind = #tpu.reduction_kind<sum>} : vector<16xi1> -> vector<16xi32>
          %parallel_loop3A_357 = arith.addi %parallel_loop3A_338, %parallel_loop3A_356 : vector<16xi32>
          scf.yield %parallel_loop3A_357 : vector<16xi32>
        } {sc.loop_unroll_factor = 16 : i64, sc.parallel_access}
        %eq3A_205 = arith.constant 0 : i32
        %eq3A_206 = vector.broadcast %eq3A_205 : i32 to vector<16xi32>
        %eq3A_207 = arith.cmpi eq, %iota3A, %eq3A_206 : vector<16xi32>
        %jit3A_208 = arith.constant 0 : i32
        %broadcast_in_dim3A_209 = vector.broadcast %jit3A_208 : i32 to vector<16xi32>
        %select_n3A_210 = arith.select %eq3A_207, %parallel_loop3A_204, %broadcast_in_dim3A_209 : vector<16xi1>, vector<16xi32>
        %reduce_sum3A = arith.constant true
        %reduce_sum3A_211 = vector.broadcast %reduce_sum3A : i1 to vector<16xi1>
        %reduce_sum3A_212 = tpu.scan <sum>, %select_n3A_210 masked %reduce_sum3A_211 : vector<16xi32>, vector<16xi1> -> vector<16xi32>
        %reduce_sum3A_213 = vector.extract %reduce_sum3A_212[15] : i32 from vector<16xi32>
        %add3A_214 = arith.addi %parallel_loop3A_204, %iota3A : vector<16xi32>
        tpu.vector_store_idx %arg12[%add3A_214], %broadcast_in_dim3A_39 : memref<4112xf32, #tpu.memory_space<vmem>>[vector<16xi32>], vector<16xf32>,
        tpu.vector_store_idx %arg13[%add3A_214], %broadcast_in_dim3A_41 : memref<4112xi32, #tpu.memory_space<vmem>>[vector<16xi32>], vector<16xi32>,
        %get3A_215 = arith.constant 0 : index
        %get3A_216 = tpu.vector_load %arg12[%get3A_215] {strides = array<i32>} : memref<4112xf32, #tpu.memory_space<vmem>>, vector<16xf32>,
        %get3A_217 = arith.constant 0 : index
        %get3A_218 = tpu.vector_load %arg13[%get3A_217] {strides = array<i32>} : memref<4112xi32, #tpu.memory_space<vmem>>, vector<16xi32>,
        %masked_sort3A = arith.constant dense<true> : vector<16xi1>
        %masked_sort3A_219, %masked_sort3A_220, %masked_sort3A_221 = tpu.sort %get3A_216, %get3A_218 masked %masked_sort3A : (vector<16xf32>, vector<16xi32>, vector<16xi1>) -> (vector<16xi1>, vector<16xf32>, vector<16xi32>)
        %add3A_222 = arith.constant 15 : i32
        %add3A_223 = arith.addi %reduce_sum3A_213, %add3A_222 : i32
        %jit3A_224 = arith.constant 16 : i32
        %div3A_225 = arith.divsi %add3A_223, %jit3A_224 : i32
        %sign3A_226 = arith.constant 0 : i32
        %sign3A_227 = arith.cmpi sgt, %add3A_223, %sign3A_226 : i32
        %sign3A_228 = arith.extui %sign3A_227 : i1 to i32
        %sign3A_229 = arith.constant 0 : i32
        %sign3A_230 = arith.cmpi slt, %add3A_223, %sign3A_229 : i32
        %sign3A_231 = arith.extui %sign3A_230 : i1 to i32
        %sign3A_232 = arith.subi %sign3A_228, %sign3A_231 : i32
        %sign3A_233 = arith.constant 0 : i32
        %sign3A_234 = arith.cmpi sgt, %jit3A_224, %sign3A_233 : i32
        %sign3A_235 = arith.extui %sign3A_234 : i1 to i32
        %sign3A_236 = arith.constant 0 : i32
        %sign3A_237 = arith.cmpi slt, %jit3A_224, %sign3A_236 : i32
        %sign3A_238 = arith.extui %sign3A_237 : i1 to i32
        %sign3A_239 = arith.subi %sign3A_235, %sign3A_238 : i32
        %ne3A_240 = arith.cmpi ne, %sign3A_232, %sign3A_239 : i32
        %rem3A_241 = arith.remsi %add3A_223, %jit3A_224 : i32
        %ne3A_242 = arith.constant 0 : i32
        %ne3A_243 = arith.cmpi ne, %rem3A_241, %ne3A_242 : i32
        %and3A_244 = arith.andi %ne3A_240, %ne3A_243 : i1
        %sub3A_245 = arith.constant 1 : i32
        %sub3A_246 = arith.subi %div3A_225, %sub3A_245 : i32
        %select_n3A_247 = arith.select %and3A_244, %sub3A_246, %div3A_225 : i32
        %while3A = arith.constant 1 : i32
        %while3A_248 = arith.subi %select_n3A_247, %while3A : i32
        %while3A_249 = arith.addi %while3A, %while3A_248 : i32
        %while3A_250 = arith.constant 1 : i32
        %while3A_251 = arith.divsi %while3A_248, %while3A_250 : i32
        %while3A_252 = arith.muli %while3A_251, %while3A_250 : i32
        %while3A_253 = arith.addi %while3A, %while3A_252 : i32
        %while3A_254 = arith.constant 1 : i32
        %while3A_255:2 = scf.for %while3A_337 = %while3A to %while3A_253 step %while3A_254 iter_args(%while3A_338 = %masked_sort3A_220, %while3A_339 = %masked_sort3A_221) -> (vector<16xf32>, vector<16xi32>)  : i32 {
          %mul3A_340 = arith.constant 16 : i32
          %mul3A_341 = arith.muli %while3A_337, %mul3A_340 : i32
          %get3A_342 = arith.index_cast %mul3A_341 : i32 to index
          %get3A_343 = tpu.vector_load %arg12[%get3A_342] {strides = array<i32>} : memref<4112xf32, #tpu.memory_space<vmem>>, vector<16xf32>,
          %mul3A_344 = arith.constant 16 : i32
          %mul3A_345 = arith.muli %while3A_337, %mul3A_344 : i32
          %get3A_346 = arith.index_cast %mul3A_345 : i32 to index
          %get3A_347 = tpu.vector_load %arg13[%get3A_346] {strides = array<i32>} : memref<4112xi32, #tpu.memory_space<vmem>>, vector<16xi32>,
          %masked_sort3A_348 = arith.constant dense<true> : vector<16xi1>
          %masked_sort3A_349, %masked_sort3A_350, %masked_sort3A_351 = tpu.sort %get3A_343, %get3A_347 masked %masked_sort3A_348 : (vector<16xf32>, vector<16xi32>, vector<16xi1>) -> (vector<16xi1>, vector<16xf32>, vector<16xi32>)
          %rev3A = arith.constant 15 : i32
          %rev3A_352 = vector.broadcast %rev3A : i32 to vector<16xi32>
          %rev3A_353 = tpu.iota {dimensions = array<i32: 0>} : vector<16xi32>
          %rev3A_354 = arith.subi %rev3A_352, %rev3A_353 : vector<16xi32>
          %rev3A_355 = tpu.dynamic_gather %masked_sort3A_350[%rev3A_354] in [0] : vector<16xf32>, vector<16xi32> -> vector<16xf32>
          %rev3A_356 = arith.constant 15 : i32
          %rev3A_357 = vector.broadcast %rev3A_356 : i32 to vector<16xi32>
          %rev3A_358 = tpu.iota {dimensions = array<i32: 0>} : vector<16xi32>
          %rev3A_359 = arith.subi %rev3A_357, %rev3A_358 : vector<16xi32>
          %rev3A_360 = tpu.dynamic_gather %masked_sort3A_351[%rev3A_359] in [0] : vector<16xi32>, vector<16xi32> -> vector<16xi32>
          %le3A = arith.cmpf ole, %while3A_338, %rev3A_355 : vector<16xf32>
          %select_n3A_361 = arith.select %le3A, %while3A_338, %rev3A_355 : vector<16xi1>, vector<16xf32>
          %select_n3A_362 = arith.select %le3A, %while3A_339, %rev3A_360 : vector<16xi1>, vector<16xi32>
          %masked_sort3A_363 = arith.constant dense<true> : vector<16xi1>
          %masked_sort3A_364, %masked_sort3A_365, %masked_sort3A_366 = tpu.sort %select_n3A_361, %select_n3A_362 masked %masked_sort3A_363 : (vector<16xf32>, vector<16xi32>, vector<16xi1>) -> (vector<16xi1>, vector<16xf32>, vector<16xi32>)
          scf.yield %masked_sort3A_365, %masked_sort3A_366 : vector<16xf32>, vector<16xi32>
        }
        %while3A_256 = arith.constant 1 : i32
        %while3A_257:2 = scf.for %while3A_337 = %while3A_253 to %while3A_249 step %while3A_256 iter_args(%while3A_338 = %while3A_255#0, %while3A_339 = %while3A_255#1) -> (vector<16xf32>, vector<16xi32>)  : i32 {
          %mul3A_340 = arith.constant 16 : i32
          %mul3A_341 = arith.muli %while3A_337, %mul3A_340 : i32
          %get3A_342 = arith.index_cast %mul3A_341 : i32 to index
          %get3A_343 = tpu.vector_load %arg12[%get3A_342] {strides = array<i32>} : memref<4112xf32, #tpu.memory_space<vmem>>, vector<16xf32>,
          %mul3A_344 = arith.constant 16 : i32
          %mul3A_345 = arith.muli %while3A_337, %mul3A_344 : i32
          %get3A_346 = arith.index_cast %mul3A_345 : i32 to index
          %get3A_347 = tpu.vector_load %arg13[%get3A_346] {strides = array<i32>} : memref<4112xi32, #tpu.memory_space<vmem>>, vector<16xi32>,
          %masked_sort3A_348 = arith.constant dense<true> : vector<16xi1>
          %masked_sort3A_349, %masked_sort3A_350, %masked_sort3A_351 = tpu.sort %get3A_343, %get3A_347 masked %masked_sort3A_348 : (vector<16xf32>, vector<16xi32>, vector<16xi1>) -> (vector<16xi1>, vector<16xf32>, vector<16xi32>)
          %rev3A = arith.constant 15 : i32
          %rev3A_352 = vector.broadcast %rev3A : i32 to vector<16xi32>
          %rev3A_353 = tpu.iota {dimensions = array<i32: 0>} : vector<16xi32>
          %rev3A_354 = arith.subi %rev3A_352, %rev3A_353 : vector<16xi32>
          %rev3A_355 = tpu.dynamic_gather %masked_sort3A_350[%rev3A_354] in [0] : vector<16xf32>, vector<16xi32> -> vector<16xf32>
          %rev3A_356 = arith.constant 15 : i32
          %rev3A_357 = vector.broadcast %rev3A_356 : i32 to vector<16xi32>
          %rev3A_358 = tpu.iota {dimensions = array<i32: 0>} : vector<16xi32>
          %rev3A_359 = arith.subi %rev3A_357, %rev3A_358 : vector<16xi32>
          %rev3A_360 = tpu.dynamic_gather %masked_sort3A_351[%rev3A_359] in [0] : vector<16xi32>, vector<16xi32> -> vector<16xi32>
          %le3A = arith.cmpf ole, %while3A_338, %rev3A_355 : vector<16xf32>
          %select_n3A_361 = arith.select %le3A, %while3A_338, %rev3A_355 : vector<16xi1>, vector<16xf32>
          %select_n3A_362 = arith.select %le3A, %while3A_339, %rev3A_360 : vector<16xi1>, vector<16xi32>
          %masked_sort3A_363 = arith.constant dense<true> : vector<16xi1>
          %masked_sort3A_364, %masked_sort3A_365, %masked_sort3A_366 = tpu.sort %select_n3A_361, %select_n3A_362 masked %masked_sort3A_363 : (vector<16xf32>, vector<16xi32>, vector<16xi1>) -> (vector<16xi1>, vector<16xf32>, vector<16xi32>)
          scf.yield %masked_sort3A_365, %masked_sort3A_366 : vector<16xf32>, vector<16xi32>
        }
        %and3A_258 = arith.constant 3 : i32
        %and3A_259 = arith.andi %mul3A_95, %and3A_258 : i32
        %mul3A_260 = arith.constant 16 : i32
        %mul3A_261 = arith.muli %and3A_259, %mul3A_260 : i32
        %dma_start3A = arith.constant 0 : i32
        %dma_start3A_262 = tpu.memref_slice %arg14[%mul3A_261, %dma_start3A] : memref<64x64xf32, #tpu.memory_space<vmem>> -> memref<16x64xf32, #tpu.memory_space<vmem>>
        %dma_start3A_263 = arith.constant 0 : i32
        %dma_start3A_264 = arith.constant 0 : i32
        %dma_start3A_265 = tpu.memref_slice %arg4[%dma_start3A_263, %dma_start3A_264] : memref<4096x64xf32, #tpu.memory_space<hbm>> -> memref<4096x64xf32, #tpu.memory_space<hbm>>
        tpu.enqueue_indirect_dma source(%dma_start3A_265 : memref<4096x64xf32, #tpu.memory_space<hbm>>) target(%dma_start3A_262 : memref<16x64xf32, #tpu.memory_space<vmem>>) offsets(%while3A_257#1 : vector<16xi32>) semaphore(%arg16 : memref<!tpu.dma_semaphore, #tpu.memory_space<semaphore_mem>>)
        %parallel_loop3A_266 = arith.constant 0 : i32
        %parallel_loop3A_267 = arith.constant 256 : i32
        %parallel_loop3A_268 = arith.constant 1 : i32
        %parallel_loop3A_269 = scf.for %parallel_loop3A_337 = %parallel_loop3A_266 to %parallel_loop3A_267 step %parallel_loop3A_268 iter_args(%parallel_loop3A_338 = %broadcast_in_dim3A_41) -> (vector<16xi32>)  : i32 {
          %parallel_loop3A_339 = arith.constant 16 : i32
          %parallel_loop3A_340 = arith.muli %parallel_loop3A_337, %parallel_loop3A_339 : i32
          %parallel_loop3A_341 = arith.constant 4096 : i32
          %parallel_loop3A_342 = arith.addi %parallel_loop3A_341, %parallel_loop3A_340 : i32
          %parallel_loop3A_343 = arith.index_cast %parallel_loop3A_342 : i32 to index
          %parallel_loop3A_344 = tpu.vector_load %arg10[%parallel_loop3A_343] {strides = array<i32>} : memref<8192xf32, #tpu.memory_space<vmem>>, vector<16xf32>,
          %parallel_loop3A_345 = arith.cmpf ole, %parallel_loop3A_344, %max3A_200 : vector<16xf32>
          %parallel_loop3A_346 = arith.extui %parallel_loop3A_345 : vector<16xi1> to vector<16xi32>
          %parallel_loop3A_347 = arith.constant true
          %parallel_loop3A_348 = vector.broadcast %parallel_loop3A_347 : i1 to vector<16xi1>
          %parallel_loop3A_349 = tpu.scan <sum>, %parallel_loop3A_346 masked %parallel_loop3A_348 : vector<16xi32>, vector<16xi1> -> vector<16xi32>
          %parallel_loop3A_350 = arith.addi %parallel_loop3A_338, %parallel_loop3A_349 : vector<16xi32>
          %parallel_loop3A_351 = arith.constant 1 : i32
          %parallel_loop3A_352 = vector.broadcast %parallel_loop3A_351 : i32 to vector<16xi32>
          %parallel_loop3A_353 = arith.subi %parallel_loop3A_350, %parallel_loop3A_352 : vector<16xi32>
          tpu.vector_store_idx %arg12[%parallel_loop3A_353], %parallel_loop3A_344 masked %parallel_loop3A_345 : memref<4112xf32, #tpu.memory_space<vmem>>[vector<16xi32>], vector<16xf32>, vector<16xi1>
          %parallel_loop3A_354 = vector.broadcast %parallel_loop3A_340 : i32 to vector<16xi32>
          %parallel_loop3A_355 = arith.addi %parallel_loop3A_354, %iota3A : vector<16xi32>
          tpu.vector_store_idx %arg13[%parallel_loop3A_353], %parallel_loop3A_355 masked %parallel_loop3A_345 : memref<4112xi32, #tpu.memory_space<vmem>>[vector<16xi32>], vector<16xi32>, vector<16xi1>
          %parallel_loop3A_356 = tpu.all_reduce %parallel_loop3A_345 {dim = 0 : i64, kind = #tpu.reduction_kind<sum>} : vector<16xi1> -> vector<16xi32>
          %parallel_loop3A_357 = arith.addi %parallel_loop3A_338, %parallel_loop3A_356 : vector<16xi32>
          scf.yield %parallel_loop3A_357 : vector<16xi32>
        } {sc.loop_unroll_factor = 16 : i64, sc.parallel_access}
        %eq3A_270 = arith.constant 0 : i32
        %eq3A_271 = vector.broadcast %eq3A_270 : i32 to vector<16xi32>
        %eq3A_272 = arith.cmpi eq, %iota3A, %eq3A_271 : vector<16xi32>
        %jit3A_273 = arith.constant 0 : i32
        %broadcast_in_dim3A_274 = vector.broadcast %jit3A_273 : i32 to vector<16xi32>
        %select_n3A_275 = arith.select %eq3A_272, %parallel_loop3A_269, %broadcast_in_dim3A_274 : vector<16xi1>, vector<16xi32>
        %reduce_sum3A_276 = arith.constant true
        %reduce_sum3A_277 = vector.broadcast %reduce_sum3A_276 : i1 to vector<16xi1>
        %reduce_sum3A_278 = tpu.scan <sum>, %select_n3A_275 masked %reduce_sum3A_277 : vector<16xi32>, vector<16xi1> -> vector<16xi32>
        %reduce_sum3A_279 = vector.extract %reduce_sum3A_278[15] : i32 from vector<16xi32>
        %add3A_280 = arith.addi %parallel_loop3A_269, %iota3A : vector<16xi32>
        tpu.vector_store_idx %arg12[%add3A_280], %broadcast_in_dim3A_39 : memref<4112xf32, #tpu.memory_space<vmem>>[vector<16xi32>], vector<16xf32>,
        tpu.vector_store_idx %arg13[%add3A_280], %broadcast_in_dim3A_41 : memref<4112xi32, #tpu.memory_space<vmem>>[vector<16xi32>], vector<16xi32>,
        %get3A_281 = arith.constant 0 : index
        %get3A_282 = tpu.vector_load %arg12[%get3A_281] {strides = array<i32>} : memref<4112xf32, #tpu.memory_space<vmem>>, vector<16xf32>,
        %get3A_283 = arith.constant 0 : index
        %get3A_284 = tpu.vector_load %arg13[%get3A_283] {strides = array<i32>} : memref<4112xi32, #tpu.memory_space<vmem>>, vector<16xi32>,
        %masked_sort3A_285 = arith.constant dense<true> : vector<16xi1>
        %masked_sort3A_286, %masked_sort3A_287, %masked_sort3A_288 = tpu.sort %get3A_282, %get3A_284 masked %masked_sort3A_285 : (vector<16xf32>, vector<16xi32>, vector<16xi1>) -> (vector<16xi1>, vector<16xf32>, vector<16xi32>)
        %add3A_289 = arith.constant 15 : i32
        %add3A_290 = arith.addi %reduce_sum3A_279, %add3A_289 : i32
        %jit3A_291 = arith.constant 16 : i32
        %div3A_292 = arith.divsi %add3A_290, %jit3A_291 : i32
        %sign3A_293 = arith.constant 0 : i32
        %sign3A_294 = arith.cmpi sgt, %add3A_290, %sign3A_293 : i32
        %sign3A_295 = arith.extui %sign3A_294 : i1 to i32
        %sign3A_296 = arith.constant 0 : i32
        %sign3A_297 = arith.cmpi slt, %add3A_290, %sign3A_296 : i32
        %sign3A_298 = arith.extui %sign3A_297 : i1 to i32
        %sign3A_299 = arith.subi %sign3A_295, %sign3A_298 : i32
        %sign3A_300 = arith.constant 0 : i32
        %sign3A_301 = arith.cmpi sgt, %jit3A_291, %sign3A_300 : i32
        %sign3A_302 = arith.extui %sign3A_301 : i1 to i32
        %sign3A_303 = arith.constant 0 : i32
        %sign3A_304 = arith.cmpi slt, %jit3A_291, %sign3A_303 : i32
        %sign3A_305 = arith.extui %sign3A_304 : i1 to i32
        %sign3A_306 = arith.subi %sign3A_302, %sign3A_305 : i32
        %ne3A_307 = arith.cmpi ne, %sign3A_299, %sign3A_306 : i32
        %rem3A_308 = arith.remsi %add3A_290, %jit3A_291 : i32
        %ne3A_309 = arith.constant 0 : i32
        %ne3A_310 = arith.cmpi ne, %rem3A_308, %ne3A_309 : i32
        %and3A_311 = arith.andi %ne3A_307, %ne3A_310 : i1
        %sub3A_312 = arith.constant 1 : i32
        %sub3A_313 = arith.subi %div3A_292, %sub3A_312 : i32
        %select_n3A_314 = arith.select %and3A_311, %sub3A_313, %div3A_292 : i32
        %while3A_315 = arith.constant 1 : i32
        %while3A_316 = arith.subi %select_n3A_314, %while3A_315 : i32
        %while3A_317 = arith.addi %while3A_315, %while3A_316 : i32
        %while3A_318 = arith.constant 1 : i32
        %while3A_319 = arith.divsi %while3A_316, %while3A_318 : i32
        %while3A_320 = arith.muli %while3A_319, %while3A_318 : i32
        %while3A_321 = arith.addi %while3A_315, %while3A_320 : i32
        %while3A_322 = arith.constant 1 : i32
        %while3A_323:2 = scf.for %while3A_337 = %while3A_315 to %while3A_321 step %while3A_322 iter_args(%while3A_338 = %masked_sort3A_287, %while3A_339 = %masked_sort3A_288) -> (vector<16xf32>, vector<16xi32>)  : i32 {
          %mul3A_340 = arith.constant 16 : i32
          %mul3A_341 = arith.muli %while3A_337, %mul3A_340 : i32
          %get3A_342 = arith.index_cast %mul3A_341 : i32 to index
          %get3A_343 = tpu.vector_load %arg12[%get3A_342] {strides = array<i32>} : memref<4112xf32, #tpu.memory_space<vmem>>, vector<16xf32>,
          %mul3A_344 = arith.constant 16 : i32
          %mul3A_345 = arith.muli %while3A_337, %mul3A_344 : i32
          %get3A_346 = arith.index_cast %mul3A_345 : i32 to index
          %get3A_347 = tpu.vector_load %arg13[%get3A_346] {strides = array<i32>} : memref<4112xi32, #tpu.memory_space<vmem>>, vector<16xi32>,
          %masked_sort3A_348 = arith.constant dense<true> : vector<16xi1>
          %masked_sort3A_349, %masked_sort3A_350, %masked_sort3A_351 = tpu.sort %get3A_343, %get3A_347 masked %masked_sort3A_348 : (vector<16xf32>, vector<16xi32>, vector<16xi1>) -> (vector<16xi1>, vector<16xf32>, vector<16xi32>)
          %rev3A = arith.constant 15 : i32
          %rev3A_352 = vector.broadcast %rev3A : i32 to vector<16xi32>
          %rev3A_353 = tpu.iota {dimensions = array<i32: 0>} : vector<16xi32>
          %rev3A_354 = arith.subi %rev3A_352, %rev3A_353 : vector<16xi32>
          %rev3A_355 = tpu.dynamic_gather %masked_sort3A_350[%rev3A_354] in [0] : vector<16xf32>, vector<16xi32> -> vector<16xf32>
          %rev3A_356 = arith.constant 15 : i32
          %rev3A_357 = vector.broadcast %rev3A_356 : i32 to vector<16xi32>
          %rev3A_358 = tpu.iota {dimensions = array<i32: 0>} : vector<16xi32>
          %rev3A_359 = arith.subi %rev3A_357, %rev3A_358 : vector<16xi32>
          %rev3A_360 = tpu.dynamic_gather %masked_sort3A_351[%rev3A_359] in [0] : vector<16xi32>, vector<16xi32> -> vector<16xi32>
          %le3A = arith.cmpf ole, %while3A_338, %rev3A_355 : vector<16xf32>
          %select_n3A_361 = arith.select %le3A, %while3A_338, %rev3A_355 : vector<16xi1>, vector<16xf32>
          %select_n3A_362 = arith.select %le3A, %while3A_339, %rev3A_360 : vector<16xi1>, vector<16xi32>
          %masked_sort3A_363 = arith.constant dense<true> : vector<16xi1>
          %masked_sort3A_364, %masked_sort3A_365, %masked_sort3A_366 = tpu.sort %select_n3A_361, %select_n3A_362 masked %masked_sort3A_363 : (vector<16xf32>, vector<16xi32>, vector<16xi1>) -> (vector<16xi1>, vector<16xf32>, vector<16xi32>)
          scf.yield %masked_sort3A_365, %masked_sort3A_366 : vector<16xf32>, vector<16xi32>
        }
        %while3A_324 = arith.constant 1 : i32
        %while3A_325:2 = scf.for %while3A_337 = %while3A_321 to %while3A_317 step %while3A_324 iter_args(%while3A_338 = %while3A_323#0, %while3A_339 = %while3A_323#1) -> (vector<16xf32>, vector<16xi32>)  : i32 {
          %mul3A_340 = arith.constant 16 : i32
          %mul3A_341 = arith.muli %while3A_337, %mul3A_340 : i32
          %get3A_342 = arith.index_cast %mul3A_341 : i32 to index
          %get3A_343 = tpu.vector_load %arg12[%get3A_342] {strides = array<i32>} : memref<4112xf32, #tpu.memory_space<vmem>>, vector<16xf32>,
          %mul3A_344 = arith.constant 16 : i32
          %mul3A_345 = arith.muli %while3A_337, %mul3A_344 : i32
          %get3A_346 = arith.index_cast %mul3A_345 : i32 to index
          %get3A_347 = tpu.vector_load %arg13[%get3A_346] {strides = array<i32>} : memref<4112xi32, #tpu.memory_space<vmem>>, vector<16xi32>,
          %masked_sort3A_348 = arith.constant dense<true> : vector<16xi1>
          %masked_sort3A_349, %masked_sort3A_350, %masked_sort3A_351 = tpu.sort %get3A_343, %get3A_347 masked %masked_sort3A_348 : (vector<16xf32>, vector<16xi32>, vector<16xi1>) -> (vector<16xi1>, vector<16xf32>, vector<16xi32>)
          %rev3A = arith.constant 15 : i32
          %rev3A_352 = vector.broadcast %rev3A : i32 to vector<16xi32>
          %rev3A_353 = tpu.iota {dimensions = array<i32: 0>} : vector<16xi32>
          %rev3A_354 = arith.subi %rev3A_352, %rev3A_353 : vector<16xi32>
          %rev3A_355 = tpu.dynamic_gather %masked_sort3A_350[%rev3A_354] in [0] : vector<16xf32>, vector<16xi32> -> vector<16xf32>
          %rev3A_356 = arith.constant 15 : i32
          %rev3A_357 = vector.broadcast %rev3A_356 : i32 to vector<16xi32>
          %rev3A_358 = tpu.iota {dimensions = array<i32: 0>} : vector<16xi32>
          %rev3A_359 = arith.subi %rev3A_357, %rev3A_358 : vector<16xi32>
          %rev3A_360 = tpu.dynamic_gather %masked_sort3A_351[%rev3A_359] in [0] : vector<16xi32>, vector<16xi32> -> vector<16xi32>
          %le3A = arith.cmpf ole, %while3A_338, %rev3A_355 : vector<16xf32>
          %select_n3A_361 = arith.select %le3A, %while3A_338, %rev3A_355 : vector<16xi1>, vector<16xf32>
          %select_n3A_362 = arith.select %le3A, %while3A_339, %rev3A_360 : vector<16xi1>, vector<16xi32>
          %masked_sort3A_363 = arith.constant dense<true> : vector<16xi1>
          %masked_sort3A_364, %masked_sort3A_365, %masked_sort3A_366 = tpu.sort %select_n3A_361, %select_n3A_362 masked %masked_sort3A_363 : (vector<16xf32>, vector<16xi32>, vector<16xi1>) -> (vector<16xi1>, vector<16xf32>, vector<16xi32>)
          scf.yield %masked_sort3A_365, %masked_sort3A_366 : vector<16xf32>, vector<16xi32>
        }
        %add3A_326 = arith.constant 1 : i32
        %add3A_327 = arith.addi %mul3A_95, %add3A_326 : i32
        %and3A_328 = arith.constant 3 : i32
        %and3A_329 = arith.andi %add3A_327, %and3A_328 : i32
        %mul3A_330 = arith.constant 16 : i32
        %mul3A_331 = arith.muli %and3A_329, %mul3A_330 : i32
        %dma_start3A_332 = arith.constant 0 : i32
        %dma_start3A_333 = tpu.memref_slice %arg14[%mul3A_331, %dma_start3A_332] : memref<64x64xf32, #tpu.memory_space<vmem>> -> memref<16x64xf32, #tpu.memory_space<vmem>>
        %dma_start3A_334 = arith.constant 0 : i32
        %dma_start3A_335 = arith.constant 0 : i32
        %dma_start3A_336 = tpu.memref_slice %arg4[%dma_start3A_334, %dma_start3A_335] : memref<4096x64xf32, #tpu.memory_space<hbm>> -> memref<4096x64xf32, #tpu.memory_space<hbm>>
        tpu.enqueue_indirect_dma source(%dma_start3A_336 : memref<4096x64xf32, #tpu.memory_space<hbm>>) target(%dma_start3A_333 : memref<16x64xf32, #tpu.memory_space<vmem>>) offsets(%while3A_325#1 : vector<16xi32>) semaphore(%arg16 : memref<!tpu.dma_semaphore, #tpu.memory_space<semaphore_mem>>)
      } else {
      }
      %gt3A = arith.constant 0 : i32
      %gt3A_90 = arith.cmpi sgt, %scan3A_86, %gt3A : i32
      %convert_element_type3A_91 = arith.extui %gt3A_90 : i1 to i32
      %cond3A_92 = arith.constant 0 : i32
      %cond3A_93 = arith.cmpi ne, %convert_element_type3A_91, %cond3A_92 : i32
      scf.if %cond3A_93 {
        %sub3A_94 = arith.constant 1 : i32
        %sub3A_95 = arith.subi %scan3A_86, %sub3A_94 : i32
        %mul3A_96 = arith.constant 2 : i32
        %mul3A_97 = arith.muli %mul3A_96, %sub3A_95 : i32
        %and3A_98 = arith.constant 3 : i32
        %and3A_99 = arith.andi %mul3A_97, %and3A_98 : i32
        %mul3A_100 = arith.constant 16 : i32
        %mul3A_101 = arith.muli %and3A_99, %mul3A_100 : i32
        %dma_wait3A_102 = arith.constant 0 : i32
        %dma_wait3A_103 = tpu.memref_slice %arg14[%mul3A_101, %dma_wait3A_102] : memref<64x64xf32, #tpu.memory_space<vmem>> -> memref<16x64xf32, #tpu.memory_space<vmem>>
        %dma_wait3A_104 = arith.constant 0 : i32
        %dma_wait3A_105 = arith.constant 0 : i32
        %dma_wait3A_106 = tpu.memref_slice %arg4[%dma_wait3A_104, %dma_wait3A_105] : memref<4096x64xf32, #tpu.memory_space<hbm>> -> memref<16x64xf32, #tpu.memory_space<hbm>>
        %dma_wait3A_107 = arith.constant 0 : i32
        %dma_wait3A_108 = tpu.memref_slice %arg14[%mul3A_101, %dma_wait3A_107] : memref<64x64xf32, #tpu.memory_space<vmem>> -> memref<16x64xf32, #tpu.memory_space<vmem>>
        %dma_wait3A_109 = arith.constant 0 : i32
        %dma_wait3A_110 = arith.constant 0 : i32
        %dma_wait3A_111 = tpu.memref_slice %arg4[%dma_wait3A_109, %dma_wait3A_110] : memref<4096x64xf32, #tpu.memory_space<hbm>> -> memref<16x64xf32, #tpu.memory_space<hbm>>
        tpu.wait_dma2 semaphore(%arg16 : memref<!tpu.dma_semaphore, #tpu.memory_space<semaphore_mem>>) src(%dma_wait3A_111 : memref<16x64xf32, #tpu.memory_space<hbm>>) dst(%dma_wait3A_108 : memref<16x64xf32, #tpu.memory_space<vmem>>)
        %add3A_112 = arith.constant 1 : i32
        %add3A_113 = arith.addi %mul3A_97, %add3A_112 : i32
        %and3A_114 = arith.constant 3 : i32
        %and3A_115 = arith.andi %add3A_113, %and3A_114 : i32
        %mul3A_116 = arith.constant 16 : i32
        %mul3A_117 = arith.muli %and3A_115, %mul3A_116 : i32
        %dma_wait3A_118 = arith.constant 0 : i32
        %dma_wait3A_119 = tpu.memref_slice %arg14[%mul3A_117, %dma_wait3A_118] : memref<64x64xf32, #tpu.memory_space<vmem>> -> memref<16x64xf32, #tpu.memory_space<vmem>>
        %dma_wait3A_120 = arith.constant 0 : i32
        %dma_wait3A_121 = arith.constant 0 : i32
        %dma_wait3A_122 = tpu.memref_slice %arg4[%dma_wait3A_120, %dma_wait3A_121] : memref<4096x64xf32, #tpu.memory_space<hbm>> -> memref<16x64xf32, #tpu.memory_space<hbm>>
        %dma_wait3A_123 = arith.constant 0 : i32
        %dma_wait3A_124 = tpu.memref_slice %arg14[%mul3A_117, %dma_wait3A_123] : memref<64x64xf32, #tpu.memory_space<vmem>> -> memref<16x64xf32, #tpu.memory_space<vmem>>
        %dma_wait3A_125 = arith.constant 0 : i32
        %dma_wait3A_126 = arith.constant 0 : i32
        %dma_wait3A_127 = tpu.memref_slice %arg4[%dma_wait3A_125, %dma_wait3A_126] : memref<4096x64xf32, #tpu.memory_space<hbm>> -> memref<16x64xf32, #tpu.memory_space<hbm>>
        tpu.wait_dma2 semaphore(%arg16 : memref<!tpu.dma_semaphore, #tpu.memory_space<semaphore_mem>>) src(%dma_wait3A_127 : memref<16x64xf32, #tpu.memory_space<hbm>>) dst(%dma_wait3A_124 : memref<16x64xf32, #tpu.memory_space<vmem>>)
        %ge3A = arith.constant 3 : i32
        %ge3A_128 = arith.cmpi sge, %scan3A_86, %ge3A : i32
        %convert_element_type3A_129 = arith.extui %ge3A_128 : i1 to i32
        %cond3A_130 = arith.constant 0 : i32
        %cond3A_131 = arith.cmpi ne, %convert_element_type3A_129, %cond3A_130 : i32
        scf.if %cond3A_131 {
          %dma_wait3A_2664 = arith.constant 0 : i32
          %dma_wait3A_2665 = tpu.memref_slice %arg15[%dma_wait3A_2664] : memref<8192xf32, #tpu.memory_space<vmem>> -> memref<2048xf32, #tpu.memory_space<vmem>>
          %dma_wait3A_2666 = arith.constant 0 : i32
          %dma_wait3A_2667 = tpu.memref_slice %arg6[%select_n3A, %dma_wait3A_2666] : memref<4x4194304xf32, #tpu.memory_space<hbm>> -> memref<1x2048xf32, #tpu.memory_space<hbm>>
          %dma_wait3A_2668 = tpu.memref_squeeze %dma_wait3A_2667 : memref<1x2048xf32, #tpu.memory_space<hbm>> -> memref<2048xf32, #tpu.memory_space<hbm>>
          %dma_wait3A_2669 = arith.constant 0 : i32
          %dma_wait3A_2670 = tpu.memref_slice %arg6[%select_n3A, %dma_wait3A_2669] : memref<4x4194304xf32, #tpu.memory_space<hbm>> -> memref<1x2048xf32, #tpu.memory_space<hbm>>
          %dma_wait3A_2671 = tpu.memref_squeeze %dma_wait3A_2670 : memref<1x2048xf32, #tpu.memory_space<hbm>> -> memref<2048xf32, #tpu.memory_space<hbm>>
          %dma_wait3A_2672 = arith.constant 0 : i32
          %dma_wait3A_2673 = tpu.memref_slice %arg15[%dma_wait3A_2672] : memref<8192xf32, #tpu.memory_space<vmem>> -> memref<2048xf32, #tpu.memory_space<vmem>>
          tpu.wait_dma2 semaphore(%arg17 : memref<!tpu.dma_semaphore, #tpu.memory_space<semaphore_mem>>) src(%dma_wait3A_2673 : memref<2048xf32, #tpu.memory_space<vmem>>) dst(%dma_wait3A_2671 : memref<2048xf32, #tpu.memory_space<hbm>>)
          %dma_wait3A_2674 = arith.constant 0 : i32
          %dma_wait3A_2675 = tpu.memref_slice %arg15[%dma_wait3A_2674] : memref<8192xf32, #tpu.memory_space<vmem>> -> memref<2048xf32, #tpu.memory_space<vmem>>
          %dma_wait3A_2676 = arith.constant 0 : i32
          %dma_wait3A_2677 = tpu.memref_slice %arg6[%select_n3A, %dma_wait3A_2676] : memref<4x4194304xf32, #tpu.memory_space<hbm>> -> memref<1x2048xf32, #tpu.memory_space<hbm>>
          %dma_wait3A_2678 = tpu.memref_squeeze %dma_wait3A_2677 : memref<1x2048xf32, #tpu.memory_space<hbm>> -> memref<2048xf32, #tpu.memory_space<hbm>>
          %dma_wait3A_2679 = arith.constant 0 : i32
          %dma_wait3A_2680 = tpu.memref_slice %arg6[%select_n3A, %dma_wait3A_2679] : memref<4x4194304xf32, #tpu.memory_space<hbm>> -> memref<1x2048xf32, #tpu.memory_space<hbm>>
          %dma_wait3A_2681 = tpu.memref_squeeze %dma_wait3A_2680 : memref<1x2048xf32, #tpu.memory_space<hbm>> -> memref<2048xf32, #tpu.memory_space<hbm>>
          %dma_wait3A_2682 = arith.constant 0 : i32
          %dma_wait3A_2683 = tpu.memref_slice %arg15[%dma_wait3A_2682] : memref<8192xf32, #tpu.memory_space<vmem>> -> memref<2048xf32, #tpu.memory_space<vmem>>
          tpu.wait_dma2 semaphore(%arg17 : memref<!tpu.dma_semaphore, #tpu.memory_space<semaphore_mem>>) src(%dma_wait3A_2683 : memref<2048xf32, #tpu.memory_space<vmem>>) dst(%dma_wait3A_2681 : memref<2048xf32, #tpu.memory_space<hbm>>)
        } else {
        }
        %and3A_132 = arith.constant 3 : i32
        %and3A_133 = arith.andi %mul3A_97, %and3A_132 : i32
        %mul3A_134 = arith.constant 16 : i32
        %mul3A_135 = arith.muli %and3A_133, %mul3A_134 : i32
        %mul3A_136 = arith.constant 2048 : i32
        %mul3A_137 = arith.muli %and3A_133, %mul3A_136 : i32
        %mul3A_138 = arith.constant 64 : i32
        %mul3A_139 = arith.muli %mul3A_97, %mul3A_138 : i32
        %add3A_140 = arith.constant 0 : i32
        %add3A_141 = arith.addi %mul3A_139, %add3A_140 : i32
        %get3A = arith.index_cast %add3A_141 : i32 to index
        %get3A_142 = tpu.vector_load %arg9[%get3A] {strides = array<i32>} : memref<16384xf32, #tpu.memory_space<vmem>>, vector<16xf32>,
        %add3A_143 = arith.constant 0 : i32
        %add3A_144 = vector.broadcast %add3A_143 : i32 to vector<16xi32>
        %add3A_145 = arith.addi %add3A_144, %iota3A : vector<16xi32>
        %add3A_146 = arith.constant 0 : i32
        %add3A_147 = arith.addi %mul3A_135, %add3A_146 : i32
        %broadcast_in_dim3A_148 = vector.broadcast %add3A_147 : i32 to vector<16xi32>
        %gather3A = tpu.vector_load_idx %arg14[%broadcast_in_dim3A_148, %add3A_145] : memref<64x64xf32, #tpu.memory_space<vmem>>[vector<16xi32>, vector<16xi32>], vector<16xf32>,
        %sub3A_149 = arith.subf %gather3A, %get3A_142 : vector<16xf32>
        %add3A_150 = arith.constant 0 : i32
        %add3A_151 = arith.addi %mul3A_137, %add3A_150 : i32
        %add3A_152 = arith.constant 0 : i32
        %add3A_153 = arith.addi %add3A_151, %add3A_152 : i32
        %swap3A = arith.index_cast %add3A_153 : i32 to index
        %swap3A_154 = tpu.vector_load %arg15[%swap3A] {strides = array<i32>} : memref<8192xf32, #tpu.memory_space<vmem>>, vector<16xf32>,
        tpu.vector_store %arg15[%swap3A], %sub3A_149 {strides = array<i32>} : memref<8192xf32, #tpu.memory_space<vmem>>, vector<16xf32>,
        %add3A_155 = arith.constant 0 : i32
        %add3A_156 = arith.addi %mul3A_137, %add3A_155 : i32
        %add3A_157 = arith.constant 64 : i32
        %add3A_158 = arith.addi %add3A_156, %add3A_157 : i32
        %add3A_159 = arith.constant 0 : i32
        %add3A_160 = arith.addi %add3A_158, %add3A_159 : i32
        %swap3A_161 = arith.index_cast %add3A_160 : i32 to index
        %swap3A_162 = tpu.vector_load %arg15[%swap3A_161] {strides = array<i32>} : memref<8192xf32, #tpu.memory_space<vmem>>, vector<16xf32>,
        tpu.vector_store %arg15[%swap3A_161], %get3A_142 {strides = array<i32>} : memref<8192xf32, #tpu.memory_space<vmem>>, vector<16xf32>,
        %add3A_163 = arith.constant 1 : i32
        %add3A_164 = arith.addi %mul3A_135, %add3A_163 : i32
        %broadcast_in_dim3A_165 = vector.broadcast %add3A_164 : i32 to vector<16xi32>
        %gather3A_166 = tpu.vector_load_idx %arg14[%broadcast_in_dim3A_165, %add3A_145] : memref<64x64xf32, #tpu.memory_space<vmem>>[vector<16xi32>, vector<16xi32>], vector<16xf32>,
        %sub3A_167 = arith.subf %gather3A_166, %get3A_142 : vector<16xf32>
        %add3A_168 = arith.constant 128 : i32
        %add3A_169 = arith.addi %mul3A_137, %add3A_168 : i32
        %add3A_170 = arith.constant 0 : i32
        %add3A_171 = arith.addi %add3A_169, %add3A_170 : i32
        %swap3A_172 = arith.index_cast %add3A_171 : i32 to index
        %swap3A_173 = tpu.vector_load %arg15[%swap3A_172] {strides = array<i32>} : memref<8192xf32, #tpu.memory_space<vmem>>, vector<16xf32>,
        tpu.vector_store %arg15[%swap3A_172], %sub3A_167 {strides = array<i32>} : memref<8192xf32, #tpu.memory_space<vmem>>, vector<16xf32>,
        %add3A_174 = arith.constant 128 : i32
        %add3A_175 = arith.addi %mul3A_137, %add3A_174 : i32
        %add3A_176 = arith.constant 64 : i32
        %add3A_177 = arith.addi %add3A_175, %add3A_176 : i32
        %add3A_178 = arith.constant 0 : i32
        %add3A_179 = arith.addi %add3A_177, %add3A_178 : i32
        %swap3A_180 = arith.index_cast %add3A_179 : i32 to index
        %swap3A_181 = tpu.vector_load %arg15[%swap3A_180] {strides = array<i32>} : memref<8192xf32, #tpu.memory_space<vmem>>, vector<16xf32>,
        tpu.vector_store %arg15[%swap3A_180], %get3A_142 {strides = array<i32>} : memref<8192xf32, #tpu.memory_space<vmem>>, vector<16xf32>,
        %add3A_182 = arith.constant 2 : i32
        %add3A_183 = arith.addi %mul3A_135, %add3A_182 : i32
        %broadcast_in_dim3A_184 = vector.broadcast %add3A_183 : i32 to vector<16xi32>
        %gather3A_185 = tpu.vector_load_idx %arg14[%broadcast_in_dim3A_184, %add3A_145] : memref<64x64xf32, #tpu.memory_space<vmem>>[vector<16xi32>, vector<16xi32>], vector<16xf32>,
        %sub3A_186 = arith.subf %gather3A_185, %get3A_142 : vector<16xf32>
        %add3A_187 = arith.constant 256 : i32
        %add3A_188 = arith.addi %mul3A_137, %add3A_187 : i32
        %add3A_189 = arith.constant 0 : i32
        %add3A_190 = arith.addi %add3A_188, %add3A_189 : i32
        %swap3A_191 = arith.index_cast %add3A_190 : i32 to index
        %swap3A_192 = tpu.vector_load %arg15[%swap3A_191] {strides = array<i32>} : memref<8192xf32, #tpu.memory_space<vmem>>, vector<16xf32>,
        tpu.vector_store %arg15[%swap3A_191], %sub3A_186 {strides = array<i32>} : memref<8192xf32, #tpu.memory_space<vmem>>, vector<16xf32>,
        %add3A_193 = arith.constant 256 : i32
        %add3A_194 = arith.addi %mul3A_137, %add3A_193 : i32
        %add3A_195 = arith.constant 64 : i32
        %add3A_196 = arith.addi %add3A_194, %add3A_195 : i32
        %add3A_197 = arith.constant 0 : i32
        %add3A_198 = arith.addi %add3A_196, %add3A_197 : i32
        %swap3A_199 = arith.index_cast %add3A_198 : i32 to index
        %swap3A_200 = tpu.vector_load %arg15[%swap3A_199] {strides = array<i32>} : memref<8192xf32, #tpu.memory_space<vmem>>, vector<16xf32>,
        tpu.vector_store %arg15[%swap3A_199], %get3A_142 {strides = array<i32>} : memref<8192xf32, #tpu.memory_space<vmem>>, vector<16xf32>,
        %add3A_201 = arith.constant 3 : i32
        %add3A_202 = arith.addi %mul3A_135, %add3A_201 : i32
        %broadcast_in_dim3A_203 = vector.broadcast %add3A_202 : i32 to vector<16xi32>
        %gather3A_204 = tpu.vector_load_idx %arg14[%broadcast_in_dim3A_203, %add3A_145] : memref<64x64xf32, #tpu.memory_space<vmem>>[vector<16xi32>, vector<16xi32>], vector<16xf32>,
        %sub3A_205 = arith.subf %gather3A_204, %get3A_142 : vector<16xf32>
        %add3A_206 = arith.constant 384 : i32
        %add3A_207 = arith.addi %mul3A_137, %add3A_206 : i32
        %add3A_208 = arith.constant 0 : i32
        %add3A_209 = arith.addi %add3A_207, %add3A_208 : i32
        %swap3A_210 = arith.index_cast %add3A_209 : i32 to index
        %swap3A_211 = tpu.vector_load %arg15[%swap3A_210] {strides = array<i32>} : memref<8192xf32, #tpu.memory_space<vmem>>, vector<16xf32>,
        tpu.vector_store %arg15[%swap3A_210], %sub3A_205 {strides = array<i32>} : memref<8192xf32, #tpu.memory_space<vmem>>, vector<16xf32>,
        %add3A_212 = arith.constant 384 : i32
        %add3A_213 = arith.addi %mul3A_137, %add3A_212 : i32
        %add3A_214 = arith.constant 64 : i32
        %add3A_215 = arith.addi %add3A_213, %add3A_214 : i32
        %add3A_216 = arith.constant 0 : i32
        %add3A_217 = arith.addi %add3A_215, %add3A_216 : i32
        %swap3A_218 = arith.index_cast %add3A_217 : i32 to index
        %swap3A_219 = tpu.vector_load %arg15[%swap3A_218] {strides = array<i32>} : memref<8192xf32, #tpu.memory_space<vmem>>, vector<16xf32>,
        tpu.vector_store %arg15[%swap3A_218], %get3A_142 {strides = array<i32>} : memref<8192xf32, #tpu.memory_space<vmem>>, vector<16xf32>,
        %add3A_220 = arith.constant 4 : i32
        %add3A_221 = arith.addi %mul3A_135, %add3A_220 : i32
        %broadcast_in_dim3A_222 = vector.broadcast %add3A_221 : i32 to vector<16xi32>
        %gather3A_223 = tpu.vector_load_idx %arg14[%broadcast_in_dim3A_222, %add3A_145] : memref<64x64xf32, #tpu.memory_space<vmem>>[vector<16xi32>, vector<16xi32>], vector<16xf32>,
        %sub3A_224 = arith.subf %gather3A_223, %get3A_142 : vector<16xf32>
        %add3A_225 = arith.constant 512 : i32
        %add3A_226 = arith.addi %mul3A_137, %add3A_225 : i32
        %add3A_227 = arith.constant 0 : i32
        %add3A_228 = arith.addi %add3A_226, %add3A_227 : i32
        %swap3A_229 = arith.index_cast %add3A_228 : i32 to index
        %swap3A_230 = tpu.vector_load %arg15[%swap3A_229] {strides = array<i32>} : memref<8192xf32, #tpu.memory_space<vmem>>, vector<16xf32>,
        tpu.vector_store %arg15[%swap3A_229], %sub3A_224 {strides = array<i32>} : memref<8192xf32, #tpu.memory_space<vmem>>, vector<16xf32>,
        %add3A_231 = arith.constant 512 : i32
        %add3A_232 = arith.addi %mul3A_137, %add3A_231 : i32
        %add3A_233 = arith.constant 64 : i32
        %add3A_234 = arith.addi %add3A_232, %add3A_233 : i32
        %add3A_235 = arith.constant 0 : i32
        %add3A_236 = arith.addi %add3A_234, %add3A_235 : i32
        %swap3A_237 = arith.index_cast %add3A_236 : i32 to index
        %swap3A_238 = tpu.vector_load %arg15[%swap3A_237] {strides = array<i32>} : memref<8192xf32, #tpu.memory_space<vmem>>, vector<16xf32>,
        tpu.vector_store %arg15[%swap3A_237], %get3A_142 {strides = array<i32>} : memref<8192xf32, #tpu.memory_space<vmem>>, vector<16xf32>,
        %add3A_239 = arith.constant 5 : i32
        %add3A_240 = arith.addi %mul3A_135, %add3A_239 : i32
        %broadcast_in_dim3A_241 = vector.broadcast %add3A_240 : i32 to vector<16xi32>
        %gather3A_242 = tpu.vector_load_idx %arg14[%broadcast_in_dim3A_241, %add3A_145] : memref<64x64xf32, #tpu.memory_space<vmem>>[vector<16xi32>, vector<16xi32>], vector<16xf32>,
        %sub3A_243 = arith.subf %gather3A_242, %get3A_142 : vector<16xf32>
        %add3A_244 = arith.constant 640 : i32
        %add3A_245 = arith.addi %mul3A_137, %add3A_244 : i32
        %add3A_246 = arith.constant 0 : i32
        %add3A_247 = arith.addi %add3A_245, %add3A_246 : i32
        %swap3A_248 = arith.index_cast %add3A_247 : i32 to index
        %swap3A_249 = tpu.vector_load %arg15[%swap3A_248] {strides = array<i32>} : memref<8192xf32, #tpu.memory_space<vmem>>, vector<16xf32>,
        tpu.vector_store %arg15[%swap3A_248], %sub3A_243 {strides = array<i32>} : memref<8192xf32, #tpu.memory_space<vmem>>, vector<16xf32>,
        %add3A_250 = arith.constant 640 : i32
        %add3A_251 = arith.addi %mul3A_137, %add3A_250 : i32
        %add3A_252 = arith.constant 64 : i32
        %add3A_253 = arith.addi %add3A_251, %add3A_252 : i32
        %add3A_254 = arith.constant 0 : i32
        %add3A_255 = arith.addi %add3A_253, %add3A_254 : i32
        %swap3A_256 = arith.index_cast %add3A_255 : i32 to index
        %swap3A_257 = tpu.vector_load %arg15[%swap3A_256] {strides = array<i32>} : memref<8192xf32, #tpu.memory_space<vmem>>, vector<16xf32>,
        tpu.vector_store %arg15[%swap3A_256], %get3A_142 {strides = array<i32>} : memref<8192xf32, #tpu.memory_space<vmem>>, vector<16xf32>,
        %add3A_258 = arith.constant 6 : i32
        %add3A_259 = arith.addi %mul3A_135, %add3A_258 : i32
        %broadcast_in_dim3A_260 = vector.broadcast %add3A_259 : i32 to vector<16xi32>
        %gather3A_261 = tpu.vector_load_idx %arg14[%broadcast_in_dim3A_260, %add3A_145] : memref<64x64xf32, #tpu.memory_space<vmem>>[vector<16xi32>, vector<16xi32>], vector<16xf32>,
        %sub3A_262 = arith.subf %gather3A_261, %get3A_142 : vector<16xf32>
        %add3A_263 = arith.constant 768 : i32
        %add3A_264 = arith.addi %mul3A_137, %add3A_263 : i32
        %add3A_265 = arith.constant 0 : i32
        %add3A_266 = arith.addi %add3A_264, %add3A_265 : i32
        %swap3A_267 = arith.index_cast %add3A_266 : i32 to index
        %swap3A_268 = tpu.vector_load %arg15[%swap3A_267] {strides = array<i32>} : memref<8192xf32, #tpu.memory_space<vmem>>, vector<16xf32>,
        tpu.vector_store %arg15[%swap3A_267], %sub3A_262 {strides = array<i32>} : memref<8192xf32, #tpu.memory_space<vmem>>, vector<16xf32>,
        %add3A_269 = arith.constant 768 : i32
        %add3A_270 = arith.addi %mul3A_137, %add3A_269 : i32
        %add3A_271 = arith.constant 64 : i32
        %add3A_272 = arith.addi %add3A_270, %add3A_271 : i32
        %add3A_273 = arith.constant 0 : i32
        %add3A_274 = arith.addi %add3A_272, %add3A_273 : i32
        %swap3A_275 = arith.index_cast %add3A_274 : i32 to index
        %swap3A_276 = tpu.vector_load %arg15[%swap3A_275] {strides = array<i32>} : memref<8192xf32, #tpu.memory_space<vmem>>, vector<16xf32>,
        tpu.vector_store %arg15[%swap3A_275], %get3A_142 {strides = array<i32>} : memref<8192xf32, #tpu.memory_space<vmem>>, vector<16xf32>,
        %add3A_277 = arith.constant 7 : i32
        %add3A_278 = arith.addi %mul3A_135, %add3A_277 : i32
        %broadcast_in_dim3A_279 = vector.broadcast %add3A_278 : i32 to vector<16xi32>
        %gather3A_280 = tpu.vector_load_idx %arg14[%broadcast_in_dim3A_279, %add3A_145] : memref<64x64xf32, #tpu.memory_space<vmem>>[vector<16xi32>, vector<16xi32>], vector<16xf32>,
        %sub3A_281 = arith.subf %gather3A_280, %get3A_142 : vector<16xf32>
        %add3A_282 = arith.constant 896 : i32
        %add3A_283 = arith.addi %mul3A_137, %add3A_282 : i32
        %add3A_284 = arith.constant 0 : i32
        %add3A_285 = arith.addi %add3A_283, %add3A_284 : i32
        %swap3A_286 = arith.index_cast %add3A_285 : i32 to index
        %swap3A_287 = tpu.vector_load %arg15[%swap3A_286] {strides = array<i32>} : memref<8192xf32, #tpu.memory_space<vmem>>, vector<16xf32>,
        tpu.vector_store %arg15[%swap3A_286], %sub3A_281 {strides = array<i32>} : memref<8192xf32, #tpu.memory_space<vmem>>, vector<16xf32>,
        %add3A_288 = arith.constant 896 : i32
        %add3A_289 = arith.addi %mul3A_137, %add3A_288 : i32
        %add3A_290 = arith.constant 64 : i32
        %add3A_291 = arith.addi %add3A_289, %add3A_290 : i32
        %add3A_292 = arith.constant 0 : i32
        %add3A_293 = arith.addi %add3A_291, %add3A_292 : i32
        %swap3A_294 = arith.index_cast %add3A_293 : i32 to index
        %swap3A_295 = tpu.vector_load %arg15[%swap3A_294] {strides = array<i32>} : memref<8192xf32, #tpu.memory_space<vmem>>, vector<16xf32>,
        tpu.vector_store %arg15[%swap3A_294], %get3A_142 {strides = array<i32>} : memref<8192xf32, #tpu.memory_space<vmem>>, vector<16xf32>,
        %add3A_296 = arith.constant 8 : i32
        %add3A_297 = arith.addi %mul3A_135, %add3A_296 : i32
        %broadcast_in_dim3A_298 = vector.broadcast %add3A_297 : i32 to vector<16xi32>
        %gather3A_299 = tpu.vector_load_idx %arg14[%broadcast_in_dim3A_298, %add3A_145] : memref<64x64xf32, #tpu.memory_space<vmem>>[vector<16xi32>, vector<16xi32>], vector<16xf32>,
        %sub3A_300 = arith.subf %gather3A_299, %get3A_142 : vector<16xf32>
        %add3A_301 = arith.constant 1024 : i32
        %add3A_302 = arith.addi %mul3A_137, %add3A_301 : i32
        %add3A_303 = arith.constant 0 : i32
        %add3A_304 = arith.addi %add3A_302, %add3A_303 : i32
        %swap3A_305 = arith.index_cast %add3A_304 : i32 to index
        %swap3A_306 = tpu.vector_load %arg15[%swap3A_305] {strides = array<i32>} : memref<8192xf32, #tpu.memory_space<vmem>>, vector<16xf32>,
        tpu.vector_store %arg15[%swap3A_305], %sub3A_300 {strides = array<i32>} : memref<8192xf32, #tpu.memory_space<vmem>>, vector<16xf32>,
        %add3A_307 = arith.constant 1024 : i32
        %add3A_308 = arith.addi %mul3A_137, %add3A_307 : i32
        %add3A_309 = arith.constant 64 : i32
        %add3A_310 = arith.addi %add3A_308, %add3A_309 : i32
        %add3A_311 = arith.constant 0 : i32
        %add3A_312 = arith.addi %add3A_310, %add3A_311 : i32
        %swap3A_313 = arith.index_cast %add3A_312 : i32 to index
        %swap3A_314 = tpu.vector_load %arg15[%swap3A_313] {strides = array<i32>} : memref<8192xf32, #tpu.memory_space<vmem>>, vector<16xf32>,
        tpu.vector_store %arg15[%swap3A_313], %get3A_142 {strides = array<i32>} : memref<8192xf32, #tpu.memory_space<vmem>>, vector<16xf32>,
        %add3A_315 = arith.constant 9 : i32
        %add3A_316 = arith.addi %mul3A_135, %add3A_315 : i32
        %broadcast_in_dim3A_317 = vector.broadcast %add3A_316 : i32 to vector<16xi32>
        %gather3A_318 = tpu.vector_load_idx %arg14[%broadcast_in_dim3A_317, %add3A_145] : memref<64x64xf32, #tpu.memory_space<vmem>>[vector<16xi32>, vector<16xi32>], vector<16xf32>,
        %sub3A_319 = arith.subf %gather3A_318, %get3A_142 : vector<16xf32>
        %add3A_320 = arith.constant 1152 : i32
        %add3A_321 = arith.addi %mul3A_137, %add3A_320 : i32
        %add3A_322 = arith.constant 0 : i32
        %add3A_323 = arith.addi %add3A_321, %add3A_322 : i32
        %swap3A_324 = arith.index_cast %add3A_323 : i32 to index
        %swap3A_325 = tpu.vector_load %arg15[%swap3A_324] {strides = array<i32>} : memref<8192xf32, #tpu.memory_space<vmem>>, vector<16xf32>,
        tpu.vector_store %arg15[%swap3A_324], %sub3A_319 {strides = array<i32>} : memref<8192xf32, #tpu.memory_space<vmem>>, vector<16xf32>,
        %add3A_326 = arith.constant 1152 : i32
        %add3A_327 = arith.addi %mul3A_137, %add3A_326 : i32
        %add3A_328 = arith.constant 64 : i32
        %add3A_329 = arith.addi %add3A_327, %add3A_328 : i32
        %add3A_330 = arith.constant 0 : i32
        %add3A_331 = arith.addi %add3A_329, %add3A_330 : i32
        %swap3A_332 = arith.index_cast %add3A_331 : i32 to index
        %swap3A_333 = tpu.vector_load %arg15[%swap3A_332] {strides = array<i32>} : memref<8192xf32, #tpu.memory_space<vmem>>, vector<16xf32>,
        tpu.vector_store %arg15[%swap3A_332], %get3A_142 {strides = array<i32>} : memref<8192xf32, #tpu.memory_space<vmem>>, vector<16xf32>,
        %add3A_334 = arith.constant 10 : i32
        %add3A_335 = arith.addi %mul3A_135, %add3A_334 : i32
        %broadcast_in_dim3A_336 = vector.broadcast %add3A_335 : i32 to vector<16xi32>
        %gather3A_337 = tpu.vector_load_idx %arg14[%broadcast_in_dim3A_336, %add3A_145] : memref<64x64xf32, #tpu.memory_space<vmem>>[vector<16xi32>, vector<16xi32>], vector<16xf32>,
        %sub3A_338 = arith.subf %gather3A_337, %get3A_142 : vector<16xf32>
        %add3A_339 = arith.constant 1280 : i32
        %add3A_340 = arith.addi %mul3A_137, %add3A_339 : i32
        %add3A_341 = arith.constant 0 : i32
        %add3A_342 = arith.addi %add3A_340, %add3A_341 : i32
        %swap3A_343 = arith.index_cast %add3A_342 : i32 to index
        %swap3A_344 = tpu.vector_load %arg15[%swap3A_343] {strides = array<i32>} : memref<8192xf32, #tpu.memory_space<vmem>>, vector<16xf32>,
        tpu.vector_store %arg15[%swap3A_343], %sub3A_338 {strides = array<i32>} : memref<8192xf32, #tpu.memory_space<vmem>>, vector<16xf32>,
        %add3A_345 = arith.constant 1280 : i32
        %add3A_346 = arith.addi %mul3A_137, %add3A_345 : i32
        %add3A_347 = arith.constant 64 : i32
        %add3A_348 = arith.addi %add3A_346, %add3A_347 : i32
        %add3A_349 = arith.constant 0 : i32
        %add3A_350 = arith.addi %add3A_348, %add3A_349 : i32
        %swap3A_351 = arith.index_cast %add3A_350 : i32 to index
        %swap3A_352 = tpu.vector_load %arg15[%swap3A_351] {strides = array<i32>} : memref<8192xf32, #tpu.memory_space<vmem>>, vector<16xf32>,
        tpu.vector_store %arg15[%swap3A_351], %get3A_142 {strides = array<i32>} : memref<8192xf32, #tpu.memory_space<vmem>>, vector<16xf32>,
        %add3A_353 = arith.constant 11 : i32
        %add3A_354 = arith.addi %mul3A_135, %add3A_353 : i32
        %broadcast_in_dim3A_355 = vector.broadcast %add3A_354 : i32 to vector<16xi32>
        %gather3A_356 = tpu.vector_load_idx %arg14[%broadcast_in_dim3A_355, %add3A_145] : memref<64x64xf32, #tpu.memory_space<vmem>>[vector<16xi32>, vector<16xi32>], vector<16xf32>,
        %sub3A_357 = arith.subf %gather3A_356, %get3A_142 : vector<16xf32>
        %add3A_358 = arith.constant 1408 : i32
        %add3A_359 = arith.addi %mul3A_137, %add3A_358 : i32
        %add3A_360 = arith.constant 0 : i32
        %add3A_361 = arith.addi %add3A_359, %add3A_360 : i32
        %swap3A_362 = arith.index_cast %add3A_361 : i32 to index
        %swap3A_363 = tpu.vector_load %arg15[%swap3A_362] {strides = array<i32>} : memref<8192xf32, #tpu.memory_space<vmem>>, vector<16xf32>,
        tpu.vector_store %arg15[%swap3A_362], %sub3A_357 {strides = array<i32>} : memref<8192xf32, #tpu.memory_space<vmem>>, vector<16xf32>,
        %add3A_364 = arith.constant 1408 : i32
        %add3A_365 = arith.addi %mul3A_137, %add3A_364 : i32
        %add3A_366 = arith.constant 64 : i32
        %add3A_367 = arith.addi %add3A_365, %add3A_366 : i32
        %add3A_368 = arith.constant 0 : i32
        %add3A_369 = arith.addi %add3A_367, %add3A_368 : i32
        %swap3A_370 = arith.index_cast %add3A_369 : i32 to index
        %swap3A_371 = tpu.vector_load %arg15[%swap3A_370] {strides = array<i32>} : memref<8192xf32, #tpu.memory_space<vmem>>, vector<16xf32>,
        tpu.vector_store %arg15[%swap3A_370], %get3A_142 {strides = array<i32>} : memref<8192xf32, #tpu.memory_space<vmem>>, vector<16xf32>,
        %add3A_372 = arith.constant 12 : i32
        %add3A_373 = arith.addi %mul3A_135, %add3A_372 : i32
        %broadcast_in_dim3A_374 = vector.broadcast %add3A_373 : i32 to vector<16xi32>
        %gather3A_375 = tpu.vector_load_idx %arg14[%broadcast_in_dim3A_374, %add3A_145] : memref<64x64xf32, #tpu.memory_space<vmem>>[vector<16xi32>, vector<16xi32>], vector<16xf32>,
        %sub3A_376 = arith.subf %gather3A_375, %get3A_142 : vector<16xf32>
        %add3A_377 = arith.constant 1536 : i32
        %add3A_378 = arith.addi %mul3A_137, %add3A_377 : i32
        %add3A_379 = arith.constant 0 : i32
        %add3A_380 = arith.addi %add3A_378, %add3A_379 : i32
        %swap3A_381 = arith.index_cast %add3A_380 : i32 to index
        %swap3A_382 = tpu.vector_load %arg15[%swap3A_381] {strides = array<i32>} : memref<8192xf32, #tpu.memory_space<vmem>>, vector<16xf32>,
        tpu.vector_store %arg15[%swap3A_381], %sub3A_376 {strides = array<i32>} : memref<8192xf32, #tpu.memory_space<vmem>>, vector<16xf32>,
        %add3A_383 = arith.constant 1536 : i32
        %add3A_384 = arith.addi %mul3A_137, %add3A_383 : i32
        %add3A_385 = arith.constant 64 : i32
        %add3A_386 = arith.addi %add3A_384, %add3A_385 : i32
        %add3A_387 = arith.constant 0 : i32
        %add3A_388 = arith.addi %add3A_386, %add3A_387 : i32
        %swap3A_389 = arith.index_cast %add3A_388 : i32 to index
        %swap3A_390 = tpu.vector_load %arg15[%swap3A_389] {strides = array<i32>} : memref<8192xf32, #tpu.memory_space<vmem>>, vector<16xf32>,
        tpu.vector_store %arg15[%swap3A_389], %get3A_142 {strides = array<i32>} : memref<8192xf32, #tpu.memory_space<vmem>>, vector<16xf32>,
        %add3A_391 = arith.constant 13 : i32
        %add3A_392 = arith.addi %mul3A_135, %add3A_391 : i32
        %broadcast_in_dim3A_393 = vector.broadcast %add3A_392 : i32 to vector<16xi32>
        %gather3A_394 = tpu.vector_load_idx %arg14[%broadcast_in_dim3A_393, %add3A_145] : memref<64x64xf32, #tpu.memory_space<vmem>>[vector<16xi32>, vector<16xi32>], vector<16xf32>,
        %sub3A_395 = arith.subf %gather3A_394, %get3A_142 : vector<16xf32>
        %add3A_396 = arith.constant 1664 : i32
        %add3A_397 = arith.addi %mul3A_137, %add3A_396 : i32
        %add3A_398 = arith.constant 0 : i32
        %add3A_399 = arith.addi %add3A_397, %add3A_398 : i32
        %swap3A_400 = arith.index_cast %add3A_399 : i32 to index
        %swap3A_401 = tpu.vector_load %arg15[%swap3A_400] {strides = array<i32>} : memref<8192xf32, #tpu.memory_space<vmem>>, vector<16xf32>,
        tpu.vector_store %arg15[%swap3A_400], %sub3A_395 {strides = array<i32>} : memref<8192xf32, #tpu.memory_space<vmem>>, vector<16xf32>,
        %add3A_402 = arith.constant 1664 : i32
        %add3A_403 = arith.addi %mul3A_137, %add3A_402 : i32
        %add3A_404 = arith.constant 64 : i32
        %add3A_405 = arith.addi %add3A_403, %add3A_404 : i32
        %add3A_406 = arith.constant 0 : i32
        %add3A_407 = arith.addi %add3A_405, %add3A_406 : i32
        %swap3A_408 = arith.index_cast %add3A_407 : i32 to index
        %swap3A_409 = tpu.vector_load %arg15[%swap3A_408] {strides = array<i32>} : memref<8192xf32, #tpu.memory_space<vmem>>, vector<16xf32>,
        tpu.vector_store %arg15[%swap3A_408], %get3A_142 {strides = array<i32>} : memref<8192xf32, #tpu.memory_space<vmem>>, vector<16xf32>,
        %add3A_410 = arith.constant 14 : i32
        %add3A_411 = arith.addi %mul3A_135, %add3A_410 : i32
        %broadcast_in_dim3A_412 = vector.broadcast %add3A_411 : i32 to vector<16xi32>
        %gather3A_413 = tpu.vector_load_idx %arg14[%broadcast_in_dim3A_412, %add3A_145] : memref<64x64xf32, #tpu.memory_space<vmem>>[vector<16xi32>, vector<16xi32>], vector<16xf32>,
        %sub3A_414 = arith.subf %gather3A_413, %get3A_142 : vector<16xf32>
        %add3A_415 = arith.constant 1792 : i32
        %add3A_416 = arith.addi %mul3A_137, %add3A_415 : i32
        %add3A_417 = arith.constant 0 : i32
        %add3A_418 = arith.addi %add3A_416, %add3A_417 : i32
        %swap3A_419 = arith.index_cast %add3A_418 : i32 to index
        %swap3A_420 = tpu.vector_load %arg15[%swap3A_419] {strides = array<i32>} : memref<8192xf32, #tpu.memory_space<vmem>>, vector<16xf32>,
        tpu.vector_store %arg15[%swap3A_419], %sub3A_414 {strides = array<i32>} : memref<8192xf32, #tpu.memory_space<vmem>>, vector<16xf32>,
        %add3A_421 = arith.constant 1792 : i32
        %add3A_422 = arith.addi %mul3A_137, %add3A_421 : i32
        %add3A_423 = arith.constant 64 : i32
        %add3A_424 = arith.addi %add3A_422, %add3A_423 : i32
        %add3A_425 = arith.constant 0 : i32
        %add3A_426 = arith.addi %add3A_424, %add3A_425 : i32
        %swap3A_427 = arith.index_cast %add3A_426 : i32 to index
        %swap3A_428 = tpu.vector_load %arg15[%swap3A_427] {strides = array<i32>} : memref<8192xf32, #tpu.memory_space<vmem>>, vector<16xf32>,
        tpu.vector_store %arg15[%swap3A_427], %get3A_142 {strides = array<i32>} : memref<8192xf32, #tpu.memory_space<vmem>>, vector<16xf32>,
        %add3A_429 = arith.constant 15 : i32
        %add3A_430 = arith.addi %mul3A_135, %add3A_429 : i32
        %broadcast_in_dim3A_431 = vector.broadcast %add3A_430 : i32 to vector<16xi32>
        %gather3A_432 = tpu.vector_load_idx %arg14[%broadcast_in_dim3A_431, %add3A_145] : memref<64x64xf32, #tpu.memory_space<vmem>>[vector<16xi32>, vector<16xi32>], vector<16xf32>,
        %sub3A_433 = arith.subf %gather3A_432, %get3A_142 : vector<16xf32>
        %add3A_434 = arith.constant 1920 : i32
        %add3A_435 = arith.addi %mul3A_137, %add3A_434 : i32
        %add3A_436 = arith.constant 0 : i32
        %add3A_437 = arith.addi %add3A_435, %add3A_436 : i32
        %swap3A_438 = arith.index_cast %add3A_437 : i32 to index
        %swap3A_439 = tpu.vector_load %arg15[%swap3A_438] {strides = array<i32>} : memref<8192xf32, #tpu.memory_space<vmem>>, vector<16xf32>,
        tpu.vector_store %arg15[%swap3A_438], %sub3A_433 {strides = array<i32>} : memref<8192xf32, #tpu.memory_space<vmem>>, vector<16xf32>,
        %add3A_440 = arith.constant 1920 : i32
        %add3A_441 = arith.addi %mul3A_137, %add3A_440 : i32
        %add3A_442 = arith.constant 64 : i32
        %add3A_443 = arith.addi %add3A_441, %add3A_442 : i32
        %add3A_444 = arith.constant 0 : i32
        %add3A_445 = arith.addi %add3A_443, %add3A_444 : i32
        %swap3A_446 = arith.index_cast %add3A_445 : i32 to index
        %swap3A_447 = tpu.vector_load %arg15[%swap3A_446] {strides = array<i32>} : memref<8192xf32, #tpu.memory_space<vmem>>, vector<16xf32>,
        tpu.vector_store %arg15[%swap3A_446], %get3A_142 {strides = array<i32>} : memref<8192xf32, #tpu.memory_space<vmem>>, vector<16xf32>,
        %mul3A_448 = arith.constant 64 : i32
        %mul3A_449 = arith.muli %mul3A_97, %mul3A_448 : i32
        %add3A_450 = arith.constant 16 : i32
        %add3A_451 = arith.addi %mul3A_449, %add3A_450 : i32
        %get3A_452 = arith.index_cast %add3A_451 : i32 to index
        %get3A_453 = tpu.vector_load %arg9[%get3A_452] {strides = array<i32>} : memref<16384xf32, #tpu.memory_space<vmem>>, vector<16xf32>,
        %add3A_454 = arith.constant 16 : i32
        %add3A_455 = vector.broadcast %add3A_454 : i32 to vector<16xi32>
        %add3A_456 = arith.addi %add3A_455, %iota3A : vector<16xi32>
        %add3A_457 = arith.constant 0 : i32
        %add3A_458 = arith.addi %mul3A_135, %add3A_457 : i32
        %broadcast_in_dim3A_459 = vector.broadcast %add3A_458 : i32 to vector<16xi32>
        %gather3A_460 = tpu.vector_load_idx %arg14[%broadcast_in_dim3A_459, %add3A_456] : memref<64x64xf32, #tpu.memory_space<vmem>>[vector<16xi32>, vector<16xi32>], vector<16xf32>,
        %sub3A_461 = arith.subf %gather3A_460, %get3A_453 : vector<16xf32>
        %add3A_462 = arith.constant 0 : i32
        %add3A_463 = arith.addi %mul3A_137, %add3A_462 : i32
        %add3A_464 = arith.constant 16 : i32
        %add3A_465 = arith.addi %add3A_463, %add3A_464 : i32
        %swap3A_466 = arith.index_cast %add3A_465 : i32 to index
        %swap3A_467 = tpu.vector_load %arg15[%swap3A_466] {strides = array<i32>} : memref<8192xf32, #tpu.memory_space<vmem>>, vector<16xf32>,
        tpu.vector_store %arg15[%swap3A_466], %sub3A_461 {strides = array<i32>} : memref<8192xf32, #tpu.memory_space<vmem>>, vector<16xf32>,
        %add3A_468 = arith.constant 0 : i32
        %add3A_469 = arith.addi %mul3A_137, %add3A_468 : i32
        %add3A_470 = arith.constant 64 : i32
        %add3A_471 = arith.addi %add3A_469, %add3A_470 : i32
        %add3A_472 = arith.constant 16 : i32
        %add3A_473 = arith.addi %add3A_471, %add3A_472 : i32
        %swap3A_474 = arith.index_cast %add3A_473 : i32 to index
        %swap3A_475 = tpu.vector_load %arg15[%swap3A_474] {strides = array<i32>} : memref<8192xf32, #tpu.memory_space<vmem>>, vector<16xf32>,
        tpu.vector_store %arg15[%swap3A_474], %get3A_453 {strides = array<i32>} : memref<8192xf32, #tpu.memory_space<vmem>>, vector<16xf32>,
        %add3A_476 = arith.constant 1 : i32
        %add3A_477 = arith.addi %mul3A_135, %add3A_476 : i32
        %broadcast_in_dim3A_478 = vector.broadcast %add3A_477 : i32 to vector<16xi32>
        %gather3A_479 = tpu.vector_load_idx %arg14[%broadcast_in_dim3A_478, %add3A_456] : memref<64x64xf32, #tpu.memory_space<vmem>>[vector<16xi32>, vector<16xi32>], vector<16xf32>,
        %sub3A_480 = arith.subf %gather3A_479, %get3A_453 : vector<16xf32>
        %add3A_481 = arith.constant 128 : i32
        %add3A_482 = arith.addi %mul3A_137, %add3A_481 : i32
        %add3A_483 = arith.constant 16 : i32
        %add3A_484 = arith.addi %add3A_482, %add3A_483 : i32
        %swap3A_485 = arith.index_cast %add3A_484 : i32 to index
        %swap3A_486 = tpu.vector_load %arg15[%swap3A_485] {strides = array<i32>} : memref<8192xf32, #tpu.memory_space<vmem>>, vector<16xf32>,
        tpu.vector_store %arg15[%swap3A_485], %sub3A_480 {strides = array<i32>} : memref<8192xf32, #tpu.memory_space<vmem>>, vector<16xf32>,
        %add3A_487 = arith.constant 128 : i32
        %add3A_488 = arith.addi %mul3A_137, %add3A_487 : i32
        %add3A_489 = arith.constant 64 : i32
        %add3A_490 = arith.addi %add3A_488, %add3A_489 : i32
        %add3A_491 = arith.constant 16 : i32
        %add3A_492 = arith.addi %add3A_490, %add3A_491 : i32
        %swap3A_493 = arith.index_cast %add3A_492 : i32 to index
        %swap3A_494 = tpu.vector_load %arg15[%swap3A_493] {strides = array<i32>} : memref<8192xf32, #tpu.memory_space<vmem>>, vector<16xf32>,
        tpu.vector_store %arg15[%swap3A_493], %get3A_453 {strides = array<i32>} : memref<8192xf32, #tpu.memory_space<vmem>>, vector<16xf32>,
        %add3A_495 = arith.constant 2 : i32
        %add3A_496 = arith.addi %mul3A_135, %add3A_495 : i32
        %broadcast_in_dim3A_497 = vector.broadcast %add3A_496 : i32 to vector<16xi32>
        %gather3A_498 = tpu.vector_load_idx %arg14[%broadcast_in_dim3A_497, %add3A_456] : memref<64x64xf32, #tpu.memory_space<vmem>>[vector<16xi32>, vector<16xi32>], vector<16xf32>,
        %sub3A_499 = arith.subf %gather3A_498, %get3A_453 : vector<16xf32>
        %add3A_500 = arith.constant 256 : i32
        %add3A_501 = arith.addi %mul3A_137, %add3A_500 : i32
        %add3A_502 = arith.constant 16 : i32
        %add3A_503 = arith.addi %add3A_501, %add3A_502 : i32
        %swap3A_504 = arith.index_cast %add3A_503 : i32 to index
        %swap3A_505 = tpu.vector_load %arg15[%swap3A_504] {strides = array<i32>} : memref<8192xf32, #tpu.memory_space<vmem>>, vector<16xf32>,
        tpu.vector_store %arg15[%swap3A_504], %sub3A_499 {strides = array<i32>} : memref<8192xf32, #tpu.memory_space<vmem>>, vector<16xf32>,
        %add3A_506 = arith.constant 256 : i32
        %add3A_507 = arith.addi %mul3A_137, %add3A_506 : i32
        %add3A_508 = arith.constant 64 : i32
        %add3A_509 = arith.addi %add3A_507, %add3A_508 : i32
        %add3A_510 = arith.constant 16 : i32
        %add3A_511 = arith.addi %add3A_509, %add3A_510 : i32
        %swap3A_512 = arith.index_cast %add3A_511 : i32 to index
        %swap3A_513 = tpu.vector_load %arg15[%swap3A_512] {strides = array<i32>} : memref<8192xf32, #tpu.memory_space<vmem>>, vector<16xf32>,
        tpu.vector_store %arg15[%swap3A_512], %get3A_453 {strides = array<i32>} : memref<8192xf32, #tpu.memory_space<vmem>>, vector<16xf32>,
        %add3A_514 = arith.constant 3 : i32
        %add3A_515 = arith.addi %mul3A_135, %add3A_514 : i32
        %broadcast_in_dim3A_516 = vector.broadcast %add3A_515 : i32 to vector<16xi32>
        %gather3A_517 = tpu.vector_load_idx %arg14[%broadcast_in_dim3A_516, %add3A_456] : memref<64x64xf32, #tpu.memory_space<vmem>>[vector<16xi32>, vector<16xi32>], vector<16xf32>,
        %sub3A_518 = arith.subf %gather3A_517, %get3A_453 : vector<16xf32>
        %add3A_519 = arith.constant 384 : i32
        %add3A_520 = arith.addi %mul3A_137, %add3A_519 : i32
        %add3A_521 = arith.constant 16 : i32
        %add3A_522 = arith.addi %add3A_520, %add3A_521 : i32
        %swap3A_523 = arith.index_cast %add3A_522 : i32 to index
        %swap3A_524 = tpu.vector_load %arg15[%swap3A_523] {strides = array<i32>} : memref<8192xf32, #tpu.memory_space<vmem>>, vector<16xf32>,
        tpu.vector_store %arg15[%swap3A_523], %sub3A_518 {strides = array<i32>} : memref<8192xf32, #tpu.memory_space<vmem>>, vector<16xf32>,
        %add3A_525 = arith.constant 384 : i32
        %add3A_526 = arith.addi %mul3A_137, %add3A_525 : i32
        %add3A_527 = arith.constant 64 : i32
        %add3A_528 = arith.addi %add3A_526, %add3A_527 : i32
        %add3A_529 = arith.constant 16 : i32
        %add3A_530 = arith.addi %add3A_528, %add3A_529 : i32
        %swap3A_531 = arith.index_cast %add3A_530 : i32 to index
        %swap3A_532 = tpu.vector_load %arg15[%swap3A_531] {strides = array<i32>} : memref<8192xf32, #tpu.memory_space<vmem>>, vector<16xf32>,
        tpu.vector_store %arg15[%swap3A_531], %get3A_453 {strides = array<i32>} : memref<8192xf32, #tpu.memory_space<vmem>>, vector<16xf32>,
        %add3A_533 = arith.constant 4 : i32
        %add3A_534 = arith.addi %mul3A_135, %add3A_533 : i32
        %broadcast_in_dim3A_535 = vector.broadcast %add3A_534 : i32 to vector<16xi32>
        %gather3A_536 = tpu.vector_load_idx %arg14[%broadcast_in_dim3A_535, %add3A_456] : memref<64x64xf32, #tpu.memory_space<vmem>>[vector<16xi32>, vector<16xi32>], vector<16xf32>,
        %sub3A_537 = arith.subf %gather3A_536, %get3A_453 : vector<16xf32>
        %add3A_538 = arith.constant 512 : i32
        %add3A_539 = arith.addi %mul3A_137, %add3A_538 : i32
        %add3A_540 = arith.constant 16 : i32
        %add3A_541 = arith.addi %add3A_539, %add3A_540 : i32
        %swap3A_542 = arith.index_cast %add3A_541 : i32 to index
        %swap3A_543 = tpu.vector_load %arg15[%swap3A_542] {strides = array<i32>} : memref<8192xf32, #tpu.memory_space<vmem>>, vector<16xf32>,
        tpu.vector_store %arg15[%swap3A_542], %sub3A_537 {strides = array<i32>} : memref<8192xf32, #tpu.memory_space<vmem>>, vector<16xf32>,
        %add3A_544 = arith.constant 512 : i32
        %add3A_545 = arith.addi %mul3A_137, %add3A_544 : i32
        %add3A_546 = arith.constant 64 : i32
        %add3A_547 = arith.addi %add3A_545, %add3A_546 : i32
        %add3A_548 = arith.constant 16 : i32
        %add3A_549 = arith.addi %add3A_547, %add3A_548 : i32
        %swap3A_550 = arith.index_cast %add3A_549 : i32 to index
        %swap3A_551 = tpu.vector_load %arg15[%swap3A_550] {strides = array<i32>} : memref<8192xf32, #tpu.memory_space<vmem>>, vector<16xf32>,
        tpu.vector_store %arg15[%swap3A_550], %get3A_453 {strides = array<i32>} : memref<8192xf32, #tpu.memory_space<vmem>>, vector<16xf32>,
        %add3A_552 = arith.constant 5 : i32
        %add3A_553 = arith.addi %mul3A_135, %add3A_552 : i32
        %broadcast_in_dim3A_554 = vector.broadcast %add3A_553 : i32 to vector<16xi32>
        %gather3A_555 = tpu.vector_load_idx %arg14[%broadcast_in_dim3A_554, %add3A_456] : memref<64x64xf32, #tpu.memory_space<vmem>>[vector<16xi32>, vector<16xi32>], vector<16xf32>,
        %sub3A_556 = arith.subf %gather3A_555, %get3A_453 : vector<16xf32>
        %add3A_557 = arith.constant 640 : i32
        %add3A_558 = arith.addi %mul3A_137, %add3A_557 : i32
        %add3A_559 = arith.constant 16 : i32
        %add3A_560 = arith.addi %add3A_558, %add3A_559 : i32
        %swap3A_561 = arith.index_cast %add3A_560 : i32 to index
        %swap3A_562 = tpu.vector_load %arg15[%swap3A_561] {strides = array<i32>} : memref<8192xf32, #tpu.memory_space<vmem>>, vector<16xf32>,
        tpu.vector_store %arg15[%swap3A_561], %sub3A_556 {strides = array<i32>} : memref<8192xf32, #tpu.memory_space<vmem>>, vector<16xf32>,
        %add3A_563 = arith.constant 640 : i32
        %add3A_564 = arith.addi %mul3A_137, %add3A_563 : i32
        %add3A_565 = arith.constant 64 : i32
        %add3A_566 = arith.addi %add3A_564, %add3A_565 : i32
        %add3A_567 = arith.constant 16 : i32
        %add3A_568 = arith.addi %add3A_566, %add3A_567 : i32
        %swap3A_569 = arith.index_cast %add3A_568 : i32 to index
        %swap3A_570 = tpu.vector_load %arg15[%swap3A_569] {strides = array<i32>} : memref<8192xf32, #tpu.memory_space<vmem>>, vector<16xf32>,
        tpu.vector_store %arg15[%swap3A_569], %get3A_453 {strides = array<i32>} : memref<8192xf32, #tpu.memory_space<vmem>>, vector<16xf32>,
        %add3A_571 = arith.constant 6 : i32
        %add3A_572 = arith.addi %mul3A_135, %add3A_571 : i32
        %broadcast_in_dim3A_573 = vector.broadcast %add3A_572 : i32 to vector<16xi32>
        %gather3A_574 = tpu.vector_load_idx %arg14[%broadcast_in_dim3A_573, %add3A_456] : memref<64x64xf32, #tpu.memory_space<vmem>>[vector<16xi32>, vector<16xi32>], vector<16xf32>,
        %sub3A_575 = arith.subf %gather3A_574, %get3A_453 : vector<16xf32>
        %add3A_576 = arith.constant 768 : i32
        %add3A_577 = arith.addi %mul3A_137, %add3A_576 : i32
        %add3A_578 = arith.constant 16 : i32
        %add3A_579 = arith.addi %add3A_577, %add3A_578 : i32
        %swap3A_580 = arith.index_cast %add3A_579 : i32 to index
        %swap3A_581 = tpu.vector_load %arg15[%swap3A_580] {strides = array<i32>} : memref<8192xf32, #tpu.memory_space<vmem>>, vector<16xf32>,
        tpu.vector_store %arg15[%swap3A_580], %sub3A_575 {strides = array<i32>} : memref<8192xf32, #tpu.memory_space<vmem>>, vector<16xf32>,
        %add3A_582 = arith.constant 768 : i32
        %add3A_583 = arith.addi %mul3A_137, %add3A_582 : i32
        %add3A_584 = arith.constant 64 : i32
        %add3A_585 = arith.addi %add3A_583, %add3A_584 : i32
        %add3A_586 = arith.constant 16 : i32
        %add3A_587 = arith.addi %add3A_585, %add3A_586 : i32
        %swap3A_588 = arith.index_cast %add3A_587 : i32 to index
        %swap3A_589 = tpu.vector_load %arg15[%swap3A_588] {strides = array<i32>} : memref<8192xf32, #tpu.memory_space<vmem>>, vector<16xf32>,
        tpu.vector_store %arg15[%swap3A_588], %get3A_453 {strides = array<i32>} : memref<8192xf32, #tpu.memory_space<vmem>>, vector<16xf32>,
        %add3A_590 = arith.constant 7 : i32
        %add3A_591 = arith.addi %mul3A_135, %add3A_590 : i32
        %broadcast_in_dim3A_592 = vector.broadcast %add3A_591 : i32 to vector<16xi32>
        %gather3A_593 = tpu.vector_load_idx %arg14[%broadcast_in_dim3A_592, %add3A_456] : memref<64x64xf32, #tpu.memory_space<vmem>>[vector<16xi32>, vector<16xi32>], vector<16xf32>,
        %sub3A_594 = arith.subf %gather3A_593, %get3A_453 : vector<16xf32>
        %add3A_595 = arith.constant 896 : i32
        %add3A_596 = arith.addi %mul3A_137, %add3A_595 : i32
        %add3A_597 = arith.constant 16 : i32
        %add3A_598 = arith.addi %add3A_596, %add3A_597 : i32
        %swap3A_599 = arith.index_cast %add3A_598 : i32 to index
        %swap3A_600 = tpu.vector_load %arg15[%swap3A_599] {strides = array<i32>} : memref<8192xf32, #tpu.memory_space<vmem>>, vector<16xf32>,
        tpu.vector_store %arg15[%swap3A_599], %sub3A_594 {strides = array<i32>} : memref<8192xf32, #tpu.memory_space<vmem>>, vector<16xf32>,
        %add3A_601 = arith.constant 896 : i32
        %add3A_602 = arith.addi %mul3A_137, %add3A_601 : i32
        %add3A_603 = arith.constant 64 : i32
        %add3A_604 = arith.addi %add3A_602, %add3A_603 : i32
        %add3A_605 = arith.constant 16 : i32
        %add3A_606 = arith.addi %add3A_604, %add3A_605 : i32
        %swap3A_607 = arith.index_cast %add3A_606 : i32 to index
        %swap3A_608 = tpu.vector_load %arg15[%swap3A_607] {strides = array<i32>} : memref<8192xf32, #tpu.memory_space<vmem>>, vector<16xf32>,
        tpu.vector_store %arg15[%swap3A_607], %get3A_453 {strides = array<i32>} : memref<8192xf32, #tpu.memory_space<vmem>>, vector<16xf32>,
        %add3A_609 = arith.constant 8 : i32
        %add3A_610 = arith.addi %mul3A_135, %add3A_609 : i32
        %broadcast_in_dim3A_611 = vector.broadcast %add3A_610 : i32 to vector<16xi32>
        %gather3A_612 = tpu.vector_load_idx %arg14[%broadcast_in_dim3A_611, %add3A_456] : memref<64x64xf32, #tpu.memory_space<vmem>>[vector<16xi32>, vector<16xi32>], vector<16xf32>,
        %sub3A_613 = arith.subf %gather3A_612, %get3A_453 : vector<16xf32>
        %add3A_614 = arith.constant 1024 : i32
        %add3A_615 = arith.addi %mul3A_137, %add3A_614 : i32
        %add3A_616 = arith.constant 16 : i32
        %add3A_617 = arith.addi %add3A_615, %add3A_616 : i32
        %swap3A_618 = arith.index_cast %add3A_617 : i32 to index
        %swap3A_619 = tpu.vector_load %arg15[%swap3A_618] {strides = array<i32>} : memref<8192xf32, #tpu.memory_space<vmem>>, vector<16xf32>,
        tpu.vector_store %arg15[%swap3A_618], %sub3A_613 {strides = array<i32>} : memref<8192xf32, #tpu.memory_space<vmem>>, vector<16xf32>,
        %add3A_620 = arith.constant 1024 : i32
        %add3A_621 = arith.addi %mul3A_137, %add3A_620 : i32
        %add3A_622 = arith.constant 64 : i32
        %add3A_623 = arith.addi %add3A_621, %add3A_622 : i32
        %add3A_624 = arith.constant 16 : i32
        %add3A_625 = arith.addi %add3A_623, %add3A_624 : i32
        %swap3A_626 = arith.index_cast %add3A_625 : i32 to index
        %swap3A_627 = tpu.vector_load %arg15[%swap3A_626] {strides = array<i32>} : memref<8192xf32, #tpu.memory_space<vmem>>, vector<16xf32>,
        tpu.vector_store %arg15[%swap3A_626], %get3A_453 {strides = array<i32>} : memref<8192xf32, #tpu.memory_space<vmem>>, vector<16xf32>,
        %add3A_628 = arith.constant 9 : i32
        %add3A_629 = arith.addi %mul3A_135, %add3A_628 : i32
        %broadcast_in_dim3A_630 = vector.broadcast %add3A_629 : i32 to vector<16xi32>
        %gather3A_631 = tpu.vector_load_idx %arg14[%broadcast_in_dim3A_630, %add3A_456] : memref<64x64xf32, #tpu.memory_space<vmem>>[vector<16xi32>, vector<16xi32>], vector<16xf32>,
        %sub3A_632 = arith.subf %gather3A_631, %get3A_453 : vector<16xf32>
        %add3A_633 = arith.constant 1152 : i32
        %add3A_634 = arith.addi %mul3A_137, %add3A_633 : i32
        %add3A_635 = arith.constant 16 : i32
        %add3A_636 = arith.addi %add3A_634, %add3A_635 : i32
        %swap3A_637 = arith.index_cast %add3A_636 : i32 to index
        %swap3A_638 = tpu.vector_load %arg15[%swap3A_637] {strides = array<i32>} : memref<8192xf32, #tpu.memory_space<vmem>>, vector<16xf32>,
        tpu.vector_store %arg15[%swap3A_637], %sub3A_632 {strides = array<i32>} : memref<8192xf32, #tpu.memory_space<vmem>>, vector<16xf32>,
        %add3A_639 = arith.constant 1152 : i32
        %add3A_640 = arith.addi %mul3A_137, %add3A_639 : i32
        %add3A_641 = arith.constant 64 : i32
        %add3A_642 = arith.addi %add3A_640, %add3A_641 : i32
        %add3A_643 = arith.constant 16 : i32
        %add3A_644 = arith.addi %add3A_642, %add3A_643 : i32
        %swap3A_645 = arith.index_cast %add3A_644 : i32 to index
        %swap3A_646 = tpu.vector_load %arg15[%swap3A_645] {strides = array<i32>} : memref<8192xf32, #tpu.memory_space<vmem>>, vector<16xf32>,
        tpu.vector_store %arg15[%swap3A_645], %get3A_453 {strides = array<i32>} : memref<8192xf32, #tpu.memory_space<vmem>>, vector<16xf32>,
        %add3A_647 = arith.constant 10 : i32
        %add3A_648 = arith.addi %mul3A_135, %add3A_647 : i32
        %broadcast_in_dim3A_649 = vector.broadcast %add3A_648 : i32 to vector<16xi32>
        %gather3A_650 = tpu.vector_load_idx %arg14[%broadcast_in_dim3A_649, %add3A_456] : memref<64x64xf32, #tpu.memory_space<vmem>>[vector<16xi32>, vector<16xi32>], vector<16xf32>,
        %sub3A_651 = arith.subf %gather3A_650, %get3A_453 : vector<16xf32>
        %add3A_652 = arith.constant 1280 : i32
        %add3A_653 = arith.addi %mul3A_137, %add3A_652 : i32
        %add3A_654 = arith.constant 16 : i32
        %add3A_655 = arith.addi %add3A_653, %add3A_654 : i32
        %swap3A_656 = arith.index_cast %add3A_655 : i32 to index
        %swap3A_657 = tpu.vector_load %arg15[%swap3A_656] {strides = array<i32>} : memref<8192xf32, #tpu.memory_space<vmem>>, vector<16xf32>,
        tpu.vector_store %arg15[%swap3A_656], %sub3A_651 {strides = array<i32>} : memref<8192xf32, #tpu.memory_space<vmem>>, vector<16xf32>,
        %add3A_658 = arith.constant 1280 : i32
        %add3A_659 = arith.addi %mul3A_137, %add3A_658 : i32
        %add3A_660 = arith.constant 64 : i32
        %add3A_661 = arith.addi %add3A_659, %add3A_660 : i32
        %add3A_662 = arith.constant 16 : i32
        %add3A_663 = arith.addi %add3A_661, %add3A_662 : i32
        %swap3A_664 = arith.index_cast %add3A_663 : i32 to index
        %swap3A_665 = tpu.vector_load %arg15[%swap3A_664] {strides = array<i32>} : memref<8192xf32, #tpu.memory_space<vmem>>, vector<16xf32>,
        tpu.vector_store %arg15[%swap3A_664], %get3A_453 {strides = array<i32>} : memref<8192xf32, #tpu.memory_space<vmem>>, vector<16xf32>,
        %add3A_666 = arith.constant 11 : i32
        %add3A_667 = arith.addi %mul3A_135, %add3A_666 : i32
        %broadcast_in_dim3A_668 = vector.broadcast %add3A_667 : i32 to vector<16xi32>
        %gather3A_669 = tpu.vector_load_idx %arg14[%broadcast_in_dim3A_668, %add3A_456] : memref<64x64xf32, #tpu.memory_space<vmem>>[vector<16xi32>, vector<16xi32>], vector<16xf32>,
        %sub3A_670 = arith.subf %gather3A_669, %get3A_453 : vector<16xf32>
        %add3A_671 = arith.constant 1408 : i32
        %add3A_672 = arith.addi %mul3A_137, %add3A_671 : i32
        %add3A_673 = arith.constant 16 : i32
        %add3A_674 = arith.addi %add3A_672, %add3A_673 : i32
        %swap3A_675 = arith.index_cast %add3A_674 : i32 to index
        %swap3A_676 = tpu.vector_load %arg15[%swap3A_675] {strides = array<i32>} : memref<8192xf32, #tpu.memory_space<vmem>>, vector<16xf32>,
        tpu.vector_store %arg15[%swap3A_675], %sub3A_670 {strides = array<i32>} : memref<8192xf32, #tpu.memory_space<vmem>>, vector<16xf32>,
        %add3A_677 = arith.constant 1408 : i32
        %add3A_678 = arith.addi %mul3A_137, %add3A_677 : i32
        %add3A_679 = arith.constant 64 : i32
        %add3A_680 = arith.addi %add3A_678, %add3A_679 : i32
        %add3A_681 = arith.constant 16 : i32
        %add3A_682 = arith.addi %add3A_680, %add3A_681 : i32
        %swap3A_683 = arith.index_cast %add3A_682 : i32 to index
        %swap3A_684 = tpu.vector_load %arg15[%swap3A_683] {strides = array<i32>} : memref<8192xf32, #tpu.memory_space<vmem>>, vector<16xf32>,
        tpu.vector_store %arg15[%swap3A_683], %get3A_453 {strides = array<i32>} : memref<8192xf32, #tpu.memory_space<vmem>>, vector<16xf32>,
        %add3A_685 = arith.constant 12 : i32
        %add3A_686 = arith.addi %mul3A_135, %add3A_685 : i32
        %broadcast_in_dim3A_687 = vector.broadcast %add3A_686 : i32 to vector<16xi32>
        %gather3A_688 = tpu.vector_load_idx %arg14[%broadcast_in_dim3A_687, %add3A_456] : memref<64x64xf32, #tpu.memory_space<vmem>>[vector<16xi32>, vector<16xi32>], vector<16xf32>,
        %sub3A_689 = arith.subf %gather3A_688, %get3A_453 : vector<16xf32>
        %add3A_690 = arith.constant 1536 : i32
        %add3A_691 = arith.addi %mul3A_137, %add3A_690 : i32
        %add3A_692 = arith.constant 16 : i32
        %add3A_693 = arith.addi %add3A_691, %add3A_692 : i32
        %swap3A_694 = arith.index_cast %add3A_693 : i32 to index
        %swap3A_695 = tpu.vector_load %arg15[%swap3A_694] {strides = array<i32>} : memref<8192xf32, #tpu.memory_space<vmem>>, vector<16xf32>,
        tpu.vector_store %arg15[%swap3A_694], %sub3A_689 {strides = array<i32>} : memref<8192xf32, #tpu.memory_space<vmem>>, vector<16xf32>,
        %add3A_696 = arith.constant 1536 : i32
        %add3A_697 = arith.addi %mul3A_137, %add3A_696 : i32
        %add3A_698 = arith.constant 64 : i32
        %add3A_699 = arith.addi %add3A_697, %add3A_698 : i32
        %add3A_700 = arith.constant 16 : i32
        %add3A_701 = arith.addi %add3A_699, %add3A_700 : i32
        %swap3A_702 = arith.index_cast %add3A_701 : i32 to index
        %swap3A_703 = tpu.vector_load %arg15[%swap3A_702] {strides = array<i32>} : memref<8192xf32, #tpu.memory_space<vmem>>, vector<16xf32>,
        tpu.vector_store %arg15[%swap3A_702], %get3A_453 {strides = array<i32>} : memref<8192xf32, #tpu.memory_space<vmem>>, vector<16xf32>,
        %add3A_704 = arith.constant 13 : i32
        %add3A_705 = arith.addi %mul3A_135, %add3A_704 : i32
        %broadcast_in_dim3A_706 = vector.broadcast %add3A_705 : i32 to vector<16xi32>
        %gather3A_707 = tpu.vector_load_idx %arg14[%broadcast_in_dim3A_706, %add3A_456] : memref<64x64xf32, #tpu.memory_space<vmem>>[vector<16xi32>, vector<16xi32>], vector<16xf32>,
        %sub3A_708 = arith.subf %gather3A_707, %get3A_453 : vector<16xf32>
        %add3A_709 = arith.constant 1664 : i32
        %add3A_710 = arith.addi %mul3A_137, %add3A_709 : i32
        %add3A_711 = arith.constant 16 : i32
        %add3A_712 = arith.addi %add3A_710, %add3A_711 : i32
        %swap3A_713 = arith.index_cast %add3A_712 : i32 to index
        %swap3A_714 = tpu.vector_load %arg15[%swap3A_713] {strides = array<i32>} : memref<8192xf32, #tpu.memory_space<vmem>>, vector<16xf32>,
        tpu.vector_store %arg15[%swap3A_713], %sub3A_708 {strides = array<i32>} : memref<8192xf32, #tpu.memory_space<vmem>>, vector<16xf32>,
        %add3A_715 = arith.constant 1664 : i32
        %add3A_716 = arith.addi %mul3A_137, %add3A_715 : i32
        %add3A_717 = arith.constant 64 : i32
        %add3A_718 = arith.addi %add3A_716, %add3A_717 : i32
        %add3A_719 = arith.constant 16 : i32
        %add3A_720 = arith.addi %add3A_718, %add3A_719 : i32
        %swap3A_721 = arith.index_cast %add3A_720 : i32 to index
        %swap3A_722 = tpu.vector_load %arg15[%swap3A_721] {strides = array<i32>} : memref<8192xf32, #tpu.memory_space<vmem>>, vector<16xf32>,
        tpu.vector_store %arg15[%swap3A_721], %get3A_453 {strides = array<i32>} : memref<8192xf32, #tpu.memory_space<vmem>>, vector<16xf32>,
        %add3A_723 = arith.constant 14 : i32
        %add3A_724 = arith.addi %mul3A_135, %add3A_723 : i32
        %broadcast_in_dim3A_725 = vector.broadcast %add3A_724 : i32 to vector<16xi32>
        %gather3A_726 = tpu.vector_load_idx %arg14[%broadcast_in_dim3A_725, %add3A_456] : memref<64x64xf32, #tpu.memory_space<vmem>>[vector<16xi32>, vector<16xi32>], vector<16xf32>,
        %sub3A_727 = arith.subf %gather3A_726, %get3A_453 : vector<16xf32>
        %add3A_728 = arith.constant 1792 : i32
        %add3A_729 = arith.addi %mul3A_137, %add3A_728 : i32
        %add3A_730 = arith.constant 16 : i32
        %add3A_731 = arith.addi %add3A_729, %add3A_730 : i32
        %swap3A_732 = arith.index_cast %add3A_731 : i32 to index
        %swap3A_733 = tpu.vector_load %arg15[%swap3A_732] {strides = array<i32>} : memref<8192xf32, #tpu.memory_space<vmem>>, vector<16xf32>,
        tpu.vector_store %arg15[%swap3A_732], %sub3A_727 {strides = array<i32>} : memref<8192xf32, #tpu.memory_space<vmem>>, vector<16xf32>,
        %add3A_734 = arith.constant 1792 : i32
        %add3A_735 = arith.addi %mul3A_137, %add3A_734 : i32
        %add3A_736 = arith.constant 64 : i32
        %add3A_737 = arith.addi %add3A_735, %add3A_736 : i32
        %add3A_738 = arith.constant 16 : i32
        %add3A_739 = arith.addi %add3A_737, %add3A_738 : i32
        %swap3A_740 = arith.index_cast %add3A_739 : i32 to index
        %swap3A_741 = tpu.vector_load %arg15[%swap3A_740] {strides = array<i32>} : memref<8192xf32, #tpu.memory_space<vmem>>, vector<16xf32>,
        tpu.vector_store %arg15[%swap3A_740], %get3A_453 {strides = array<i32>} : memref<8192xf32, #tpu.memory_space<vmem>>, vector<16xf32>,
        %add3A_742 = arith.constant 15 : i32
        %add3A_743 = arith.addi %mul3A_135, %add3A_742 : i32
        %broadcast_in_dim3A_744 = vector.broadcast %add3A_743 : i32 to vector<16xi32>
        %gather3A_745 = tpu.vector_load_idx %arg14[%broadcast_in_dim3A_744, %add3A_456] : memref<64x64xf32, #tpu.memory_space<vmem>>[vector<16xi32>, vector<16xi32>], vector<16xf32>,
        %sub3A_746 = arith.subf %gather3A_745, %get3A_453 : vector<16xf32>
        %add3A_747 = arith.constant 1920 : i32
        %add3A_748 = arith.addi %mul3A_137, %add3A_747 : i32
        %add3A_749 = arith.constant 16 : i32
        %add3A_750 = arith.addi %add3A_748, %add3A_749 : i32
        %swap3A_751 = arith.index_cast %add3A_750 : i32 to index
        %swap3A_752 = tpu.vector_load %arg15[%swap3A_751] {strides = array<i32>} : memref<8192xf32, #tpu.memory_space<vmem>>, vector<16xf32>,
        tpu.vector_store %arg15[%swap3A_751], %sub3A_746 {strides = array<i32>} : memref<8192xf32, #tpu.memory_space<vmem>>, vector<16xf32>,
        %add3A_753 = arith.constant 1920 : i32
        %add3A_754 = arith.addi %mul3A_137, %add3A_753 : i32
        %add3A_755 = arith.constant 64 : i32
        %add3A_756 = arith.addi %add3A_754, %add3A_755 : i32
        %add3A_757 = arith.constant 16 : i32
        %add3A_758 = arith.addi %add3A_756, %add3A_757 : i32
        %swap3A_759 = arith.index_cast %add3A_758 : i32 to index
        %swap3A_760 = tpu.vector_load %arg15[%swap3A_759] {strides = array<i32>} : memref<8192xf32, #tpu.memory_space<vmem>>, vector<16xf32>,
        tpu.vector_store %arg15[%swap3A_759], %get3A_453 {strides = array<i32>} : memref<8192xf32, #tpu.memory_space<vmem>>, vector<16xf32>,
        %mul3A_761 = arith.constant 64 : i32
        %mul3A_762 = arith.muli %mul3A_97, %mul3A_761 : i32
        %add3A_763 = arith.constant 32 : i32
        %add3A_764 = arith.addi %mul3A_762, %add3A_763 : i32
        %get3A_765 = arith.index_cast %add3A_764 : i32 to index
        %get3A_766 = tpu.vector_load %arg9[%get3A_765] {strides = array<i32>} : memref<16384xf32, #tpu.memory_space<vmem>>, vector<16xf32>,
        %add3A_767 = arith.constant 32 : i32
        %add3A_768 = vector.broadcast %add3A_767 : i32 to vector<16xi32>
        %add3A_769 = arith.addi %add3A_768, %iota3A : vector<16xi32>
        %add3A_770 = arith.constant 0 : i32
        %add3A_771 = arith.addi %mul3A_135, %add3A_770 : i32
        %broadcast_in_dim3A_772 = vector.broadcast %add3A_771 : i32 to vector<16xi32>
        %gather3A_773 = tpu.vector_load_idx %arg14[%broadcast_in_dim3A_772, %add3A_769] : memref<64x64xf32, #tpu.memory_space<vmem>>[vector<16xi32>, vector<16xi32>], vector<16xf32>,
        %sub3A_774 = arith.subf %gather3A_773, %get3A_766 : vector<16xf32>
        %add3A_775 = arith.constant 0 : i32
        %add3A_776 = arith.addi %mul3A_137, %add3A_775 : i32
        %add3A_777 = arith.constant 32 : i32
        %add3A_778 = arith.addi %add3A_776, %add3A_777 : i32
        %swap3A_779 = arith.index_cast %add3A_778 : i32 to index
        %swap3A_780 = tpu.vector_load %arg15[%swap3A_779] {strides = array<i32>} : memref<8192xf32, #tpu.memory_space<vmem>>, vector<16xf32>,
        tpu.vector_store %arg15[%swap3A_779], %sub3A_774 {strides = array<i32>} : memref<8192xf32, #tpu.memory_space<vmem>>, vector<16xf32>,
        %add3A_781 = arith.constant 0 : i32
        %add3A_782 = arith.addi %mul3A_137, %add3A_781 : i32
        %add3A_783 = arith.constant 64 : i32
        %add3A_784 = arith.addi %add3A_782, %add3A_783 : i32
        %add3A_785 = arith.constant 32 : i32
        %add3A_786 = arith.addi %add3A_784, %add3A_785 : i32
        %swap3A_787 = arith.index_cast %add3A_786 : i32 to index
        %swap3A_788 = tpu.vector_load %arg15[%swap3A_787] {strides = array<i32>} : memref<8192xf32, #tpu.memory_space<vmem>>, vector<16xf32>,
        tpu.vector_store %arg15[%swap3A_787], %get3A_766 {strides = array<i32>} : memref<8192xf32, #tpu.memory_space<vmem>>, vector<16xf32>,
        %add3A_789 = arith.constant 1 : i32
        %add3A_790 = arith.addi %mul3A_135, %add3A_789 : i32
        %broadcast_in_dim3A_791 = vector.broadcast %add3A_790 : i32 to vector<16xi32>
        %gather3A_792 = tpu.vector_load_idx %arg14[%broadcast_in_dim3A_791, %add3A_769] : memref<64x64xf32, #tpu.memory_space<vmem>>[vector<16xi32>, vector<16xi32>], vector<16xf32>,
        %sub3A_793 = arith.subf %gather3A_792, %get3A_766 : vector<16xf32>
        %add3A_794 = arith.constant 128 : i32
        %add3A_795 = arith.addi %mul3A_137, %add3A_794 : i32
        %add3A_796 = arith.constant 32 : i32
        %add3A_797 = arith.addi %add3A_795, %add3A_796 : i32
        %swap3A_798 = arith.index_cast %add3A_797 : i32 to index
        %swap3A_799 = tpu.vector_load %arg15[%swap3A_798] {strides = array<i32>} : memref<8192xf32, #tpu.memory_space<vmem>>, vector<16xf32>,
        tpu.vector_store %arg15[%swap3A_798], %sub3A_793 {strides = array<i32>} : memref<8192xf32, #tpu.memory_space<vmem>>, vector<16xf32>,
        %add3A_800 = arith.constant 128 : i32
        %add3A_801 = arith.addi %mul3A_137, %add3A_800 : i32
        %add3A_802 = arith.constant 64 : i32
        %add3A_803 = arith.addi %add3A_801, %add3A_802 : i32
        %add3A_804 = arith.constant 32 : i32
        %add3A_805 = arith.addi %add3A_803, %add3A_804 : i32
        %swap3A_806 = arith.index_cast %add3A_805 : i32 to index
        %swap3A_807 = tpu.vector_load %arg15[%swap3A_806] {strides = array<i32>} : memref<8192xf32, #tpu.memory_space<vmem>>, vector<16xf32>,
        tpu.vector_store %arg15[%swap3A_806], %get3A_766 {strides = array<i32>} : memref<8192xf32, #tpu.memory_space<vmem>>, vector<16xf32>,
        %add3A_808 = arith.constant 2 : i32
        %add3A_809 = arith.addi %mul3A_135, %add3A_808 : i32
        %broadcast_in_dim3A_810 = vector.broadcast %add3A_809 : i32 to vector<16xi32>
        %gather3A_811 = tpu.vector_load_idx %arg14[%broadcast_in_dim3A_810, %add3A_769] : memref<64x64xf32, #tpu.memory_space<vmem>>[vector<16xi32>, vector<16xi32>], vector<16xf32>,
        %sub3A_812 = arith.subf %gather3A_811, %get3A_766 : vector<16xf32>
        %add3A_813 = arith.constant 256 : i32
        %add3A_814 = arith.addi %mul3A_137, %add3A_813 : i32
        %add3A_815 = arith.constant 32 : i32
        %add3A_816 = arith.addi %add3A_814, %add3A_815 : i32
        %swap3A_817 = arith.index_cast %add3A_816 : i32 to index
        %swap3A_818 = tpu.vector_load %arg15[%swap3A_817] {strides = array<i32>} : memref<8192xf32, #tpu.memory_space<vmem>>, vector<16xf32>,
        tpu.vector_store %arg15[%swap3A_817], %sub3A_812 {strides = array<i32>} : memref<8192xf32, #tpu.memory_space<vmem>>, vector<16xf32>,
        %add3A_819 = arith.constant 256 : i32
        %add3A_820 = arith.addi %mul3A_137, %add3A_819 : i32
        %add3A_821 = arith.constant 64 : i32
        %add3A_822 = arith.addi %add3A_820, %add3A_821 : i32
        %add3A_823 = arith.constant 32 : i32
        %add3A_824 = arith.addi %add3A_822, %add3A_823 : i32
        %swap3A_825 = arith.index_cast %add3A_824 : i32 to index
        %swap3A_826 = tpu.vector_load %arg15[%swap3A_825] {strides = array<i32>} : memref<8192xf32, #tpu.memory_space<vmem>>, vector<16xf32>,
        tpu.vector_store %arg15[%swap3A_825], %get3A_766 {strides = array<i32>} : memref<8192xf32, #tpu.memory_space<vmem>>, vector<16xf32>,
        %add3A_827 = arith.constant 3 : i32
        %add3A_828 = arith.addi %mul3A_135, %add3A_827 : i32
        %broadcast_in_dim3A_829 = vector.broadcast %add3A_828 : i32 to vector<16xi32>
        %gather3A_830 = tpu.vector_load_idx %arg14[%broadcast_in_dim3A_829, %add3A_769] : memref<64x64xf32, #tpu.memory_space<vmem>>[vector<16xi32>, vector<16xi32>], vector<16xf32>,
        %sub3A_831 = arith.subf %gather3A_830, %get3A_766 : vector<16xf32>
        %add3A_832 = arith.constant 384 : i32
        %add3A_833 = arith.addi %mul3A_137, %add3A_832 : i32
        %add3A_834 = arith.constant 32 : i32
        %add3A_835 = arith.addi %add3A_833, %add3A_834 : i32
        %swap3A_836 = arith.index_cast %add3A_835 : i32 to index
        %swap3A_837 = tpu.vector_load %arg15[%swap3A_836] {strides = array<i32>} : memref<8192xf32, #tpu.memory_space<vmem>>, vector<16xf32>,
        tpu.vector_store %arg15[%swap3A_836], %sub3A_831 {strides = array<i32>} : memref<8192xf32, #tpu.memory_space<vmem>>, vector<16xf32>,
        %add3A_838 = arith.constant 384 : i32
        %add3A_839 = arith.addi %mul3A_137, %add3A_838 : i32
        %add3A_840 = arith.constant 64 : i32
        %add3A_841 = arith.addi %add3A_839, %add3A_840 : i32
        %add3A_842 = arith.constant 32 : i32
        %add3A_843 = arith.addi %add3A_841, %add3A_842 : i32
        %swap3A_844 = arith.index_cast %add3A_843 : i32 to index
        %swap3A_845 = tpu.vector_load %arg15[%swap3A_844] {strides = array<i32>} : memref<8192xf32, #tpu.memory_space<vmem>>, vector<16xf32>,
        tpu.vector_store %arg15[%swap3A_844], %get3A_766 {strides = array<i32>} : memref<8192xf32, #tpu.memory_space<vmem>>, vector<16xf32>,
        %add3A_846 = arith.constant 4 : i32
        %add3A_847 = arith.addi %mul3A_135, %add3A_846 : i32
        %broadcast_in_dim3A_848 = vector.broadcast %add3A_847 : i32 to vector<16xi32>
        %gather3A_849 = tpu.vector_load_idx %arg14[%broadcast_in_dim3A_848, %add3A_769] : memref<64x64xf32, #tpu.memory_space<vmem>>[vector<16xi32>, vector<16xi32>], vector<16xf32>,
        %sub3A_850 = arith.subf %gather3A_849, %get3A_766 : vector<16xf32>
        %add3A_851 = arith.constant 512 : i32
        %add3A_852 = arith.addi %mul3A_137, %add3A_851 : i32
        %add3A_853 = arith.constant 32 : i32
        %add3A_854 = arith.addi %add3A_852, %add3A_853 : i32
        %swap3A_855 = arith.index_cast %add3A_854 : i32 to index
        %swap3A_856 = tpu.vector_load %arg15[%swap3A_855] {strides = array<i32>} : memref<8192xf32, #tpu.memory_space<vmem>>, vector<16xf32>,
        tpu.vector_store %arg15[%swap3A_855], %sub3A_850 {strides = array<i32>} : memref<8192xf32, #tpu.memory_space<vmem>>, vector<16xf32>,
        %add3A_857 = arith.constant 512 : i32
        %add3A_858 = arith.addi %mul3A_137, %add3A_857 : i32
        %add3A_859 = arith.constant 64 : i32
        %add3A_860 = arith.addi %add3A_858, %add3A_859 : i32
        %add3A_861 = arith.constant 32 : i32
        %add3A_862 = arith.addi %add3A_860, %add3A_861 : i32
        %swap3A_863 = arith.index_cast %add3A_862 : i32 to index
        %swap3A_864 = tpu.vector_load %arg15[%swap3A_863] {strides = array<i32>} : memref<8192xf32, #tpu.memory_space<vmem>>, vector<16xf32>,
        tpu.vector_store %arg15[%swap3A_863], %get3A_766 {strides = array<i32>} : memref<8192xf32, #tpu.memory_space<vmem>>, vector<16xf32>,
        %add3A_865 = arith.constant 5 : i32
        %add3A_866 = arith.addi %mul3A_135, %add3A_865 : i32
        %broadcast_in_dim3A_867 = vector.broadcast %add3A_866 : i32 to vector<16xi32>
        %gather3A_868 = tpu.vector_load_idx %arg14[%broadcast_in_dim3A_867, %add3A_769] : memref<64x64xf32, #tpu.memory_space<vmem>>[vector<16xi32>, vector<16xi32>], vector<16xf32>,
        %sub3A_869 = arith.subf %gather3A_868, %get3A_766 : vector<16xf32>
        %add3A_870 = arith.constant 640 : i32
        %add3A_871 = arith.addi %mul3A_137, %add3A_870 : i32
        %add3A_872 = arith.constant 32 : i32
        %add3A_873 = arith.addi %add3A_871, %add3A_872 : i32
        %swap3A_874 = arith.index_cast %add3A_873 : i32 to index
        %swap3A_875 = tpu.vector_load %arg15[%swap3A_874] {strides = array<i32>} : memref<8192xf32, #tpu.memory_space<vmem>>, vector<16xf32>,
        tpu.vector_store %arg15[%swap3A_874], %sub3A_869 {strides = array<i32>} : memref<8192xf32, #tpu.memory_space<vmem>>, vector<16xf32>,
        %add3A_876 = arith.constant 640 : i32
        %add3A_877 = arith.addi %mul3A_137, %add3A_876 : i32
        %add3A_878 = arith.constant 64 : i32
        %add3A_879 = arith.addi %add3A_877, %add3A_878 : i32
        %add3A_880 = arith.constant 32 : i32
        %add3A_881 = arith.addi %add3A_879, %add3A_880 : i32
        %swap3A_882 = arith.index_cast %add3A_881 : i32 to index
        %swap3A_883 = tpu.vector_load %arg15[%swap3A_882] {strides = array<i32>} : memref<8192xf32, #tpu.memory_space<vmem>>, vector<16xf32>,
        tpu.vector_store %arg15[%swap3A_882], %get3A_766 {strides = array<i32>} : memref<8192xf32, #tpu.memory_space<vmem>>, vector<16xf32>,
        %add3A_884 = arith.constant 6 : i32
        %add3A_885 = arith.addi %mul3A_135, %add3A_884 : i32
        %broadcast_in_dim3A_886 = vector.broadcast %add3A_885 : i32 to vector<16xi32>
        %gather3A_887 = tpu.vector_load_idx %arg14[%broadcast_in_dim3A_886, %add3A_769] : memref<64x64xf32, #tpu.memory_space<vmem>>[vector<16xi32>, vector<16xi32>], vector<16xf32>,
        %sub3A_888 = arith.subf %gather3A_887, %get3A_766 : vector<16xf32>
        %add3A_889 = arith.constant 768 : i32
        %add3A_890 = arith.addi %mul3A_137, %add3A_889 : i32
        %add3A_891 = arith.constant 32 : i32
        %add3A_892 = arith.addi %add3A_890, %add3A_891 : i32
        %swap3A_893 = arith.index_cast %add3A_892 : i32 to index
        %swap3A_894 = tpu.vector_load %arg15[%swap3A_893] {strides = array<i32>} : memref<8192xf32, #tpu.memory_space<vmem>>, vector<16xf32>,
        tpu.vector_store %arg15[%swap3A_893], %sub3A_888 {strides = array<i32>} : memref<8192xf32, #tpu.memory_space<vmem>>, vector<16xf32>,
        %add3A_895 = arith.constant 768 : i32
        %add3A_896 = arith.addi %mul3A_137, %add3A_895 : i32
        %add3A_897 = arith.constant 64 : i32
        %add3A_898 = arith.addi %add3A_896, %add3A_897 : i32
        %add3A_899 = arith.constant 32 : i32
        %add3A_900 = arith.addi %add3A_898, %add3A_899 : i32
        %swap3A_901 = arith.index_cast %add3A_900 : i32 to index
        %swap3A_902 = tpu.vector_load %arg15[%swap3A_901] {strides = array<i32>} : memref<8192xf32, #tpu.memory_space<vmem>>, vector<16xf32>,
        tpu.vector_store %arg15[%swap3A_901], %get3A_766 {strides = array<i32>} : memref<8192xf32, #tpu.memory_space<vmem>>, vector<16xf32>,
        %add3A_903 = arith.constant 7 : i32
        %add3A_904 = arith.addi %mul3A_135, %add3A_903 : i32
        %broadcast_in_dim3A_905 = vector.broadcast %add3A_904 : i32 to vector<16xi32>
        %gather3A_906 = tpu.vector_load_idx %arg14[%broadcast_in_dim3A_905, %add3A_769] : memref<64x64xf32, #tpu.memory_space<vmem>>[vector<16xi32>, vector<16xi32>], vector<16xf32>,
        %sub3A_907 = arith.subf %gather3A_906, %get3A_766 : vector<16xf32>
        %add3A_908 = arith.constant 896 : i32
        %add3A_909 = arith.addi %mul3A_137, %add3A_908 : i32
        %add3A_910 = arith.constant 32 : i32
        %add3A_911 = arith.addi %add3A_909, %add3A_910 : i32
        %swap3A_912 = arith.index_cast %add3A_911 : i32 to index
        %swap3A_913 = tpu.vector_load %arg15[%swap3A_912] {strides = array<i32>} : memref<8192xf32, #tpu.memory_space<vmem>>, vector<16xf32>,
        tpu.vector_store %arg15[%swap3A_912], %sub3A_907 {strides = array<i32>} : memref<8192xf32, #tpu.memory_space<vmem>>, vector<16xf32>,
        %add3A_914 = arith.constant 896 : i32
        %add3A_915 = arith.addi %mul3A_137, %add3A_914 : i32
        %add3A_916 = arith.constant 64 : i32
        %add3A_917 = arith.addi %add3A_915, %add3A_916 : i32
        %add3A_918 = arith.constant 32 : i32
        %add3A_919 = arith.addi %add3A_917, %add3A_918 : i32
        %swap3A_920 = arith.index_cast %add3A_919 : i32 to index
        %swap3A_921 = tpu.vector_load %arg15[%swap3A_920] {strides = array<i32>} : memref<8192xf32, #tpu.memory_space<vmem>>, vector<16xf32>,
        tpu.vector_store %arg15[%swap3A_920], %get3A_766 {strides = array<i32>} : memref<8192xf32, #tpu.memory_space<vmem>>, vector<16xf32>,
        %add3A_922 = arith.constant 8 : i32
        %add3A_923 = arith.addi %mul3A_135, %add3A_922 : i32
        %broadcast_in_dim3A_924 = vector.broadcast %add3A_923 : i32 to vector<16xi32>
        %gather3A_925 = tpu.vector_load_idx %arg14[%broadcast_in_dim3A_924, %add3A_769] : memref<64x64xf32, #tpu.memory_space<vmem>>[vector<16xi32>, vector<16xi32>], vector<16xf32>,
        %sub3A_926 = arith.subf %gather3A_925, %get3A_766 : vector<16xf32>
        %add3A_927 = arith.constant 1024 : i32
        %add3A_928 = arith.addi %mul3A_137, %add3A_927 : i32
        %add3A_929 = arith.constant 32 : i32
        %add3A_930 = arith.addi %add3A_928, %add3A_929 : i32
        %swap3A_931 = arith.index_cast %add3A_930 : i32 to index
        %swap3A_932 = tpu.vector_load %arg15[%swap3A_931] {strides = array<i32>} : memref<8192xf32, #tpu.memory_space<vmem>>, vector<16xf32>,
        tpu.vector_store %arg15[%swap3A_931], %sub3A_926 {strides = array<i32>} : memref<8192xf32, #tpu.memory_space<vmem>>, vector<16xf32>,
        %add3A_933 = arith.constant 1024 : i32
        %add3A_934 = arith.addi %mul3A_137, %add3A_933 : i32
        %add3A_935 = arith.constant 64 : i32
        %add3A_936 = arith.addi %add3A_934, %add3A_935 : i32
        %add3A_937 = arith.constant 32 : i32
        %add3A_938 = arith.addi %add3A_936, %add3A_937 : i32
        %swap3A_939 = arith.index_cast %add3A_938 : i32 to index
        %swap3A_940 = tpu.vector_load %arg15[%swap3A_939] {strides = array<i32>} : memref<8192xf32, #tpu.memory_space<vmem>>, vector<16xf32>,
        tpu.vector_store %arg15[%swap3A_939], %get3A_766 {strides = array<i32>} : memref<8192xf32, #tpu.memory_space<vmem>>, vector<16xf32>,
        %add3A_941 = arith.constant 9 : i32
        %add3A_942 = arith.addi %mul3A_135, %add3A_941 : i32
        %broadcast_in_dim3A_943 = vector.broadcast %add3A_942 : i32 to vector<16xi32>
        %gather3A_944 = tpu.vector_load_idx %arg14[%broadcast_in_dim3A_943, %add3A_769] : memref<64x64xf32, #tpu.memory_space<vmem>>[vector<16xi32>, vector<16xi32>], vector<16xf32>,
        %sub3A_945 = arith.subf %gather3A_944, %get3A_766 : vector<16xf32>
        %add3A_946 = arith.constant 1152 : i32
        %add3A_947 = arith.addi %mul3A_137, %add3A_946 : i32
        %add3A_948 = arith.constant 32 : i32
        %add3A_949 = arith.addi %add3A_947, %add3A_948 : i32
        %swap3A_950 = arith.index_cast %add3A_949 : i32 to index
        %swap3A_951 = tpu.vector_load %arg15[%swap3A_950] {strides = array<i32>} : memref<8192xf32, #tpu.memory_space<vmem>>, vector<16xf32>,
        tpu.vector_store %arg15[%swap3A_950], %sub3A_945 {strides = array<i32>} : memref<8192xf32, #tpu.memory_space<vmem>>, vector<16xf32>,
        %add3A_952 = arith.constant 1152 : i32
        %add3A_953 = arith.addi %mul3A_137, %add3A_952 : i32
        %add3A_954 = arith.constant 64 : i32
        %add3A_955 = arith.addi %add3A_953, %add3A_954 : i32
        %add3A_956 = arith.constant 32 : i32
        %add3A_957 = arith.addi %add3A_955, %add3A_956 : i32
        %swap3A_958 = arith.index_cast %add3A_957 : i32 to index
        %swap3A_959 = tpu.vector_load %arg15[%swap3A_958] {strides = array<i32>} : memref<8192xf32, #tpu.memory_space<vmem>>, vector<16xf32>,
        tpu.vector_store %arg15[%swap3A_958], %get3A_766 {strides = array<i32>} : memref<8192xf32, #tpu.memory_space<vmem>>, vector<16xf32>,
        %add3A_960 = arith.constant 10 : i32
        %add3A_961 = arith.addi %mul3A_135, %add3A_960 : i32
        %broadcast_in_dim3A_962 = vector.broadcast %add3A_961 : i32 to vector<16xi32>
        %gather3A_963 = tpu.vector_load_idx %arg14[%broadcast_in_dim3A_962, %add3A_769] : memref<64x64xf32, #tpu.memory_space<vmem>>[vector<16xi32>, vector<16xi32>], vector<16xf32>,
        %sub3A_964 = arith.subf %gather3A_963, %get3A_766 : vector<16xf32>
        %add3A_965 = arith.constant 1280 : i32
        %add3A_966 = arith.addi %mul3A_137, %add3A_965 : i32
        %add3A_967 = arith.constant 32 : i32
        %add3A_968 = arith.addi %add3A_966, %add3A_967 : i32
        %swap3A_969 = arith.index_cast %add3A_968 : i32 to index
        %swap3A_970 = tpu.vector_load %arg15[%swap3A_969] {strides = array<i32>} : memref<8192xf32, #tpu.memory_space<vmem>>, vector<16xf32>,
        tpu.vector_store %arg15[%swap3A_969], %sub3A_964 {strides = array<i32>} : memref<8192xf32, #tpu.memory_space<vmem>>, vector<16xf32>,
        %add3A_971 = arith.constant 1280 : i32
        %add3A_972 = arith.addi %mul3A_137, %add3A_971 : i32
        %add3A_973 = arith.constant 64 : i32
        %add3A_974 = arith.addi %add3A_972, %add3A_973 : i32
        %add3A_975 = arith.constant 32 : i32
        %add3A_976 = arith.addi %add3A_974, %add3A_975 : i32
        %swap3A_977 = arith.index_cast %add3A_976 : i32 to index
        %swap3A_978 = tpu.vector_load %arg15[%swap3A_977] {strides = array<i32>} : memref<8192xf32, #tpu.memory_space<vmem>>, vector<16xf32>,
        tpu.vector_store %arg15[%swap3A_977], %get3A_766 {strides = array<i32>} : memref<8192xf32, #tpu.memory_space<vmem>>, vector<16xf32>,
        %add3A_979 = arith.constant 11 : i32
        %add3A_980 = arith.addi %mul3A_135, %add3A_979 : i32
        %broadcast_in_dim3A_981 = vector.broadcast %add3A_980 : i32 to vector<16xi32>
        %gather3A_982 = tpu.vector_load_idx %arg14[%broadcast_in_dim3A_981, %add3A_769] : memref<64x64xf32, #tpu.memory_space<vmem>>[vector<16xi32>, vector<16xi32>], vector<16xf32>,
        %sub3A_983 = arith.subf %gather3A_982, %get3A_766 : vector<16xf32>
        %add3A_984 = arith.constant 1408 : i32
        %add3A_985 = arith.addi %mul3A_137, %add3A_984 : i32
        %add3A_986 = arith.constant 32 : i32
        %add3A_987 = arith.addi %add3A_985, %add3A_986 : i32
        %swap3A_988 = arith.index_cast %add3A_987 : i32 to index
        %swap3A_989 = tpu.vector_load %arg15[%swap3A_988] {strides = array<i32>} : memref<8192xf32, #tpu.memory_space<vmem>>, vector<16xf32>,
        tpu.vector_store %arg15[%swap3A_988], %sub3A_983 {strides = array<i32>} : memref<8192xf32, #tpu.memory_space<vmem>>, vector<16xf32>,
        %add3A_990 = arith.constant 1408 : i32
        %add3A_991 = arith.addi %mul3A_137, %add3A_990 : i32
        %add3A_992 = arith.constant 64 : i32
        %add3A_993 = arith.addi %add3A_991, %add3A_992 : i32
        %add3A_994 = arith.constant 32 : i32
        %add3A_995 = arith.addi %add3A_993, %add3A_994 : i32
        %swap3A_996 = arith.index_cast %add3A_995 : i32 to index
        %swap3A_997 = tpu.vector_load %arg15[%swap3A_996] {strides = array<i32>} : memref<8192xf32, #tpu.memory_space<vmem>>, vector<16xf32>,
        tpu.vector_store %arg15[%swap3A_996], %get3A_766 {strides = array<i32>} : memref<8192xf32, #tpu.memory_space<vmem>>, vector<16xf32>,
        %add3A_998 = arith.constant 12 : i32
        %add3A_999 = arith.addi %mul3A_135, %add3A_998 : i32
        %broadcast_in_dim3A_1000 = vector.broadcast %add3A_999 : i32 to vector<16xi32>
        %gather3A_1001 = tpu.vector_load_idx %arg14[%broadcast_in_dim3A_1000, %add3A_769] : memref<64x64xf32, #tpu.memory_space<vmem>>[vector<16xi32>, vector<16xi32>], vector<16xf32>,
        %sub3A_1002 = arith.subf %gather3A_1001, %get3A_766 : vector<16xf32>
        %add3A_1003 = arith.constant 1536 : i32
        %add3A_1004 = arith.addi %mul3A_137, %add3A_1003 : i32
        %add3A_1005 = arith.constant 32 : i32
        %add3A_1006 = arith.addi %add3A_1004, %add3A_1005 : i32
        %swap3A_1007 = arith.index_cast %add3A_1006 : i32 to index
        %swap3A_1008 = tpu.vector_load %arg15[%swap3A_1007] {strides = array<i32>} : memref<8192xf32, #tpu.memory_space<vmem>>, vector<16xf32>,
        tpu.vector_store %arg15[%swap3A_1007], %sub3A_1002 {strides = array<i32>} : memref<8192xf32, #tpu.memory_space<vmem>>, vector<16xf32>,
        %add3A_1009 = arith.constant 1536 : i32
        %add3A_1010 = arith.addi %mul3A_137, %add3A_1009 : i32
        %add3A_1011 = arith.constant 64 : i32
        %add3A_1012 = arith.addi %add3A_1010, %add3A_1011 : i32
        %add3A_1013 = arith.constant 32 : i32
        %add3A_1014 = arith.addi %add3A_1012, %add3A_1013 : i32
        %swap3A_1015 = arith.index_cast %add3A_1014 : i32 to index
        %swap3A_1016 = tpu.vector_load %arg15[%swap3A_1015] {strides = array<i32>} : memref<8192xf32, #tpu.memory_space<vmem>>, vector<16xf32>,
        tpu.vector_store %arg15[%swap3A_1015], %get3A_766 {strides = array<i32>} : memref<8192xf32, #tpu.memory_space<vmem>>, vector<16xf32>,
        %add3A_1017 = arith.constant 13 : i32
        %add3A_1018 = arith.addi %mul3A_135, %add3A_1017 : i32
        %broadcast_in_dim3A_1019 = vector.broadcast %add3A_1018 : i32 to vector<16xi32>
        %gather3A_1020 = tpu.vector_load_idx %arg14[%broadcast_in_dim3A_1019, %add3A_769] : memref<64x64xf32, #tpu.memory_space<vmem>>[vector<16xi32>, vector<16xi32>], vector<16xf32>,
        %sub3A_1021 = arith.subf %gather3A_1020, %get3A_766 : vector<16xf32>
        %add3A_1022 = arith.constant 1664 : i32
        %add3A_1023 = arith.addi %mul3A_137, %add3A_1022 : i32
        %add3A_1024 = arith.constant 32 : i32
        %add3A_1025 = arith.addi %add3A_1023, %add3A_1024 : i32
        %swap3A_1026 = arith.index_cast %add3A_1025 : i32 to index
        %swap3A_1027 = tpu.vector_load %arg15[%swap3A_1026] {strides = array<i32>} : memref<8192xf32, #tpu.memory_space<vmem>>, vector<16xf32>,
        tpu.vector_store %arg15[%swap3A_1026], %sub3A_1021 {strides = array<i32>} : memref<8192xf32, #tpu.memory_space<vmem>>, vector<16xf32>,
        %add3A_1028 = arith.constant 1664 : i32
        %add3A_1029 = arith.addi %mul3A_137, %add3A_1028 : i32
        %add3A_1030 = arith.constant 64 : i32
        %add3A_1031 = arith.addi %add3A_1029, %add3A_1030 : i32
        %add3A_1032 = arith.constant 32 : i32
        %add3A_1033 = arith.addi %add3A_1031, %add3A_1032 : i32
        %swap3A_1034 = arith.index_cast %add3A_1033 : i32 to index
        %swap3A_1035 = tpu.vector_load %arg15[%swap3A_1034] {strides = array<i32>} : memref<8192xf32, #tpu.memory_space<vmem>>, vector<16xf32>,
        tpu.vector_store %arg15[%swap3A_1034], %get3A_766 {strides = array<i32>} : memref<8192xf32, #tpu.memory_space<vmem>>, vector<16xf32>,
        %add3A_1036 = arith.constant 14 : i32
        %add3A_1037 = arith.addi %mul3A_135, %add3A_1036 : i32
        %broadcast_in_dim3A_1038 = vector.broadcast %add3A_1037 : i32 to vector<16xi32>
        %gather3A_1039 = tpu.vector_load_idx %arg14[%broadcast_in_dim3A_1038, %add3A_769] : memref<64x64xf32, #tpu.memory_space<vmem>>[vector<16xi32>, vector<16xi32>], vector<16xf32>,
        %sub3A_1040 = arith.subf %gather3A_1039, %get3A_766 : vector<16xf32>
        %add3A_1041 = arith.constant 1792 : i32
        %add3A_1042 = arith.addi %mul3A_137, %add3A_1041 : i32
        %add3A_1043 = arith.constant 32 : i32
        %add3A_1044 = arith.addi %add3A_1042, %add3A_1043 : i32
        %swap3A_1045 = arith.index_cast %add3A_1044 : i32 to index
        %swap3A_1046 = tpu.vector_load %arg15[%swap3A_1045] {strides = array<i32>} : memref<8192xf32, #tpu.memory_space<vmem>>, vector<16xf32>,
        tpu.vector_store %arg15[%swap3A_1045], %sub3A_1040 {strides = array<i32>} : memref<8192xf32, #tpu.memory_space<vmem>>, vector<16xf32>,
        %add3A_1047 = arith.constant 1792 : i32
        %add3A_1048 = arith.addi %mul3A_137, %add3A_1047 : i32
        %add3A_1049 = arith.constant 64 : i32
        %add3A_1050 = arith.addi %add3A_1048, %add3A_1049 : i32
        %add3A_1051 = arith.constant 32 : i32
        %add3A_1052 = arith.addi %add3A_1050, %add3A_1051 : i32
        %swap3A_1053 = arith.index_cast %add3A_1052 : i32 to index
        %swap3A_1054 = tpu.vector_load %arg15[%swap3A_1053] {strides = array<i32>} : memref<8192xf32, #tpu.memory_space<vmem>>, vector<16xf32>,
        tpu.vector_store %arg15[%swap3A_1053], %get3A_766 {strides = array<i32>} : memref<8192xf32, #tpu.memory_space<vmem>>, vector<16xf32>,
        %add3A_1055 = arith.constant 15 : i32
        %add3A_1056 = arith.addi %mul3A_135, %add3A_1055 : i32
        %broadcast_in_dim3A_1057 = vector.broadcast %add3A_1056 : i32 to vector<16xi32>
        %gather3A_1058 = tpu.vector_load_idx %arg14[%broadcast_in_dim3A_1057, %add3A_769] : memref<64x64xf32, #tpu.memory_space<vmem>>[vector<16xi32>, vector<16xi32>], vector<16xf32>,
        %sub3A_1059 = arith.subf %gather3A_1058, %get3A_766 : vector<16xf32>
        %add3A_1060 = arith.constant 1920 : i32
        %add3A_1061 = arith.addi %mul3A_137, %add3A_1060 : i32
        %add3A_1062 = arith.constant 32 : i32
        %add3A_1063 = arith.addi %add3A_1061, %add3A_1062 : i32
        %swap3A_1064 = arith.index_cast %add3A_1063 : i32 to index
        %swap3A_1065 = tpu.vector_load %arg15[%swap3A_1064] {strides = array<i32>} : memref<8192xf32, #tpu.memory_space<vmem>>, vector<16xf32>,
        tpu.vector_store %arg15[%swap3A_1064], %sub3A_1059 {strides = array<i32>} : memref<8192xf32, #tpu.memory_space<vmem>>, vector<16xf32>,
        %add3A_1066 = arith.constant 1920 : i32
        %add3A_1067 = arith.addi %mul3A_137, %add3A_1066 : i32
        %add3A_1068 = arith.constant 64 : i32
        %add3A_1069 = arith.addi %add3A_1067, %add3A_1068 : i32
        %add3A_1070 = arith.constant 32 : i32
        %add3A_1071 = arith.addi %add3A_1069, %add3A_1070 : i32
        %swap3A_1072 = arith.index_cast %add3A_1071 : i32 to index
        %swap3A_1073 = tpu.vector_load %arg15[%swap3A_1072] {strides = array<i32>} : memref<8192xf32, #tpu.memory_space<vmem>>, vector<16xf32>,
        tpu.vector_store %arg15[%swap3A_1072], %get3A_766 {strides = array<i32>} : memref<8192xf32, #tpu.memory_space<vmem>>, vector<16xf32>,
        %mul3A_1074 = arith.constant 64 : i32
        %mul3A_1075 = arith.muli %mul3A_97, %mul3A_1074 : i32
        %add3A_1076 = arith.constant 48 : i32
        %add3A_1077 = arith.addi %mul3A_1075, %add3A_1076 : i32
        %get3A_1078 = arith.index_cast %add3A_1077 : i32 to index
        %get3A_1079 = tpu.vector_load %arg9[%get3A_1078] {strides = array<i32>} : memref<16384xf32, #tpu.memory_space<vmem>>, vector<16xf32>,
        %add3A_1080 = arith.constant 48 : i32
        %add3A_1081 = vector.broadcast %add3A_1080 : i32 to vector<16xi32>
        %add3A_1082 = arith.addi %add3A_1081, %iota3A : vector<16xi32>
        %add3A_1083 = arith.constant 0 : i32
        %add3A_1084 = arith.addi %mul3A_135, %add3A_1083 : i32
        %broadcast_in_dim3A_1085 = vector.broadcast %add3A_1084 : i32 to vector<16xi32>
        %gather3A_1086 = tpu.vector_load_idx %arg14[%broadcast_in_dim3A_1085, %add3A_1082] : memref<64x64xf32, #tpu.memory_space<vmem>>[vector<16xi32>, vector<16xi32>], vector<16xf32>,
        %sub3A_1087 = arith.subf %gather3A_1086, %get3A_1079 : vector<16xf32>
        %add3A_1088 = arith.constant 0 : i32
        %add3A_1089 = arith.addi %mul3A_137, %add3A_1088 : i32
        %add3A_1090 = arith.constant 48 : i32
        %add3A_1091 = arith.addi %add3A_1089, %add3A_1090 : i32
        %swap3A_1092 = arith.index_cast %add3A_1091 : i32 to index
        %swap3A_1093 = tpu.vector_load %arg15[%swap3A_1092] {strides = array<i32>} : memref<8192xf32, #tpu.memory_space<vmem>>, vector<16xf32>,
        tpu.vector_store %arg15[%swap3A_1092], %sub3A_1087 {strides = array<i32>} : memref<8192xf32, #tpu.memory_space<vmem>>, vector<16xf32>,
        %add3A_1094 = arith.constant 0 : i32
        %add3A_1095 = arith.addi %mul3A_137, %add3A_1094 : i32
        %add3A_1096 = arith.constant 64 : i32
        %add3A_1097 = arith.addi %add3A_1095, %add3A_1096 : i32
        %add3A_1098 = arith.constant 48 : i32
        %add3A_1099 = arith.addi %add3A_1097, %add3A_1098 : i32
        %swap3A_1100 = arith.index_cast %add3A_1099 : i32 to index
        %swap3A_1101 = tpu.vector_load %arg15[%swap3A_1100] {strides = array<i32>} : memref<8192xf32, #tpu.memory_space<vmem>>, vector<16xf32>,
        tpu.vector_store %arg15[%swap3A_1100], %get3A_1079 {strides = array<i32>} : memref<8192xf32, #tpu.memory_space<vmem>>, vector<16xf32>,
        %add3A_1102 = arith.constant 1 : i32
        %add3A_1103 = arith.addi %mul3A_135, %add3A_1102 : i32
        %broadcast_in_dim3A_1104 = vector.broadcast %add3A_1103 : i32 to vector<16xi32>
        %gather3A_1105 = tpu.vector_load_idx %arg14[%broadcast_in_dim3A_1104, %add3A_1082] : memref<64x64xf32, #tpu.memory_space<vmem>>[vector<16xi32>, vector<16xi32>], vector<16xf32>,
        %sub3A_1106 = arith.subf %gather3A_1105, %get3A_1079 : vector<16xf32>
        %add3A_1107 = arith.constant 128 : i32
        %add3A_1108 = arith.addi %mul3A_137, %add3A_1107 : i32
        %add3A_1109 = arith.constant 48 : i32
        %add3A_1110 = arith.addi %add3A_1108, %add3A_1109 : i32
        %swap3A_1111 = arith.index_cast %add3A_1110 : i32 to index
        %swap3A_1112 = tpu.vector_load %arg15[%swap3A_1111] {strides = array<i32>} : memref<8192xf32, #tpu.memory_space<vmem>>, vector<16xf32>,
        tpu.vector_store %arg15[%swap3A_1111], %sub3A_1106 {strides = array<i32>} : memref<8192xf32, #tpu.memory_space<vmem>>, vector<16xf32>,
        %add3A_1113 = arith.constant 128 : i32
        %add3A_1114 = arith.addi %mul3A_137, %add3A_1113 : i32
        %add3A_1115 = arith.constant 64 : i32
        %add3A_1116 = arith.addi %add3A_1114, %add3A_1115 : i32
        %add3A_1117 = arith.constant 48 : i32
        %add3A_1118 = arith.addi %add3A_1116, %add3A_1117 : i32
        %swap3A_1119 = arith.index_cast %add3A_1118 : i32 to index
        %swap3A_1120 = tpu.vector_load %arg15[%swap3A_1119] {strides = array<i32>} : memref<8192xf32, #tpu.memory_space<vmem>>, vector<16xf32>,
        tpu.vector_store %arg15[%swap3A_1119], %get3A_1079 {strides = array<i32>} : memref<8192xf32, #tpu.memory_space<vmem>>, vector<16xf32>,
        %add3A_1121 = arith.constant 2 : i32
        %add3A_1122 = arith.addi %mul3A_135, %add3A_1121 : i32
        %broadcast_in_dim3A_1123 = vector.broadcast %add3A_1122 : i32 to vector<16xi32>
        %gather3A_1124 = tpu.vector_load_idx %arg14[%broadcast_in_dim3A_1123, %add3A_1082] : memref<64x64xf32, #tpu.memory_space<vmem>>[vector<16xi32>, vector<16xi32>], vector<16xf32>,
        %sub3A_1125 = arith.subf %gather3A_1124, %get3A_1079 : vector<16xf32>
        %add3A_1126 = arith.constant 256 : i32
        %add3A_1127 = arith.addi %mul3A_137, %add3A_1126 : i32
        %add3A_1128 = arith.constant 48 : i32
        %add3A_1129 = arith.addi %add3A_1127, %add3A_1128 : i32
        %swap3A_1130 = arith.index_cast %add3A_1129 : i32 to index
        %swap3A_1131 = tpu.vector_load %arg15[%swap3A_1130] {strides = array<i32>} : memref<8192xf32, #tpu.memory_space<vmem>>, vector<16xf32>,
        tpu.vector_store %arg15[%swap3A_1130], %sub3A_1125 {strides = array<i32>} : memref<8192xf32, #tpu.memory_space<vmem>>, vector<16xf32>,
        %add3A_1132 = arith.constant 256 : i32
        %add3A_1133 = arith.addi %mul3A_137, %add3A_1132 : i32
        %add3A_1134 = arith.constant 64 : i32
        %add3A_1135 = arith.addi %add3A_1133, %add3A_1134 : i32
        %add3A_1136 = arith.constant 48 : i32
        %add3A_1137 = arith.addi %add3A_1135, %add3A_1136 : i32
        %swap3A_1138 = arith.index_cast %add3A_1137 : i32 to index
        %swap3A_1139 = tpu.vector_load %arg15[%swap3A_1138] {strides = array<i32>} : memref<8192xf32, #tpu.memory_space<vmem>>, vector<16xf32>,
        tpu.vector_store %arg15[%swap3A_1138], %get3A_1079 {strides = array<i32>} : memref<8192xf32, #tpu.memory_space<vmem>>, vector<16xf32>,
        %add3A_1140 = arith.constant 3 : i32
        %add3A_1141 = arith.addi %mul3A_135, %add3A_1140 : i32
        %broadcast_in_dim3A_1142 = vector.broadcast %add3A_1141 : i32 to vector<16xi32>
        %gather3A_1143 = tpu.vector_load_idx %arg14[%broadcast_in_dim3A_1142, %add3A_1082] : memref<64x64xf32, #tpu.memory_space<vmem>>[vector<16xi32>, vector<16xi32>], vector<16xf32>,
        %sub3A_1144 = arith.subf %gather3A_1143, %get3A_1079 : vector<16xf32>
        %add3A_1145 = arith.constant 384 : i32
        %add3A_1146 = arith.addi %mul3A_137, %add3A_1145 : i32
        %add3A_1147 = arith.constant 48 : i32
        %add3A_1148 = arith.addi %add3A_1146, %add3A_1147 : i32
        %swap3A_1149 = arith.index_cast %add3A_1148 : i32 to index
        %swap3A_1150 = tpu.vector_load %arg15[%swap3A_1149] {strides = array<i32>} : memref<8192xf32, #tpu.memory_space<vmem>>, vector<16xf32>,
        tpu.vector_store %arg15[%swap3A_1149], %sub3A_1144 {strides = array<i32>} : memref<8192xf32, #tpu.memory_space<vmem>>, vector<16xf32>,
        %add3A_1151 = arith.constant 384 : i32
        %add3A_1152 = arith.addi %mul3A_137, %add3A_1151 : i32
        %add3A_1153 = arith.constant 64 : i32
        %add3A_1154 = arith.addi %add3A_1152, %add3A_1153 : i32
        %add3A_1155 = arith.constant 48 : i32
        %add3A_1156 = arith.addi %add3A_1154, %add3A_1155 : i32
        %swap3A_1157 = arith.index_cast %add3A_1156 : i32 to index
        %swap3A_1158 = tpu.vector_load %arg15[%swap3A_1157] {strides = array<i32>} : memref<8192xf32, #tpu.memory_space<vmem>>, vector<16xf32>,
        tpu.vector_store %arg15[%swap3A_1157], %get3A_1079 {strides = array<i32>} : memref<8192xf32, #tpu.memory_space<vmem>>, vector<16xf32>,
        %add3A_1159 = arith.constant 4 : i32
        %add3A_1160 = arith.addi %mul3A_135, %add3A_1159 : i32
        %broadcast_in_dim3A_1161 = vector.broadcast %add3A_1160 : i32 to vector<16xi32>
        %gather3A_1162 = tpu.vector_load_idx %arg14[%broadcast_in_dim3A_1161, %add3A_1082] : memref<64x64xf32, #tpu.memory_space<vmem>>[vector<16xi32>, vector<16xi32>], vector<16xf32>,
        %sub3A_1163 = arith.subf %gather3A_1162, %get3A_1079 : vector<16xf32>
        %add3A_1164 = arith.constant 512 : i32
        %add3A_1165 = arith.addi %mul3A_137, %add3A_1164 : i32
        %add3A_1166 = arith.constant 48 : i32
        %add3A_1167 = arith.addi %add3A_1165, %add3A_1166 : i32
        %swap3A_1168 = arith.index_cast %add3A_1167 : i32 to index
        %swap3A_1169 = tpu.vector_load %arg15[%swap3A_1168] {strides = array<i32>} : memref<8192xf32, #tpu.memory_space<vmem>>, vector<16xf32>,
        tpu.vector_store %arg15[%swap3A_1168], %sub3A_1163 {strides = array<i32>} : memref<8192xf32, #tpu.memory_space<vmem>>, vector<16xf32>,
        %add3A_1170 = arith.constant 512 : i32
        %add3A_1171 = arith.addi %mul3A_137, %add3A_1170 : i32
        %add3A_1172 = arith.constant 64 : i32
        %add3A_1173 = arith.addi %add3A_1171, %add3A_1172 : i32
        %add3A_1174 = arith.constant 48 : i32
        %add3A_1175 = arith.addi %add3A_1173, %add3A_1174 : i32
        %swap3A_1176 = arith.index_cast %add3A_1175 : i32 to index
        %swap3A_1177 = tpu.vector_load %arg15[%swap3A_1176] {strides = array<i32>} : memref<8192xf32, #tpu.memory_space<vmem>>, vector<16xf32>,
        tpu.vector_store %arg15[%swap3A_1176], %get3A_1079 {strides = array<i32>} : memref<8192xf32, #tpu.memory_space<vmem>>, vector<16xf32>,
        %add3A_1178 = arith.constant 5 : i32
        %add3A_1179 = arith.addi %mul3A_135, %add3A_1178 : i32
        %broadcast_in_dim3A_1180 = vector.broadcast %add3A_1179 : i32 to vector<16xi32>
        %gather3A_1181 = tpu.vector_load_idx %arg14[%broadcast_in_dim3A_1180, %add3A_1082] : memref<64x64xf32, #tpu.memory_space<vmem>>[vector<16xi32>, vector<16xi32>], vector<16xf32>,
        %sub3A_1182 = arith.subf %gather3A_1181, %get3A_1079 : vector<16xf32>
        %add3A_1183 = arith.constant 640 : i32
        %add3A_1184 = arith.addi %mul3A_137, %add3A_1183 : i32
        %add3A_1185 = arith.constant 48 : i32
        %add3A_1186 = arith.addi %add3A_1184, %add3A_1185 : i32
        %swap3A_1187 = arith.index_cast %add3A_1186 : i32 to index
        %swap3A_1188 = tpu.vector_load %arg15[%swap3A_1187] {strides = array<i32>} : memref<8192xf32, #tpu.memory_space<vmem>>, vector<16xf32>,
        tpu.vector_store %arg15[%swap3A_1187], %sub3A_1182 {strides = array<i32>} : memref<8192xf32, #tpu.memory_space<vmem>>, vector<16xf32>,
        %add3A_1189 = arith.constant 640 : i32
        %add3A_1190 = arith.addi %mul3A_137, %add3A_1189 : i32
        %add3A_1191 = arith.constant 64 : i32
        %add3A_1192 = arith.addi %add3A_1190, %add3A_1191 : i32
        %add3A_1193 = arith.constant 48 : i32
        %add3A_1194 = arith.addi %add3A_1192, %add3A_1193 : i32
        %swap3A_1195 = arith.index_cast %add3A_1194 : i32 to index
        %swap3A_1196 = tpu.vector_load %arg15[%swap3A_1195] {strides = array<i32>} : memref<8192xf32, #tpu.memory_space<vmem>>, vector<16xf32>,
        tpu.vector_store %arg15[%swap3A_1195], %get3A_1079 {strides = array<i32>} : memref<8192xf32, #tpu.memory_space<vmem>>, vector<16xf32>,
        %add3A_1197 = arith.constant 6 : i32
        %add3A_1198 = arith.addi %mul3A_135, %add3A_1197 : i32
        %broadcast_in_dim3A_1199 = vector.broadcast %add3A_1198 : i32 to vector<16xi32>
        %gather3A_1200 = tpu.vector_load_idx %arg14[%broadcast_in_dim3A_1199, %add3A_1082] : memref<64x64xf32, #tpu.memory_space<vmem>>[vector<16xi32>, vector<16xi32>], vector<16xf32>,
        %sub3A_1201 = arith.subf %gather3A_1200, %get3A_1079 : vector<16xf32>
        %add3A_1202 = arith.constant 768 : i32
        %add3A_1203 = arith.addi %mul3A_137, %add3A_1202 : i32
        %add3A_1204 = arith.constant 48 : i32
        %add3A_1205 = arith.addi %add3A_1203, %add3A_1204 : i32
        %swap3A_1206 = arith.index_cast %add3A_1205 : i32 to index
        %swap3A_1207 = tpu.vector_load %arg15[%swap3A_1206] {strides = array<i32>} : memref<8192xf32, #tpu.memory_space<vmem>>, vector<16xf32>,
        tpu.vector_store %arg15[%swap3A_1206], %sub3A_1201 {strides = array<i32>} : memref<8192xf32, #tpu.memory_space<vmem>>, vector<16xf32>,
        %add3A_1208 = arith.constant 768 : i32
        %add3A_1209 = arith.addi %mul3A_137, %add3A_1208 : i32
        %add3A_1210 = arith.constant 64 : i32
        %add3A_1211 = arith.addi %add3A_1209, %add3A_1210 : i32
        %add3A_1212 = arith.constant 48 : i32
        %add3A_1213 = arith.addi %add3A_1211, %add3A_1212 : i32
        %swap3A_1214 = arith.index_cast %add3A_1213 : i32 to index
        %swap3A_1215 = tpu.vector_load %arg15[%swap3A_1214] {strides = array<i32>} : memref<8192xf32, #tpu.memory_space<vmem>>, vector<16xf32>,
        tpu.vector_store %arg15[%swap3A_1214], %get3A_1079 {strides = array<i32>} : memref<8192xf32, #tpu.memory_space<vmem>>, vector<16xf32>,
        %add3A_1216 = arith.constant 7 : i32
        %add3A_1217 = arith.addi %mul3A_135, %add3A_1216 : i32
        %broadcast_in_dim3A_1218 = vector.broadcast %add3A_1217 : i32 to vector<16xi32>
        %gather3A_1219 = tpu.vector_load_idx %arg14[%broadcast_in_dim3A_1218, %add3A_1082] : memref<64x64xf32, #tpu.memory_space<vmem>>[vector<16xi32>, vector<16xi32>], vector<16xf32>,
        %sub3A_1220 = arith.subf %gather3A_1219, %get3A_1079 : vector<16xf32>
        %add3A_1221 = arith.constant 896 : i32
        %add3A_1222 = arith.addi %mul3A_137, %add3A_1221 : i32
        %add3A_1223 = arith.constant 48 : i32
        %add3A_1224 = arith.addi %add3A_1222, %add3A_1223 : i32
        %swap3A_1225 = arith.index_cast %add3A_1224 : i32 to index
        %swap3A_1226 = tpu.vector_load %arg15[%swap3A_1225] {strides = array<i32>} : memref<8192xf32, #tpu.memory_space<vmem>>, vector<16xf32>,
        tpu.vector_store %arg15[%swap3A_1225], %sub3A_1220 {strides = array<i32>} : memref<8192xf32, #tpu.memory_space<vmem>>, vector<16xf32>,
        %add3A_1227 = arith.constant 896 : i32
        %add3A_1228 = arith.addi %mul3A_137, %add3A_1227 : i32
        %add3A_1229 = arith.constant 64 : i32
        %add3A_1230 = arith.addi %add3A_1228, %add3A_1229 : i32
        %add3A_1231 = arith.constant 48 : i32
        %add3A_1232 = arith.addi %add3A_1230, %add3A_1231 : i32
        %swap3A_1233 = arith.index_cast %add3A_1232 : i32 to index
        %swap3A_1234 = tpu.vector_load %arg15[%swap3A_1233] {strides = array<i32>} : memref<8192xf32, #tpu.memory_space<vmem>>, vector<16xf32>,
        tpu.vector_store %arg15[%swap3A_1233], %get3A_1079 {strides = array<i32>} : memref<8192xf32, #tpu.memory_space<vmem>>, vector<16xf32>,
        %add3A_1235 = arith.constant 8 : i32
        %add3A_1236 = arith.addi %mul3A_135, %add3A_1235 : i32
        %broadcast_in_dim3A_1237 = vector.broadcast %add3A_1236 : i32 to vector<16xi32>
        %gather3A_1238 = tpu.vector_load_idx %arg14[%broadcast_in_dim3A_1237, %add3A_1082] : memref<64x64xf32, #tpu.memory_space<vmem>>[vector<16xi32>, vector<16xi32>], vector<16xf32>,
        %sub3A_1239 = arith.subf %gather3A_1238, %get3A_1079 : vector<16xf32>
        %add3A_1240 = arith.constant 1024 : i32
        %add3A_1241 = arith.addi %mul3A_137, %add3A_1240 : i32
        %add3A_1242 = arith.constant 48 : i32
        %add3A_1243 = arith.addi %add3A_1241, %add3A_1242 : i32
        %swap3A_1244 = arith.index_cast %add3A_1243 : i32 to index
        %swap3A_1245 = tpu.vector_load %arg15[%swap3A_1244] {strides = array<i32>} : memref<8192xf32, #tpu.memory_space<vmem>>, vector<16xf32>,
        tpu.vector_store %arg15[%swap3A_1244], %sub3A_1239 {strides = array<i32>} : memref<8192xf32, #tpu.memory_space<vmem>>, vector<16xf32>,
        %add3A_1246 = arith.constant 1024 : i32
        %add3A_1247 = arith.addi %mul3A_137, %add3A_1246 : i32
        %add3A_1248 = arith.constant 64 : i32
        %add3A_1249 = arith.addi %add3A_1247, %add3A_1248 : i32
        %add3A_1250 = arith.constant 48 : i32
        %add3A_1251 = arith.addi %add3A_1249, %add3A_1250 : i32
        %swap3A_1252 = arith.index_cast %add3A_1251 : i32 to index
        %swap3A_1253 = tpu.vector_load %arg15[%swap3A_1252] {strides = array<i32>} : memref<8192xf32, #tpu.memory_space<vmem>>, vector<16xf32>,
        tpu.vector_store %arg15[%swap3A_1252], %get3A_1079 {strides = array<i32>} : memref<8192xf32, #tpu.memory_space<vmem>>, vector<16xf32>,
        %add3A_1254 = arith.constant 9 : i32
        %add3A_1255 = arith.addi %mul3A_135, %add3A_1254 : i32
        %broadcast_in_dim3A_1256 = vector.broadcast %add3A_1255 : i32 to vector<16xi32>
        %gather3A_1257 = tpu.vector_load_idx %arg14[%broadcast_in_dim3A_1256, %add3A_1082] : memref<64x64xf32, #tpu.memory_space<vmem>>[vector<16xi32>, vector<16xi32>], vector<16xf32>,
        %sub3A_1258 = arith.subf %gather3A_1257, %get3A_1079 : vector<16xf32>
        %add3A_1259 = arith.constant 1152 : i32
        %add3A_1260 = arith.addi %mul3A_137, %add3A_1259 : i32
        %add3A_1261 = arith.constant 48 : i32
        %add3A_1262 = arith.addi %add3A_1260, %add3A_1261 : i32
        %swap3A_1263 = arith.index_cast %add3A_1262 : i32 to index
        %swap3A_1264 = tpu.vector_load %arg15[%swap3A_1263] {strides = array<i32>} : memref<8192xf32, #tpu.memory_space<vmem>>, vector<16xf32>,
        tpu.vector_store %arg15[%swap3A_1263], %sub3A_1258 {strides = array<i32>} : memref<8192xf32, #tpu.memory_space<vmem>>, vector<16xf32>,
        %add3A_1265 = arith.constant 1152 : i32
        %add3A_1266 = arith.addi %mul3A_137, %add3A_1265 : i32
        %add3A_1267 = arith.constant 64 : i32
        %add3A_1268 = arith.addi %add3A_1266, %add3A_1267 : i32
        %add3A_1269 = arith.constant 48 : i32
        %add3A_1270 = arith.addi %add3A_1268, %add3A_1269 : i32
        %swap3A_1271 = arith.index_cast %add3A_1270 : i32 to index
        %swap3A_1272 = tpu.vector_load %arg15[%swap3A_1271] {strides = array<i32>} : memref<8192xf32, #tpu.memory_space<vmem>>, vector<16xf32>,
        tpu.vector_store %arg15[%swap3A_1271], %get3A_1079 {strides = array<i32>} : memref<8192xf32, #tpu.memory_space<vmem>>, vector<16xf32>,
        %add3A_1273 = arith.constant 10 : i32
        %add3A_1274 = arith.addi %mul3A_135, %add3A_1273 : i32
        %broadcast_in_dim3A_1275 = vector.broadcast %add3A_1274 : i32 to vector<16xi32>
        %gather3A_1276 = tpu.vector_load_idx %arg14[%broadcast_in_dim3A_1275, %add3A_1082] : memref<64x64xf32, #tpu.memory_space<vmem>>[vector<16xi32>, vector<16xi32>], vector<16xf32>,
        %sub3A_1277 = arith.subf %gather3A_1276, %get3A_1079 : vector<16xf32>
        %add3A_1278 = arith.constant 1280 : i32
        %add3A_1279 = arith.addi %mul3A_137, %add3A_1278 : i32
        %add3A_1280 = arith.constant 48 : i32
        %add3A_1281 = arith.addi %add3A_1279, %add3A_1280 : i32
        %swap3A_1282 = arith.index_cast %add3A_1281 : i32 to index
        %swap3A_1283 = tpu.vector_load %arg15[%swap3A_1282] {strides = array<i32>} : memref<8192xf32, #tpu.memory_space<vmem>>, vector<16xf32>,
        tpu.vector_store %arg15[%swap3A_1282], %sub3A_1277 {strides = array<i32>} : memref<8192xf32, #tpu.memory_space<vmem>>, vector<16xf32>,
        %add3A_1284 = arith.constant 1280 : i32
        %add3A_1285 = arith.addi %mul3A_137, %add3A_1284 : i32
        %add3A_1286 = arith.constant 64 : i32
        %add3A_1287 = arith.addi %add3A_1285, %add3A_1286 : i32
        %add3A_1288 = arith.constant 48 : i32
        %add3A_1289 = arith.addi %add3A_1287, %add3A_1288 : i32
        %swap3A_1290 = arith.index_cast %add3A_1289 : i32 to index
        %swap3A_1291 = tpu.vector_load %arg15[%swap3A_1290] {strides = array<i32>} : memref<8192xf32, #tpu.memory_space<vmem>>, vector<16xf32>,
        tpu.vector_store %arg15[%swap3A_1290], %get3A_1079 {strides = array<i32>} : memref<8192xf32, #tpu.memory_space<vmem>>, vector<16xf32>,
        %add3A_1292 = arith.constant 11 : i32
        %add3A_1293 = arith.addi %mul3A_135, %add3A_1292 : i32
        %broadcast_in_dim3A_1294 = vector.broadcast %add3A_1293 : i32 to vector<16xi32>
        %gather3A_1295 = tpu.vector_load_idx %arg14[%broadcast_in_dim3A_1294, %add3A_1082] : memref<64x64xf32, #tpu.memory_space<vmem>>[vector<16xi32>, vector<16xi32>], vector<16xf32>,
        %sub3A_1296 = arith.subf %gather3A_1295, %get3A_1079 : vector<16xf32>
        %add3A_1297 = arith.constant 1408 : i32
        %add3A_1298 = arith.addi %mul3A_137, %add3A_1297 : i32
        %add3A_1299 = arith.constant 48 : i32
        %add3A_1300 = arith.addi %add3A_1298, %add3A_1299 : i32
        %swap3A_1301 = arith.index_cast %add3A_1300 : i32 to index
        %swap3A_1302 = tpu.vector_load %arg15[%swap3A_1301] {strides = array<i32>} : memref<8192xf32, #tpu.memory_space<vmem>>, vector<16xf32>,
        tpu.vector_store %arg15[%swap3A_1301], %sub3A_1296 {strides = array<i32>} : memref<8192xf32, #tpu.memory_space<vmem>>, vector<16xf32>,
        %add3A_1303 = arith.constant 1408 : i32
        %add3A_1304 = arith.addi %mul3A_137, %add3A_1303 : i32
        %add3A_1305 = arith.constant 64 : i32
        %add3A_1306 = arith.addi %add3A_1304, %add3A_1305 : i32
        %add3A_1307 = arith.constant 48 : i32
        %add3A_1308 = arith.addi %add3A_1306, %add3A_1307 : i32
        %swap3A_1309 = arith.index_cast %add3A_1308 : i32 to index
        %swap3A_1310 = tpu.vector_load %arg15[%swap3A_1309] {strides = array<i32>} : memref<8192xf32, #tpu.memory_space<vmem>>, vector<16xf32>,
        tpu.vector_store %arg15[%swap3A_1309], %get3A_1079 {strides = array<i32>} : memref<8192xf32, #tpu.memory_space<vmem>>, vector<16xf32>,
        %add3A_1311 = arith.constant 12 : i32
        %add3A_1312 = arith.addi %mul3A_135, %add3A_1311 : i32
        %broadcast_in_dim3A_1313 = vector.broadcast %add3A_1312 : i32 to vector<16xi32>
        %gather3A_1314 = tpu.vector_load_idx %arg14[%broadcast_in_dim3A_1313, %add3A_1082] : memref<64x64xf32, #tpu.memory_space<vmem>>[vector<16xi32>, vector<16xi32>], vector<16xf32>,
        %sub3A_1315 = arith.subf %gather3A_1314, %get3A_1079 : vector<16xf32>
        %add3A_1316 = arith.constant 1536 : i32
        %add3A_1317 = arith.addi %mul3A_137, %add3A_1316 : i32
        %add3A_1318 = arith.constant 48 : i32
        %add3A_1319 = arith.addi %add3A_1317, %add3A_1318 : i32
        %swap3A_1320 = arith.index_cast %add3A_1319 : i32 to index
        %swap3A_1321 = tpu.vector_load %arg15[%swap3A_1320] {strides = array<i32>} : memref<8192xf32, #tpu.memory_space<vmem>>, vector<16xf32>,
        tpu.vector_store %arg15[%swap3A_1320], %sub3A_1315 {strides = array<i32>} : memref<8192xf32, #tpu.memory_space<vmem>>, vector<16xf32>,
        %add3A_1322 = arith.constant 1536 : i32
        %add3A_1323 = arith.addi %mul3A_137, %add3A_1322 : i32
        %add3A_1324 = arith.constant 64 : i32
        %add3A_1325 = arith.addi %add3A_1323, %add3A_1324 : i32
        %add3A_1326 = arith.constant 48 : i32
        %add3A_1327 = arith.addi %add3A_1325, %add3A_1326 : i32
        %swap3A_1328 = arith.index_cast %add3A_1327 : i32 to index
        %swap3A_1329 = tpu.vector_load %arg15[%swap3A_1328] {strides = array<i32>} : memref<8192xf32, #tpu.memory_space<vmem>>, vector<16xf32>,
        tpu.vector_store %arg15[%swap3A_1328], %get3A_1079 {strides = array<i32>} : memref<8192xf32, #tpu.memory_space<vmem>>, vector<16xf32>,
        %add3A_1330 = arith.constant 13 : i32
        %add3A_1331 = arith.addi %mul3A_135, %add3A_1330 : i32
        %broadcast_in_dim3A_1332 = vector.broadcast %add3A_1331 : i32 to vector<16xi32>
        %gather3A_1333 = tpu.vector_load_idx %arg14[%broadcast_in_dim3A_1332, %add3A_1082] : memref<64x64xf32, #tpu.memory_space<vmem>>[vector<16xi32>, vector<16xi32>], vector<16xf32>,
        %sub3A_1334 = arith.subf %gather3A_1333, %get3A_1079 : vector<16xf32>
        %add3A_1335 = arith.constant 1664 : i32
        %add3A_1336 = arith.addi %mul3A_137, %add3A_1335 : i32
        %add3A_1337 = arith.constant 48 : i32
        %add3A_1338 = arith.addi %add3A_1336, %add3A_1337 : i32
        %swap3A_1339 = arith.index_cast %add3A_1338 : i32 to index
        %swap3A_1340 = tpu.vector_load %arg15[%swap3A_1339] {strides = array<i32>} : memref<8192xf32, #tpu.memory_space<vmem>>, vector<16xf32>,
        tpu.vector_store %arg15[%swap3A_1339], %sub3A_1334 {strides = array<i32>} : memref<8192xf32, #tpu.memory_space<vmem>>, vector<16xf32>,
        %add3A_1341 = arith.constant 1664 : i32
        %add3A_1342 = arith.addi %mul3A_137, %add3A_1341 : i32
        %add3A_1343 = arith.constant 64 : i32
        %add3A_1344 = arith.addi %add3A_1342, %add3A_1343 : i32
        %add3A_1345 = arith.constant 48 : i32
        %add3A_1346 = arith.addi %add3A_1344, %add3A_1345 : i32
        %swap3A_1347 = arith.index_cast %add3A_1346 : i32 to index
        %swap3A_1348 = tpu.vector_load %arg15[%swap3A_1347] {strides = array<i32>} : memref<8192xf32, #tpu.memory_space<vmem>>, vector<16xf32>,
        tpu.vector_store %arg15[%swap3A_1347], %get3A_1079 {strides = array<i32>} : memref<8192xf32, #tpu.memory_space<vmem>>, vector<16xf32>,
        %add3A_1349 = arith.constant 14 : i32
        %add3A_1350 = arith.addi %mul3A_135, %add3A_1349 : i32
        %broadcast_in_dim3A_1351 = vector.broadcast %add3A_1350 : i32 to vector<16xi32>
        %gather3A_1352 = tpu.vector_load_idx %arg14[%broadcast_in_dim3A_1351, %add3A_1082] : memref<64x64xf32, #tpu.memory_space<vmem>>[vector<16xi32>, vector<16xi32>], vector<16xf32>,
        %sub3A_1353 = arith.subf %gather3A_1352, %get3A_1079 : vector<16xf32>
        %add3A_1354 = arith.constant 1792 : i32
        %add3A_1355 = arith.addi %mul3A_137, %add3A_1354 : i32
        %add3A_1356 = arith.constant 48 : i32
        %add3A_1357 = arith.addi %add3A_1355, %add3A_1356 : i32
        %swap3A_1358 = arith.index_cast %add3A_1357 : i32 to index
        %swap3A_1359 = tpu.vector_load %arg15[%swap3A_1358] {strides = array<i32>} : memref<8192xf32, #tpu.memory_space<vmem>>, vector<16xf32>,
        tpu.vector_store %arg15[%swap3A_1358], %sub3A_1353 {strides = array<i32>} : memref<8192xf32, #tpu.memory_space<vmem>>, vector<16xf32>,
        %add3A_1360 = arith.constant 1792 : i32
        %add3A_1361 = arith.addi %mul3A_137, %add3A_1360 : i32
        %add3A_1362 = arith.constant 64 : i32
        %add3A_1363 = arith.addi %add3A_1361, %add3A_1362 : i32
        %add3A_1364 = arith.constant 48 : i32
        %add3A_1365 = arith.addi %add3A_1363, %add3A_1364 : i32
        %swap3A_1366 = arith.index_cast %add3A_1365 : i32 to index
        %swap3A_1367 = tpu.vector_load %arg15[%swap3A_1366] {strides = array<i32>} : memref<8192xf32, #tpu.memory_space<vmem>>, vector<16xf32>,
        tpu.vector_store %arg15[%swap3A_1366], %get3A_1079 {strides = array<i32>} : memref<8192xf32, #tpu.memory_space<vmem>>, vector<16xf32>,
        %add3A_1368 = arith.constant 15 : i32
        %add3A_1369 = arith.addi %mul3A_135, %add3A_1368 : i32
        %broadcast_in_dim3A_1370 = vector.broadcast %add3A_1369 : i32 to vector<16xi32>
        %gather3A_1371 = tpu.vector_load_idx %arg14[%broadcast_in_dim3A_1370, %add3A_1082] : memref<64x64xf32, #tpu.memory_space<vmem>>[vector<16xi32>, vector<16xi32>], vector<16xf32>,
        %sub3A_1372 = arith.subf %gather3A_1371, %get3A_1079 : vector<16xf32>
        %add3A_1373 = arith.constant 1920 : i32
        %add3A_1374 = arith.addi %mul3A_137, %add3A_1373 : i32
        %add3A_1375 = arith.constant 48 : i32
        %add3A_1376 = arith.addi %add3A_1374, %add3A_1375 : i32
        %swap3A_1377 = arith.index_cast %add3A_1376 : i32 to index
        %swap3A_1378 = tpu.vector_load %arg15[%swap3A_1377] {strides = array<i32>} : memref<8192xf32, #tpu.memory_space<vmem>>, vector<16xf32>,
        tpu.vector_store %arg15[%swap3A_1377], %sub3A_1372 {strides = array<i32>} : memref<8192xf32, #tpu.memory_space<vmem>>, vector<16xf32>,
        %add3A_1379 = arith.constant 1920 : i32
        %add3A_1380 = arith.addi %mul3A_137, %add3A_1379 : i32
        %add3A_1381 = arith.constant 64 : i32
        %add3A_1382 = arith.addi %add3A_1380, %add3A_1381 : i32
        %add3A_1383 = arith.constant 48 : i32
        %add3A_1384 = arith.addi %add3A_1382, %add3A_1383 : i32
        %swap3A_1385 = arith.index_cast %add3A_1384 : i32 to index
        %swap3A_1386 = tpu.vector_load %arg15[%swap3A_1385] {strides = array<i32>} : memref<8192xf32, #tpu.memory_space<vmem>>, vector<16xf32>,
        tpu.vector_store %arg15[%swap3A_1385], %get3A_1079 {strides = array<i32>} : memref<8192xf32, #tpu.memory_space<vmem>>, vector<16xf32>,
        %add3A_1387 = arith.addi %mul3A_32, %mul3A_97 : i32
        %mul3A_1388 = arith.constant 2048 : i32
        %mul3A_1389 = arith.muli %add3A_1387, %mul3A_1388 : i32
        %dma_start3A = tpu.memref_slice %arg15[%mul3A_137] : memref<8192xf32, #tpu.memory_space<vmem>> -> memref<2048xf32, #tpu.memory_space<vmem>>
        %dma_start3A_1390 = tpu.memref_slice %arg6[%select_n3A, %mul3A_1389] : memref<4x4194304xf32, #tpu.memory_space<hbm>> -> memref<1x2048xf32, #tpu.memory_space<hbm>>
        %dma_start3A_1391 = tpu.memref_squeeze %dma_start3A_1390 : memref<1x2048xf32, #tpu.memory_space<hbm>> -> memref<2048xf32, #tpu.memory_space<hbm>>
        %dma_start3A_1392 = tpu.memref_slice %arg6[%select_n3A, %mul3A_1389] : memref<4x4194304xf32, #tpu.memory_space<hbm>> -> memref<1x2048xf32, #tpu.memory_space<hbm>>
        %dma_start3A_1393 = tpu.memref_squeeze %dma_start3A_1392 : memref<1x2048xf32, #tpu.memory_space<hbm>> -> memref<2048xf32, #tpu.memory_space<hbm>>
        %dma_start3A_1394 = tpu.memref_slice %arg15[%mul3A_137] : memref<8192xf32, #tpu.memory_space<vmem>> -> memref<2048xf32, #tpu.memory_space<vmem>>
        tpu.enqueue_dma source(%dma_start3A_1394 : memref<2048xf32, #tpu.memory_space<vmem>>) target(%dma_start3A_1393 : memref<2048xf32, #tpu.memory_space<hbm>>) target_semaphore(%arg17 : memref<!tpu.dma_semaphore, #tpu.memory_space<semaphore_mem>>)
        %add3A_1395 = arith.constant 1 : i32
        %add3A_1396 = arith.addi %mul3A_97, %add3A_1395 : i32
        %and3A_1397 = arith.constant 3 : i32
        %and3A_1398 = arith.andi %add3A_1396, %and3A_1397 : i32
        %mul3A_1399 = arith.constant 16 : i32
        %mul3A_1400 = arith.muli %and3A_1398, %mul3A_1399 : i32
        %mul3A_1401 = arith.constant 2048 : i32
        %mul3A_1402 = arith.muli %and3A_1398, %mul3A_1401 : i32
        %mul3A_1403 = arith.constant 64 : i32
        %mul3A_1404 = arith.muli %add3A_1396, %mul3A_1403 : i32
        %add3A_1405 = arith.constant 0 : i32
        %add3A_1406 = arith.addi %mul3A_1404, %add3A_1405 : i32
        %get3A_1407 = arith.index_cast %add3A_1406 : i32 to index
        %get3A_1408 = tpu.vector_load %arg9[%get3A_1407] {strides = array<i32>} : memref<16384xf32, #tpu.memory_space<vmem>>, vector<16xf32>,
        %add3A_1409 = arith.constant 0 : i32
        %add3A_1410 = vector.broadcast %add3A_1409 : i32 to vector<16xi32>
        %add3A_1411 = arith.addi %add3A_1410, %iota3A : vector<16xi32>
        %add3A_1412 = arith.constant 0 : i32
        %add3A_1413 = arith.addi %mul3A_1400, %add3A_1412 : i32
        %broadcast_in_dim3A_1414 = vector.broadcast %add3A_1413 : i32 to vector<16xi32>
        %gather3A_1415 = tpu.vector_load_idx %arg14[%broadcast_in_dim3A_1414, %add3A_1411] : memref<64x64xf32, #tpu.memory_space<vmem>>[vector<16xi32>, vector<16xi32>], vector<16xf32>,
        %sub3A_1416 = arith.subf %gather3A_1415, %get3A_1408 : vector<16xf32>
        %add3A_1417 = arith.constant 0 : i32
        %add3A_1418 = arith.addi %mul3A_1402, %add3A_1417 : i32
        %add3A_1419 = arith.constant 0 : i32
        %add3A_1420 = arith.addi %add3A_1418, %add3A_1419 : i32
        %swap3A_1421 = arith.index_cast %add3A_1420 : i32 to index
        %swap3A_1422 = tpu.vector_load %arg15[%swap3A_1421] {strides = array<i32>} : memref<8192xf32, #tpu.memory_space<vmem>>, vector<16xf32>,
        tpu.vector_store %arg15[%swap3A_1421], %sub3A_1416 {strides = array<i32>} : memref<8192xf32, #tpu.memory_space<vmem>>, vector<16xf32>,
        %add3A_1423 = arith.constant 0 : i32
        %add3A_1424 = arith.addi %mul3A_1402, %add3A_1423 : i32
        %add3A_1425 = arith.constant 64 : i32
        %add3A_1426 = arith.addi %add3A_1424, %add3A_1425 : i32
        %add3A_1427 = arith.constant 0 : i32
        %add3A_1428 = arith.addi %add3A_1426, %add3A_1427 : i32
        %swap3A_1429 = arith.index_cast %add3A_1428 : i32 to index
        %swap3A_1430 = tpu.vector_load %arg15[%swap3A_1429] {strides = array<i32>} : memref<8192xf32, #tpu.memory_space<vmem>>, vector<16xf32>,
        tpu.vector_store %arg15[%swap3A_1429], %get3A_1408 {strides = array<i32>} : memref<8192xf32, #tpu.memory_space<vmem>>, vector<16xf32>,
        %add3A_1431 = arith.constant 1 : i32
        %add3A_1432 = arith.addi %mul3A_1400, %add3A_1431 : i32
        %broadcast_in_dim3A_1433 = vector.broadcast %add3A_1432 : i32 to vector<16xi32>
        %gather3A_1434 = tpu.vector_load_idx %arg14[%broadcast_in_dim3A_1433, %add3A_1411] : memref<64x64xf32, #tpu.memory_space<vmem>>[vector<16xi32>, vector<16xi32>], vector<16xf32>,
        %sub3A_1435 = arith.subf %gather3A_1434, %get3A_1408 : vector<16xf32>
        %add3A_1436 = arith.constant 128 : i32
        %add3A_1437 = arith.addi %mul3A_1402, %add3A_1436 : i32
        %add3A_1438 = arith.constant 0 : i32
        %add3A_1439 = arith.addi %add3A_1437, %add3A_1438 : i32
        %swap3A_1440 = arith.index_cast %add3A_1439 : i32 to index
        %swap3A_1441 = tpu.vector_load %arg15[%swap3A_1440] {strides = array<i32>} : memref<8192xf32, #tpu.memory_space<vmem>>, vector<16xf32>,
        tpu.vector_store %arg15[%swap3A_1440], %sub3A_1435 {strides = array<i32>} : memref<8192xf32, #tpu.memory_space<vmem>>, vector<16xf32>,
        %add3A_1442 = arith.constant 128 : i32
        %add3A_1443 = arith.addi %mul3A_1402, %add3A_1442 : i32
        %add3A_1444 = arith.constant 64 : i32
        %add3A_1445 = arith.addi %add3A_1443, %add3A_1444 : i32
        %add3A_1446 = arith.constant 0 : i32
        %add3A_1447 = arith.addi %add3A_1445, %add3A_1446 : i32
        %swap3A_1448 = arith.index_cast %add3A_1447 : i32 to index
        %swap3A_1449 = tpu.vector_load %arg15[%swap3A_1448] {strides = array<i32>} : memref<8192xf32, #tpu.memory_space<vmem>>, vector<16xf32>,
        tpu.vector_store %arg15[%swap3A_1448], %get3A_1408 {strides = array<i32>} : memref<8192xf32, #tpu.memory_space<vmem>>, vector<16xf32>,
        %add3A_1450 = arith.constant 2 : i32
        %add3A_1451 = arith.addi %mul3A_1400, %add3A_1450 : i32
        %broadcast_in_dim3A_1452 = vector.broadcast %add3A_1451 : i32 to vector<16xi32>
        %gather3A_1453 = tpu.vector_load_idx %arg14[%broadcast_in_dim3A_1452, %add3A_1411] : memref<64x64xf32, #tpu.memory_space<vmem>>[vector<16xi32>, vector<16xi32>], vector<16xf32>,
        %sub3A_1454 = arith.subf %gather3A_1453, %get3A_1408 : vector<16xf32>
        %add3A_1455 = arith.constant 256 : i32
        %add3A_1456 = arith.addi %mul3A_1402, %add3A_1455 : i32
        %add3A_1457 = arith.constant 0 : i32
        %add3A_1458 = arith.addi %add3A_1456, %add3A_1457 : i32
        %swap3A_1459 = arith.index_cast %add3A_1458 : i32 to index
        %swap3A_1460 = tpu.vector_load %arg15[%swap3A_1459] {strides = array<i32>} : memref<8192xf32, #tpu.memory_space<vmem>>, vector<16xf32>,
        tpu.vector_store %arg15[%swap3A_1459], %sub3A_1454 {strides = array<i32>} : memref<8192xf32, #tpu.memory_space<vmem>>, vector<16xf32>,
        %add3A_1461 = arith.constant 256 : i32
        %add3A_1462 = arith.addi %mul3A_1402, %add3A_1461 : i32
        %add3A_1463 = arith.constant 64 : i32
        %add3A_1464 = arith.addi %add3A_1462, %add3A_1463 : i32
        %add3A_1465 = arith.constant 0 : i32
        %add3A_1466 = arith.addi %add3A_1464, %add3A_1465 : i32
        %swap3A_1467 = arith.index_cast %add3A_1466 : i32 to index
        %swap3A_1468 = tpu.vector_load %arg15[%swap3A_1467] {strides = array<i32>} : memref<8192xf32, #tpu.memory_space<vmem>>, vector<16xf32>,
        tpu.vector_store %arg15[%swap3A_1467], %get3A_1408 {strides = array<i32>} : memref<8192xf32, #tpu.memory_space<vmem>>, vector<16xf32>,
        %add3A_1469 = arith.constant 3 : i32
        %add3A_1470 = arith.addi %mul3A_1400, %add3A_1469 : i32
        %broadcast_in_dim3A_1471 = vector.broadcast %add3A_1470 : i32 to vector<16xi32>
        %gather3A_1472 = tpu.vector_load_idx %arg14[%broadcast_in_dim3A_1471, %add3A_1411] : memref<64x64xf32, #tpu.memory_space<vmem>>[vector<16xi32>, vector<16xi32>], vector<16xf32>,
        %sub3A_1473 = arith.subf %gather3A_1472, %get3A_1408 : vector<16xf32>
        %add3A_1474 = arith.constant 384 : i32
        %add3A_1475 = arith.addi %mul3A_1402, %add3A_1474 : i32
        %add3A_1476 = arith.constant 0 : i32
        %add3A_1477 = arith.addi %add3A_1475, %add3A_1476 : i32
        %swap3A_1478 = arith.index_cast %add3A_1477 : i32 to index
        %swap3A_1479 = tpu.vector_load %arg15[%swap3A_1478] {strides = array<i32>} : memref<8192xf32, #tpu.memory_space<vmem>>, vector<16xf32>,
        tpu.vector_store %arg15[%swap3A_1478], %sub3A_1473 {strides = array<i32>} : memref<8192xf32, #tpu.memory_space<vmem>>, vector<16xf32>,
        %add3A_1480 = arith.constant 384 : i32
        %add3A_1481 = arith.addi %mul3A_1402, %add3A_1480 : i32
        %add3A_1482 = arith.constant 64 : i32
        %add3A_1483 = arith.addi %add3A_1481, %add3A_1482 : i32
        %add3A_1484 = arith.constant 0 : i32
        %add3A_1485 = arith.addi %add3A_1483, %add3A_1484 : i32
        %swap3A_1486 = arith.index_cast %add3A_1485 : i32 to index
        %swap3A_1487 = tpu.vector_load %arg15[%swap3A_1486] {strides = array<i32>} : memref<8192xf32, #tpu.memory_space<vmem>>, vector<16xf32>,
        tpu.vector_store %arg15[%swap3A_1486], %get3A_1408 {strides = array<i32>} : memref<8192xf32, #tpu.memory_space<vmem>>, vector<16xf32>,
        %add3A_1488 = arith.constant 4 : i32
        %add3A_1489 = arith.addi %mul3A_1400, %add3A_1488 : i32
        %broadcast_in_dim3A_1490 = vector.broadcast %add3A_1489 : i32 to vector<16xi32>
        %gather3A_1491 = tpu.vector_load_idx %arg14[%broadcast_in_dim3A_1490, %add3A_1411] : memref<64x64xf32, #tpu.memory_space<vmem>>[vector<16xi32>, vector<16xi32>], vector<16xf32>,
        %sub3A_1492 = arith.subf %gather3A_1491, %get3A_1408 : vector<16xf32>
        %add3A_1493 = arith.constant 512 : i32
        %add3A_1494 = arith.addi %mul3A_1402, %add3A_1493 : i32
        %add3A_1495 = arith.constant 0 : i32
        %add3A_1496 = arith.addi %add3A_1494, %add3A_1495 : i32
        %swap3A_1497 = arith.index_cast %add3A_1496 : i32 to index
        %swap3A_1498 = tpu.vector_load %arg15[%swap3A_1497] {strides = array<i32>} : memref<8192xf32, #tpu.memory_space<vmem>>, vector<16xf32>,
        tpu.vector_store %arg15[%swap3A_1497], %sub3A_1492 {strides = array<i32>} : memref<8192xf32, #tpu.memory_space<vmem>>, vector<16xf32>,
        %add3A_1499 = arith.constant 512 : i32
        %add3A_1500 = arith.addi %mul3A_1402, %add3A_1499 : i32
        %add3A_1501 = arith.constant 64 : i32
        %add3A_1502 = arith.addi %add3A_1500, %add3A_1501 : i32
        %add3A_1503 = arith.constant 0 : i32
        %add3A_1504 = arith.addi %add3A_1502, %add3A_1503 : i32
        %swap3A_1505 = arith.index_cast %add3A_1504 : i32 to index
        %swap3A_1506 = tpu.vector_load %arg15[%swap3A_1505] {strides = array<i32>} : memref<8192xf32, #tpu.memory_space<vmem>>, vector<16xf32>,
        tpu.vector_store %arg15[%swap3A_1505], %get3A_1408 {strides = array<i32>} : memref<8192xf32, #tpu.memory_space<vmem>>, vector<16xf32>,
        %add3A_1507 = arith.constant 5 : i32
        %add3A_1508 = arith.addi %mul3A_1400, %add3A_1507 : i32
        %broadcast_in_dim3A_1509 = vector.broadcast %add3A_1508 : i32 to vector<16xi32>
        %gather3A_1510 = tpu.vector_load_idx %arg14[%broadcast_in_dim3A_1509, %add3A_1411] : memref<64x64xf32, #tpu.memory_space<vmem>>[vector<16xi32>, vector<16xi32>], vector<16xf32>,
        %sub3A_1511 = arith.subf %gather3A_1510, %get3A_1408 : vector<16xf32>
        %add3A_1512 = arith.constant 640 : i32
        %add3A_1513 = arith.addi %mul3A_1402, %add3A_1512 : i32
        %add3A_1514 = arith.constant 0 : i32
        %add3A_1515 = arith.addi %add3A_1513, %add3A_1514 : i32
        %swap3A_1516 = arith.index_cast %add3A_1515 : i32 to index
        %swap3A_1517 = tpu.vector_load %arg15[%swap3A_1516] {strides = array<i32>} : memref<8192xf32, #tpu.memory_space<vmem>>, vector<16xf32>,
        tpu.vector_store %arg15[%swap3A_1516], %sub3A_1511 {strides = array<i32>} : memref<8192xf32, #tpu.memory_space<vmem>>, vector<16xf32>,
        %add3A_1518 = arith.constant 640 : i32
        %add3A_1519 = arith.addi %mul3A_1402, %add3A_1518 : i32
        %add3A_1520 = arith.constant 64 : i32
        %add3A_1521 = arith.addi %add3A_1519, %add3A_1520 : i32
        %add3A_1522 = arith.constant 0 : i32
        %add3A_1523 = arith.addi %add3A_1521, %add3A_1522 : i32
        %swap3A_1524 = arith.index_cast %add3A_1523 : i32 to index
        %swap3A_1525 = tpu.vector_load %arg15[%swap3A_1524] {strides = array<i32>} : memref<8192xf32, #tpu.memory_space<vmem>>, vector<16xf32>,
        tpu.vector_store %arg15[%swap3A_1524], %get3A_1408 {strides = array<i32>} : memref<8192xf32, #tpu.memory_space<vmem>>, vector<16xf32>,
        %add3A_1526 = arith.constant 6 : i32
        %add3A_1527 = arith.addi %mul3A_1400, %add3A_1526 : i32
        %broadcast_in_dim3A_1528 = vector.broadcast %add3A_1527 : i32 to vector<16xi32>
        %gather3A_1529 = tpu.vector_load_idx %arg14[%broadcast_in_dim3A_1528, %add3A_1411] : memref<64x64xf32, #tpu.memory_space<vmem>>[vector<16xi32>, vector<16xi32>], vector<16xf32>,
        %sub3A_1530 = arith.subf %gather3A_1529, %get3A_1408 : vector<16xf32>
        %add3A_1531 = arith.constant 768 : i32
        %add3A_1532 = arith.addi %mul3A_1402, %add3A_1531 : i32
        %add3A_1533 = arith.constant 0 : i32
        %add3A_1534 = arith.addi %add3A_1532, %add3A_1533 : i32
        %swap3A_1535 = arith.index_cast %add3A_1534 : i32 to index
        %swap3A_1536 = tpu.vector_load %arg15[%swap3A_1535] {strides = array<i32>} : memref<8192xf32, #tpu.memory_space<vmem>>, vector<16xf32>,
        tpu.vector_store %arg15[%swap3A_1535], %sub3A_1530 {strides = array<i32>} : memref<8192xf32, #tpu.memory_space<vmem>>, vector<16xf32>,
        %add3A_1537 = arith.constant 768 : i32
        %add3A_1538 = arith.addi %mul3A_1402, %add3A_1537 : i32
        %add3A_1539 = arith.constant 64 : i32
        %add3A_1540 = arith.addi %add3A_1538, %add3A_1539 : i32
        %add3A_1541 = arith.constant 0 : i32
        %add3A_1542 = arith.addi %add3A_1540, %add3A_1541 : i32
        %swap3A_1543 = arith.index_cast %add3A_1542 : i32 to index
        %swap3A_1544 = tpu.vector_load %arg15[%swap3A_1543] {strides = array<i32>} : memref<8192xf32, #tpu.memory_space<vmem>>, vector<16xf32>,
        tpu.vector_store %arg15[%swap3A_1543], %get3A_1408 {strides = array<i32>} : memref<8192xf32, #tpu.memory_space<vmem>>, vector<16xf32>,
        %add3A_1545 = arith.constant 7 : i32
        %add3A_1546 = arith.addi %mul3A_1400, %add3A_1545 : i32
        %broadcast_in_dim3A_1547 = vector.broadcast %add3A_1546 : i32 to vector<16xi32>
        %gather3A_1548 = tpu.vector_load_idx %arg14[%broadcast_in_dim3A_1547, %add3A_1411] : memref<64x64xf32, #tpu.memory_space<vmem>>[vector<16xi32>, vector<16xi32>], vector<16xf32>,
        %sub3A_1549 = arith.subf %gather3A_1548, %get3A_1408 : vector<16xf32>
        %add3A_1550 = arith.constant 896 : i32
        %add3A_1551 = arith.addi %mul3A_1402, %add3A_1550 : i32
        %add3A_1552 = arith.constant 0 : i32
        %add3A_1553 = arith.addi %add3A_1551, %add3A_1552 : i32
        %swap3A_1554 = arith.index_cast %add3A_1553 : i32 to index
        %swap3A_1555 = tpu.vector_load %arg15[%swap3A_1554] {strides = array<i32>} : memref<8192xf32, #tpu.memory_space<vmem>>, vector<16xf32>,
        tpu.vector_store %arg15[%swap3A_1554], %sub3A_1549 {strides = array<i32>} : memref<8192xf32, #tpu.memory_space<vmem>>, vector<16xf32>,
        %add3A_1556 = arith.constant 896 : i32
        %add3A_1557 = arith.addi %mul3A_1402, %add3A_1556 : i32
        %add3A_1558 = arith.constant 64 : i32
        %add3A_1559 = arith.addi %add3A_1557, %add3A_1558 : i32
        %add3A_1560 = arith.constant 0 : i32
        %add3A_1561 = arith.addi %add3A_1559, %add3A_1560 : i32
        %swap3A_1562 = arith.index_cast %add3A_1561 : i32 to index
        %swap3A_1563 = tpu.vector_load %arg15[%swap3A_1562] {strides = array<i32>} : memref<8192xf32, #tpu.memory_space<vmem>>, vector<16xf32>,
        tpu.vector_store %arg15[%swap3A_1562], %get3A_1408 {strides = array<i32>} : memref<8192xf32, #tpu.memory_space<vmem>>, vector<16xf32>,
        %add3A_1564 = arith.constant 8 : i32
        %add3A_1565 = arith.addi %mul3A_1400, %add3A_1564 : i32
        %broadcast_in_dim3A_1566 = vector.broadcast %add3A_1565 : i32 to vector<16xi32>
        %gather3A_1567 = tpu.vector_load_idx %arg14[%broadcast_in_dim3A_1566, %add3A_1411] : memref<64x64xf32, #tpu.memory_space<vmem>>[vector<16xi32>, vector<16xi32>], vector<16xf32>,
        %sub3A_1568 = arith.subf %gather3A_1567, %get3A_1408 : vector<16xf32>
        %add3A_1569 = arith.constant 1024 : i32
        %add3A_1570 = arith.addi %mul3A_1402, %add3A_1569 : i32
        %add3A_1571 = arith.constant 0 : i32
        %add3A_1572 = arith.addi %add3A_1570, %add3A_1571 : i32
        %swap3A_1573 = arith.index_cast %add3A_1572 : i32 to index
        %swap3A_1574 = tpu.vector_load %arg15[%swap3A_1573] {strides = array<i32>} : memref<8192xf32, #tpu.memory_space<vmem>>, vector<16xf32>,
        tpu.vector_store %arg15[%swap3A_1573], %sub3A_1568 {strides = array<i32>} : memref<8192xf32, #tpu.memory_space<vmem>>, vector<16xf32>,
        %add3A_1575 = arith.constant 1024 : i32
        %add3A_1576 = arith.addi %mul3A_1402, %add3A_1575 : i32
        %add3A_1577 = arith.constant 64 : i32
        %add3A_1578 = arith.addi %add3A_1576, %add3A_1577 : i32
        %add3A_1579 = arith.constant 0 : i32
        %add3A_1580 = arith.addi %add3A_1578, %add3A_1579 : i32
        %swap3A_1581 = arith.index_cast %add3A_1580 : i32 to index
        %swap3A_1582 = tpu.vector_load %arg15[%swap3A_1581] {strides = array<i32>} : memref<8192xf32, #tpu.memory_space<vmem>>, vector<16xf32>,
        tpu.vector_store %arg15[%swap3A_1581], %get3A_1408 {strides = array<i32>} : memref<8192xf32, #tpu.memory_space<vmem>>, vector<16xf32>,
        %add3A_1583 = arith.constant 9 : i32
        %add3A_1584 = arith.addi %mul3A_1400, %add3A_1583 : i32
        %broadcast_in_dim3A_1585 = vector.broadcast %add3A_1584 : i32 to vector<16xi32>
        %gather3A_1586 = tpu.vector_load_idx %arg14[%broadcast_in_dim3A_1585, %add3A_1411] : memref<64x64xf32, #tpu.memory_space<vmem>>[vector<16xi32>, vector<16xi32>], vector<16xf32>,
        %sub3A_1587 = arith.subf %gather3A_1586, %get3A_1408 : vector<16xf32>
        %add3A_1588 = arith.constant 1152 : i32
        %add3A_1589 = arith.addi %mul3A_1402, %add3A_1588 : i32
        %add3A_1590 = arith.constant 0 : i32
        %add3A_1591 = arith.addi %add3A_1589, %add3A_1590 : i32
        %swap3A_1592 = arith.index_cast %add3A_1591 : i32 to index
        %swap3A_1593 = tpu.vector_load %arg15[%swap3A_1592] {strides = array<i32>} : memref<8192xf32, #tpu.memory_space<vmem>>, vector<16xf32>,
        tpu.vector_store %arg15[%swap3A_1592], %sub3A_1587 {strides = array<i32>} : memref<8192xf32, #tpu.memory_space<vmem>>, vector<16xf32>,
        %add3A_1594 = arith.constant 1152 : i32
        %add3A_1595 = arith.addi %mul3A_1402, %add3A_1594 : i32
        %add3A_1596 = arith.constant 64 : i32
        %add3A_1597 = arith.addi %add3A_1595, %add3A_1596 : i32
        %add3A_1598 = arith.constant 0 : i32
        %add3A_1599 = arith.addi %add3A_1597, %add3A_1598 : i32
        %swap3A_1600 = arith.index_cast %add3A_1599 : i32 to index
        %swap3A_1601 = tpu.vector_load %arg15[%swap3A_1600] {strides = array<i32>} : memref<8192xf32, #tpu.memory_space<vmem>>, vector<16xf32>,
        tpu.vector_store %arg15[%swap3A_1600], %get3A_1408 {strides = array<i32>} : memref<8192xf32, #tpu.memory_space<vmem>>, vector<16xf32>,
        %add3A_1602 = arith.constant 10 : i32
        %add3A_1603 = arith.addi %mul3A_1400, %add3A_1602 : i32
        %broadcast_in_dim3A_1604 = vector.broadcast %add3A_1603 : i32 to vector<16xi32>
        %gather3A_1605 = tpu.vector_load_idx %arg14[%broadcast_in_dim3A_1604, %add3A_1411] : memref<64x64xf32, #tpu.memory_space<vmem>>[vector<16xi32>, vector<16xi32>], vector<16xf32>,
        %sub3A_1606 = arith.subf %gather3A_1605, %get3A_1408 : vector<16xf32>
        %add3A_1607 = arith.constant 1280 : i32
        %add3A_1608 = arith.addi %mul3A_1402, %add3A_1607 : i32
        %add3A_1609 = arith.constant 0 : i32
        %add3A_1610 = arith.addi %add3A_1608, %add3A_1609 : i32
        %swap3A_1611 = arith.index_cast %add3A_1610 : i32 to index
        %swap3A_1612 = tpu.vector_load %arg15[%swap3A_1611] {strides = array<i32>} : memref<8192xf32, #tpu.memory_space<vmem>>, vector<16xf32>,
        tpu.vector_store %arg15[%swap3A_1611], %sub3A_1606 {strides = array<i32>} : memref<8192xf32, #tpu.memory_space<vmem>>, vector<16xf32>,
        %add3A_1613 = arith.constant 1280 : i32
        %add3A_1614 = arith.addi %mul3A_1402, %add3A_1613 : i32
        %add3A_1615 = arith.constant 64 : i32
        %add3A_1616 = arith.addi %add3A_1614, %add3A_1615 : i32
        %add3A_1617 = arith.constant 0 : i32
        %add3A_1618 = arith.addi %add3A_1616, %add3A_1617 : i32
        %swap3A_1619 = arith.index_cast %add3A_1618 : i32 to index
        %swap3A_1620 = tpu.vector_load %arg15[%swap3A_1619] {strides = array<i32>} : memref<8192xf32, #tpu.memory_space<vmem>>, vector<16xf32>,
        tpu.vector_store %arg15[%swap3A_1619], %get3A_1408 {strides = array<i32>} : memref<8192xf32, #tpu.memory_space<vmem>>, vector<16xf32>,
        %add3A_1621 = arith.constant 11 : i32
        %add3A_1622 = arith.addi %mul3A_1400, %add3A_1621 : i32
        %broadcast_in_dim3A_1623 = vector.broadcast %add3A_1622 : i32 to vector<16xi32>
        %gather3A_1624 = tpu.vector_load_idx %arg14[%broadcast_in_dim3A_1623, %add3A_1411] : memref<64x64xf32, #tpu.memory_space<vmem>>[vector<16xi32>, vector<16xi32>], vector<16xf32>,
        %sub3A_1625 = arith.subf %gather3A_1624, %get3A_1408 : vector<16xf32>
        %add3A_1626 = arith.constant 1408 : i32
        %add3A_1627 = arith.addi %mul3A_1402, %add3A_1626 : i32
        %add3A_1628 = arith.constant 0 : i32
        %add3A_1629 = arith.addi %add3A_1627, %add3A_1628 : i32
        %swap3A_1630 = arith.index_cast %add3A_1629 : i32 to index
        %swap3A_1631 = tpu.vector_load %arg15[%swap3A_1630] {strides = array<i32>} : memref<8192xf32, #tpu.memory_space<vmem>>, vector<16xf32>,
        tpu.vector_store %arg15[%swap3A_1630], %sub3A_1625 {strides = array<i32>} : memref<8192xf32, #tpu.memory_space<vmem>>, vector<16xf32>,
        %add3A_1632 = arith.constant 1408 : i32
        %add3A_1633 = arith.addi %mul3A_1402, %add3A_1632 : i32
        %add3A_1634 = arith.constant 64 : i32
        %add3A_1635 = arith.addi %add3A_1633, %add3A_1634 : i32
        %add3A_1636 = arith.constant 0 : i32
        %add3A_1637 = arith.addi %add3A_1635, %add3A_1636 : i32
        %swap3A_1638 = arith.index_cast %add3A_1637 : i32 to index
        %swap3A_1639 = tpu.vector_load %arg15[%swap3A_1638] {strides = array<i32>} : memref<8192xf32, #tpu.memory_space<vmem>>, vector<16xf32>,
        tpu.vector_store %arg15[%swap3A_1638], %get3A_1408 {strides = array<i32>} : memref<8192xf32, #tpu.memory_space<vmem>>, vector<16xf32>,
        %add3A_1640 = arith.constant 12 : i32
        %add3A_1641 = arith.addi %mul3A_1400, %add3A_1640 : i32
        %broadcast_in_dim3A_1642 = vector.broadcast %add3A_1641 : i32 to vector<16xi32>
        %gather3A_1643 = tpu.vector_load_idx %arg14[%broadcast_in_dim3A_1642, %add3A_1411] : memref<64x64xf32, #tpu.memory_space<vmem>>[vector<16xi32>, vector<16xi32>], vector<16xf32>,
        %sub3A_1644 = arith.subf %gather3A_1643, %get3A_1408 : vector<16xf32>
        %add3A_1645 = arith.constant 1536 : i32
        %add3A_1646 = arith.addi %mul3A_1402, %add3A_1645 : i32
        %add3A_1647 = arith.constant 0 : i32
        %add3A_1648 = arith.addi %add3A_1646, %add3A_1647 : i32
        %swap3A_1649 = arith.index_cast %add3A_1648 : i32 to index
        %swap3A_1650 = tpu.vector_load %arg15[%swap3A_1649] {strides = array<i32>} : memref<8192xf32, #tpu.memory_space<vmem>>, vector<16xf32>,
        tpu.vector_store %arg15[%swap3A_1649], %sub3A_1644 {strides = array<i32>} : memref<8192xf32, #tpu.memory_space<vmem>>, vector<16xf32>,
        %add3A_1651 = arith.constant 1536 : i32
        %add3A_1652 = arith.addi %mul3A_1402, %add3A_1651 : i32
        %add3A_1653 = arith.constant 64 : i32
        %add3A_1654 = arith.addi %add3A_1652, %add3A_1653 : i32
        %add3A_1655 = arith.constant 0 : i32
        %add3A_1656 = arith.addi %add3A_1654, %add3A_1655 : i32
        %swap3A_1657 = arith.index_cast %add3A_1656 : i32 to index
        %swap3A_1658 = tpu.vector_load %arg15[%swap3A_1657] {strides = array<i32>} : memref<8192xf32, #tpu.memory_space<vmem>>, vector<16xf32>,
        tpu.vector_store %arg15[%swap3A_1657], %get3A_1408 {strides = array<i32>} : memref<8192xf32, #tpu.memory_space<vmem>>, vector<16xf32>,
        %add3A_1659 = arith.constant 13 : i32
        %add3A_1660 = arith.addi %mul3A_1400, %add3A_1659 : i32
        %broadcast_in_dim3A_1661 = vector.broadcast %add3A_1660 : i32 to vector<16xi32>
        %gather3A_1662 = tpu.vector_load_idx %arg14[%broadcast_in_dim3A_1661, %add3A_1411] : memref<64x64xf32, #tpu.memory_space<vmem>>[vector<16xi32>, vector<16xi32>], vector<16xf32>,
        %sub3A_1663 = arith.subf %gather3A_1662, %get3A_1408 : vector<16xf32>
        %add3A_1664 = arith.constant 1664 : i32
        %add3A_1665 = arith.addi %mul3A_1402, %add3A_1664 : i32
        %add3A_1666 = arith.constant 0 : i32
        %add3A_1667 = arith.addi %add3A_1665, %add3A_1666 : i32
        %swap3A_1668 = arith.index_cast %add3A_1667 : i32 to index
        %swap3A_1669 = tpu.vector_load %arg15[%swap3A_1668] {strides = array<i32>} : memref<8192xf32, #tpu.memory_space<vmem>>, vector<16xf32>,
        tpu.vector_store %arg15[%swap3A_1668], %sub3A_1663 {strides = array<i32>} : memref<8192xf32, #tpu.memory_space<vmem>>, vector<16xf32>,
        %add3A_1670 = arith.constant 1664 : i32
        %add3A_1671 = arith.addi %mul3A_1402, %add3A_1670 : i32
        %add3A_1672 = arith.constant 64 : i32
        %add3A_1673 = arith.addi %add3A_1671, %add3A_1672 : i32
        %add3A_1674 = arith.constant 0 : i32
        %add3A_1675 = arith.addi %add3A_1673, %add3A_1674 : i32
        %swap3A_1676 = arith.index_cast %add3A_1675 : i32 to index
        %swap3A_1677 = tpu.vector_load %arg15[%swap3A_1676] {strides = array<i32>} : memref<8192xf32, #tpu.memory_space<vmem>>, vector<16xf32>,
        tpu.vector_store %arg15[%swap3A_1676], %get3A_1408 {strides = array<i32>} : memref<8192xf32, #tpu.memory_space<vmem>>, vector<16xf32>,
        %add3A_1678 = arith.constant 14 : i32
        %add3A_1679 = arith.addi %mul3A_1400, %add3A_1678 : i32
        %broadcast_in_dim3A_1680 = vector.broadcast %add3A_1679 : i32 to vector<16xi32>
        %gather3A_1681 = tpu.vector_load_idx %arg14[%broadcast_in_dim3A_1680, %add3A_1411] : memref<64x64xf32, #tpu.memory_space<vmem>>[vector<16xi32>, vector<16xi32>], vector<16xf32>,
        %sub3A_1682 = arith.subf %gather3A_1681, %get3A_1408 : vector<16xf32>
        %add3A_1683 = arith.constant 1792 : i32
        %add3A_1684 = arith.addi %mul3A_1402, %add3A_1683 : i32
        %add3A_1685 = arith.constant 0 : i32
        %add3A_1686 = arith.addi %add3A_1684, %add3A_1685 : i32
        %swap3A_1687 = arith.index_cast %add3A_1686 : i32 to index
        %swap3A_1688 = tpu.vector_load %arg15[%swap3A_1687] {strides = array<i32>} : memref<8192xf32, #tpu.memory_space<vmem>>, vector<16xf32>,
        tpu.vector_store %arg15[%swap3A_1687], %sub3A_1682 {strides = array<i32>} : memref<8192xf32, #tpu.memory_space<vmem>>, vector<16xf32>,
        %add3A_1689 = arith.constant 1792 : i32
        %add3A_1690 = arith.addi %mul3A_1402, %add3A_1689 : i32
        %add3A_1691 = arith.constant 64 : i32
        %add3A_1692 = arith.addi %add3A_1690, %add3A_1691 : i32
        %add3A_1693 = arith.constant 0 : i32
        %add3A_1694 = arith.addi %add3A_1692, %add3A_1693 : i32
        %swap3A_1695 = arith.index_cast %add3A_1694 : i32 to index
        %swap3A_1696 = tpu.vector_load %arg15[%swap3A_1695] {strides = array<i32>} : memref<8192xf32, #tpu.memory_space<vmem>>, vector<16xf32>,
        tpu.vector_store %arg15[%swap3A_1695], %get3A_1408 {strides = array<i32>} : memref<8192xf32, #tpu.memory_space<vmem>>, vector<16xf32>,
        %add3A_1697 = arith.constant 15 : i32
        %add3A_1698 = arith.addi %mul3A_1400, %add3A_1697 : i32
        %broadcast_in_dim3A_1699 = vector.broadcast %add3A_1698 : i32 to vector<16xi32>
        %gather3A_1700 = tpu.vector_load_idx %arg14[%broadcast_in_dim3A_1699, %add3A_1411] : memref<64x64xf32, #tpu.memory_space<vmem>>[vector<16xi32>, vector<16xi32>], vector<16xf32>,
        %sub3A_1701 = arith.subf %gather3A_1700, %get3A_1408 : vector<16xf32>
        %add3A_1702 = arith.constant 1920 : i32
        %add3A_1703 = arith.addi %mul3A_1402, %add3A_1702 : i32
        %add3A_1704 = arith.constant 0 : i32
        %add3A_1705 = arith.addi %add3A_1703, %add3A_1704 : i32
        %swap3A_1706 = arith.index_cast %add3A_1705 : i32 to index
        %swap3A_1707 = tpu.vector_load %arg15[%swap3A_1706] {strides = array<i32>} : memref<8192xf32, #tpu.memory_space<vmem>>, vector<16xf32>,
        tpu.vector_store %arg15[%swap3A_1706], %sub3A_1701 {strides = array<i32>} : memref<8192xf32, #tpu.memory_space<vmem>>, vector<16xf32>,
        %add3A_1708 = arith.constant 1920 : i32
        %add3A_1709 = arith.addi %mul3A_1402, %add3A_1708 : i32
        %add3A_1710 = arith.constant 64 : i32
        %add3A_1711 = arith.addi %add3A_1709, %add3A_1710 : i32
        %add3A_1712 = arith.constant 0 : i32
        %add3A_1713 = arith.addi %add3A_1711, %add3A_1712 : i32
        %swap3A_1714 = arith.index_cast %add3A_1713 : i32 to index
        %swap3A_1715 = tpu.vector_load %arg15[%swap3A_1714] {strides = array<i32>} : memref<8192xf32, #tpu.memory_space<vmem>>, vector<16xf32>,
        tpu.vector_store %arg15[%swap3A_1714], %get3A_1408 {strides = array<i32>} : memref<8192xf32, #tpu.memory_space<vmem>>, vector<16xf32>,
        %mul3A_1716 = arith.constant 64 : i32
        %mul3A_1717 = arith.muli %add3A_1396, %mul3A_1716 : i32
        %add3A_1718 = arith.constant 16 : i32
        %add3A_1719 = arith.addi %mul3A_1717, %add3A_1718 : i32
        %get3A_1720 = arith.index_cast %add3A_1719 : i32 to index
        %get3A_1721 = tpu.vector_load %arg9[%get3A_1720] {strides = array<i32>} : memref<16384xf32, #tpu.memory_space<vmem>>, vector<16xf32>,
        %add3A_1722 = arith.constant 16 : i32
        %add3A_1723 = vector.broadcast %add3A_1722 : i32 to vector<16xi32>
        %add3A_1724 = arith.addi %add3A_1723, %iota3A : vector<16xi32>
        %add3A_1725 = arith.constant 0 : i32
        %add3A_1726 = arith.addi %mul3A_1400, %add3A_1725 : i32
        %broadcast_in_dim3A_1727 = vector.broadcast %add3A_1726 : i32 to vector<16xi32>
        %gather3A_1728 = tpu.vector_load_idx %arg14[%broadcast_in_dim3A_1727, %add3A_1724] : memref<64x64xf32, #tpu.memory_space<vmem>>[vector<16xi32>, vector<16xi32>], vector<16xf32>,
        %sub3A_1729 = arith.subf %gather3A_1728, %get3A_1721 : vector<16xf32>
        %add3A_1730 = arith.constant 0 : i32
        %add3A_1731 = arith.addi %mul3A_1402, %add3A_1730 : i32
        %add3A_1732 = arith.constant 16 : i32
        %add3A_1733 = arith.addi %add3A_1731, %add3A_1732 : i32
        %swap3A_1734 = arith.index_cast %add3A_1733 : i32 to index
        %swap3A_1735 = tpu.vector_load %arg15[%swap3A_1734] {strides = array<i32>} : memref<8192xf32, #tpu.memory_space<vmem>>, vector<16xf32>,
        tpu.vector_store %arg15[%swap3A_1734], %sub3A_1729 {strides = array<i32>} : memref<8192xf32, #tpu.memory_space<vmem>>, vector<16xf32>,
        %add3A_1736 = arith.constant 0 : i32
        %add3A_1737 = arith.addi %mul3A_1402, %add3A_1736 : i32
        %add3A_1738 = arith.constant 64 : i32
        %add3A_1739 = arith.addi %add3A_1737, %add3A_1738 : i32
        %add3A_1740 = arith.constant 16 : i32
        %add3A_1741 = arith.addi %add3A_1739, %add3A_1740 : i32
        %swap3A_1742 = arith.index_cast %add3A_1741 : i32 to index
        %swap3A_1743 = tpu.vector_load %arg15[%swap3A_1742] {strides = array<i32>} : memref<8192xf32, #tpu.memory_space<vmem>>, vector<16xf32>,
        tpu.vector_store %arg15[%swap3A_1742], %get3A_1721 {strides = array<i32>} : memref<8192xf32, #tpu.memory_space<vmem>>, vector<16xf32>,
        %add3A_1744 = arith.constant 1 : i32
        %add3A_1745 = arith.addi %mul3A_1400, %add3A_1744 : i32
        %broadcast_in_dim3A_1746 = vector.broadcast %add3A_1745 : i32 to vector<16xi32>
        %gather3A_1747 = tpu.vector_load_idx %arg14[%broadcast_in_dim3A_1746, %add3A_1724] : memref<64x64xf32, #tpu.memory_space<vmem>>[vector<16xi32>, vector<16xi32>], vector<16xf32>,
        %sub3A_1748 = arith.subf %gather3A_1747, %get3A_1721 : vector<16xf32>
        %add3A_1749 = arith.constant 128 : i32
        %add3A_1750 = arith.addi %mul3A_1402, %add3A_1749 : i32
        %add3A_1751 = arith.constant 16 : i32
        %add3A_1752 = arith.addi %add3A_1750, %add3A_1751 : i32
        %swap3A_1753 = arith.index_cast %add3A_1752 : i32 to index
        %swap3A_1754 = tpu.vector_load %arg15[%swap3A_1753] {strides = array<i32>} : memref<8192xf32, #tpu.memory_space<vmem>>, vector<16xf32>,
        tpu.vector_store %arg15[%swap3A_1753], %sub3A_1748 {strides = array<i32>} : memref<8192xf32, #tpu.memory_space<vmem>>, vector<16xf32>,
        %add3A_1755 = arith.constant 128 : i32
        %add3A_1756 = arith.addi %mul3A_1402, %add3A_1755 : i32
        %add3A_1757 = arith.constant 64 : i32
        %add3A_1758 = arith.addi %add3A_1756, %add3A_1757 : i32
        %add3A_1759 = arith.constant 16 : i32
        %add3A_1760 = arith.addi %add3A_1758, %add3A_1759 : i32
        %swap3A_1761 = arith.index_cast %add3A_1760 : i32 to index
        %swap3A_1762 = tpu.vector_load %arg15[%swap3A_1761] {strides = array<i32>} : memref<8192xf32, #tpu.memory_space<vmem>>, vector<16xf32>,
        tpu.vector_store %arg15[%swap3A_1761], %get3A_1721 {strides = array<i32>} : memref<8192xf32, #tpu.memory_space<vmem>>, vector<16xf32>,
        %add3A_1763 = arith.constant 2 : i32
        %add3A_1764 = arith.addi %mul3A_1400, %add3A_1763 : i32
        %broadcast_in_dim3A_1765 = vector.broadcast %add3A_1764 : i32 to vector<16xi32>
        %gather3A_1766 = tpu.vector_load_idx %arg14[%broadcast_in_dim3A_1765, %add3A_1724] : memref<64x64xf32, #tpu.memory_space<vmem>>[vector<16xi32>, vector<16xi32>], vector<16xf32>,
        %sub3A_1767 = arith.subf %gather3A_1766, %get3A_1721 : vector<16xf32>
        %add3A_1768 = arith.constant 256 : i32
        %add3A_1769 = arith.addi %mul3A_1402, %add3A_1768 : i32
        %add3A_1770 = arith.constant 16 : i32
        %add3A_1771 = arith.addi %add3A_1769, %add3A_1770 : i32
        %swap3A_1772 = arith.index_cast %add3A_1771 : i32 to index
        %swap3A_1773 = tpu.vector_load %arg15[%swap3A_1772] {strides = array<i32>} : memref<8192xf32, #tpu.memory_space<vmem>>, vector<16xf32>,
        tpu.vector_store %arg15[%swap3A_1772], %sub3A_1767 {strides = array<i32>} : memref<8192xf32, #tpu.memory_space<vmem>>, vector<16xf32>,
        %add3A_1774 = arith.constant 256 : i32
        %add3A_1775 = arith.addi %mul3A_1402, %add3A_1774 : i32
        %add3A_1776 = arith.constant 64 : i32
        %add3A_1777 = arith.addi %add3A_1775, %add3A_1776 : i32
        %add3A_1778 = arith.constant 16 : i32
        %add3A_1779 = arith.addi %add3A_1777, %add3A_1778 : i32
        %swap3A_1780 = arith.index_cast %add3A_1779 : i32 to index
        %swap3A_1781 = tpu.vector_load %arg15[%swap3A_1780] {strides = array<i32>} : memref<8192xf32, #tpu.memory_space<vmem>>, vector<16xf32>,
        tpu.vector_store %arg15[%swap3A_1780], %get3A_1721 {strides = array<i32>} : memref<8192xf32, #tpu.memory_space<vmem>>, vector<16xf32>,
        %add3A_1782 = arith.constant 3 : i32
        %add3A_1783 = arith.addi %mul3A_1400, %add3A_1782 : i32
        %broadcast_in_dim3A_1784 = vector.broadcast %add3A_1783 : i32 to vector<16xi32>
        %gather3A_1785 = tpu.vector_load_idx %arg14[%broadcast_in_dim3A_1784, %add3A_1724] : memref<64x64xf32, #tpu.memory_space<vmem>>[vector<16xi32>, vector<16xi32>], vector<16xf32>,
        %sub3A_1786 = arith.subf %gather3A_1785, %get3A_1721 : vector<16xf32>
        %add3A_1787 = arith.constant 384 : i32
        %add3A_1788 = arith.addi %mul3A_1402, %add3A_1787 : i32
        %add3A_1789 = arith.constant 16 : i32
        %add3A_1790 = arith.addi %add3A_1788, %add3A_1789 : i32
        %swap3A_1791 = arith.index_cast %add3A_1790 : i32 to index
        %swap3A_1792 = tpu.vector_load %arg15[%swap3A_1791] {strides = array<i32>} : memref<8192xf32, #tpu.memory_space<vmem>>, vector<16xf32>,
        tpu.vector_store %arg15[%swap3A_1791], %sub3A_1786 {strides = array<i32>} : memref<8192xf32, #tpu.memory_space<vmem>>, vector<16xf32>,
        %add3A_1793 = arith.constant 384 : i32
        %add3A_1794 = arith.addi %mul3A_1402, %add3A_1793 : i32
        %add3A_1795 = arith.constant 64 : i32
        %add3A_1796 = arith.addi %add3A_1794, %add3A_1795 : i32
        %add3A_1797 = arith.constant 16 : i32
        %add3A_1798 = arith.addi %add3A_1796, %add3A_1797 : i32
        %swap3A_1799 = arith.index_cast %add3A_1798 : i32 to index
        %swap3A_1800 = tpu.vector_load %arg15[%swap3A_1799] {strides = array<i32>} : memref<8192xf32, #tpu.memory_space<vmem>>, vector<16xf32>,
        tpu.vector_store %arg15[%swap3A_1799], %get3A_1721 {strides = array<i32>} : memref<8192xf32, #tpu.memory_space<vmem>>, vector<16xf32>,
        %add3A_1801 = arith.constant 4 : i32
        %add3A_1802 = arith.addi %mul3A_1400, %add3A_1801 : i32
        %broadcast_in_dim3A_1803 = vector.broadcast %add3A_1802 : i32 to vector<16xi32>
        %gather3A_1804 = tpu.vector_load_idx %arg14[%broadcast_in_dim3A_1803, %add3A_1724] : memref<64x64xf32, #tpu.memory_space<vmem>>[vector<16xi32>, vector<16xi32>], vector<16xf32>,
        %sub3A_1805 = arith.subf %gather3A_1804, %get3A_1721 : vector<16xf32>
        %add3A_1806 = arith.constant 512 : i32
        %add3A_1807 = arith.addi %mul3A_1402, %add3A_1806 : i32
        %add3A_1808 = arith.constant 16 : i32
        %add3A_1809 = arith.addi %add3A_1807, %add3A_1808 : i32
        %swap3A_1810 = arith.index_cast %add3A_1809 : i32 to index
        %swap3A_1811 = tpu.vector_load %arg15[%swap3A_1810] {strides = array<i32>} : memref<8192xf32, #tpu.memory_space<vmem>>, vector<16xf32>,
        tpu.vector_store %arg15[%swap3A_1810], %sub3A_1805 {strides = array<i32>} : memref<8192xf32, #tpu.memory_space<vmem>>, vector<16xf32>,
        %add3A_1812 = arith.constant 512 : i32
        %add3A_1813 = arith.addi %mul3A_1402, %add3A_1812 : i32
        %add3A_1814 = arith.constant 64 : i32
        %add3A_1815 = arith.addi %add3A_1813, %add3A_1814 : i32
        %add3A_1816 = arith.constant 16 : i32
        %add3A_1817 = arith.addi %add3A_1815, %add3A_1816 : i32
        %swap3A_1818 = arith.index_cast %add3A_1817 : i32 to index
        %swap3A_1819 = tpu.vector_load %arg15[%swap3A_1818] {strides = array<i32>} : memref<8192xf32, #tpu.memory_space<vmem>>, vector<16xf32>,
        tpu.vector_store %arg15[%swap3A_1818], %get3A_1721 {strides = array<i32>} : memref<8192xf32, #tpu.memory_space<vmem>>, vector<16xf32>,
        %add3A_1820 = arith.constant 5 : i32
        %add3A_1821 = arith.addi %mul3A_1400, %add3A_1820 : i32
        %broadcast_in_dim3A_1822 = vector.broadcast %add3A_1821 : i32 to vector<16xi32>
        %gather3A_1823 = tpu.vector_load_idx %arg14[%broadcast_in_dim3A_1822, %add3A_1724] : memref<64x64xf32, #tpu.memory_space<vmem>>[vector<16xi32>, vector<16xi32>], vector<16xf32>,
        %sub3A_1824 = arith.subf %gather3A_1823, %get3A_1721 : vector<16xf32>
        %add3A_1825 = arith.constant 640 : i32
        %add3A_1826 = arith.addi %mul3A_1402, %add3A_1825 : i32
        %add3A_1827 = arith.constant 16 : i32
        %add3A_1828 = arith.addi %add3A_1826, %add3A_1827 : i32
        %swap3A_1829 = arith.index_cast %add3A_1828 : i32 to index
        %swap3A_1830 = tpu.vector_load %arg15[%swap3A_1829] {strides = array<i32>} : memref<8192xf32, #tpu.memory_space<vmem>>, vector<16xf32>,
        tpu.vector_store %arg15[%swap3A_1829], %sub3A_1824 {strides = array<i32>} : memref<8192xf32, #tpu.memory_space<vmem>>, vector<16xf32>,
        %add3A_1831 = arith.constant 640 : i32
        %add3A_1832 = arith.addi %mul3A_1402, %add3A_1831 : i32
        %add3A_1833 = arith.constant 64 : i32
        %add3A_1834 = arith.addi %add3A_1832, %add3A_1833 : i32
        %add3A_1835 = arith.constant 16 : i32
        %add3A_1836 = arith.addi %add3A_1834, %add3A_1835 : i32
        %swap3A_1837 = arith.index_cast %add3A_1836 : i32 to index
        %swap3A_1838 = tpu.vector_load %arg15[%swap3A_1837] {strides = array<i32>} : memref<8192xf32, #tpu.memory_space<vmem>>, vector<16xf32>,
        tpu.vector_store %arg15[%swap3A_1837], %get3A_1721 {strides = array<i32>} : memref<8192xf32, #tpu.memory_space<vmem>>, vector<16xf32>,
        %add3A_1839 = arith.constant 6 : i32
        %add3A_1840 = arith.addi %mul3A_1400, %add3A_1839 : i32
        %broadcast_in_dim3A_1841 = vector.broadcast %add3A_1840 : i32 to vector<16xi32>
        %gather3A_1842 = tpu.vector_load_idx %arg14[%broadcast_in_dim3A_1841, %add3A_1724] : memref<64x64xf32, #tpu.memory_space<vmem>>[vector<16xi32>, vector<16xi32>], vector<16xf32>,
        %sub3A_1843 = arith.subf %gather3A_1842, %get3A_1721 : vector<16xf32>
        %add3A_1844 = arith.constant 768 : i32
        %add3A_1845 = arith.addi %mul3A_1402, %add3A_1844 : i32
        %add3A_1846 = arith.constant 16 : i32
        %add3A_1847 = arith.addi %add3A_1845, %add3A_1846 : i32
        %swap3A_1848 = arith.index_cast %add3A_1847 : i32 to index
        %swap3A_1849 = tpu.vector_load %arg15[%swap3A_1848] {strides = array<i32>} : memref<8192xf32, #tpu.memory_space<vmem>>, vector<16xf32>,
        tpu.vector_store %arg15[%swap3A_1848], %sub3A_1843 {strides = array<i32>} : memref<8192xf32, #tpu.memory_space<vmem>>, vector<16xf32>,
        %add3A_1850 = arith.constant 768 : i32
        %add3A_1851 = arith.addi %mul3A_1402, %add3A_1850 : i32
        %add3A_1852 = arith.constant 64 : i32
        %add3A_1853 = arith.addi %add3A_1851, %add3A_1852 : i32
        %add3A_1854 = arith.constant 16 : i32
        %add3A_1855 = arith.addi %add3A_1853, %add3A_1854 : i32
        %swap3A_1856 = arith.index_cast %add3A_1855 : i32 to index
        %swap3A_1857 = tpu.vector_load %arg15[%swap3A_1856] {strides = array<i32>} : memref<8192xf32, #tpu.memory_space<vmem>>, vector<16xf32>,
        tpu.vector_store %arg15[%swap3A_1856], %get3A_1721 {strides = array<i32>} : memref<8192xf32, #tpu.memory_space<vmem>>, vector<16xf32>,
        %add3A_1858 = arith.constant 7 : i32
        %add3A_1859 = arith.addi %mul3A_1400, %add3A_1858 : i32
        %broadcast_in_dim3A_1860 = vector.broadcast %add3A_1859 : i32 to vector<16xi32>
        %gather3A_1861 = tpu.vector_load_idx %arg14[%broadcast_in_dim3A_1860, %add3A_1724] : memref<64x64xf32, #tpu.memory_space<vmem>>[vector<16xi32>, vector<16xi32>], vector<16xf32>,
        %sub3A_1862 = arith.subf %gather3A_1861, %get3A_1721 : vector<16xf32>
        %add3A_1863 = arith.constant 896 : i32
        %add3A_1864 = arith.addi %mul3A_1402, %add3A_1863 : i32
        %add3A_1865 = arith.constant 16 : i32
        %add3A_1866 = arith.addi %add3A_1864, %add3A_1865 : i32
        %swap3A_1867 = arith.index_cast %add3A_1866 : i32 to index
        %swap3A_1868 = tpu.vector_load %arg15[%swap3A_1867] {strides = array<i32>} : memref<8192xf32, #tpu.memory_space<vmem>>, vector<16xf32>,
        tpu.vector_store %arg15[%swap3A_1867], %sub3A_1862 {strides = array<i32>} : memref<8192xf32, #tpu.memory_space<vmem>>, vector<16xf32>,
        %add3A_1869 = arith.constant 896 : i32
        %add3A_1870 = arith.addi %mul3A_1402, %add3A_1869 : i32
        %add3A_1871 = arith.constant 64 : i32
        %add3A_1872 = arith.addi %add3A_1870, %add3A_1871 : i32
        %add3A_1873 = arith.constant 16 : i32
        %add3A_1874 = arith.addi %add3A_1872, %add3A_1873 : i32
        %swap3A_1875 = arith.index_cast %add3A_1874 : i32 to index
        %swap3A_1876 = tpu.vector_load %arg15[%swap3A_1875] {strides = array<i32>} : memref<8192xf32, #tpu.memory_space<vmem>>, vector<16xf32>,
        tpu.vector_store %arg15[%swap3A_1875], %get3A_1721 {strides = array<i32>} : memref<8192xf32, #tpu.memory_space<vmem>>, vector<16xf32>,
        %add3A_1877 = arith.constant 8 : i32
        %add3A_1878 = arith.addi %mul3A_1400, %add3A_1877 : i32
        %broadcast_in_dim3A_1879 = vector.broadcast %add3A_1878 : i32 to vector<16xi32>
        %gather3A_1880 = tpu.vector_load_idx %arg14[%broadcast_in_dim3A_1879, %add3A_1724] : memref<64x64xf32, #tpu.memory_space<vmem>>[vector<16xi32>, vector<16xi32>], vector<16xf32>,
        %sub3A_1881 = arith.subf %gather3A_1880, %get3A_1721 : vector<16xf32>
        %add3A_1882 = arith.constant 1024 : i32
        %add3A_1883 = arith.addi %mul3A_1402, %add3A_1882 : i32
        %add3A_1884 = arith.constant 16 : i32
        %add3A_1885 = arith.addi %add3A_1883, %add3A_1884 : i32
        %swap3A_1886 = arith.index_cast %add3A_1885 : i32 to index
        %swap3A_1887 = tpu.vector_load %arg15[%swap3A_1886] {strides = array<i32>} : memref<8192xf32, #tpu.memory_space<vmem>>, vector<16xf32>,
        tpu.vector_store %arg15[%swap3A_1886], %sub3A_1881 {strides = array<i32>} : memref<8192xf32, #tpu.memory_space<vmem>>, vector<16xf32>,
        %add3A_1888 = arith.constant 1024 : i32
        %add3A_1889 = arith.addi %mul3A_1402, %add3A_1888 : i32
        %add3A_1890 = arith.constant 64 : i32
        %add3A_1891 = arith.addi %add3A_1889, %add3A_1890 : i32
        %add3A_1892 = arith.constant 16 : i32
        %add3A_1893 = arith.addi %add3A_1891, %add3A_1892 : i32
        %swap3A_1894 = arith.index_cast %add3A_1893 : i32 to index
        %swap3A_1895 = tpu.vector_load %arg15[%swap3A_1894] {strides = array<i32>} : memref<8192xf32, #tpu.memory_space<vmem>>, vector<16xf32>,
        tpu.vector_store %arg15[%swap3A_1894], %get3A_1721 {strides = array<i32>} : memref<8192xf32, #tpu.memory_space<vmem>>, vector<16xf32>,
        %add3A_1896 = arith.constant 9 : i32
        %add3A_1897 = arith.addi %mul3A_1400, %add3A_1896 : i32
        %broadcast_in_dim3A_1898 = vector.broadcast %add3A_1897 : i32 to vector<16xi32>
        %gather3A_1899 = tpu.vector_load_idx %arg14[%broadcast_in_dim3A_1898, %add3A_1724] : memref<64x64xf32, #tpu.memory_space<vmem>>[vector<16xi32>, vector<16xi32>], vector<16xf32>,
        %sub3A_1900 = arith.subf %gather3A_1899, %get3A_1721 : vector<16xf32>
        %add3A_1901 = arith.constant 1152 : i32
        %add3A_1902 = arith.addi %mul3A_1402, %add3A_1901 : i32
        %add3A_1903 = arith.constant 16 : i32
        %add3A_1904 = arith.addi %add3A_1902, %add3A_1903 : i32
        %swap3A_1905 = arith.index_cast %add3A_1904 : i32 to index
        %swap3A_1906 = tpu.vector_load %arg15[%swap3A_1905] {strides = array<i32>} : memref<8192xf32, #tpu.memory_space<vmem>>, vector<16xf32>,
        tpu.vector_store %arg15[%swap3A_1905], %sub3A_1900 {strides = array<i32>} : memref<8192xf32, #tpu.memory_space<vmem>>, vector<16xf32>,
        %add3A_1907 = arith.constant 1152 : i32
        %add3A_1908 = arith.addi %mul3A_1402, %add3A_1907 : i32
        %add3A_1909 = arith.constant 64 : i32
        %add3A_1910 = arith.addi %add3A_1908, %add3A_1909 : i32
        %add3A_1911 = arith.constant 16 : i32
        %add3A_1912 = arith.addi %add3A_1910, %add3A_1911 : i32
        %swap3A_1913 = arith.index_cast %add3A_1912 : i32 to index
        %swap3A_1914 = tpu.vector_load %arg15[%swap3A_1913] {strides = array<i32>} : memref<8192xf32, #tpu.memory_space<vmem>>, vector<16xf32>,
        tpu.vector_store %arg15[%swap3A_1913], %get3A_1721 {strides = array<i32>} : memref<8192xf32, #tpu.memory_space<vmem>>, vector<16xf32>,
        %add3A_1915 = arith.constant 10 : i32
        %add3A_1916 = arith.addi %mul3A_1400, %add3A_1915 : i32
        %broadcast_in_dim3A_1917 = vector.broadcast %add3A_1916 : i32 to vector<16xi32>
        %gather3A_1918 = tpu.vector_load_idx %arg14[%broadcast_in_dim3A_1917, %add3A_1724] : memref<64x64xf32, #tpu.memory_space<vmem>>[vector<16xi32>, vector<16xi32>], vector<16xf32>,
        %sub3A_1919 = arith.subf %gather3A_1918, %get3A_1721 : vector<16xf32>
        %add3A_1920 = arith.constant 1280 : i32
        %add3A_1921 = arith.addi %mul3A_1402, %add3A_1920 : i32
        %add3A_1922 = arith.constant 16 : i32
        %add3A_1923 = arith.addi %add3A_1921, %add3A_1922 : i32
        %swap3A_1924 = arith.index_cast %add3A_1923 : i32 to index
        %swap3A_1925 = tpu.vector_load %arg15[%swap3A_1924] {strides = array<i32>} : memref<8192xf32, #tpu.memory_space<vmem>>, vector<16xf32>,
        tpu.vector_store %arg15[%swap3A_1924], %sub3A_1919 {strides = array<i32>} : memref<8192xf32, #tpu.memory_space<vmem>>, vector<16xf32>,
        %add3A_1926 = arith.constant 1280 : i32
        %add3A_1927 = arith.addi %mul3A_1402, %add3A_1926 : i32
        %add3A_1928 = arith.constant 64 : i32
        %add3A_1929 = arith.addi %add3A_1927, %add3A_1928 : i32
        %add3A_1930 = arith.constant 16 : i32
        %add3A_1931 = arith.addi %add3A_1929, %add3A_1930 : i32
        %swap3A_1932 = arith.index_cast %add3A_1931 : i32 to index
        %swap3A_1933 = tpu.vector_load %arg15[%swap3A_1932] {strides = array<i32>} : memref<8192xf32, #tpu.memory_space<vmem>>, vector<16xf32>,
        tpu.vector_store %arg15[%swap3A_1932], %get3A_1721 {strides = array<i32>} : memref<8192xf32, #tpu.memory_space<vmem>>, vector<16xf32>,
        %add3A_1934 = arith.constant 11 : i32
        %add3A_1935 = arith.addi %mul3A_1400, %add3A_1934 : i32
        %broadcast_in_dim3A_1936 = vector.broadcast %add3A_1935 : i32 to vector<16xi32>
        %gather3A_1937 = tpu.vector_load_idx %arg14[%broadcast_in_dim3A_1936, %add3A_1724] : memref<64x64xf32, #tpu.memory_space<vmem>>[vector<16xi32>, vector<16xi32>], vector<16xf32>,
        %sub3A_1938 = arith.subf %gather3A_1937, %get3A_1721 : vector<16xf32>
        %add3A_1939 = arith.constant 1408 : i32
        %add3A_1940 = arith.addi %mul3A_1402, %add3A_1939 : i32
        %add3A_1941 = arith.constant 16 : i32
        %add3A_1942 = arith.addi %add3A_1940, %add3A_1941 : i32
        %swap3A_1943 = arith.index_cast %add3A_1942 : i32 to index
        %swap3A_1944 = tpu.vector_load %arg15[%swap3A_1943] {strides = array<i32>} : memref<8192xf32, #tpu.memory_space<vmem>>, vector<16xf32>,
        tpu.vector_store %arg15[%swap3A_1943], %sub3A_1938 {strides = array<i32>} : memref<8192xf32, #tpu.memory_space<vmem>>, vector<16xf32>,
        %add3A_1945 = arith.constant 1408 : i32
        %add3A_1946 = arith.addi %mul3A_1402, %add3A_1945 : i32
        %add3A_1947 = arith.constant 64 : i32
        %add3A_1948 = arith.addi %add3A_1946, %add3A_1947 : i32
        %add3A_1949 = arith.constant 16 : i32
        %add3A_1950 = arith.addi %add3A_1948, %add3A_1949 : i32
        %swap3A_1951 = arith.index_cast %add3A_1950 : i32 to index
        %swap3A_1952 = tpu.vector_load %arg15[%swap3A_1951] {strides = array<i32>} : memref<8192xf32, #tpu.memory_space<vmem>>, vector<16xf32>,
        tpu.vector_store %arg15[%swap3A_1951], %get3A_1721 {strides = array<i32>} : memref<8192xf32, #tpu.memory_space<vmem>>, vector<16xf32>,
        %add3A_1953 = arith.constant 12 : i32
        %add3A_1954 = arith.addi %mul3A_1400, %add3A_1953 : i32
        %broadcast_in_dim3A_1955 = vector.broadcast %add3A_1954 : i32 to vector<16xi32>
        %gather3A_1956 = tpu.vector_load_idx %arg14[%broadcast_in_dim3A_1955, %add3A_1724] : memref<64x64xf32, #tpu.memory_space<vmem>>[vector<16xi32>, vector<16xi32>], vector<16xf32>,
        %sub3A_1957 = arith.subf %gather3A_1956, %get3A_1721 : vector<16xf32>
        %add3A_1958 = arith.constant 1536 : i32
        %add3A_1959 = arith.addi %mul3A_1402, %add3A_1958 : i32
        %add3A_1960 = arith.constant 16 : i32
        %add3A_1961 = arith.addi %add3A_1959, %add3A_1960 : i32
        %swap3A_1962 = arith.index_cast %add3A_1961 : i32 to index
        %swap3A_1963 = tpu.vector_load %arg15[%swap3A_1962] {strides = array<i32>} : memref<8192xf32, #tpu.memory_space<vmem>>, vector<16xf32>,
        tpu.vector_store %arg15[%swap3A_1962], %sub3A_1957 {strides = array<i32>} : memref<8192xf32, #tpu.memory_space<vmem>>, vector<16xf32>,
        %add3A_1964 = arith.constant 1536 : i32
        %add3A_1965 = arith.addi %mul3A_1402, %add3A_1964 : i32
        %add3A_1966 = arith.constant 64 : i32
        %add3A_1967 = arith.addi %add3A_1965, %add3A_1966 : i32
        %add3A_1968 = arith.constant 16 : i32
        %add3A_1969 = arith.addi %add3A_1967, %add3A_1968 : i32
        %swap3A_1970 = arith.index_cast %add3A_1969 : i32 to index
        %swap3A_1971 = tpu.vector_load %arg15[%swap3A_1970] {strides = array<i32>} : memref<8192xf32, #tpu.memory_space<vmem>>, vector<16xf32>,
        tpu.vector_store %arg15[%swap3A_1970], %get3A_1721 {strides = array<i32>} : memref<8192xf32, #tpu.memory_space<vmem>>, vector<16xf32>,
        %add3A_1972 = arith.constant 13 : i32
        %add3A_1973 = arith.addi %mul3A_1400, %add3A_1972 : i32
        %broadcast_in_dim3A_1974 = vector.broadcast %add3A_1973 : i32 to vector<16xi32>
        %gather3A_1975 = tpu.vector_load_idx %arg14[%broadcast_in_dim3A_1974, %add3A_1724] : memref<64x64xf32, #tpu.memory_space<vmem>>[vector<16xi32>, vector<16xi32>], vector<16xf32>,
        %sub3A_1976 = arith.subf %gather3A_1975, %get3A_1721 : vector<16xf32>
        %add3A_1977 = arith.constant 1664 : i32
        %add3A_1978 = arith.addi %mul3A_1402, %add3A_1977 : i32
        %add3A_1979 = arith.constant 16 : i32
        %add3A_1980 = arith.addi %add3A_1978, %add3A_1979 : i32
        %swap3A_1981 = arith.index_cast %add3A_1980 : i32 to index
        %swap3A_1982 = tpu.vector_load %arg15[%swap3A_1981] {strides = array<i32>} : memref<8192xf32, #tpu.memory_space<vmem>>, vector<16xf32>,
        tpu.vector_store %arg15[%swap3A_1981], %sub3A_1976 {strides = array<i32>} : memref<8192xf32, #tpu.memory_space<vmem>>, vector<16xf32>,
        %add3A_1983 = arith.constant 1664 : i32
        %add3A_1984 = arith.addi %mul3A_1402, %add3A_1983 : i32
        %add3A_1985 = arith.constant 64 : i32
        %add3A_1986 = arith.addi %add3A_1984, %add3A_1985 : i32
        %add3A_1987 = arith.constant 16 : i32
        %add3A_1988 = arith.addi %add3A_1986, %add3A_1987 : i32
        %swap3A_1989 = arith.index_cast %add3A_1988 : i32 to index
        %swap3A_1990 = tpu.vector_load %arg15[%swap3A_1989] {strides = array<i32>} : memref<8192xf32, #tpu.memory_space<vmem>>, vector<16xf32>,
        tpu.vector_store %arg15[%swap3A_1989], %get3A_1721 {strides = array<i32>} : memref<8192xf32, #tpu.memory_space<vmem>>, vector<16xf32>,
        %add3A_1991 = arith.constant 14 : i32
        %add3A_1992 = arith.addi %mul3A_1400, %add3A_1991 : i32
        %broadcast_in_dim3A_1993 = vector.broadcast %add3A_1992 : i32 to vector<16xi32>
        %gather3A_1994 = tpu.vector_load_idx %arg14[%broadcast_in_dim3A_1993, %add3A_1724] : memref<64x64xf32, #tpu.memory_space<vmem>>[vector<16xi32>, vector<16xi32>], vector<16xf32>,
        %sub3A_1995 = arith.subf %gather3A_1994, %get3A_1721 : vector<16xf32>
        %add3A_1996 = arith.constant 1792 : i32
        %add3A_1997 = arith.addi %mul3A_1402, %add3A_1996 : i32
        %add3A_1998 = arith.constant 16 : i32
        %add3A_1999 = arith.addi %add3A_1997, %add3A_1998 : i32
        %swap3A_2000 = arith.index_cast %add3A_1999 : i32 to index
        %swap3A_2001 = tpu.vector_load %arg15[%swap3A_2000] {strides = array<i32>} : memref<8192xf32, #tpu.memory_space<vmem>>, vector<16xf32>,
        tpu.vector_store %arg15[%swap3A_2000], %sub3A_1995 {strides = array<i32>} : memref<8192xf32, #tpu.memory_space<vmem>>, vector<16xf32>,
        %add3A_2002 = arith.constant 1792 : i32
        %add3A_2003 = arith.addi %mul3A_1402, %add3A_2002 : i32
        %add3A_2004 = arith.constant 64 : i32
        %add3A_2005 = arith.addi %add3A_2003, %add3A_2004 : i32
        %add3A_2006 = arith.constant 16 : i32
        %add3A_2007 = arith.addi %add3A_2005, %add3A_2006 : i32
        %swap3A_2008 = arith.index_cast %add3A_2007 : i32 to index
        %swap3A_2009 = tpu.vector_load %arg15[%swap3A_2008] {strides = array<i32>} : memref<8192xf32, #tpu.memory_space<vmem>>, vector<16xf32>,
        tpu.vector_store %arg15[%swap3A_2008], %get3A_1721 {strides = array<i32>} : memref<8192xf32, #tpu.memory_space<vmem>>, vector<16xf32>,
        %add3A_2010 = arith.constant 15 : i32
        %add3A_2011 = arith.addi %mul3A_1400, %add3A_2010 : i32
        %broadcast_in_dim3A_2012 = vector.broadcast %add3A_2011 : i32 to vector<16xi32>
        %gather3A_2013 = tpu.vector_load_idx %arg14[%broadcast_in_dim3A_2012, %add3A_1724] : memref<64x64xf32, #tpu.memory_space<vmem>>[vector<16xi32>, vector<16xi32>], vector<16xf32>,
        %sub3A_2014 = arith.subf %gather3A_2013, %get3A_1721 : vector<16xf32>
        %add3A_2015 = arith.constant 1920 : i32
        %add3A_2016 = arith.addi %mul3A_1402, %add3A_2015 : i32
        %add3A_2017 = arith.constant 16 : i32
        %add3A_2018 = arith.addi %add3A_2016, %add3A_2017 : i32
        %swap3A_2019 = arith.index_cast %add3A_2018 : i32 to index
        %swap3A_2020 = tpu.vector_load %arg15[%swap3A_2019] {strides = array<i32>} : memref<8192xf32, #tpu.memory_space<vmem>>, vector<16xf32>,
        tpu.vector_store %arg15[%swap3A_2019], %sub3A_2014 {strides = array<i32>} : memref<8192xf32, #tpu.memory_space<vmem>>, vector<16xf32>,
        %add3A_2021 = arith.constant 1920 : i32
        %add3A_2022 = arith.addi %mul3A_1402, %add3A_2021 : i32
        %add3A_2023 = arith.constant 64 : i32
        %add3A_2024 = arith.addi %add3A_2022, %add3A_2023 : i32
        %add3A_2025 = arith.constant 16 : i32
        %add3A_2026 = arith.addi %add3A_2024, %add3A_2025 : i32
        %swap3A_2027 = arith.index_cast %add3A_2026 : i32 to index
        %swap3A_2028 = tpu.vector_load %arg15[%swap3A_2027] {strides = array<i32>} : memref<8192xf32, #tpu.memory_space<vmem>>, vector<16xf32>,
        tpu.vector_store %arg15[%swap3A_2027], %get3A_1721 {strides = array<i32>} : memref<8192xf32, #tpu.memory_space<vmem>>, vector<16xf32>,
        %mul3A_2029 = arith.constant 64 : i32
        %mul3A_2030 = arith.muli %add3A_1396, %mul3A_2029 : i32
        %add3A_2031 = arith.constant 32 : i32
        %add3A_2032 = arith.addi %mul3A_2030, %add3A_2031 : i32
        %get3A_2033 = arith.index_cast %add3A_2032 : i32 to index
        %get3A_2034 = tpu.vector_load %arg9[%get3A_2033] {strides = array<i32>} : memref<16384xf32, #tpu.memory_space<vmem>>, vector<16xf32>,
        %add3A_2035 = arith.constant 32 : i32
        %add3A_2036 = vector.broadcast %add3A_2035 : i32 to vector<16xi32>
        %add3A_2037 = arith.addi %add3A_2036, %iota3A : vector<16xi32>
        %add3A_2038 = arith.constant 0 : i32
        %add3A_2039 = arith.addi %mul3A_1400, %add3A_2038 : i32
        %broadcast_in_dim3A_2040 = vector.broadcast %add3A_2039 : i32 to vector<16xi32>
        %gather3A_2041 = tpu.vector_load_idx %arg14[%broadcast_in_dim3A_2040, %add3A_2037] : memref<64x64xf32, #tpu.memory_space<vmem>>[vector<16xi32>, vector<16xi32>], vector<16xf32>,
        %sub3A_2042 = arith.subf %gather3A_2041, %get3A_2034 : vector<16xf32>
        %add3A_2043 = arith.constant 0 : i32
        %add3A_2044 = arith.addi %mul3A_1402, %add3A_2043 : i32
        %add3A_2045 = arith.constant 32 : i32
        %add3A_2046 = arith.addi %add3A_2044, %add3A_2045 : i32
        %swap3A_2047 = arith.index_cast %add3A_2046 : i32 to index
        %swap3A_2048 = tpu.vector_load %arg15[%swap3A_2047] {strides = array<i32>} : memref<8192xf32, #tpu.memory_space<vmem>>, vector<16xf32>,
        tpu.vector_store %arg15[%swap3A_2047], %sub3A_2042 {strides = array<i32>} : memref<8192xf32, #tpu.memory_space<vmem>>, vector<16xf32>,
        %add3A_2049 = arith.constant 0 : i32
        %add3A_2050 = arith.addi %mul3A_1402, %add3A_2049 : i32
        %add3A_2051 = arith.constant 64 : i32
        %add3A_2052 = arith.addi %add3A_2050, %add3A_2051 : i32
        %add3A_2053 = arith.constant 32 : i32
        %add3A_2054 = arith.addi %add3A_2052, %add3A_2053 : i32
        %swap3A_2055 = arith.index_cast %add3A_2054 : i32 to index
        %swap3A_2056 = tpu.vector_load %arg15[%swap3A_2055] {strides = array<i32>} : memref<8192xf32, #tpu.memory_space<vmem>>, vector<16xf32>,
        tpu.vector_store %arg15[%swap3A_2055], %get3A_2034 {strides = array<i32>} : memref<8192xf32, #tpu.memory_space<vmem>>, vector<16xf32>,
        %add3A_2057 = arith.constant 1 : i32
        %add3A_2058 = arith.addi %mul3A_1400, %add3A_2057 : i32
        %broadcast_in_dim3A_2059 = vector.broadcast %add3A_2058 : i32 to vector<16xi32>
        %gather3A_2060 = tpu.vector_load_idx %arg14[%broadcast_in_dim3A_2059, %add3A_2037] : memref<64x64xf32, #tpu.memory_space<vmem>>[vector<16xi32>, vector<16xi32>], vector<16xf32>,
        %sub3A_2061 = arith.subf %gather3A_2060, %get3A_2034 : vector<16xf32>
        %add3A_2062 = arith.constant 128 : i32
        %add3A_2063 = arith.addi %mul3A_1402, %add3A_2062 : i32
        %add3A_2064 = arith.constant 32 : i32
        %add3A_2065 = arith.addi %add3A_2063, %add3A_2064 : i32
        %swap3A_2066 = arith.index_cast %add3A_2065 : i32 to index
        %swap3A_2067 = tpu.vector_load %arg15[%swap3A_2066] {strides = array<i32>} : memref<8192xf32, #tpu.memory_space<vmem>>, vector<16xf32>,
        tpu.vector_store %arg15[%swap3A_2066], %sub3A_2061 {strides = array<i32>} : memref<8192xf32, #tpu.memory_space<vmem>>, vector<16xf32>,
        %add3A_2068 = arith.constant 128 : i32
        %add3A_2069 = arith.addi %mul3A_1402, %add3A_2068 : i32
        %add3A_2070 = arith.constant 64 : i32
        %add3A_2071 = arith.addi %add3A_2069, %add3A_2070 : i32
        %add3A_2072 = arith.constant 32 : i32
        %add3A_2073 = arith.addi %add3A_2071, %add3A_2072 : i32
        %swap3A_2074 = arith.index_cast %add3A_2073 : i32 to index
        %swap3A_2075 = tpu.vector_load %arg15[%swap3A_2074] {strides = array<i32>} : memref<8192xf32, #tpu.memory_space<vmem>>, vector<16xf32>,
        tpu.vector_store %arg15[%swap3A_2074], %get3A_2034 {strides = array<i32>} : memref<8192xf32, #tpu.memory_space<vmem>>, vector<16xf32>,
        %add3A_2076 = arith.constant 2 : i32
        %add3A_2077 = arith.addi %mul3A_1400, %add3A_2076 : i32
        %broadcast_in_dim3A_2078 = vector.broadcast %add3A_2077 : i32 to vector<16xi32>
        %gather3A_2079 = tpu.vector_load_idx %arg14[%broadcast_in_dim3A_2078, %add3A_2037] : memref<64x64xf32, #tpu.memory_space<vmem>>[vector<16xi32>, vector<16xi32>], vector<16xf32>,
        %sub3A_2080 = arith.subf %gather3A_2079, %get3A_2034 : vector<16xf32>
        %add3A_2081 = arith.constant 256 : i32
        %add3A_2082 = arith.addi %mul3A_1402, %add3A_2081 : i32
        %add3A_2083 = arith.constant 32 : i32
        %add3A_2084 = arith.addi %add3A_2082, %add3A_2083 : i32
        %swap3A_2085 = arith.index_cast %add3A_2084 : i32 to index
        %swap3A_2086 = tpu.vector_load %arg15[%swap3A_2085] {strides = array<i32>} : memref<8192xf32, #tpu.memory_space<vmem>>, vector<16xf32>,
        tpu.vector_store %arg15[%swap3A_2085], %sub3A_2080 {strides = array<i32>} : memref<8192xf32, #tpu.memory_space<vmem>>, vector<16xf32>,
        %add3A_2087 = arith.constant 256 : i32
        %add3A_2088 = arith.addi %mul3A_1402, %add3A_2087 : i32
        %add3A_2089 = arith.constant 64 : i32
        %add3A_2090 = arith.addi %add3A_2088, %add3A_2089 : i32
        %add3A_2091 = arith.constant 32 : i32
        %add3A_2092 = arith.addi %add3A_2090, %add3A_2091 : i32
        %swap3A_2093 = arith.index_cast %add3A_2092 : i32 to index
        %swap3A_2094 = tpu.vector_load %arg15[%swap3A_2093] {strides = array<i32>} : memref<8192xf32, #tpu.memory_space<vmem>>, vector<16xf32>,
        tpu.vector_store %arg15[%swap3A_2093], %get3A_2034 {strides = array<i32>} : memref<8192xf32, #tpu.memory_space<vmem>>, vector<16xf32>,
        %add3A_2095 = arith.constant 3 : i32
        %add3A_2096 = arith.addi %mul3A_1400, %add3A_2095 : i32
        %broadcast_in_dim3A_2097 = vector.broadcast %add3A_2096 : i32 to vector<16xi32>
        %gather3A_2098 = tpu.vector_load_idx %arg14[%broadcast_in_dim3A_2097, %add3A_2037] : memref<64x64xf32, #tpu.memory_space<vmem>>[vector<16xi32>, vector<16xi32>], vector<16xf32>,
        %sub3A_2099 = arith.subf %gather3A_2098, %get3A_2034 : vector<16xf32>
        %add3A_2100 = arith.constant 384 : i32
        %add3A_2101 = arith.addi %mul3A_1402, %add3A_2100 : i32
        %add3A_2102 = arith.constant 32 : i32
        %add3A_2103 = arith.addi %add3A_2101, %add3A_2102 : i32
        %swap3A_2104 = arith.index_cast %add3A_2103 : i32 to index
        %swap3A_2105 = tpu.vector_load %arg15[%swap3A_2104] {strides = array<i32>} : memref<8192xf32, #tpu.memory_space<vmem>>, vector<16xf32>,
        tpu.vector_store %arg15[%swap3A_2104], %sub3A_2099 {strides = array<i32>} : memref<8192xf32, #tpu.memory_space<vmem>>, vector<16xf32>,
        %add3A_2106 = arith.constant 384 : i32
        %add3A_2107 = arith.addi %mul3A_1402, %add3A_2106 : i32
        %add3A_2108 = arith.constant 64 : i32
        %add3A_2109 = arith.addi %add3A_2107, %add3A_2108 : i32
        %add3A_2110 = arith.constant 32 : i32
        %add3A_2111 = arith.addi %add3A_2109, %add3A_2110 : i32
        %swap3A_2112 = arith.index_cast %add3A_2111 : i32 to index
        %swap3A_2113 = tpu.vector_load %arg15[%swap3A_2112] {strides = array<i32>} : memref<8192xf32, #tpu.memory_space<vmem>>, vector<16xf32>,
        tpu.vector_store %arg15[%swap3A_2112], %get3A_2034 {strides = array<i32>} : memref<8192xf32, #tpu.memory_space<vmem>>, vector<16xf32>,
        %add3A_2114 = arith.constant 4 : i32
        %add3A_2115 = arith.addi %mul3A_1400, %add3A_2114 : i32
        %broadcast_in_dim3A_2116 = vector.broadcast %add3A_2115 : i32 to vector<16xi32>
        %gather3A_2117 = tpu.vector_load_idx %arg14[%broadcast_in_dim3A_2116, %add3A_2037] : memref<64x64xf32, #tpu.memory_space<vmem>>[vector<16xi32>, vector<16xi32>], vector<16xf32>,
        %sub3A_2118 = arith.subf %gather3A_2117, %get3A_2034 : vector<16xf32>
        %add3A_2119 = arith.constant 512 : i32
        %add3A_2120 = arith.addi %mul3A_1402, %add3A_2119 : i32
        %add3A_2121 = arith.constant 32 : i32
        %add3A_2122 = arith.addi %add3A_2120, %add3A_2121 : i32
        %swap3A_2123 = arith.index_cast %add3A_2122 : i32 to index
        %swap3A_2124 = tpu.vector_load %arg15[%swap3A_2123] {strides = array<i32>} : memref<8192xf32, #tpu.memory_space<vmem>>, vector<16xf32>,
        tpu.vector_store %arg15[%swap3A_2123], %sub3A_2118 {strides = array<i32>} : memref<8192xf32, #tpu.memory_space<vmem>>, vector<16xf32>,
        %add3A_2125 = arith.constant 512 : i32
        %add3A_2126 = arith.addi %mul3A_1402, %add3A_2125 : i32
        %add3A_2127 = arith.constant 64 : i32
        %add3A_2128 = arith.addi %add3A_2126, %add3A_2127 : i32
        %add3A_2129 = arith.constant 32 : i32
        %add3A_2130 = arith.addi %add3A_2128, %add3A_2129 : i32
        %swap3A_2131 = arith.index_cast %add3A_2130 : i32 to index
        %swap3A_2132 = tpu.vector_load %arg15[%swap3A_2131] {strides = array<i32>} : memref<8192xf32, #tpu.memory_space<vmem>>, vector<16xf32>,
        tpu.vector_store %arg15[%swap3A_2131], %get3A_2034 {strides = array<i32>} : memref<8192xf32, #tpu.memory_space<vmem>>, vector<16xf32>,
        %add3A_2133 = arith.constant 5 : i32
        %add3A_2134 = arith.addi %mul3A_1400, %add3A_2133 : i32
        %broadcast_in_dim3A_2135 = vector.broadcast %add3A_2134 : i32 to vector<16xi32>
        %gather3A_2136 = tpu.vector_load_idx %arg14[%broadcast_in_dim3A_2135, %add3A_2037] : memref<64x64xf32, #tpu.memory_space<vmem>>[vector<16xi32>, vector<16xi32>], vector<16xf32>,
        %sub3A_2137 = arith.subf %gather3A_2136, %get3A_2034 : vector<16xf32>
        %add3A_2138 = arith.constant 640 : i32
        %add3A_2139 = arith.addi %mul3A_1402, %add3A_2138 : i32
        %add3A_2140 = arith.constant 32 : i32
        %add3A_2141 = arith.addi %add3A_2139, %add3A_2140 : i32
        %swap3A_2142 = arith.index_cast %add3A_2141 : i32 to index
        %swap3A_2143 = tpu.vector_load %arg15[%swap3A_2142] {strides = array<i32>} : memref<8192xf32, #tpu.memory_space<vmem>>, vector<16xf32>,
        tpu.vector_store %arg15[%swap3A_2142], %sub3A_2137 {strides = array<i32>} : memref<8192xf32, #tpu.memory_space<vmem>>, vector<16xf32>,
        %add3A_2144 = arith.constant 640 : i32
        %add3A_2145 = arith.addi %mul3A_1402, %add3A_2144 : i32
        %add3A_2146 = arith.constant 64 : i32
        %add3A_2147 = arith.addi %add3A_2145, %add3A_2146 : i32
        %add3A_2148 = arith.constant 32 : i32
        %add3A_2149 = arith.addi %add3A_2147, %add3A_2148 : i32
        %swap3A_2150 = arith.index_cast %add3A_2149 : i32 to index
        %swap3A_2151 = tpu.vector_load %arg15[%swap3A_2150] {strides = array<i32>} : memref<8192xf32, #tpu.memory_space<vmem>>, vector<16xf32>,
        tpu.vector_store %arg15[%swap3A_2150], %get3A_2034 {strides = array<i32>} : memref<8192xf32, #tpu.memory_space<vmem>>, vector<16xf32>,
        %add3A_2152 = arith.constant 6 : i32
        %add3A_2153 = arith.addi %mul3A_1400, %add3A_2152 : i32
        %broadcast_in_dim3A_2154 = vector.broadcast %add3A_2153 : i32 to vector<16xi32>
        %gather3A_2155 = tpu.vector_load_idx %arg14[%broadcast_in_dim3A_2154, %add3A_2037] : memref<64x64xf32, #tpu.memory_space<vmem>>[vector<16xi32>, vector<16xi32>], vector<16xf32>,
        %sub3A_2156 = arith.subf %gather3A_2155, %get3A_2034 : vector<16xf32>
        %add3A_2157 = arith.constant 768 : i32
        %add3A_2158 = arith.addi %mul3A_1402, %add3A_2157 : i32
        %add3A_2159 = arith.constant 32 : i32
        %add3A_2160 = arith.addi %add3A_2158, %add3A_2159 : i32
        %swap3A_2161 = arith.index_cast %add3A_2160 : i32 to index
        %swap3A_2162 = tpu.vector_load %arg15[%swap3A_2161] {strides = array<i32>} : memref<8192xf32, #tpu.memory_space<vmem>>, vector<16xf32>,
        tpu.vector_store %arg15[%swap3A_2161], %sub3A_2156 {strides = array<i32>} : memref<8192xf32, #tpu.memory_space<vmem>>, vector<16xf32>,
        %add3A_2163 = arith.constant 768 : i32
        %add3A_2164 = arith.addi %mul3A_1402, %add3A_2163 : i32
        %add3A_2165 = arith.constant 64 : i32
        %add3A_2166 = arith.addi %add3A_2164, %add3A_2165 : i32
        %add3A_2167 = arith.constant 32 : i32
        %add3A_2168 = arith.addi %add3A_2166, %add3A_2167 : i32
        %swap3A_2169 = arith.index_cast %add3A_2168 : i32 to index
        %swap3A_2170 = tpu.vector_load %arg15[%swap3A_2169] {strides = array<i32>} : memref<8192xf32, #tpu.memory_space<vmem>>, vector<16xf32>,
        tpu.vector_store %arg15[%swap3A_2169], %get3A_2034 {strides = array<i32>} : memref<8192xf32, #tpu.memory_space<vmem>>, vector<16xf32>,
        %add3A_2171 = arith.constant 7 : i32
        %add3A_2172 = arith.addi %mul3A_1400, %add3A_2171 : i32
        %broadcast_in_dim3A_2173 = vector.broadcast %add3A_2172 : i32 to vector<16xi32>
        %gather3A_2174 = tpu.vector_load_idx %arg14[%broadcast_in_dim3A_2173, %add3A_2037] : memref<64x64xf32, #tpu.memory_space<vmem>>[vector<16xi32>, vector<16xi32>], vector<16xf32>,
        %sub3A_2175 = arith.subf %gather3A_2174, %get3A_2034 : vector<16xf32>
        %add3A_2176 = arith.constant 896 : i32
        %add3A_2177 = arith.addi %mul3A_1402, %add3A_2176 : i32
        %add3A_2178 = arith.constant 32 : i32
        %add3A_2179 = arith.addi %add3A_2177, %add3A_2178 : i32
        %swap3A_2180 = arith.index_cast %add3A_2179 : i32 to index
        %swap3A_2181 = tpu.vector_load %arg15[%swap3A_2180] {strides = array<i32>} : memref<8192xf32, #tpu.memory_space<vmem>>, vector<16xf32>,
        tpu.vector_store %arg15[%swap3A_2180], %sub3A_2175 {strides = array<i32>} : memref<8192xf32, #tpu.memory_space<vmem>>, vector<16xf32>,
        %add3A_2182 = arith.constant 896 : i32
        %add3A_2183 = arith.addi %mul3A_1402, %add3A_2182 : i32
        %add3A_2184 = arith.constant 64 : i32
        %add3A_2185 = arith.addi %add3A_2183, %add3A_2184 : i32
        %add3A_2186 = arith.constant 32 : i32
        %add3A_2187 = arith.addi %add3A_2185, %add3A_2186 : i32
        %swap3A_2188 = arith.index_cast %add3A_2187 : i32 to index
        %swap3A_2189 = tpu.vector_load %arg15[%swap3A_2188] {strides = array<i32>} : memref<8192xf32, #tpu.memory_space<vmem>>, vector<16xf32>,
        tpu.vector_store %arg15[%swap3A_2188], %get3A_2034 {strides = array<i32>} : memref<8192xf32, #tpu.memory_space<vmem>>, vector<16xf32>,
        %add3A_2190 = arith.constant 8 : i32
        %add3A_2191 = arith.addi %mul3A_1400, %add3A_2190 : i32
        %broadcast_in_dim3A_2192 = vector.broadcast %add3A_2191 : i32 to vector<16xi32>
        %gather3A_2193 = tpu.vector_load_idx %arg14[%broadcast_in_dim3A_2192, %add3A_2037] : memref<64x64xf32, #tpu.memory_space<vmem>>[vector<16xi32>, vector<16xi32>], vector<16xf32>,
        %sub3A_2194 = arith.subf %gather3A_2193, %get3A_2034 : vector<16xf32>
        %add3A_2195 = arith.constant 1024 : i32
        %add3A_2196 = arith.addi %mul3A_1402, %add3A_2195 : i32
        %add3A_2197 = arith.constant 32 : i32
        %add3A_2198 = arith.addi %add3A_2196, %add3A_2197 : i32
        %swap3A_2199 = arith.index_cast %add3A_2198 : i32 to index
        %swap3A_2200 = tpu.vector_load %arg15[%swap3A_2199] {strides = array<i32>} : memref<8192xf32, #tpu.memory_space<vmem>>, vector<16xf32>,
        tpu.vector_store %arg15[%swap3A_2199], %sub3A_2194 {strides = array<i32>} : memref<8192xf32, #tpu.memory_space<vmem>>, vector<16xf32>,
        %add3A_2201 = arith.constant 1024 : i32
        %add3A_2202 = arith.addi %mul3A_1402, %add3A_2201 : i32
        %add3A_2203 = arith.constant 64 : i32
        %add3A_2204 = arith.addi %add3A_2202, %add3A_2203 : i32
        %add3A_2205 = arith.constant 32 : i32
        %add3A_2206 = arith.addi %add3A_2204, %add3A_2205 : i32
        %swap3A_2207 = arith.index_cast %add3A_2206 : i32 to index
        %swap3A_2208 = tpu.vector_load %arg15[%swap3A_2207] {strides = array<i32>} : memref<8192xf32, #tpu.memory_space<vmem>>, vector<16xf32>,
        tpu.vector_store %arg15[%swap3A_2207], %get3A_2034 {strides = array<i32>} : memref<8192xf32, #tpu.memory_space<vmem>>, vector<16xf32>,
        %add3A_2209 = arith.constant 9 : i32
        %add3A_2210 = arith.addi %mul3A_1400, %add3A_2209 : i32
        %broadcast_in_dim3A_2211 = vector.broadcast %add3A_2210 : i32 to vector<16xi32>
        %gather3A_2212 = tpu.vector_load_idx %arg14[%broadcast_in_dim3A_2211, %add3A_2037] : memref<64x64xf32, #tpu.memory_space<vmem>>[vector<16xi32>, vector<16xi32>], vector<16xf32>,
        %sub3A_2213 = arith.subf %gather3A_2212, %get3A_2034 : vector<16xf32>
        %add3A_2214 = arith.constant 1152 : i32
        %add3A_2215 = arith.addi %mul3A_1402, %add3A_2214 : i32
        %add3A_2216 = arith.constant 32 : i32
        %add3A_2217 = arith.addi %add3A_2215, %add3A_2216 : i32
        %swap3A_2218 = arith.index_cast %add3A_2217 : i32 to index
        %swap3A_2219 = tpu.vector_load %arg15[%swap3A_2218] {strides = array<i32>} : memref<8192xf32, #tpu.memory_space<vmem>>, vector<16xf32>,
        tpu.vector_store %arg15[%swap3A_2218], %sub3A_2213 {strides = array<i32>} : memref<8192xf32, #tpu.memory_space<vmem>>, vector<16xf32>,
        %add3A_2220 = arith.constant 1152 : i32
        %add3A_2221 = arith.addi %mul3A_1402, %add3A_2220 : i32
        %add3A_2222 = arith.constant 64 : i32
        %add3A_2223 = arith.addi %add3A_2221, %add3A_2222 : i32
        %add3A_2224 = arith.constant 32 : i32
        %add3A_2225 = arith.addi %add3A_2223, %add3A_2224 : i32
        %swap3A_2226 = arith.index_cast %add3A_2225 : i32 to index
        %swap3A_2227 = tpu.vector_load %arg15[%swap3A_2226] {strides = array<i32>} : memref<8192xf32, #tpu.memory_space<vmem>>, vector<16xf32>,
        tpu.vector_store %arg15[%swap3A_2226], %get3A_2034 {strides = array<i32>} : memref<8192xf32, #tpu.memory_space<vmem>>, vector<16xf32>,
        %add3A_2228 = arith.constant 10 : i32
        %add3A_2229 = arith.addi %mul3A_1400, %add3A_2228 : i32
        %broadcast_in_dim3A_2230 = vector.broadcast %add3A_2229 : i32 to vector<16xi32>
        %gather3A_2231 = tpu.vector_load_idx %arg14[%broadcast_in_dim3A_2230, %add3A_2037] : memref<64x64xf32, #tpu.memory_space<vmem>>[vector<16xi32>, vector<16xi32>], vector<16xf32>,
        %sub3A_2232 = arith.subf %gather3A_2231, %get3A_2034 : vector<16xf32>
        %add3A_2233 = arith.constant 1280 : i32
        %add3A_2234 = arith.addi %mul3A_1402, %add3A_2233 : i32
        %add3A_2235 = arith.constant 32 : i32
        %add3A_2236 = arith.addi %add3A_2234, %add3A_2235 : i32
        %swap3A_2237 = arith.index_cast %add3A_2236 : i32 to index
        %swap3A_2238 = tpu.vector_load %arg15[%swap3A_2237] {strides = array<i32>} : memref<8192xf32, #tpu.memory_space<vmem>>, vector<16xf32>,
        tpu.vector_store %arg15[%swap3A_2237], %sub3A_2232 {strides = array<i32>} : memref<8192xf32, #tpu.memory_space<vmem>>, vector<16xf32>,
        %add3A_2239 = arith.constant 1280 : i32
        %add3A_2240 = arith.addi %mul3A_1402, %add3A_2239 : i32
        %add3A_2241 = arith.constant 64 : i32
        %add3A_2242 = arith.addi %add3A_2240, %add3A_2241 : i32
        %add3A_2243 = arith.constant 32 : i32
        %add3A_2244 = arith.addi %add3A_2242, %add3A_2243 : i32
        %swap3A_2245 = arith.index_cast %add3A_2244 : i32 to index
        %swap3A_2246 = tpu.vector_load %arg15[%swap3A_2245] {strides = array<i32>} : memref<8192xf32, #tpu.memory_space<vmem>>, vector<16xf32>,
        tpu.vector_store %arg15[%swap3A_2245], %get3A_2034 {strides = array<i32>} : memref<8192xf32, #tpu.memory_space<vmem>>, vector<16xf32>,
        %add3A_2247 = arith.constant 11 : i32
        %add3A_2248 = arith.addi %mul3A_1400, %add3A_2247 : i32
        %broadcast_in_dim3A_2249 = vector.broadcast %add3A_2248 : i32 to vector<16xi32>
        %gather3A_2250 = tpu.vector_load_idx %arg14[%broadcast_in_dim3A_2249, %add3A_2037] : memref<64x64xf32, #tpu.memory_space<vmem>>[vector<16xi32>, vector<16xi32>], vector<16xf32>,
        %sub3A_2251 = arith.subf %gather3A_2250, %get3A_2034 : vector<16xf32>
        %add3A_2252 = arith.constant 1408 : i32
        %add3A_2253 = arith.addi %mul3A_1402, %add3A_2252 : i32
        %add3A_2254 = arith.constant 32 : i32
        %add3A_2255 = arith.addi %add3A_2253, %add3A_2254 : i32
        %swap3A_2256 = arith.index_cast %add3A_2255 : i32 to index
        %swap3A_2257 = tpu.vector_load %arg15[%swap3A_2256] {strides = array<i32>} : memref<8192xf32, #tpu.memory_space<vmem>>, vector<16xf32>,
        tpu.vector_store %arg15[%swap3A_2256], %sub3A_2251 {strides = array<i32>} : memref<8192xf32, #tpu.memory_space<vmem>>, vector<16xf32>,
        %add3A_2258 = arith.constant 1408 : i32
        %add3A_2259 = arith.addi %mul3A_1402, %add3A_2258 : i32
        %add3A_2260 = arith.constant 64 : i32
        %add3A_2261 = arith.addi %add3A_2259, %add3A_2260 : i32
        %add3A_2262 = arith.constant 32 : i32
        %add3A_2263 = arith.addi %add3A_2261, %add3A_2262 : i32
        %swap3A_2264 = arith.index_cast %add3A_2263 : i32 to index
        %swap3A_2265 = tpu.vector_load %arg15[%swap3A_2264] {strides = array<i32>} : memref<8192xf32, #tpu.memory_space<vmem>>, vector<16xf32>,
        tpu.vector_store %arg15[%swap3A_2264], %get3A_2034 {strides = array<i32>} : memref<8192xf32, #tpu.memory_space<vmem>>, vector<16xf32>,
        %add3A_2266 = arith.constant 12 : i32
        %add3A_2267 = arith.addi %mul3A_1400, %add3A_2266 : i32
        %broadcast_in_dim3A_2268 = vector.broadcast %add3A_2267 : i32 to vector<16xi32>
        %gather3A_2269 = tpu.vector_load_idx %arg14[%broadcast_in_dim3A_2268, %add3A_2037] : memref<64x64xf32, #tpu.memory_space<vmem>>[vector<16xi32>, vector<16xi32>], vector<16xf32>,
        %sub3A_2270 = arith.subf %gather3A_2269, %get3A_2034 : vector<16xf32>
        %add3A_2271 = arith.constant 1536 : i32
        %add3A_2272 = arith.addi %mul3A_1402, %add3A_2271 : i32
        %add3A_2273 = arith.constant 32 : i32
        %add3A_2274 = arith.addi %add3A_2272, %add3A_2273 : i32
        %swap3A_2275 = arith.index_cast %add3A_2274 : i32 to index
        %swap3A_2276 = tpu.vector_load %arg15[%swap3A_2275] {strides = array<i32>} : memref<8192xf32, #tpu.memory_space<vmem>>, vector<16xf32>,
        tpu.vector_store %arg15[%swap3A_2275], %sub3A_2270 {strides = array<i32>} : memref<8192xf32, #tpu.memory_space<vmem>>, vector<16xf32>,
        %add3A_2277 = arith.constant 1536 : i32
        %add3A_2278 = arith.addi %mul3A_1402, %add3A_2277 : i32
        %add3A_2279 = arith.constant 64 : i32
        %add3A_2280 = arith.addi %add3A_2278, %add3A_2279 : i32
        %add3A_2281 = arith.constant 32 : i32
        %add3A_2282 = arith.addi %add3A_2280, %add3A_2281 : i32
        %swap3A_2283 = arith.index_cast %add3A_2282 : i32 to index
        %swap3A_2284 = tpu.vector_load %arg15[%swap3A_2283] {strides = array<i32>} : memref<8192xf32, #tpu.memory_space<vmem>>, vector<16xf32>,
        tpu.vector_store %arg15[%swap3A_2283], %get3A_2034 {strides = array<i32>} : memref<8192xf32, #tpu.memory_space<vmem>>, vector<16xf32>,
        %add3A_2285 = arith.constant 13 : i32
        %add3A_2286 = arith.addi %mul3A_1400, %add3A_2285 : i32
        %broadcast_in_dim3A_2287 = vector.broadcast %add3A_2286 : i32 to vector<16xi32>
        %gather3A_2288 = tpu.vector_load_idx %arg14[%broadcast_in_dim3A_2287, %add3A_2037] : memref<64x64xf32, #tpu.memory_space<vmem>>[vector<16xi32>, vector<16xi32>], vector<16xf32>,
        %sub3A_2289 = arith.subf %gather3A_2288, %get3A_2034 : vector<16xf32>
        %add3A_2290 = arith.constant 1664 : i32
        %add3A_2291 = arith.addi %mul3A_1402, %add3A_2290 : i32
        %add3A_2292 = arith.constant 32 : i32
        %add3A_2293 = arith.addi %add3A_2291, %add3A_2292 : i32
        %swap3A_2294 = arith.index_cast %add3A_2293 : i32 to index
        %swap3A_2295 = tpu.vector_load %arg15[%swap3A_2294] {strides = array<i32>} : memref<8192xf32, #tpu.memory_space<vmem>>, vector<16xf32>,
        tpu.vector_store %arg15[%swap3A_2294], %sub3A_2289 {strides = array<i32>} : memref<8192xf32, #tpu.memory_space<vmem>>, vector<16xf32>,
        %add3A_2296 = arith.constant 1664 : i32
        %add3A_2297 = arith.addi %mul3A_1402, %add3A_2296 : i32
        %add3A_2298 = arith.constant 64 : i32
        %add3A_2299 = arith.addi %add3A_2297, %add3A_2298 : i32
        %add3A_2300 = arith.constant 32 : i32
        %add3A_2301 = arith.addi %add3A_2299, %add3A_2300 : i32
        %swap3A_2302 = arith.index_cast %add3A_2301 : i32 to index
        %swap3A_2303 = tpu.vector_load %arg15[%swap3A_2302] {strides = array<i32>} : memref<8192xf32, #tpu.memory_space<vmem>>, vector<16xf32>,
        tpu.vector_store %arg15[%swap3A_2302], %get3A_2034 {strides = array<i32>} : memref<8192xf32, #tpu.memory_space<vmem>>, vector<16xf32>,
        %add3A_2304 = arith.constant 14 : i32
        %add3A_2305 = arith.addi %mul3A_1400, %add3A_2304 : i32
        %broadcast_in_dim3A_2306 = vector.broadcast %add3A_2305 : i32 to vector<16xi32>
        %gather3A_2307 = tpu.vector_load_idx %arg14[%broadcast_in_dim3A_2306, %add3A_2037] : memref<64x64xf32, #tpu.memory_space<vmem>>[vector<16xi32>, vector<16xi32>], vector<16xf32>,
        %sub3A_2308 = arith.subf %gather3A_2307, %get3A_2034 : vector<16xf32>
        %add3A_2309 = arith.constant 1792 : i32
        %add3A_2310 = arith.addi %mul3A_1402, %add3A_2309 : i32
        %add3A_2311 = arith.constant 32 : i32
        %add3A_2312 = arith.addi %add3A_2310, %add3A_2311 : i32
        %swap3A_2313 = arith.index_cast %add3A_2312 : i32 to index
        %swap3A_2314 = tpu.vector_load %arg15[%swap3A_2313] {strides = array<i32>} : memref<8192xf32, #tpu.memory_space<vmem>>, vector<16xf32>,
        tpu.vector_store %arg15[%swap3A_2313], %sub3A_2308 {strides = array<i32>} : memref<8192xf32, #tpu.memory_space<vmem>>, vector<16xf32>,
        %add3A_2315 = arith.constant 1792 : i32
        %add3A_2316 = arith.addi %mul3A_1402, %add3A_2315 : i32
        %add3A_2317 = arith.constant 64 : i32
        %add3A_2318 = arith.addi %add3A_2316, %add3A_2317 : i32
        %add3A_2319 = arith.constant 32 : i32
        %add3A_2320 = arith.addi %add3A_2318, %add3A_2319 : i32
        %swap3A_2321 = arith.index_cast %add3A_2320 : i32 to index
        %swap3A_2322 = tpu.vector_load %arg15[%swap3A_2321] {strides = array<i32>} : memref<8192xf32, #tpu.memory_space<vmem>>, vector<16xf32>,
        tpu.vector_store %arg15[%swap3A_2321], %get3A_2034 {strides = array<i32>} : memref<8192xf32, #tpu.memory_space<vmem>>, vector<16xf32>,
        %add3A_2323 = arith.constant 15 : i32
        %add3A_2324 = arith.addi %mul3A_1400, %add3A_2323 : i32
        %broadcast_in_dim3A_2325 = vector.broadcast %add3A_2324 : i32 to vector<16xi32>
        %gather3A_2326 = tpu.vector_load_idx %arg14[%broadcast_in_dim3A_2325, %add3A_2037] : memref<64x64xf32, #tpu.memory_space<vmem>>[vector<16xi32>, vector<16xi32>], vector<16xf32>,
        %sub3A_2327 = arith.subf %gather3A_2326, %get3A_2034 : vector<16xf32>
        %add3A_2328 = arith.constant 1920 : i32
        %add3A_2329 = arith.addi %mul3A_1402, %add3A_2328 : i32
        %add3A_2330 = arith.constant 32 : i32
        %add3A_2331 = arith.addi %add3A_2329, %add3A_2330 : i32
        %swap3A_2332 = arith.index_cast %add3A_2331 : i32 to index
        %swap3A_2333 = tpu.vector_load %arg15[%swap3A_2332] {strides = array<i32>} : memref<8192xf32, #tpu.memory_space<vmem>>, vector<16xf32>,
        tpu.vector_store %arg15[%swap3A_2332], %sub3A_2327 {strides = array<i32>} : memref<8192xf32, #tpu.memory_space<vmem>>, vector<16xf32>,
        %add3A_2334 = arith.constant 1920 : i32
        %add3A_2335 = arith.addi %mul3A_1402, %add3A_2334 : i32
        %add3A_2336 = arith.constant 64 : i32
        %add3A_2337 = arith.addi %add3A_2335, %add3A_2336 : i32
        %add3A_2338 = arith.constant 32 : i32
        %add3A_2339 = arith.addi %add3A_2337, %add3A_2338 : i32
        %swap3A_2340 = arith.index_cast %add3A_2339 : i32 to index
        %swap3A_2341 = tpu.vector_load %arg15[%swap3A_2340] {strides = array<i32>} : memref<8192xf32, #tpu.memory_space<vmem>>, vector<16xf32>,
        tpu.vector_store %arg15[%swap3A_2340], %get3A_2034 {strides = array<i32>} : memref<8192xf32, #tpu.memory_space<vmem>>, vector<16xf32>,
        %mul3A_2342 = arith.constant 64 : i32
        %mul3A_2343 = arith.muli %add3A_1396, %mul3A_2342 : i32
        %add3A_2344 = arith.constant 48 : i32
        %add3A_2345 = arith.addi %mul3A_2343, %add3A_2344 : i32
        %get3A_2346 = arith.index_cast %add3A_2345 : i32 to index
        %get3A_2347 = tpu.vector_load %arg9[%get3A_2346] {strides = array<i32>} : memref<16384xf32, #tpu.memory_space<vmem>>, vector<16xf32>,
        %add3A_2348 = arith.constant 48 : i32
        %add3A_2349 = vector.broadcast %add3A_2348 : i32 to vector<16xi32>
        %add3A_2350 = arith.addi %add3A_2349, %iota3A : vector<16xi32>
        %add3A_2351 = arith.constant 0 : i32
        %add3A_2352 = arith.addi %mul3A_1400, %add3A_2351 : i32
        %broadcast_in_dim3A_2353 = vector.broadcast %add3A_2352 : i32 to vector<16xi32>
        %gather3A_2354 = tpu.vector_load_idx %arg14[%broadcast_in_dim3A_2353, %add3A_2350] : memref<64x64xf32, #tpu.memory_space<vmem>>[vector<16xi32>, vector<16xi32>], vector<16xf32>,
        %sub3A_2355 = arith.subf %gather3A_2354, %get3A_2347 : vector<16xf32>
        %add3A_2356 = arith.constant 0 : i32
        %add3A_2357 = arith.addi %mul3A_1402, %add3A_2356 : i32
        %add3A_2358 = arith.constant 48 : i32
        %add3A_2359 = arith.addi %add3A_2357, %add3A_2358 : i32
        %swap3A_2360 = arith.index_cast %add3A_2359 : i32 to index
        %swap3A_2361 = tpu.vector_load %arg15[%swap3A_2360] {strides = array<i32>} : memref<8192xf32, #tpu.memory_space<vmem>>, vector<16xf32>,
        tpu.vector_store %arg15[%swap3A_2360], %sub3A_2355 {strides = array<i32>} : memref<8192xf32, #tpu.memory_space<vmem>>, vector<16xf32>,
        %add3A_2362 = arith.constant 0 : i32
        %add3A_2363 = arith.addi %mul3A_1402, %add3A_2362 : i32
        %add3A_2364 = arith.constant 64 : i32
        %add3A_2365 = arith.addi %add3A_2363, %add3A_2364 : i32
        %add3A_2366 = arith.constant 48 : i32
        %add3A_2367 = arith.addi %add3A_2365, %add3A_2366 : i32
        %swap3A_2368 = arith.index_cast %add3A_2367 : i32 to index
        %swap3A_2369 = tpu.vector_load %arg15[%swap3A_2368] {strides = array<i32>} : memref<8192xf32, #tpu.memory_space<vmem>>, vector<16xf32>,
        tpu.vector_store %arg15[%swap3A_2368], %get3A_2347 {strides = array<i32>} : memref<8192xf32, #tpu.memory_space<vmem>>, vector<16xf32>,
        %add3A_2370 = arith.constant 1 : i32
        %add3A_2371 = arith.addi %mul3A_1400, %add3A_2370 : i32
        %broadcast_in_dim3A_2372 = vector.broadcast %add3A_2371 : i32 to vector<16xi32>
        %gather3A_2373 = tpu.vector_load_idx %arg14[%broadcast_in_dim3A_2372, %add3A_2350] : memref<64x64xf32, #tpu.memory_space<vmem>>[vector<16xi32>, vector<16xi32>], vector<16xf32>,
        %sub3A_2374 = arith.subf %gather3A_2373, %get3A_2347 : vector<16xf32>
        %add3A_2375 = arith.constant 128 : i32
        %add3A_2376 = arith.addi %mul3A_1402, %add3A_2375 : i32
        %add3A_2377 = arith.constant 48 : i32
        %add3A_2378 = arith.addi %add3A_2376, %add3A_2377 : i32
        %swap3A_2379 = arith.index_cast %add3A_2378 : i32 to index
        %swap3A_2380 = tpu.vector_load %arg15[%swap3A_2379] {strides = array<i32>} : memref<8192xf32, #tpu.memory_space<vmem>>, vector<16xf32>,
        tpu.vector_store %arg15[%swap3A_2379], %sub3A_2374 {strides = array<i32>} : memref<8192xf32, #tpu.memory_space<vmem>>, vector<16xf32>,
        %add3A_2381 = arith.constant 128 : i32
        %add3A_2382 = arith.addi %mul3A_1402, %add3A_2381 : i32
        %add3A_2383 = arith.constant 64 : i32
        %add3A_2384 = arith.addi %add3A_2382, %add3A_2383 : i32
        %add3A_2385 = arith.constant 48 : i32
        %add3A_2386 = arith.addi %add3A_2384, %add3A_2385 : i32
        %swap3A_2387 = arith.index_cast %add3A_2386 : i32 to index
        %swap3A_2388 = tpu.vector_load %arg15[%swap3A_2387] {strides = array<i32>} : memref<8192xf32, #tpu.memory_space<vmem>>, vector<16xf32>,
        tpu.vector_store %arg15[%swap3A_2387], %get3A_2347 {strides = array<i32>} : memref<8192xf32, #tpu.memory_space<vmem>>, vector<16xf32>,
        %add3A_2389 = arith.constant 2 : i32
        %add3A_2390 = arith.addi %mul3A_1400, %add3A_2389 : i32
        %broadcast_in_dim3A_2391 = vector.broadcast %add3A_2390 : i32 to vector<16xi32>
        %gather3A_2392 = tpu.vector_load_idx %arg14[%broadcast_in_dim3A_2391, %add3A_2350] : memref<64x64xf32, #tpu.memory_space<vmem>>[vector<16xi32>, vector<16xi32>], vector<16xf32>,
        %sub3A_2393 = arith.subf %gather3A_2392, %get3A_2347 : vector<16xf32>
        %add3A_2394 = arith.constant 256 : i32
        %add3A_2395 = arith.addi %mul3A_1402, %add3A_2394 : i32
        %add3A_2396 = arith.constant 48 : i32
        %add3A_2397 = arith.addi %add3A_2395, %add3A_2396 : i32
        %swap3A_2398 = arith.index_cast %add3A_2397 : i32 to index
        %swap3A_2399 = tpu.vector_load %arg15[%swap3A_2398] {strides = array<i32>} : memref<8192xf32, #tpu.memory_space<vmem>>, vector<16xf32>,
        tpu.vector_store %arg15[%swap3A_2398], %sub3A_2393 {strides = array<i32>} : memref<8192xf32, #tpu.memory_space<vmem>>, vector<16xf32>,
        %add3A_2400 = arith.constant 256 : i32
        %add3A_2401 = arith.addi %mul3A_1402, %add3A_2400 : i32
        %add3A_2402 = arith.constant 64 : i32
        %add3A_2403 = arith.addi %add3A_2401, %add3A_2402 : i32
        %add3A_2404 = arith.constant 48 : i32
        %add3A_2405 = arith.addi %add3A_2403, %add3A_2404 : i32
        %swap3A_2406 = arith.index_cast %add3A_2405 : i32 to index
        %swap3A_2407 = tpu.vector_load %arg15[%swap3A_2406] {strides = array<i32>} : memref<8192xf32, #tpu.memory_space<vmem>>, vector<16xf32>,
        tpu.vector_store %arg15[%swap3A_2406], %get3A_2347 {strides = array<i32>} : memref<8192xf32, #tpu.memory_space<vmem>>, vector<16xf32>,
        %add3A_2408 = arith.constant 3 : i32
        %add3A_2409 = arith.addi %mul3A_1400, %add3A_2408 : i32
        %broadcast_in_dim3A_2410 = vector.broadcast %add3A_2409 : i32 to vector<16xi32>
        %gather3A_2411 = tpu.vector_load_idx %arg14[%broadcast_in_dim3A_2410, %add3A_2350] : memref<64x64xf32, #tpu.memory_space<vmem>>[vector<16xi32>, vector<16xi32>], vector<16xf32>,
        %sub3A_2412 = arith.subf %gather3A_2411, %get3A_2347 : vector<16xf32>
        %add3A_2413 = arith.constant 384 : i32
        %add3A_2414 = arith.addi %mul3A_1402, %add3A_2413 : i32
        %add3A_2415 = arith.constant 48 : i32
        %add3A_2416 = arith.addi %add3A_2414, %add3A_2415 : i32
        %swap3A_2417 = arith.index_cast %add3A_2416 : i32 to index
        %swap3A_2418 = tpu.vector_load %arg15[%swap3A_2417] {strides = array<i32>} : memref<8192xf32, #tpu.memory_space<vmem>>, vector<16xf32>,
        tpu.vector_store %arg15[%swap3A_2417], %sub3A_2412 {strides = array<i32>} : memref<8192xf32, #tpu.memory_space<vmem>>, vector<16xf32>,
        %add3A_2419 = arith.constant 384 : i32
        %add3A_2420 = arith.addi %mul3A_1402, %add3A_2419 : i32
        %add3A_2421 = arith.constant 64 : i32
        %add3A_2422 = arith.addi %add3A_2420, %add3A_2421 : i32
        %add3A_2423 = arith.constant 48 : i32
        %add3A_2424 = arith.addi %add3A_2422, %add3A_2423 : i32
        %swap3A_2425 = arith.index_cast %add3A_2424 : i32 to index
        %swap3A_2426 = tpu.vector_load %arg15[%swap3A_2425] {strides = array<i32>} : memref<8192xf32, #tpu.memory_space<vmem>>, vector<16xf32>,
        tpu.vector_store %arg15[%swap3A_2425], %get3A_2347 {strides = array<i32>} : memref<8192xf32, #tpu.memory_space<vmem>>, vector<16xf32>,
        %add3A_2427 = arith.constant 4 : i32
        %add3A_2428 = arith.addi %mul3A_1400, %add3A_2427 : i32
        %broadcast_in_dim3A_2429 = vector.broadcast %add3A_2428 : i32 to vector<16xi32>
        %gather3A_2430 = tpu.vector_load_idx %arg14[%broadcast_in_dim3A_2429, %add3A_2350] : memref<64x64xf32, #tpu.memory_space<vmem>>[vector<16xi32>, vector<16xi32>], vector<16xf32>,
        %sub3A_2431 = arith.subf %gather3A_2430, %get3A_2347 : vector<16xf32>
        %add3A_2432 = arith.constant 512 : i32
        %add3A_2433 = arith.addi %mul3A_1402, %add3A_2432 : i32
        %add3A_2434 = arith.constant 48 : i32
        %add3A_2435 = arith.addi %add3A_2433, %add3A_2434 : i32
        %swap3A_2436 = arith.index_cast %add3A_2435 : i32 to index
        %swap3A_2437 = tpu.vector_load %arg15[%swap3A_2436] {strides = array<i32>} : memref<8192xf32, #tpu.memory_space<vmem>>, vector<16xf32>,
        tpu.vector_store %arg15[%swap3A_2436], %sub3A_2431 {strides = array<i32>} : memref<8192xf32, #tpu.memory_space<vmem>>, vector<16xf32>,
        %add3A_2438 = arith.constant 512 : i32
        %add3A_2439 = arith.addi %mul3A_1402, %add3A_2438 : i32
        %add3A_2440 = arith.constant 64 : i32
        %add3A_2441 = arith.addi %add3A_2439, %add3A_2440 : i32
        %add3A_2442 = arith.constant 48 : i32
        %add3A_2443 = arith.addi %add3A_2441, %add3A_2442 : i32
        %swap3A_2444 = arith.index_cast %add3A_2443 : i32 to index
        %swap3A_2445 = tpu.vector_load %arg15[%swap3A_2444] {strides = array<i32>} : memref<8192xf32, #tpu.memory_space<vmem>>, vector<16xf32>,
        tpu.vector_store %arg15[%swap3A_2444], %get3A_2347 {strides = array<i32>} : memref<8192xf32, #tpu.memory_space<vmem>>, vector<16xf32>,
        %add3A_2446 = arith.constant 5 : i32
        %add3A_2447 = arith.addi %mul3A_1400, %add3A_2446 : i32
        %broadcast_in_dim3A_2448 = vector.broadcast %add3A_2447 : i32 to vector<16xi32>
        %gather3A_2449 = tpu.vector_load_idx %arg14[%broadcast_in_dim3A_2448, %add3A_2350] : memref<64x64xf32, #tpu.memory_space<vmem>>[vector<16xi32>, vector<16xi32>], vector<16xf32>,
        %sub3A_2450 = arith.subf %gather3A_2449, %get3A_2347 : vector<16xf32>
        %add3A_2451 = arith.constant 640 : i32
        %add3A_2452 = arith.addi %mul3A_1402, %add3A_2451 : i32
        %add3A_2453 = arith.constant 48 : i32
        %add3A_2454 = arith.addi %add3A_2452, %add3A_2453 : i32
        %swap3A_2455 = arith.index_cast %add3A_2454 : i32 to index
        %swap3A_2456 = tpu.vector_load %arg15[%swap3A_2455] {strides = array<i32>} : memref<8192xf32, #tpu.memory_space<vmem>>, vector<16xf32>,
        tpu.vector_store %arg15[%swap3A_2455], %sub3A_2450 {strides = array<i32>} : memref<8192xf32, #tpu.memory_space<vmem>>, vector<16xf32>,
        %add3A_2457 = arith.constant 640 : i32
        %add3A_2458 = arith.addi %mul3A_1402, %add3A_2457 : i32
        %add3A_2459 = arith.constant 64 : i32
        %add3A_2460 = arith.addi %add3A_2458, %add3A_2459 : i32
        %add3A_2461 = arith.constant 48 : i32
        %add3A_2462 = arith.addi %add3A_2460, %add3A_2461 : i32
        %swap3A_2463 = arith.index_cast %add3A_2462 : i32 to index
        %swap3A_2464 = tpu.vector_load %arg15[%swap3A_2463] {strides = array<i32>} : memref<8192xf32, #tpu.memory_space<vmem>>, vector<16xf32>,
        tpu.vector_store %arg15[%swap3A_2463], %get3A_2347 {strides = array<i32>} : memref<8192xf32, #tpu.memory_space<vmem>>, vector<16xf32>,
        %add3A_2465 = arith.constant 6 : i32
        %add3A_2466 = arith.addi %mul3A_1400, %add3A_2465 : i32
        %broadcast_in_dim3A_2467 = vector.broadcast %add3A_2466 : i32 to vector<16xi32>
        %gather3A_2468 = tpu.vector_load_idx %arg14[%broadcast_in_dim3A_2467, %add3A_2350] : memref<64x64xf32, #tpu.memory_space<vmem>>[vector<16xi32>, vector<16xi32>], vector<16xf32>,
        %sub3A_2469 = arith.subf %gather3A_2468, %get3A_2347 : vector<16xf32>
        %add3A_2470 = arith.constant 768 : i32
        %add3A_2471 = arith.addi %mul3A_1402, %add3A_2470 : i32
        %add3A_2472 = arith.constant 48 : i32
        %add3A_2473 = arith.addi %add3A_2471, %add3A_2472 : i32
        %swap3A_2474 = arith.index_cast %add3A_2473 : i32 to index
        %swap3A_2475 = tpu.vector_load %arg15[%swap3A_2474] {strides = array<i32>} : memref<8192xf32, #tpu.memory_space<vmem>>, vector<16xf32>,
        tpu.vector_store %arg15[%swap3A_2474], %sub3A_2469 {strides = array<i32>} : memref<8192xf32, #tpu.memory_space<vmem>>, vector<16xf32>,
        %add3A_2476 = arith.constant 768 : i32
        %add3A_2477 = arith.addi %mul3A_1402, %add3A_2476 : i32
        %add3A_2478 = arith.constant 64 : i32
        %add3A_2479 = arith.addi %add3A_2477, %add3A_2478 : i32
        %add3A_2480 = arith.constant 48 : i32
        %add3A_2481 = arith.addi %add3A_2479, %add3A_2480 : i32
        %swap3A_2482 = arith.index_cast %add3A_2481 : i32 to index
        %swap3A_2483 = tpu.vector_load %arg15[%swap3A_2482] {strides = array<i32>} : memref<8192xf32, #tpu.memory_space<vmem>>, vector<16xf32>,
        tpu.vector_store %arg15[%swap3A_2482], %get3A_2347 {strides = array<i32>} : memref<8192xf32, #tpu.memory_space<vmem>>, vector<16xf32>,
        %add3A_2484 = arith.constant 7 : i32
        %add3A_2485 = arith.addi %mul3A_1400, %add3A_2484 : i32
        %broadcast_in_dim3A_2486 = vector.broadcast %add3A_2485 : i32 to vector<16xi32>
        %gather3A_2487 = tpu.vector_load_idx %arg14[%broadcast_in_dim3A_2486, %add3A_2350] : memref<64x64xf32, #tpu.memory_space<vmem>>[vector<16xi32>, vector<16xi32>], vector<16xf32>,
        %sub3A_2488 = arith.subf %gather3A_2487, %get3A_2347 : vector<16xf32>
        %add3A_2489 = arith.constant 896 : i32
        %add3A_2490 = arith.addi %mul3A_1402, %add3A_2489 : i32
        %add3A_2491 = arith.constant 48 : i32
        %add3A_2492 = arith.addi %add3A_2490, %add3A_2491 : i32
        %swap3A_2493 = arith.index_cast %add3A_2492 : i32 to index
        %swap3A_2494 = tpu.vector_load %arg15[%swap3A_2493] {strides = array<i32>} : memref<8192xf32, #tpu.memory_space<vmem>>, vector<16xf32>,
        tpu.vector_store %arg15[%swap3A_2493], %sub3A_2488 {strides = array<i32>} : memref<8192xf32, #tpu.memory_space<vmem>>, vector<16xf32>,
        %add3A_2495 = arith.constant 896 : i32
        %add3A_2496 = arith.addi %mul3A_1402, %add3A_2495 : i32
        %add3A_2497 = arith.constant 64 : i32
        %add3A_2498 = arith.addi %add3A_2496, %add3A_2497 : i32
        %add3A_2499 = arith.constant 48 : i32
        %add3A_2500 = arith.addi %add3A_2498, %add3A_2499 : i32
        %swap3A_2501 = arith.index_cast %add3A_2500 : i32 to index
        %swap3A_2502 = tpu.vector_load %arg15[%swap3A_2501] {strides = array<i32>} : memref<8192xf32, #tpu.memory_space<vmem>>, vector<16xf32>,
        tpu.vector_store %arg15[%swap3A_2501], %get3A_2347 {strides = array<i32>} : memref<8192xf32, #tpu.memory_space<vmem>>, vector<16xf32>,
        %add3A_2503 = arith.constant 8 : i32
        %add3A_2504 = arith.addi %mul3A_1400, %add3A_2503 : i32
        %broadcast_in_dim3A_2505 = vector.broadcast %add3A_2504 : i32 to vector<16xi32>
        %gather3A_2506 = tpu.vector_load_idx %arg14[%broadcast_in_dim3A_2505, %add3A_2350] : memref<64x64xf32, #tpu.memory_space<vmem>>[vector<16xi32>, vector<16xi32>], vector<16xf32>,
        %sub3A_2507 = arith.subf %gather3A_2506, %get3A_2347 : vector<16xf32>
        %add3A_2508 = arith.constant 1024 : i32
        %add3A_2509 = arith.addi %mul3A_1402, %add3A_2508 : i32
        %add3A_2510 = arith.constant 48 : i32
        %add3A_2511 = arith.addi %add3A_2509, %add3A_2510 : i32
        %swap3A_2512 = arith.index_cast %add3A_2511 : i32 to index
        %swap3A_2513 = tpu.vector_load %arg15[%swap3A_2512] {strides = array<i32>} : memref<8192xf32, #tpu.memory_space<vmem>>, vector<16xf32>,
        tpu.vector_store %arg15[%swap3A_2512], %sub3A_2507 {strides = array<i32>} : memref<8192xf32, #tpu.memory_space<vmem>>, vector<16xf32>,
        %add3A_2514 = arith.constant 1024 : i32
        %add3A_2515 = arith.addi %mul3A_1402, %add3A_2514 : i32
        %add3A_2516 = arith.constant 64 : i32
        %add3A_2517 = arith.addi %add3A_2515, %add3A_2516 : i32
        %add3A_2518 = arith.constant 48 : i32
        %add3A_2519 = arith.addi %add3A_2517, %add3A_2518 : i32
        %swap3A_2520 = arith.index_cast %add3A_2519 : i32 to index
        %swap3A_2521 = tpu.vector_load %arg15[%swap3A_2520] {strides = array<i32>} : memref<8192xf32, #tpu.memory_space<vmem>>, vector<16xf32>,
        tpu.vector_store %arg15[%swap3A_2520], %get3A_2347 {strides = array<i32>} : memref<8192xf32, #tpu.memory_space<vmem>>, vector<16xf32>,
        %add3A_2522 = arith.constant 9 : i32
        %add3A_2523 = arith.addi %mul3A_1400, %add3A_2522 : i32
        %broadcast_in_dim3A_2524 = vector.broadcast %add3A_2523 : i32 to vector<16xi32>
        %gather3A_2525 = tpu.vector_load_idx %arg14[%broadcast_in_dim3A_2524, %add3A_2350] : memref<64x64xf32, #tpu.memory_space<vmem>>[vector<16xi32>, vector<16xi32>], vector<16xf32>,
        %sub3A_2526 = arith.subf %gather3A_2525, %get3A_2347 : vector<16xf32>
        %add3A_2527 = arith.constant 1152 : i32
        %add3A_2528 = arith.addi %mul3A_1402, %add3A_2527 : i32
        %add3A_2529 = arith.constant 48 : i32
        %add3A_2530 = arith.addi %add3A_2528, %add3A_2529 : i32
        %swap3A_2531 = arith.index_cast %add3A_2530 : i32 to index
        %swap3A_2532 = tpu.vector_load %arg15[%swap3A_2531] {strides = array<i32>} : memref<8192xf32, #tpu.memory_space<vmem>>, vector<16xf32>,
        tpu.vector_store %arg15[%swap3A_2531], %sub3A_2526 {strides = array<i32>} : memref<8192xf32, #tpu.memory_space<vmem>>, vector<16xf32>,
        %add3A_2533 = arith.constant 1152 : i32
        %add3A_2534 = arith.addi %mul3A_1402, %add3A_2533 : i32
        %add3A_2535 = arith.constant 64 : i32
        %add3A_2536 = arith.addi %add3A_2534, %add3A_2535 : i32
        %add3A_2537 = arith.constant 48 : i32
        %add3A_2538 = arith.addi %add3A_2536, %add3A_2537 : i32
        %swap3A_2539 = arith.index_cast %add3A_2538 : i32 to index
        %swap3A_2540 = tpu.vector_load %arg15[%swap3A_2539] {strides = array<i32>} : memref<8192xf32, #tpu.memory_space<vmem>>, vector<16xf32>,
        tpu.vector_store %arg15[%swap3A_2539], %get3A_2347 {strides = array<i32>} : memref<8192xf32, #tpu.memory_space<vmem>>, vector<16xf32>,
        %add3A_2541 = arith.constant 10 : i32
        %add3A_2542 = arith.addi %mul3A_1400, %add3A_2541 : i32
        %broadcast_in_dim3A_2543 = vector.broadcast %add3A_2542 : i32 to vector<16xi32>
        %gather3A_2544 = tpu.vector_load_idx %arg14[%broadcast_in_dim3A_2543, %add3A_2350] : memref<64x64xf32, #tpu.memory_space<vmem>>[vector<16xi32>, vector<16xi32>], vector<16xf32>,
        %sub3A_2545 = arith.subf %gather3A_2544, %get3A_2347 : vector<16xf32>
        %add3A_2546 = arith.constant 1280 : i32
        %add3A_2547 = arith.addi %mul3A_1402, %add3A_2546 : i32
        %add3A_2548 = arith.constant 48 : i32
        %add3A_2549 = arith.addi %add3A_2547, %add3A_2548 : i32
        %swap3A_2550 = arith.index_cast %add3A_2549 : i32 to index
        %swap3A_2551 = tpu.vector_load %arg15[%swap3A_2550] {strides = array<i32>} : memref<8192xf32, #tpu.memory_space<vmem>>, vector<16xf32>,
        tpu.vector_store %arg15[%swap3A_2550], %sub3A_2545 {strides = array<i32>} : memref<8192xf32, #tpu.memory_space<vmem>>, vector<16xf32>,
        %add3A_2552 = arith.constant 1280 : i32
        %add3A_2553 = arith.addi %mul3A_1402, %add3A_2552 : i32
        %add3A_2554 = arith.constant 64 : i32
        %add3A_2555 = arith.addi %add3A_2553, %add3A_2554 : i32
        %add3A_2556 = arith.constant 48 : i32
        %add3A_2557 = arith.addi %add3A_2555, %add3A_2556 : i32
        %swap3A_2558 = arith.index_cast %add3A_2557 : i32 to index
        %swap3A_2559 = tpu.vector_load %arg15[%swap3A_2558] {strides = array<i32>} : memref<8192xf32, #tpu.memory_space<vmem>>, vector<16xf32>,
        tpu.vector_store %arg15[%swap3A_2558], %get3A_2347 {strides = array<i32>} : memref<8192xf32, #tpu.memory_space<vmem>>, vector<16xf32>,
        %add3A_2560 = arith.constant 11 : i32
        %add3A_2561 = arith.addi %mul3A_1400, %add3A_2560 : i32
        %broadcast_in_dim3A_2562 = vector.broadcast %add3A_2561 : i32 to vector<16xi32>
        %gather3A_2563 = tpu.vector_load_idx %arg14[%broadcast_in_dim3A_2562, %add3A_2350] : memref<64x64xf32, #tpu.memory_space<vmem>>[vector<16xi32>, vector<16xi32>], vector<16xf32>,
        %sub3A_2564 = arith.subf %gather3A_2563, %get3A_2347 : vector<16xf32>
        %add3A_2565 = arith.constant 1408 : i32
        %add3A_2566 = arith.addi %mul3A_1402, %add3A_2565 : i32
        %add3A_2567 = arith.constant 48 : i32
        %add3A_2568 = arith.addi %add3A_2566, %add3A_2567 : i32
        %swap3A_2569 = arith.index_cast %add3A_2568 : i32 to index
        %swap3A_2570 = tpu.vector_load %arg15[%swap3A_2569] {strides = array<i32>} : memref<8192xf32, #tpu.memory_space<vmem>>, vector<16xf32>,
        tpu.vector_store %arg15[%swap3A_2569], %sub3A_2564 {strides = array<i32>} : memref<8192xf32, #tpu.memory_space<vmem>>, vector<16xf32>,
        %add3A_2571 = arith.constant 1408 : i32
        %add3A_2572 = arith.addi %mul3A_1402, %add3A_2571 : i32
        %add3A_2573 = arith.constant 64 : i32
        %add3A_2574 = arith.addi %add3A_2572, %add3A_2573 : i32
        %add3A_2575 = arith.constant 48 : i32
        %add3A_2576 = arith.addi %add3A_2574, %add3A_2575 : i32
        %swap3A_2577 = arith.index_cast %add3A_2576 : i32 to index
        %swap3A_2578 = tpu.vector_load %arg15[%swap3A_2577] {strides = array<i32>} : memref<8192xf32, #tpu.memory_space<vmem>>, vector<16xf32>,
        tpu.vector_store %arg15[%swap3A_2577], %get3A_2347 {strides = array<i32>} : memref<8192xf32, #tpu.memory_space<vmem>>, vector<16xf32>,
        %add3A_2579 = arith.constant 12 : i32
        %add3A_2580 = arith.addi %mul3A_1400, %add3A_2579 : i32
        %broadcast_in_dim3A_2581 = vector.broadcast %add3A_2580 : i32 to vector<16xi32>
        %gather3A_2582 = tpu.vector_load_idx %arg14[%broadcast_in_dim3A_2581, %add3A_2350] : memref<64x64xf32, #tpu.memory_space<vmem>>[vector<16xi32>, vector<16xi32>], vector<16xf32>,
        %sub3A_2583 = arith.subf %gather3A_2582, %get3A_2347 : vector<16xf32>
        %add3A_2584 = arith.constant 1536 : i32
        %add3A_2585 = arith.addi %mul3A_1402, %add3A_2584 : i32
        %add3A_2586 = arith.constant 48 : i32
        %add3A_2587 = arith.addi %add3A_2585, %add3A_2586 : i32
        %swap3A_2588 = arith.index_cast %add3A_2587 : i32 to index
        %swap3A_2589 = tpu.vector_load %arg15[%swap3A_2588] {strides = array<i32>} : memref<8192xf32, #tpu.memory_space<vmem>>, vector<16xf32>,
        tpu.vector_store %arg15[%swap3A_2588], %sub3A_2583 {strides = array<i32>} : memref<8192xf32, #tpu.memory_space<vmem>>, vector<16xf32>,
        %add3A_2590 = arith.constant 1536 : i32
        %add3A_2591 = arith.addi %mul3A_1402, %add3A_2590 : i32
        %add3A_2592 = arith.constant 64 : i32
        %add3A_2593 = arith.addi %add3A_2591, %add3A_2592 : i32
        %add3A_2594 = arith.constant 48 : i32
        %add3A_2595 = arith.addi %add3A_2593, %add3A_2594 : i32
        %swap3A_2596 = arith.index_cast %add3A_2595 : i32 to index
        %swap3A_2597 = tpu.vector_load %arg15[%swap3A_2596] {strides = array<i32>} : memref<8192xf32, #tpu.memory_space<vmem>>, vector<16xf32>,
        tpu.vector_store %arg15[%swap3A_2596], %get3A_2347 {strides = array<i32>} : memref<8192xf32, #tpu.memory_space<vmem>>, vector<16xf32>,
        %add3A_2598 = arith.constant 13 : i32
        %add3A_2599 = arith.addi %mul3A_1400, %add3A_2598 : i32
        %broadcast_in_dim3A_2600 = vector.broadcast %add3A_2599 : i32 to vector<16xi32>
        %gather3A_2601 = tpu.vector_load_idx %arg14[%broadcast_in_dim3A_2600, %add3A_2350] : memref<64x64xf32, #tpu.memory_space<vmem>>[vector<16xi32>, vector<16xi32>], vector<16xf32>,
        %sub3A_2602 = arith.subf %gather3A_2601, %get3A_2347 : vector<16xf32>
        %add3A_2603 = arith.constant 1664 : i32
        %add3A_2604 = arith.addi %mul3A_1402, %add3A_2603 : i32
        %add3A_2605 = arith.constant 48 : i32
        %add3A_2606 = arith.addi %add3A_2604, %add3A_2605 : i32
        %swap3A_2607 = arith.index_cast %add3A_2606 : i32 to index
        %swap3A_2608 = tpu.vector_load %arg15[%swap3A_2607] {strides = array<i32>} : memref<8192xf32, #tpu.memory_space<vmem>>, vector<16xf32>,
        tpu.vector_store %arg15[%swap3A_2607], %sub3A_2602 {strides = array<i32>} : memref<8192xf32, #tpu.memory_space<vmem>>, vector<16xf32>,
        %add3A_2609 = arith.constant 1664 : i32
        %add3A_2610 = arith.addi %mul3A_1402, %add3A_2609 : i32
        %add3A_2611 = arith.constant 64 : i32
        %add3A_2612 = arith.addi %add3A_2610, %add3A_2611 : i32
        %add3A_2613 = arith.constant 48 : i32
        %add3A_2614 = arith.addi %add3A_2612, %add3A_2613 : i32
        %swap3A_2615 = arith.index_cast %add3A_2614 : i32 to index
        %swap3A_2616 = tpu.vector_load %arg15[%swap3A_2615] {strides = array<i32>} : memref<8192xf32, #tpu.memory_space<vmem>>, vector<16xf32>,
        tpu.vector_store %arg15[%swap3A_2615], %get3A_2347 {strides = array<i32>} : memref<8192xf32, #tpu.memory_space<vmem>>, vector<16xf32>,
        %add3A_2617 = arith.constant 14 : i32
        %add3A_2618 = arith.addi %mul3A_1400, %add3A_2617 : i32
        %broadcast_in_dim3A_2619 = vector.broadcast %add3A_2618 : i32 to vector<16xi32>
        %gather3A_2620 = tpu.vector_load_idx %arg14[%broadcast_in_dim3A_2619, %add3A_2350] : memref<64x64xf32, #tpu.memory_space<vmem>>[vector<16xi32>, vector<16xi32>], vector<16xf32>,
        %sub3A_2621 = arith.subf %gather3A_2620, %get3A_2347 : vector<16xf32>
        %add3A_2622 = arith.constant 1792 : i32
        %add3A_2623 = arith.addi %mul3A_1402, %add3A_2622 : i32
        %add3A_2624 = arith.constant 48 : i32
        %add3A_2625 = arith.addi %add3A_2623, %add3A_2624 : i32
        %swap3A_2626 = arith.index_cast %add3A_2625 : i32 to index
        %swap3A_2627 = tpu.vector_load %arg15[%swap3A_2626] {strides = array<i32>} : memref<8192xf32, #tpu.memory_space<vmem>>, vector<16xf32>,
        tpu.vector_store %arg15[%swap3A_2626], %sub3A_2621 {strides = array<i32>} : memref<8192xf32, #tpu.memory_space<vmem>>, vector<16xf32>,
        %add3A_2628 = arith.constant 1792 : i32
        %add3A_2629 = arith.addi %mul3A_1402, %add3A_2628 : i32
        %add3A_2630 = arith.constant 64 : i32
        %add3A_2631 = arith.addi %add3A_2629, %add3A_2630 : i32
        %add3A_2632 = arith.constant 48 : i32
        %add3A_2633 = arith.addi %add3A_2631, %add3A_2632 : i32
        %swap3A_2634 = arith.index_cast %add3A_2633 : i32 to index
        %swap3A_2635 = tpu.vector_load %arg15[%swap3A_2634] {strides = array<i32>} : memref<8192xf32, #tpu.memory_space<vmem>>, vector<16xf32>,
        tpu.vector_store %arg15[%swap3A_2634], %get3A_2347 {strides = array<i32>} : memref<8192xf32, #tpu.memory_space<vmem>>, vector<16xf32>,
        %add3A_2636 = arith.constant 15 : i32
        %add3A_2637 = arith.addi %mul3A_1400, %add3A_2636 : i32
        %broadcast_in_dim3A_2638 = vector.broadcast %add3A_2637 : i32 to vector<16xi32>
        %gather3A_2639 = tpu.vector_load_idx %arg14[%broadcast_in_dim3A_2638, %add3A_2350] : memref<64x64xf32, #tpu.memory_space<vmem>>[vector<16xi32>, vector<16xi32>], vector<16xf32>,
        %sub3A_2640 = arith.subf %gather3A_2639, %get3A_2347 : vector<16xf32>
        %add3A_2641 = arith.constant 1920 : i32
        %add3A_2642 = arith.addi %mul3A_1402, %add3A_2641 : i32
        %add3A_2643 = arith.constant 48 : i32
        %add3A_2644 = arith.addi %add3A_2642, %add3A_2643 : i32
        %swap3A_2645 = arith.index_cast %add3A_2644 : i32 to index
        %swap3A_2646 = tpu.vector_load %arg15[%swap3A_2645] {strides = array<i32>} : memref<8192xf32, #tpu.memory_space<vmem>>, vector<16xf32>,
        tpu.vector_store %arg15[%swap3A_2645], %sub3A_2640 {strides = array<i32>} : memref<8192xf32, #tpu.memory_space<vmem>>, vector<16xf32>,
        %add3A_2647 = arith.constant 1920 : i32
        %add3A_2648 = arith.addi %mul3A_1402, %add3A_2647 : i32
        %add3A_2649 = arith.constant 64 : i32
        %add3A_2650 = arith.addi %add3A_2648, %add3A_2649 : i32
        %add3A_2651 = arith.constant 48 : i32
        %add3A_2652 = arith.addi %add3A_2650, %add3A_2651 : i32
        %swap3A_2653 = arith.index_cast %add3A_2652 : i32 to index
        %swap3A_2654 = tpu.vector_load %arg15[%swap3A_2653] {strides = array<i32>} : memref<8192xf32, #tpu.memory_space<vmem>>, vector<16xf32>,
        tpu.vector_store %arg15[%swap3A_2653], %get3A_2347 {strides = array<i32>} : memref<8192xf32, #tpu.memory_space<vmem>>, vector<16xf32>,
        %add3A_2655 = arith.addi %mul3A_32, %add3A_1396 : i32
        %mul3A_2656 = arith.constant 2048 : i32
        %mul3A_2657 = arith.muli %add3A_2655, %mul3A_2656 : i32
        %dma_start3A_2658 = tpu.memref_slice %arg15[%mul3A_1402] : memref<8192xf32, #tpu.memory_space<vmem>> -> memref<2048xf32, #tpu.memory_space<vmem>>
        %dma_start3A_2659 = tpu.memref_slice %arg6[%select_n3A, %mul3A_2657] : memref<4x4194304xf32, #tpu.memory_space<hbm>> -> memref<1x2048xf32, #tpu.memory_space<hbm>>
        %dma_start3A_2660 = tpu.memref_squeeze %dma_start3A_2659 : memref<1x2048xf32, #tpu.memory_space<hbm>> -> memref<2048xf32, #tpu.memory_space<hbm>>
        %dma_start3A_2661 = tpu.memref_slice %arg6[%select_n3A, %mul3A_2657] : memref<4x4194304xf32, #tpu.memory_space<hbm>> -> memref<1x2048xf32, #tpu.memory_space<hbm>>
        %dma_start3A_2662 = tpu.memref_squeeze %dma_start3A_2661 : memref<1x2048xf32, #tpu.memory_space<hbm>> -> memref<2048xf32, #tpu.memory_space<hbm>>
        %dma_start3A_2663 = tpu.memref_slice %arg15[%mul3A_1402] : memref<8192xf32, #tpu.memory_space<vmem>> -> memref<2048xf32, #tpu.memory_space<vmem>>
        tpu.enqueue_dma source(%dma_start3A_2663 : memref<2048xf32, #tpu.memory_space<vmem>>) target(%dma_start3A_2662 : memref<2048xf32, #tpu.memory_space<hbm>>) target_semaphore(%arg17 : memref<!tpu.dma_semaphore, #tpu.memory_space<semaphore_mem>>)
      } else {
      }
    }
    %scan3A_46 = arith.constant 129 : i32
    %dma_wait3A = arith.constant 0 : i32
    %dma_wait3A_47 = tpu.memref_slice %arg15[%dma_wait3A] : memref<8192xf32, #tpu.memory_space<vmem>> -> memref<2048xf32, #tpu.memory_space<vmem>>
    %dma_wait3A_48 = arith.constant 0 : i32
    %dma_wait3A_49 = tpu.memref_slice %arg6[%select_n3A, %dma_wait3A_48] : memref<4x4194304xf32, #tpu.memory_space<hbm>> -> memref<1x2048xf32, #tpu.memory_space<hbm>>
    %dma_wait3A_50 = tpu.memref_squeeze %dma_wait3A_49 : memref<1x2048xf32, #tpu.memory_space<hbm>> -> memref<2048xf32, #tpu.memory_space<hbm>>
    %dma_wait3A_51 = arith.constant 0 : i32
    %dma_wait3A_52 = tpu.memref_slice %arg6[%select_n3A, %dma_wait3A_51] : memref<4x4194304xf32, #tpu.memory_space<hbm>> -> memref<1x2048xf32, #tpu.memory_space<hbm>>
    %dma_wait3A_53 = tpu.memref_squeeze %dma_wait3A_52 : memref<1x2048xf32, #tpu.memory_space<hbm>> -> memref<2048xf32, #tpu.memory_space<hbm>>
    %dma_wait3A_54 = arith.constant 0 : i32
    %dma_wait3A_55 = tpu.memref_slice %arg15[%dma_wait3A_54] : memref<8192xf32, #tpu.memory_space<vmem>> -> memref<2048xf32, #tpu.memory_space<vmem>>
    tpu.wait_dma2 semaphore(%arg17 : memref<!tpu.dma_semaphore, #tpu.memory_space<semaphore_mem>>) src(%dma_wait3A_55 : memref<2048xf32, #tpu.memory_space<vmem>>) dst(%dma_wait3A_53 : memref<2048xf32, #tpu.memory_space<hbm>>)
    %dma_wait3A_56 = arith.constant 0 : i32
    %dma_wait3A_57 = tpu.memref_slice %arg15[%dma_wait3A_56] : memref<8192xf32, #tpu.memory_space<vmem>> -> memref<2048xf32, #tpu.memory_space<vmem>>
    %dma_wait3A_58 = arith.constant 0 : i32
    %dma_wait3A_59 = tpu.memref_slice %arg6[%select_n3A, %dma_wait3A_58] : memref<4x4194304xf32, #tpu.memory_space<hbm>> -> memref<1x2048xf32, #tpu.memory_space<hbm>>
    %dma_wait3A_60 = tpu.memref_squeeze %dma_wait3A_59 : memref<1x2048xf32, #tpu.memory_space<hbm>> -> memref<2048xf32, #tpu.memory_space<hbm>>
    %dma_wait3A_61 = arith.constant 0 : i32
    %dma_wait3A_62 = tpu.memref_slice %arg6[%select_n3A, %dma_wait3A_61] : memref<4x4194304xf32, #tpu.memory_space<hbm>> -> memref<1x2048xf32, #tpu.memory_space<hbm>>
    %dma_wait3A_63 = tpu.memref_squeeze %dma_wait3A_62 : memref<1x2048xf32, #tpu.memory_space<hbm>> -> memref<2048xf32, #tpu.memory_space<hbm>>
    %dma_wait3A_64 = arith.constant 0 : i32
    %dma_wait3A_65 = tpu.memref_slice %arg15[%dma_wait3A_64] : memref<8192xf32, #tpu.memory_space<vmem>> -> memref<2048xf32, #tpu.memory_space<vmem>>
    tpu.wait_dma2 semaphore(%arg17 : memref<!tpu.dma_semaphore, #tpu.memory_space<semaphore_mem>>) src(%dma_wait3A_65 : memref<2048xf32, #tpu.memory_space<vmem>>) dst(%dma_wait3A_63 : memref<2048xf32, #tpu.memory_space<hbm>>)
    %dma_wait3A_66 = arith.constant 0 : i32
    %dma_wait3A_67 = tpu.memref_slice %arg15[%dma_wait3A_66] : memref<8192xf32, #tpu.memory_space<vmem>> -> memref<2048xf32, #tpu.memory_space<vmem>>
    %dma_wait3A_68 = arith.constant 0 : i32
    %dma_wait3A_69 = tpu.memref_slice %arg6[%select_n3A, %dma_wait3A_68] : memref<4x4194304xf32, #tpu.memory_space<hbm>> -> memref<1x2048xf32, #tpu.memory_space<hbm>>
    %dma_wait3A_70 = tpu.memref_squeeze %dma_wait3A_69 : memref<1x2048xf32, #tpu.memory_space<hbm>> -> memref<2048xf32, #tpu.memory_space<hbm>>
    %dma_wait3A_71 = arith.constant 0 : i32
    %dma_wait3A_72 = tpu.memref_slice %arg6[%select_n3A, %dma_wait3A_71] : memref<4x4194304xf32, #tpu.memory_space<hbm>> -> memref<1x2048xf32, #tpu.memory_space<hbm>>
    %dma_wait3A_73 = tpu.memref_squeeze %dma_wait3A_72 : memref<1x2048xf32, #tpu.memory_space<hbm>> -> memref<2048xf32, #tpu.memory_space<hbm>>
    %dma_wait3A_74 = arith.constant 0 : i32
    %dma_wait3A_75 = tpu.memref_slice %arg15[%dma_wait3A_74] : memref<8192xf32, #tpu.memory_space<vmem>> -> memref<2048xf32, #tpu.memory_space<vmem>>
    tpu.wait_dma2 semaphore(%arg17 : memref<!tpu.dma_semaphore, #tpu.memory_space<semaphore_mem>>) src(%dma_wait3A_75 : memref<2048xf32, #tpu.memory_space<vmem>>) dst(%dma_wait3A_73 : memref<2048xf32, #tpu.memory_space<hbm>>)
    %dma_wait3A_76 = arith.constant 0 : i32
    %dma_wait3A_77 = tpu.memref_slice %arg15[%dma_wait3A_76] : memref<8192xf32, #tpu.memory_space<vmem>> -> memref<2048xf32, #tpu.memory_space<vmem>>
    %dma_wait3A_78 = arith.constant 0 : i32
    %dma_wait3A_79 = tpu.memref_slice %arg6[%select_n3A, %dma_wait3A_78] : memref<4x4194304xf32, #tpu.memory_space<hbm>> -> memref<1x2048xf32, #tpu.memory_space<hbm>>
    %dma_wait3A_80 = tpu.memref_squeeze %dma_wait3A_79 : memref<1x2048xf32, #tpu.memory_space<hbm>> -> memref<2048xf32, #tpu.memory_space<hbm>>
    %dma_wait3A_81 = arith.constant 0 : i32
    %dma_wait3A_82 = tpu.memref_slice %arg6[%select_n3A, %dma_wait3A_81] : memref<4x4194304xf32, #tpu.memory_space<hbm>> -> memref<1x2048xf32, #tpu.memory_space<hbm>>
    %dma_wait3A_83 = tpu.memref_squeeze %dma_wait3A_82 : memref<1x2048xf32, #tpu.memory_space<hbm>> -> memref<2048xf32, #tpu.memory_space<hbm>>
    %dma_wait3A_84 = arith.constant 0 : i32
    %dma_wait3A_85 = tpu.memref_slice %arg15[%dma_wait3A_84] : memref<8192xf32, #tpu.memory_space<vmem>> -> memref<2048xf32, #tpu.memory_space<vmem>>
    tpu.wait_dma2 semaphore(%arg17 : memref<!tpu.dma_semaphore, #tpu.memory_space<semaphore_mem>>) src(%dma_wait3A_85 : memref<2048xf32, #tpu.memory_space<vmem>>) dst(%dma_wait3A_83 : memref<2048xf32, #tpu.memory_space<hbm>>)
    return
  }
}

</mosaic_0001>

<sc_bundles>
// kernel: kernel.3.cloned.1.call-start
scs
__scs_entry_jumppad:
0x0: {  	(pc) =	sbr.rel $0x88, $3  }
0x1: {  	(tag) =	ssettag $0x0;
	lr =	simm.s32 $0x1  }
0x2: {  	[smem:$0x3F9D] =	sst lr;
	_ =	strace $0xD0000000  }
0x3: {  	_ = 	snop  }
0x4: {  	_ = 	snop  }
0x5: {  	_ = 	snop  }
0x6: {  	_ = 	snop  }
0x7: {  	_ = 	snop  }
__scs_overlays_trampoline_lowered:
0x8: {  	[smem:$0x3FAC] =	sst s0  }
0x9: {  	[smem:$0x3FAD] =	sst s1  }
0xa: {  	[smem:$0x3FAE] =	sst s2  }
0xb: {  	[smem:$0x3FAF] =	sst s3  }
0xc: {  	[smem:$0x3FB0] =	sst s4  }
0xd: {  	[smem:$0x3FB1] =	sst s5  }
0xe: {  	[smem:$0x3FB2] =	sst s6  }
0xf: {  	[smem:$0x3FB3] =	sst s7  }
0x10: {  	[smem:$0x3FB4] =	sst s8  }
0x11: {  	[smem:$0x3FB5] =	sst s9;
	s0 =	simm.s32 @!p0 $0x0  }
0x12: {  	s1 =	sld [smem:$0x3F9B];
	s0 =	simm.s32 @p0 $0x1  }
0x13: {  	[smem:$0x3FB6] =	sst s0;
	s0 =	simm.s32 @!p1 $0x0  }
0x14: {  	s2 =	sld [smem:$0x3F9A];
	s0 =	simm.s32 @p1 $0x1  }
0x15: {  	[smem:$0x3FB7] =	sst s0;
	s0 =	simm.s32 @!p2 $0x0  }
0x16: {  	s3 =	sld [smem:$0x3FDB];
	s0 =	simm.s32 @p2 $0x1  }
0x17: {  	s4 =	simm.s32 $0x1BF5;
	[smem:$0x3FB9] =	sst s0  }
0x18: {  	s0 =	sld [smem:$0x3F9C];
	_ =	swait.ge [sflag:s4], $0x0  }
0x19: {  	s7 =	sld [smem:$0x3F9D]  }
0x1a: {  	s8 =	sadd.s32 $0xFFFFE003, lr  }
0x1b: {  	s9 =	sadd.s32 $0xFFFFFEF7, lr;
	s5 =	simm.s32 $0xFFFFFFFF;
	p2 =	slt.u32 s8, $0xFFFFF086  }
0x1c: {  	p1 =	slt.u32 s9, $0xF7A;
	s5 =	simm.s32 @!p2 $0x0  }
0x1d: {  	s5 =	simm.s32 @p1 $0x1;
	p0 =	seq.s32 s7, s2  }
0x1e: {  	s7 =	smul.u32 @!p0 $0xF7A, s2;
	p2 =	seq.s32 @!p0 s5, $0x0  }
0x1f: {  	s9 =	smul.u32 $0xF7A, s1;
	s8 =	simm.s32 @!p0 $0x1BF5;
	p2 =	por !p2, p0  }
0x20: {  	[sflag:s8] =	ssyncset.s32 @!p0 $0xFFFFF086;
	s6 =	sadd.s32 @!p0 s3, s7;
	s7 =	simm.s32 @!p0 $0x108  }
0x21: {  	s3 =	sadd.s32 s3, s9;
	s6 =	sadd.s32 @!p0 $0x88, s6;
	s7 =	simm.s32 @p2 $0x1082  }
0x22: {  	[simem:s7], [sflag:s8] =	dma.local @!p0 [hbm:s6], $0xF7A  }
0x23: {  	s9 =	sor.u32 $0xD0000000, s2;
	s6 =	simm.s32 $0x108;
	_ =	swait.ge @!p0 [sflag:s8], $0x0  }
0x24: {  	s3 =	sadd.s32 $0x88, s3;
	s6 =	simm.s32 @!p1 $0x1082;
	[sflag:s4] =	ssyncset.s32 $0xFFFFF086  }
0x25: {  	[simem:s6], [sflag:s4] =	dma.local [hbm:s3], $0xF7A  }
0x26: {  	[smem:$0x3F9D] =	sst s1;
	(tag) =	ssettag s2;
	_ =	strace s9  }
0x27: {  	s1 =	sld [smem:$0x3FAD]  }
0x28: {  	s2 =	sld [smem:$0x3FAE]  }
0x29: {  	s4 =	sld [smem:$0x3FB0]  }
0x2a: {  	p0 =	seq.s32 s5, $0x0;
	s5 =	sld [smem:$0x3FB1]  }
0x2b: {  	s6 =	sld [smem:$0x3FB2]  }
0x2c: {  	s7 =	sld [smem:$0x3FB3]  }
0x2d: {  	s3 =	simm.s32 $0x108;
	s8 =	sld [smem:$0x3FB4]  }
0x2e: {  	s3 =	simm.s32 @!p0 $0x1082;
	s9 =	sld [smem:$0x3FB5]  }
0x2f: {  	lr =	sadd.s32 s0, s3;
	s0 =	sld [smem:$0x3FAC]  }
0x30: {  	s3 =	sld [smem:$0x3FAF]  }
0x31: {  	[smem:$0x3FB8] =	sst s10  }
0x32: {  	s10 =	sld [smem:$0x3FB6];
	_ =	sdelay $0x3  }
0x33: {  	p0 =	seq.s32 s10, $0x1;
	s10 =	sld [smem:$0x3FB8];
	_ =	sdelay $0x3  }
0x34: {  	[smem:$0x3FB8] =	sst s10  }
0x35: {  	s10 =	sld [smem:$0x3FB7];
	_ =	sdelay $0x3  }
0x36: {  	p1 =	seq.s32 s10, $0x1;
	s10 =	sld [smem:$0x3FB8];
	_ =	sdelay $0x3  }
0x37: {  	[smem:$0x3FB8] =	sst s10  }
0x38: {  	s10 =	sld [smem:$0x3FB9]  }
0x39: {  	_ = 	snop;
	(pc) =	sbr.ind lr, $3  }
0x3a: {  	_ = 	snop  }
0x3b: {  	_ = 	snop  }
0x3c: {  	p2 =	seq.s32 s10, $0x1;
	s10 =	sld [smem:$0x3FB8]  }
0x3d: {  	_ =	shalt  }
0x3e: {  	_ =	shalt  }
0x3f: {  	_ =	shalt  }
0x40: {  	_ =	shalt  }
0x41: {  	_ =	shalt  }
0x42: {  	_ =	shalt  }
0x43: {  	_ =	shalt  }
0x44: {  	_ =	shalt  }
0x45: {  	_ =	shalt  }
0x46: {  	_ =	shalt  }
0x47: {  	_ =	shalt  }
0x48: {  	_ =	shalt  }
0x49: {  	_ =	shalt  }
0x4a: {  	_ =	shalt  }
0x4b: {  	_ =	shalt  }
0x4c: {  	_ =	shalt  }
0x4d: {  	_ =	shalt  }
0x4e: {  	_ =	shalt  }
0x4f: {  	_ =	shalt  }
0x50: {  	_ =	shalt  }
0x51: {  	_ =	shalt  }
0x52: {  	_ =	shalt  }
0x53: {  	_ =	shalt  }
0x54: {  	_ =	shalt  }
0x55: {  	_ =	shalt  }
0x56: {  	_ =	shalt  }
0x57: {  	_ =	shalt  }
0x58: {  	_ =	shalt  }
0x59: {  	_ =	shalt  }
0x5a: {  	_ =	shalt  }
0x5b: {  	_ =	shalt  }
0x5c: {  	_ =	shalt  }
0x5d: {  	_ =	shalt  }
0x5e: {  	_ =	shalt  }
0x5f: {  	_ =	shalt  }
0x60: {  	_ =	shalt  }
0x61: {  	_ =	shalt  }
0x62: {  	_ =	shalt  }
0x63: {  	_ =	shalt  }
0x64: {  	_ =	shalt  }
0x65: {  	_ =	shalt  }
0x66: {  	_ =	shalt  }
0x67: {  	_ =	shalt  }
0x68: {  	_ =	shalt  }
0x69: {  	_ =	shalt  }
0x6a: {  	_ =	shalt  }
0x6b: {  	_ =	shalt  }
0x6c: {  	_ =	shalt  }
0x6d: {  	_ =	shalt  }
0x6e: {  	_ =	shalt  }
0x6f: {  	_ =	shalt  }
0x70: {  	_ =	shalt  }
0x71: {  	_ =	shalt  }
0x72: {  	_ =	shalt  }
0x73: {  	_ =	shalt  }
0x74: {  	_ =	shalt  }
0x75: {  	_ =	shalt  }
0x76: {  	_ =	shalt  }
0x77: {  	_ =	shalt  }
0x78: {  	_ =	shalt  }
0x79: {  	_ =	shalt  }
0x7a: {  	_ =	shalt  }
0x7b: {  	_ =	shalt  }
0x7c: {  	_ =	shalt  }
0x7d: {  	_ =	shalt  }
0x7e: {  	_ =	shalt  }
0x7f: {  	_ =	shalt  }
0x80: {  	_ =	shalt  }
0x81: {  	_ =	shalt  }
0x82: {  	_ =	shalt  }
0x83: {  	_ =	shalt  }
0x84: {  	_ =	shalt  }
0x85: {  	_ =	shalt  }
0x86: {  	_ =	shalt  }
0x87: {  	_ =	shalt  }
.Lfunc_end0:
.L_simem_size_0:
called_computation_lowered:
.L_overlay_start_0:
0x88: {  	s2 =	sld [smem:$0x3FD9]  }
0x89: {  	s3 =	sld [smem:$0x3FFE];
	_ =	sdelay $0x1  }
0x8a: {  	s1 =	srdreg.scid  }
0x8b: {  	s0 =	sand.u32 $0x1, s1  }
0x8c: {  	s17 =	sshll.u32 s0, $0xA;
	s2 =	sadd.s32 s3, s2  }
0x8d: {  	s2 =	sadd.s32 s2, s17  }
0x8e: {  	[smem:$0x3FC4] =	sst s2  }
0x8f: {  	_ = 	snop  }
0x90: {  	s2 =	sld [smem:$0x3FD0];
	(tm) =	ssettm $0x1  }
0x91: {  	s18 =	sld [smem:$0x3FFB];
	_ =	sdelay $0x3  }
0x92: {  	_ =	strace s18  }
0x93: {  	s3 =	sld [smem:$0x3FFC];
	_ =	sdelay $0x3  }
0x94: {  	_ =	strace s3  }
0x95: {  	s3 =	sld [smem:$0x3FFD];
	_ =	sdelay $0x3  }
0x96: {  	_ =	strace s3  }
0x97: {  	_ =	strace $0x8FFFFFFF  }
0x98: {  	s19 =	sld [smem:$0x3FDB];
	_ =	sdelay $0x1  }
0x99: {  	s4 =	simm.s32 $_scs_section_size  }
0x9a: {  	s5 =	simm.s32 $_size__tile_overlayer_lowered;
	s6 =	simm.s32 $_tile_overlayer_lowered  }
0x9b: {  	s22 =	simm.s32 $0x1BFF;
	s21 =	sshll.u32 s6, $0x1;
	s3 =	sadd.s32 s4, s19  }
0x9c: {  	s7 =	simm.s32 $0x0;
	s20 =	sshll.u32 s5, $0x1;
	s5 =	sadd.s32 s21, s3  }
0x9d: {  	[timem:s7], [sflag:s22] =	dma.local [hbm:s5], s20  }
0x9e: {  	_ =	swait.ge [sflag:s22], s20  }
0x9f: {  	s4 =	ssub.s32 $0x0, s20;
	[sflag:s22] =	ssyncset.done $0x0  }
0xa0: {  	[sflag:s22] =	ssyncadd.s32 s4;
	_ =	sdelay $0x1  }
0xa1: {  	s23 =	simm.s32 $0x1B8B  }
0xa2: {  	_ =	swait.ge [sflag:s23], $0x1  }
0xa3: {  	[sflag:s23] =	ssyncset.done $0x0  }
0xa4: {  	s25 =	simm.s32 $0x1B8E;
	s24 =	sld [smem:$0x3FFE];
	[sflag:s23] =	ssyncadd.s32 $0xFFFFFFFF  }
0xa5: {  	s26 =	simm.s32 $execute0_lowered;
	[smem:$0x3FD2] =	sst s25  }
0xa6: {  	s5 =	sshll.u32 s26, $0x1;
	_ =	strace $0x80000046;
	[dreg:$0x1] =	wrdreg $0xFFFFFFFF  }
0xa7: {  	s28 =	simm.s32 $_size_execute0_lowered;
	s3 =	sadd.s32 s3, s5;
	[dreg:$0x0] =	wrdreg $0x0  }
0xa8: {  	s5 =	sshll.u32 s28, $0x1;
	[dreg:$0x2] =	wrdreg s3  }
0xa9: {  	[dreg:$0x3] =	wrdreg s5  }
0xaa: {  	[dreg:$0x4] =	wrdreg $0xC0  }
0xab: {  	_ =	task [dreg:s7], $0x5FFFF  }
0xac: {  	[dreg:$0x1] =	wrdreg $0xFFFFFFFF  }
0xad: {  	[dreg:$0x0] =	wrdreg $0x60  }
0xae: {  	[dreg:$0x2] =	wrdreg s24  }
0xaf: {  	[dreg:$0x3] =	wrdreg s2  }
0xb0: {  	[dreg:$0x4] =	wrdreg $0x9  }
0xb1: {  	_ =	task.clear_ibuf [dreg:s7], $0x5FFFF;
	_ =	strace $0x90000046  }
0xb2: {  	s29 =	simm.s32 $0x9;
	_ =	strace $0x80000048  }
0xb3: {  	_ =	swait.ge [sflag:s29], $0x1  }
0xb4: {  	[sflag:s29] =	ssyncadd.s32 $0xFFFFFFFF  }
0xb5: {  	_ =	strace $0x90000048  }
0xb6: {  	_ =	sfence  }
0xb7: {  	s30 =	sld [smem:$0x0];
	_ =	sdelay $0x2  }
0xb8: {  	s31 =	sshll.u32 s1, $0xD;
	s1 =	sshrl.u32 s1, $0x2  }
0xb9: {  	s3 =	sand.u32 $0x4000, s31;
	s1 =	sadd.s32 s1, s30  }
0xba: {  	s0 =	sor.u32 s3, s0;
	s1 =	sshll.u32 s1, $0x11  }
0xbb: {  	s0 =	sor.u32 s1, s0  }
0xbc: {  	s0 =	sadd.s32 $0x8F2B, s0  }
0xbd: {  	[sflag:s0] =	ssyncadd.remote.s32 $0x1  }
0xbe: {  	_ =	sfence.sel $0xFFFF  }
0xbf: {  	[dreg:$0x0] =	wrdreg $0xFFFFFFFF;
	(pc) =	sbr.abs _section_cstart, $3  }
0xc0: {  	[dreg:$0x1] =	wrdreg $0xFFFFFFFF  }
0xc1: {  	_ =	task.clear_ibuf [dreg:s7], $0x2FFFF;
	_ =	strace $0x9FFFFFFF  }
0xc2: {  	(tm) =	ssettm $0x7FFFFFFF  }
0xc3: {  	_ =	shalt  }
tec
execute0_lowered:
.L_overlay_start_1:
0x0: {  	(tag) =	ssettag $0x1  }
0x1: {  	v1 =	vimm.s32 $0x3210FEDC  }
0x2: {  	s2 =	stileid.u32;
	s0 =	srdreg.scid;
	v2 =	vimm.s32 $0x76543210;
	v3 =	vimm.s32 $0xFEDCBA98;
	v56 =	vimm.s32 $0xBA987654  }
0x3: {  	s5 =	rddreg [dreg:$0x0];
	s3 =	simm.s32 $0x0;
	v5 =	vimm.s32 $0x10FEDCBA;
	v6 =	vimm.s32 $0x98765432;
	v7 =	vimm.s32 $0xFEDCBA9;
	s14 =	simm.s32 $0x1  }
0x4: {  	v55 =	vlaneseq.u32;
	v8 =	vimm.s32 $0x87654321;
	s15 =	simm.s32 $0xE030;
	s17 =	simm.s32 $0xC000;
	s18 =	simm.s32 $0xC010;
	v1 =	vunpack.c.l.s4.s8 v1  }
0x5: {  	s1 =	sshll.u32 s2, $0x1;
	s6 =	sshrl.u32 s2, $0x2;
	s2 =	rddreg [dreg:$0x1];
	v0 =	vor.u32 $0x10, v55;
	v4 =	vunpack.c.l.s4.s8 v2;
	v54 =	vunpack.c.l.s4.s8 v3  }
0x6: {  	s0 =	sand.u32 $0x1, s0;
	[smem:$0x7FF] =	sst s3;
	v3 =	vunpack.c.l.s4.s8 v56;
	v5 =	vunpack.c.l.s4.s8 v5;
	v6 =	vunpack.c.l.s4.s8 v6;
	s4 =	smul.u32 $0x18000, s6  }
0x7: {  	v7 =	vunpack.c.l.s4.s8 v7;
	v8 =	vunpack.c.l.s4.s8 v8;
	v57 =	vor.u32 $0x20, v55;
	s1 =	sand.u32 $0x6, s1;
	s8 =	smul.u32 $0x600, s6;
	[tilespmem:$0x1FF90] =	vst v0;
	s9 =	sshll.u32 s6, $0xE  }
0x8: {  	v58 =	vor.u32 $0x30, v55;
	s1 =	sor.u32 s0, s1;
	v1 =	vunpack.c.0.s8.s32 v1;
	_ =	strace $0x80000047;
	s0 =	ssub.s32 $0x2, s0;
	v9 =	vunpack.c.0.s8.s32 v54  }
0x9: {  	s9 =	sadd.s32 s9, s5;
	v3 =	vunpack.c.0.s8.s32 v3;
	v5 =	vunpack.c.0.s8.s32 v5;
	v4 =	vunpack.c.0.s8.s32 v4;
	s7 =	smul.u32 $0x3000, s1;
	s29 =	sshrl.u32 s0, $0x1  }
0xa: {  	v6 =	vunpack.c.0.s8.s32 v6;
	v7 =	vunpack.c.0.s8.s32 v7;
	s26 =	sadd.s32 s8, s5;
	s10 =	sshll.u32 s1, $0xB;
	s0 =	ssub.s32 s0, s29;
	v59 =	vand.u32 $0xF, v9  }
0xb: {  	v8 =	vunpack.c.0.s8.s32 v8;
	[tilespmem:$0x1FFA0] =	vst v57;
	v1 =	vcombine.low v3, v1;
	s4 =	sadd.s32 s4, s7;
	s7 =	sadd.s32 $0x800, s26;
	s0 =	smax.u32 s0, $0x1;
	v60 =	vcombine.low v59, v4  }
.Ltmp0:
0xc: {  	[tilespmem:$0x1FFB0] =	vst v58;
	v5 =	vcombine.low v6, v5;
	s4 =	sshrl.u32 s4, $0x3;
	[dreg:$0x3] =	wrdreg s7;
	(pc) =	sbr.rel .LBB2_1-.Ltmp0, $4  }
0xd: {  	s30 =	sadd.s32 s10, s9;
	v7 =	vcombine.low v8, v7;
	[dreg:$0x6] =	wrdreg s0;
	v61 =	vand.u32 $0xF, v1;
	s28 =	sadd.s32 s4, s5;
	[tilespmem:$0x1FFC0] =	vst v60  }
0xe: {  	v62 =	vand.u32 $0xF, v5;
	s4 =	sadd.s32 $0x2000, s5;
	s5 =	sshll.u32 s1, $0x8;
	s1 =	sadd.s32 $0xA000, s30;
	[tilespmem:$0x1FFD0] =	vst v61  }
0xf: {  	s19 =	simm.s32 $0xD020;
	v63 =	vand.u32 $0xF, v7;
	[tilespmem:$0x1FFE0] =	vst v62;
	s31 =	sadd.s32 $0x1A000, s28;
	[dreg:$0x5] =	wrdreg s1  }
0x10: {  	s9 =	sshll.u32 s6, $0x16;
	s6 =	simm.s32 $0x0;
	[tilespmem:$0x1FFF0] =	vst v63;
	[dreg:$0x4] =	wrdreg s31  }
.LBB2_29:
0x11: {  	s1 =	simm.s32 $0x2  }
0x12: {  	_ =	swait.ge [sflag:s1], $0x800  }
0x13: {  	[sflag:s1] =	ssyncset.done $0x0  }
0x14: {  	[sflag:s1] =	ssyncadd.s32 $0xFFFFF800  }
0x15: {  	_ =	swait.ge [sflag:s1], $0x800  }
0x16: {  	[sflag:s1] =	ssyncset.done $0x0  }
0x17: {  	[sflag:s1] =	ssyncadd.s32 $0xFFFFF800  }
0x18: {  	_ =	swait.ge [sflag:s1], $0x800  }
0x19: {  	[sflag:s1] =	ssyncset.done $0x0  }
0x1a: {  	[sflag:s1] =	ssyncadd.s32 $0xFFFFF800  }
0x1b: {  	_ =	swait.ge [sflag:s1], $0x800  }
0x1c: {  	s6 =	rddreg [dreg:$0x7]  }
0x1d: {  	s0 =	rddreg [dreg:$0x6];
	s6 =	sadd.s32 $0x1, s6  }
0x1e: {  	p0 =	sne.s32 s6, s0  }
.Ltmp1:
0x1f: {  	_ = 	snop;
	(pc) =	sbr.rel @!p0 .LBB2_30-.Ltmp1, $3  }
0x20: {  	_ =	sdelay $0x1  }
0x21: {  	[sflag:s1] =	ssyncset.done $0x0  }
0x22: {  	[sflag:s1] =	ssyncadd.s32 $0xFFFFF800  }
.LBB2_1:
0x23: {  	[dreg:$0x7] =	wrdreg s6  }
0x24: {  	s0 =	rddreg [dreg:$0x3];
	s1 =	simm.s32 $0x3  }
0x25: {  	[tilespmem:s3], [sflag:$0x3] =	stream.linear.gather [hbm4b:s0+s3], $0x3000, $0x38;
	[tilespmem:$0x11030] =	vst v63  }
0x26: {  	_ =	swait.ge [sflag:s1], $0x3000  }
0x27: {  	[sflag:s1] =	ssyncset.done $0x0  }
0x28: {  	s29 =	simm.s32 $0x3000;
	s28 =	rddreg [dreg:$0x4];
	[sflag:s1] =	ssyncadd.s32 $0xFFFFD000  }
0x29: {  	[tilespmem:s29], [sflag:$0x3] =	stream.linear.gather [hbm4b:s28+s3], $0x3000, $0x38;
	[tilespmem:$0x11030] =	vst v63  }
0x2a: {  	_ =	swait.ge [sflag:s1], $0x3000  }
0x2b: {  	s31 =	simm.s32 $0x6000;
	[sflag:s1] =	ssyncset.done $0x0  }
.Ltmp2:
0x2c: {  	s30 =	rddreg [dreg:$0x5];
	[sflag:s1] =	ssyncadd.s32 $0xFFFFD000;
	(pc) =	sbr.rel .LBB2_2-.Ltmp2, $4  }
0x2d: {  	[tilespmem:s31], [sflag:$0x3] =	stream.linear.gather [hbm4b:s30+s3], $0x4000, $0x38;
	[tilespmem:$0x11030] =	vst v63  }
0x2e: {  	_ =	swait.ge [sflag:s1], $0x4000  }
0x2f: {  	[sflag:s1] =	ssyncset.done $0x0  }
0x30: {  	s21 =	simm.s32 $0x0;
	[sflag:s1] =	ssyncadd.s32 $0xFFFFC000  }
.LBB2_27:
0x31: {  	_ =	swait.ge [sflag:s14], $0x400  }
0x32: {  	[sflag:s14] =	ssyncset.done $0x0  }
0x33: {  	[sflag:s14] =	ssyncadd.s32 $0xFFFFFC00  }
0x34: {  	s22 =	sadd.s32 $0xFFFFFFFF, s21;
	_ =	swait.ge [sflag:s14], $0x400  }
0x35: {  	p0 =	slt.u32 s21, $0x3;
	s23 =	sshll.u32 s22, $0x1;
	[sflag:s14] =	ssyncset.done $0x0  }
0x36: {  	s1 =	simm.s32 @!p0 $0x2;
	s0 =	sand.u32 $0x2, s23;
	[sflag:s14] =	ssyncadd.s32 $0xFFFFFC00  }
0x37: {  	s6 =	sshll.u32 s0, $0x4;
	_ =	swait.ge @!p0 [sflag:s1], $0x800  }
0x38: {  	s25 =	sshll.u32 s6, $0x6;
	[sflag:s1] =	ssyncset.done @!p0 $0x0  }
0x39: {  	v0 =	vor.u32 s25, v55;
	[sflag:s1] =	ssyncadd.s32 @!p0 $0xFFFFF800  }
0x3a: {  	_ =	swait.ge @!p0 [sflag:s1], $0x800  }
0x3b: {  	s24 =	sshll.u32 s22, $0x9;
	[sflag:s1] =	ssyncset.done @!p0 $0x0  }
0x3c: {  	s26 =	sshra.s32 s24, $0x2;
	[sflag:s1] =	ssyncadd.s32 @!p0 $0xFFFFF800  }
0x3d: {  	v1 =	vld [tilespmem:s26+$0x6000]  }
0x3e: {  	v0 =	vld.idx.msk [tilespmem:v0+s15+$0x0], $0xffff;
	_ =	sdelay $0x1  }
0x3f: {  	s28 =	sor.u32 $0x40, s25  }
0x40: {  	v2 =	vor.u32 s28, v55;
	_ =	sdelay $0x1  }
0x41: {  	s24 =	sshll.u32 s0, $0xB;
	v0 =	vsub.f32 v0, v1  }
0x42: {  	[tilespmem:s24+$0xF070] =	vst v1  }
0x43: {  	[tilespmem:s24+$0xF030] =	vst v0  }
0x44: {  	v0 =	vld.idx.msk [tilespmem:v2+s15+$0x0], $0xffff;
	_ =	sdelay $0x1  }
0x45: {  	s29 =	sor.u32 $0x80, s25  }
0x46: {  	v53 =	vor.u32 s29, v55;
	_ =	sdelay $0x1  }
0x47: {  	v0 =	vsub.f32 v0, v1  }
0x48: {  	[tilespmem:s24+$0xF0F0] =	vst v1  }
0x49: {  	[tilespmem:s24+$0xF0B0] =	vst v0  }
0x4a: {  	v0 =	vld.idx.msk [tilespmem:v53+s15+$0x0], $0xffff;
	_ =	sdelay $0x1  }
0x4b: {  	s30 =	sor.u32 $0xC0, s25  }
0x4c: {  	v54 =	vor.u32 s30, v55;
	_ =	sdelay $0x1  }
0x4d: {  	v0 =	vsub.f32 v0, v1  }
0x4e: {  	[tilespmem:s24+$0xF170] =	vst v1  }
0x4f: {  	[tilespmem:s24+$0xF130] =	vst v0  }
0x50: {  	v0 =	vld.idx.msk [tilespmem:v54+s15+$0x0], $0xffff;
	_ =	sdelay $0x1  }
0x51: {  	s31 =	sor.u32 $0x100, s25  }
0x52: {  	v56 =	vor.u32 s31, v55;
	_ =	sdelay $0x1  }
0x53: {  	v0 =	vsub.f32 v0, v1  }
0x54: {  	[tilespmem:s24+$0xF1F0] =	vst v1  }
0x55: {  	[tilespmem:s24+$0xF1B0] =	vst v0  }
0x56: {  	v0 =	vld.idx.msk [tilespmem:v56+s15+$0x0], $0xffff;
	_ =	sdelay $0x1  }
0x57: {  	s1 =	sor.u32 $0x140, s25  }
0x58: {  	v57 =	vor.u32 s1, v55;
	_ =	sdelay $0x1  }
0x59: {  	v0 =	vsub.f32 v0, v1  }
0x5a: {  	[tilespmem:s24+$0xF270] =	vst v1  }
0x5b: {  	[tilespmem:s24+$0xF230] =	vst v0  }
0x5c: {  	v0 =	vld.idx.msk [tilespmem:v57+s15+$0x0], $0xffff;
	_ =	sdelay $0x1  }
0x5d: {  	s0 =	sor.u32 $0x180, s25  }
0x5e: {  	v58 =	vor.u32 s0, v55;
	_ =	sdelay $0x1  }
0x5f: {  	v0 =	vsub.f32 v0, v1  }
0x60: {  	[tilespmem:s24+$0xF2F0] =	vst v1  }
0x61: {  	[tilespmem:s24+$0xF2B0] =	vst v0  }
0x62: {  	v0 =	vld.idx.msk [tilespmem:v58+s15+$0x0], $0xffff;
	_ =	sdelay $0x1  }
0x63: {  	s12 =	sor.u32 $0x1C0, s25  }
0x64: {  	v59 =	vor.u32 s12, v55;
	_ =	sdelay $0x1  }
0x65: {  	v0 =	vsub.f32 v0, v1  }
0x66: {  	[tilespmem:s24+$0xF370] =	vst v1  }
0x67: {  	[tilespmem:s24+$0xF330] =	vst v0  }
0x68: {  	v0 =	vld.idx.msk [tilespmem:v59+s15+$0x0], $0xffff;
	_ =	sdelay $0x1  }
0x69: {  	s13 =	sor.u32 $0x200, s25  }
0x6a: {  	v60 =	vor.u32 s13, v55;
	_ =	sdelay $0x1  }
0x6b: {  	v0 =	vsub.f32 v0, v1  }
0x6c: {  	[tilespmem:s24+$0xF3F0] =	vst v1  }
0x6d: {  	[tilespmem:s24+$0xF3B0] =	vst v0  }
0x6e: {  	v0 =	vld.idx.msk [tilespmem:v60+s15+$0x0], $0xffff;
	_ =	sdelay $0x1  }
0x6f: {  	s6 =	sor.u32 $0x240, s25  }
0x70: {  	v61 =	vor.u32 s6, v55;
	_ =	sdelay $0x1  }
0x71: {  	v0 =	vsub.f32 v0, v1  }
0x72: {  	[tilespmem:s24+$0xF470] =	vst v1  }
0x73: {  	[tilespmem:s24+$0xF430] =	vst v0  }
0x74: {  	v0 =	vld.idx.msk [tilespmem:v61+s15+$0x0], $0xffff;
	_ =	sdelay $0x1  }
0x75: {  	s7 =	sor.u32 $0x280, s25  }
0x76: {  	v62 =	vor.u32 s7, v55;
	_ =	sdelay $0x1  }
0x77: {  	v0 =	vsub.f32 v0, v1  }
0x78: {  	[tilespmem:s24+$0xF4F0] =	vst v1  }
0x79: {  	[tilespmem:s24+$0xF4B0] =	vst v0  }
0x7a: {  	v0 =	vld.idx.msk [tilespmem:v62+s15+$0x0], $0xffff;
	_ =	sdelay $0x1  }
0x7b: {  	s8 =	sor.u32 $0x2C0, s25  }
0x7c: {  	v63 =	vor.u32 s8, v55;
	_ =	sdelay $0x1  }
0x7d: {  	v0 =	vsub.f32 v0, v1  }
0x7e: {  	[tilespmem:s24+$0xF570] =	vst v1  }
0x7f: {  	[tilespmem:s24+$0xF530] =	vst v0  }
0x80: {  	v0 =	vld.idx.msk [tilespmem:v63+s15+$0x0], $0xffff;
	_ =	sdelay $0x1  }
0x81: {  	s10 =	sor.u32 $0x300, s25  }
0x82: {  	v4 =	vor.u32 s10, v55;
	_ =	sdelay $0x1  }
0x83: {  	v0 =	vsub.f32 v0, v1  }
0x84: {  	[tilespmem:s24+$0xF5F0] =	vst v1  }
0x85: {  	[tilespmem:s24+$0xF5B0] =	vst v0  }
0x86: {  	v0 =	vld.idx.msk [tilespmem:v4+s15+$0x0], $0xffff;
	_ =	sdelay $0x1  }
0x87: {  	s11 =	sor.u32 $0x340, s25  }
0x88: {  	v5 =	vor.u32 s11, v55;
	_ =	sdelay $0x1  }
0x89: {  	v0 =	vsub.f32 v0, v1  }
0x8a: {  	[tilespmem:s24+$0xF670] =	vst v1  }
0x8b: {  	[tilespmem:s24+$0xF630] =	vst v0  }
0x8c: {  	v0 =	vld.idx.msk [tilespmem:v5+s15+$0x0], $0xffff;
	_ =	sdelay $0x1  }
0x8d: {  	s16 =	sor.u32 $0x380, s25  }
0x8e: {  	v6 =	vor.u32 s16, v55;
	_ =	sdelay $0x1  }
0x8f: {  	v0 =	vsub.f32 v0, v1  }
0x90: {  	[tilespmem:s24+$0xF6F0] =	vst v1  }
0x91: {  	[tilespmem:s24+$0xF6B0] =	vst v0  }
0x92: {  	v0 =	vld.idx.msk [tilespmem:v6+s15+$0x0], $0xffff;
	_ =	sdelay $0x1  }
0x93: {  	s20 =	sor.u32 $0x3C0, s25  }
0x94: {  	v7 =	vor.u32 s20, v55;
	_ =	sdelay $0x1  }
0x95: {  	v0 =	vsub.f32 v0, v1  }
0x96: {  	[tilespmem:s24+$0xF770] =	vst v1  }
0x97: {  	v3 =	vld [tilespmem:$0x1FF90];
	[tilespmem:s24+$0xF730] =	vst v0  }
0x98: {  	v0 =	vld.idx.msk [tilespmem:v7+s15+$0x0], $0xffff;
	_ =	sdelay $0x3  }
0x99: {  	v8 =	vor.u32 s25, v3  }
0x9a: {  	v0 =	vsub.f32 v0, v1  }
0x9b: {  	[tilespmem:s24+$0xF7F0] =	vst v1  }
0x9c: {  	[tilespmem:s24+$0xF7B0] =	vst v0  }
0x9d: {  	v0 =	vld [tilespmem:s26+$0x6010]  }
0x9e: {  	v1 =	vld.idx.msk [tilespmem:v8+s15+$0x0], $0xffff;
	_ =	sdelay $0x2  }
0x9f: {  	v9 =	vor.u32 s28, v3;
	_ =	sdelay $0x1  }
0xa0: {  	v1 =	vsub.f32 v1, v0  }
0xa1: {  	[tilespmem:s24+$0xF080] =	vst v0  }
0xa2: {  	[tilespmem:s24+$0xF040] =	vst v1  }
0xa3: {  	v1 =	vld.idx.msk [tilespmem:v9+s15+$0x0], $0xffff;
	_ =	sdelay $0x2  }
0xa4: {  	v10 =	vor.u32 s29, v3;
	_ =	sdelay $0x1  }
0xa5: {  	v1 =	vsub.f32 v1, v0  }
0xa6: {  	[tilespmem:s24+$0xF100] =	vst v0  }
0xa7: {  	[tilespmem:s24+$0xF0C0] =	vst v1  }
0xa8: {  	v1 =	vld.idx.msk [tilespmem:v10+s15+$0x0], $0xffff;
	_ =	sdelay $0x2  }
0xa9: {  	v11 =	vor.u32 s30, v3;
	_ =	sdelay $0x1  }
0xaa: {  	v1 =	vsub.f32 v1, v0  }
0xab: {  	[tilespmem:s24+$0xF180] =	vst v0  }
0xac: {  	[tilespmem:s24+$0xF140] =	vst v1  }
0xad: {  	v1 =	vld.idx.msk [tilespmem:v11+s15+$0x0], $0xffff;
	_ =	sdelay $0x2  }
0xae: {  	v12 =	vor.u32 s31, v3;
	_ =	sdelay $0x1  }
0xaf: {  	v1 =	vsub.f32 v1, v0  }
0xb0: {  	[tilespmem:s24+$0xF200] =	vst v0  }
0xb1: {  	[tilespmem:s24+$0xF1C0] =	vst v1  }
0xb2: {  	v1 =	vld.idx.msk [tilespmem:v12+s15+$0x0], $0xffff;
	_ =	sdelay $0x2  }
0xb3: {  	v13 =	vor.u32 s1, v3;
	_ =	sdelay $0x1  }
0xb4: {  	v1 =	vsub.f32 v1, v0  }
0xb5: {  	[tilespmem:s24+$0xF280] =	vst v0  }
0xb6: {  	[tilespmem:s24+$0xF240] =	vst v1  }
0xb7: {  	v1 =	vld.idx.msk [tilespmem:v13+s15+$0x0], $0xffff;
	_ =	sdelay $0x2  }
0xb8: {  	v14 =	vor.u32 s0, v3;
	_ =	sdelay $0x1  }
0xb9: {  	v1 =	vsub.f32 v1, v0  }
0xba: {  	[tilespmem:s24+$0xF300] =	vst v0  }
0xbb: {  	[tilespmem:s24+$0xF2C0] =	vst v1  }
0xbc: {  	v1 =	vld.idx.msk [tilespmem:v14+s15+$0x0], $0xffff;
	_ =	sdelay $0x2  }
0xbd: {  	v15 =	vor.u32 s12, v3;
	_ =	sdelay $0x1  }
0xbe: {  	v1 =	vsub.f32 v1, v0  }
0xbf: {  	[tilespmem:s24+$0xF380] =	vst v0  }
0xc0: {  	[tilespmem:s24+$0xF340] =	vst v1  }
0xc1: {  	v1 =	vld.idx.msk [tilespmem:v15+s15+$0x0], $0xffff;
	_ =	sdelay $0x2  }
0xc2: {  	v16 =	vor.u32 s13, v3;
	_ =	sdelay $0x1  }
0xc3: {  	v1 =	vsub.f32 v1, v0  }
0xc4: {  	[tilespmem:s24+$0xF400] =	vst v0  }
0xc5: {  	[tilespmem:s24+$0xF3C0] =	vst v1  }
0xc6: {  	v1 =	vld.idx.msk [tilespmem:v16+s15+$0x0], $0xffff;
	_ =	sdelay $0x2  }
0xc7: {  	v17 =	vor.u32 s6, v3;
	_ =	sdelay $0x1  }
0xc8: {  	v1 =	vsub.f32 v1, v0  }
0xc9: {  	[tilespmem:s24+$0xF480] =	vst v0  }
0xca: {  	[tilespmem:s24+$0xF440] =	vst v1  }
0xcb: {  	v1 =	vld.idx.msk [tilespmem:v17+s15+$0x0], $0xffff;
	_ =	sdelay $0x2  }
0xcc: {  	v18 =	vor.u32 s7, v3;
	_ =	sdelay $0x1  }
0xcd: {  	v1 =	vsub.f32 v1, v0  }
0xce: {  	[tilespmem:s24+$0xF500] =	vst v0  }
0xcf: {  	[tilespmem:s24+$0xF4C0] =	vst v1  }
0xd0: {  	v1 =	vld.idx.msk [tilespmem:v18+s15+$0x0], $0xffff;
	_ =	sdelay $0x2  }
0xd1: {  	v19 =	vor.u32 s8, v3;
	_ =	sdelay $0x1  }
0xd2: {  	v1 =	vsub.f32 v1, v0  }
0xd3: {  	[tilespmem:s24+$0xF580] =	vst v0  }
0xd4: {  	[tilespmem:s24+$0xF540] =	vst v1  }
0xd5: {  	v1 =	vld.idx.msk [tilespmem:v19+s15+$0x0], $0xffff;
	_ =	sdelay $0x2  }
0xd6: {  	v20 =	vor.u32 s10, v3;
	_ =	sdelay $0x1  }
0xd7: {  	v1 =	vsub.f32 v1, v0  }
0xd8: {  	[tilespmem:s24+$0xF600] =	vst v0  }
0xd9: {  	[tilespmem:s24+$0xF5C0] =	vst v1  }
0xda: {  	v1 =	vld.idx.msk [tilespmem:v20+s15+$0x0], $0xffff;
	_ =	sdelay $0x2  }
0xdb: {  	v21 =	vor.u32 s11, v3;
	_ =	sdelay $0x1  }
0xdc: {  	v1 =	vsub.f32 v1, v0  }
0xdd: {  	[tilespmem:s24+$0xF680] =	vst v0  }
0xde: {  	[tilespmem:s24+$0xF640] =	vst v1  }
0xdf: {  	v1 =	vld.idx.msk [tilespmem:v21+s15+$0x0], $0xffff;
	_ =	sdelay $0x2  }
0xe0: {  	v22 =	vor.u32 s16, v3;
	_ =	sdelay $0x1  }
0xe1: {  	v1 =	vsub.f32 v1, v0  }
0xe2: {  	[tilespmem:s24+$0xF700] =	vst v0  }
0xe3: {  	[tilespmem:s24+$0xF6C0] =	vst v1  }
0xe4: {  	v1 =	vld.idx.msk [tilespmem:v22+s15+$0x0], $0xffff;
	_ =	sdelay $0x2  }
0xe5: {  	v23 =	vor.u32 s20, v3;
	_ =	sdelay $0x1  }
0xe6: {  	v1 =	vsub.f32 v1, v0  }
0xe7: {  	[tilespmem:s24+$0xF780] =	vst v0  }
0xe8: {  	v4 =	vld [tilespmem:$0x1FFA0];
	[tilespmem:s24+$0xF740] =	vst v1  }
0xe9: {  	v1 =	vld.idx.msk [tilespmem:v23+s15+$0x0], $0xffff;
	_ =	sdelay $0x3  }
0xea: {  	v24 =	vor.u32 s25, v4  }
0xeb: {  	v1 =	vsub.f32 v1, v0  }
0xec: {  	[tilespmem:s24+$0xF800] =	vst v0  }
0xed: {  	[tilespmem:s24+$0xF7C0] =	vst v1  }
0xee: {  	v0 =	vld [tilespmem:s26+$0x6020]  }
0xef: {  	v1 =	vld.idx.msk [tilespmem:v24+s15+$0x0], $0xffff;
	_ =	sdelay $0x2  }
0xf0: {  	v25 =	vor.u32 s28, v4;
	_ =	sdelay $0x1  }
0xf1: {  	v1 =	vsub.f32 v1, v0  }
0xf2: {  	[tilespmem:s24+$0xF090] =	vst v0  }
0xf3: {  	[tilespmem:s24+$0xF050] =	vst v1  }
0xf4: {  	v1 =	vld.idx.msk [tilespmem:v25+s15+$0x0], $0xffff;
	_ =	sdelay $0x2  }
0xf5: {  	v26 =	vor.u32 s29, v4;
	_ =	sdelay $0x1  }
0xf6: {  	v1 =	vsub.f32 v1, v0  }
0xf7: {  	[tilespmem:s24+$0xF110] =	vst v0  }
0xf8: {  	[tilespmem:s24+$0xF0D0] =	vst v1  }
0xf9: {  	v1 =	vld.idx.msk [tilespmem:v26+s15+$0x0], $0xffff;
	_ =	sdelay $0x2  }
0xfa: {  	v27 =	vor.u32 s30, v4;
	_ =	sdelay $0x1  }
0xfb: {  	v1 =	vsub.f32 v1, v0  }
0xfc: {  	[tilespmem:s24+$0xF190] =	vst v0  }
0xfd: {  	[tilespmem:s24+$0xF150] =	vst v1  }
0xfe: {  	v1 =	vld.idx.msk [tilespmem:v27+s15+$0x0], $0xffff;
	_ =	sdelay $0x2  }
0xff: {  	v28 =	vor.u32 s31, v4;
	_ =	sdelay $0x1  }
0x100: {  	v1 =	vsub.f32 v1, v0  }
0x101: {  	[tilespmem:s24+$0xF210] =	vst v0  }
0x102: {  	[tilespmem:s24+$0xF1D0] =	vst v1  }
0x103: {  	v1 =	vld.idx.msk [tilespmem:v28+s15+$0x0], $0xffff;
	_ =	sdelay $0x2  }
0x104: {  	v29 =	vor.u32 s1, v4;
	_ =	sdelay $0x1  }
0x105: {  	v1 =	vsub.f32 v1, v0  }
0x106: {  	[tilespmem:s24+$0xF290] =	vst v0  }
0x107: {  	[tilespmem:s24+$0xF250] =	vst v1  }
0x108: {  	v1 =	vld.idx.msk [tilespmem:v29+s15+$0x0], $0xffff;
	_ =	sdelay $0x2  }
0x109: {  	v30 =	vor.u32 s0, v4;
	_ =	sdelay $0x1  }
0x10a: {  	v1 =	vsub.f32 v1, v0  }
0x10b: {  	[tilespmem:s24+$0xF310] =	vst v0  }
0x10c: {  	[tilespmem:s24+$0xF2D0] =	vst v1  }
0x10d: {  	v1 =	vld.idx.msk [tilespmem:v30+s15+$0x0], $0xffff;
	_ =	sdelay $0x2  }
0x10e: {  	v31 =	vor.u32 s12, v4;
	_ =	sdelay $0x1  }
0x10f: {  	v1 =	vsub.f32 v1, v0  }
0x110: {  	[tilespmem:s24+$0xF390] =	vst v0  }
0x111: {  	[tilespmem:s24+$0xF350] =	vst v1  }
0x112: {  	v1 =	vld.idx.msk [tilespmem:v31+s15+$0x0], $0xffff;
	_ =	sdelay $0x2  }
0x113: {  	v32 =	vor.u32 s13, v4;
	_ =	sdelay $0x1  }
0x114: {  	v1 =	vsub.f32 v1, v0  }
0x115: {  	[tilespmem:s24+$0xF410] =	vst v0  }
0x116: {  	[tilespmem:s24+$0xF3D0] =	vst v1  }
0x117: {  	v1 =	vld.idx.msk [tilespmem:v32+s15+$0x0], $0xffff;
	_ =	sdelay $0x2  }
0x118: {  	v33 =	vor.u32 s6, v4;
	_ =	sdelay $0x1  }
0x119: {  	v1 =	vsub.f32 v1, v0  }
0x11a: {  	[tilespmem:s24+$0xF490] =	vst v0  }
0x11b: {  	[tilespmem:s24+$0xF450] =	vst v1  }
0x11c: {  	v1 =	vld.idx.msk [tilespmem:v33+s15+$0x0], $0xffff;
	_ =	sdelay $0x2  }
0x11d: {  	v34 =	vor.u32 s7, v4;
	_ =	sdelay $0x1  }
0x11e: {  	v1 =	vsub.f32 v1, v0  }
0x11f: {  	[tilespmem:s24+$0xF510] =	vst v0  }
0x120: {  	[tilespmem:s24+$0xF4D0] =	vst v1  }
0x121: {  	v1 =	vld.idx.msk [tilespmem:v34+s15+$0x0], $0xffff;
	_ =	sdelay $0x2  }
0x122: {  	v35 =	vor.u32 s8, v4;
	_ =	sdelay $0x1  }
0x123: {  	v1 =	vsub.f32 v1, v0  }
0x124: {  	[tilespmem:s24+$0xF590] =	vst v0  }
0x125: {  	[tilespmem:s24+$0xF550] =	vst v1  }
0x126: {  	v1 =	vld.idx.msk [tilespmem:v35+s15+$0x0], $0xffff;
	_ =	sdelay $0x2  }
0x127: {  	v36 =	vor.u32 s10, v4;
	_ =	sdelay $0x1  }
0x128: {  	v1 =	vsub.f32 v1, v0  }
0x129: {  	[tilespmem:s24+$0xF610] =	vst v0  }
0x12a: {  	[tilespmem:s24+$0xF5D0] =	vst v1  }
0x12b: {  	v1 =	vld.idx.msk [tilespmem:v36+s15+$0x0], $0xffff;
	_ =	sdelay $0x2  }
0x12c: {  	v37 =	vor.u32 s11, v4;
	_ =	sdelay $0x1  }
0x12d: {  	v1 =	vsub.f32 v1, v0  }
0x12e: {  	[tilespmem:s24+$0xF690] =	vst v0  }
0x12f: {  	[tilespmem:s24+$0xF650] =	vst v1  }
0x130: {  	v1 =	vld.idx.msk [tilespmem:v37+s15+$0x0], $0xffff;
	_ =	sdelay $0x2  }
0x131: {  	v38 =	vor.u32 s16, v4;
	_ =	sdelay $0x1  }
0x132: {  	v1 =	vsub.f32 v1, v0  }
0x133: {  	[tilespmem:s24+$0xF710] =	vst v0  }
0x134: {  	[tilespmem:s24+$0xF6D0] =	vst v1  }
0x135: {  	v1 =	vld.idx.msk [tilespmem:v38+s15+$0x0], $0xffff;
	_ =	sdelay $0x2  }
0x136: {  	v39 =	vor.u32 s20, v4;
	_ =	sdelay $0x1  }
0x137: {  	v1 =	vsub.f32 v1, v0  }
0x138: {  	[tilespmem:s24+$0xF790] =	vst v0  }
0x139: {  	v5 =	vld [tilespmem:$0x1FFB0];
	[tilespmem:s24+$0xF750] =	vst v1  }
0x13a: {  	v1 =	vld.idx.msk [tilespmem:v39+s15+$0x0], $0xffff;
	_ =	sdelay $0x3  }
0x13b: {  	v40 =	vor.u32 s25, v5  }
0x13c: {  	v1 =	vsub.f32 v1, v0  }
0x13d: {  	[tilespmem:s24+$0xF810] =	vst v0  }
0x13e: {  	[tilespmem:s24+$0xF7D0] =	vst v1  }
0x13f: {  	v0 =	vld [tilespmem:s26+$0x6030]  }
0x140: {  	v1 =	vld.idx.msk [tilespmem:v40+s15+$0x0], $0xffff;
	_ =	sdelay $0x2  }
0x141: {  	v41 =	vor.u32 s28, v5;
	_ =	sdelay $0x1  }
0x142: {  	v1 =	vsub.f32 v1, v0  }
0x143: {  	[tilespmem:s24+$0xF0A0] =	vst v0  }
0x144: {  	[tilespmem:s24+$0xF060] =	vst v1  }
0x145: {  	v1 =	vld.idx.msk [tilespmem:v41+s15+$0x0], $0xffff;
	_ =	sdelay $0x2  }
0x146: {  	v42 =	vor.u32 s29, v5;
	_ =	sdelay $0x1  }
0x147: {  	v1 =	vsub.f32 v1, v0  }
0x148: {  	[tilespmem:s24+$0xF120] =	vst v0  }
0x149: {  	[tilespmem:s24+$0xF0E0] =	vst v1  }
0x14a: {  	v1 =	vld.idx.msk [tilespmem:v42+s15+$0x0], $0xffff;
	_ =	sdelay $0x2  }
0x14b: {  	v43 =	vor.u32 s30, v5;
	_ =	sdelay $0x1  }
0x14c: {  	v1 =	vsub.f32 v1, v0  }
0x14d: {  	[tilespmem:s24+$0xF1A0] =	vst v0  }
0x14e: {  	[tilespmem:s24+$0xF160] =	vst v1  }
0x14f: {  	v1 =	vld.idx.msk [tilespmem:v43+s15+$0x0], $0xffff;
	_ =	sdelay $0x2  }
0x150: {  	v44 =	vor.u32 s31, v5;
	_ =	sdelay $0x1  }
0x151: {  	v1 =	vsub.f32 v1, v0  }
0x152: {  	[tilespmem:s24+$0xF220] =	vst v0  }
0x153: {  	[tilespmem:s24+$0xF1E0] =	vst v1  }
0x154: {  	v1 =	vld.idx.msk [tilespmem:v44+s15+$0x0], $0xffff;
	_ =	sdelay $0x2  }
0x155: {  	v45 =	vor.u32 s1, v5;
	_ =	sdelay $0x1  }
0x156: {  	v1 =	vsub.f32 v1, v0  }
0x157: {  	[tilespmem:s24+$0xF2A0] =	vst v0  }
0x158: {  	[tilespmem:s24+$0xF260] =	vst v1  }
0x159: {  	v1 =	vld.idx.msk [tilespmem:v45+s15+$0x0], $0xffff;
	_ =	sdelay $0x2  }
0x15a: {  	v46 =	vor.u32 s0, v5;
	_ =	sdelay $0x1  }
0x15b: {  	v1 =	vsub.f32 v1, v0  }
0x15c: {  	[tilespmem:s24+$0xF320] =	vst v0  }
0x15d: {  	[tilespmem:s24+$0xF2E0] =	vst v1  }
0x15e: {  	v1 =	vld.idx.msk [tilespmem:v46+s15+$0x0], $0xffff;
	_ =	sdelay $0x2  }
0x15f: {  	v47 =	vor.u32 s12, v5;
	_ =	sdelay $0x1  }
0x160: {  	v1 =	vsub.f32 v1, v0  }
0x161: {  	[tilespmem:s24+$0xF3A0] =	vst v0  }
0x162: {  	[tilespmem:s24+$0xF360] =	vst v1  }
0x163: {  	v1 =	vld.idx.msk [tilespmem:v47+s15+$0x0], $0xffff;
	_ =	sdelay $0x2  }
0x164: {  	v48 =	vor.u32 s13, v5;
	_ =	sdelay $0x1  }
0x165: {  	v1 =	vsub.f32 v1, v0  }
0x166: {  	[tilespmem:s24+$0xF420] =	vst v0  }
0x167: {  	[tilespmem:s24+$0xF3E0] =	vst v1  }
0x168: {  	v1 =	vld.idx.msk [tilespmem:v48+s15+$0x0], $0xffff;
	_ =	sdelay $0x2  }
0x169: {  	v49 =	vor.u32 s6, v5;
	_ =	sdelay $0x1  }
0x16a: {  	v1 =	vsub.f32 v1, v0  }
0x16b: {  	[tilespmem:s24+$0xF4A0] =	vst v0  }
0x16c: {  	[tilespmem:s24+$0xF460] =	vst v1  }
0x16d: {  	v1 =	vld.idx.msk [tilespmem:v49+s15+$0x0], $0xffff;
	_ =	sdelay $0x2  }
0x16e: {  	v50 =	vor.u32 s7, v5;
	_ =	sdelay $0x1  }
0x16f: {  	v1 =	vsub.f32 v1, v0  }
0x170: {  	[tilespmem:s24+$0xF520] =	vst v0  }
0x171: {  	[tilespmem:s24+$0xF4E0] =	vst v1  }
0x172: {  	v1 =	vld.idx.msk [tilespmem:v50+s15+$0x0], $0xffff;
	_ =	sdelay $0x2  }
0x173: {  	v51 =	vor.u32 s8, v5;
	_ =	sdelay $0x1  }
0x174: {  	v1 =	vsub.f32 v1, v0  }
0x175: {  	[tilespmem:s24+$0xF5A0] =	vst v0  }
0x176: {  	[tilespmem:s24+$0xF560] =	vst v1  }
0x177: {  	v1 =	vld.idx.msk [tilespmem:v51+s15+$0x0], $0xffff;
	_ =	sdelay $0x2  }
0x178: {  	v52 =	vor.u32 s10, v5;
	_ =	sdelay $0x1  }
0x179: {  	v1 =	vsub.f32 v1, v0  }
0x17a: {  	[tilespmem:s24+$0xF620] =	vst v0  }
0x17b: {  	[tilespmem:s24+$0xF5E0] =	vst v1  }
0x17c: {  	v1 =	vld.idx.msk [tilespmem:v52+s15+$0x0], $0xffff;
	_ =	sdelay $0x2  }
0x17d: {  	v53 =	vor.u32 s11, v5;
	_ =	sdelay $0x1  }
0x17e: {  	v1 =	vsub.f32 v1, v0  }
0x17f: {  	[tilespmem:s24+$0xF6A0] =	vst v0  }
0x180: {  	[tilespmem:s24+$0xF660] =	vst v1  }
0x181: {  	v1 =	vld.idx.msk [tilespmem:v53+s15+$0x0], $0xffff;
	_ =	sdelay $0x2  }
0x182: {  	v54 =	vor.u32 s16, v5;
	_ =	sdelay $0x1  }
0x183: {  	v1 =	vsub.f32 v1, v0  }
0x184: {  	[tilespmem:s24+$0xF720] =	vst v0  }
0x185: {  	[tilespmem:s24+$0xF6E0] =	vst v1  }
0x186: {  	v1 =	vld.idx.msk [tilespmem:v54+s15+$0x0], $0xffff;
	_ =	sdelay $0x2  }
0x187: {  	v56 =	vor.u32 s20, v5;
	_ =	sdelay $0x1  }
0x188: {  	v1 =	vsub.f32 v1, v0  }
0x189: {  	[tilespmem:s24+$0xF7A0] =	vst v0  }
0x18a: {  	[tilespmem:s24+$0xF760] =	vst v1  }
0x18b: {  	v1 =	vld.idx.msk [tilespmem:v56+s15+$0x0], $0xffff  }
0x18c: {  	s22 =	sshllo.u32 s22, $0x1  }
0x18d: {  	s28 =	sand.u32 $0x3, s22  }
0x18e: {  	s29 =	sshll.u32 s28, $0x4;
	s26 =	sadd.s32 s5, s23  }
0x18f: {  	s25 =	sshll.u32 s29, $0x6;
	s0 =	sshll.u32 s26, $0xB  }
0x190: {  	v57 =	vor.u32 s25, v55;
	s0 =	sadd.s32 s9, s0;
	v1 =	vsub.f32 v1, v0  }
0x191: {  	s31 =	sshll.u32 s22, $0x8;
	s0 =	sshrl.u32 s0, $0x3;
	[tilespmem:s24+$0xF820] =	vst v0  }
0x192: {  	s30 =	sadd.s32 $0xF030, s24;
	s0 =	sadd.s32 s2, s0;
	[tilespmem:s24+$0xF7E0] =	vst v1;
	s24 =	sshra.s32 s31, $0x2  }
0x193: {  	[hbm4b:s0+s3] =	stream.linear.scatter [tilespmem:s30], [sflag:$0x2], $0x800, $0x38;
	[tilespmem:$0x11030] =	vst v63  }
0x194: {  	v1 =	vld [tilespmem:s24+$0x6000]  }
0x195: {  	v0 =	vld.idx.msk [tilespmem:v57+s15+$0x0], $0xffff;
	_ =	sdelay $0x1  }
0x196: {  	s26 =	sor.u32 $0x40, s25  }
0x197: {  	v58 =	vor.u32 s26, v55;
	_ =	sdelay $0x1  }
0x198: {  	s23 =	sshll.u32 s28, $0xB;
	v0 =	vsub.f32 v0, v1  }
0x199: {  	[tilespmem:s23+$0xF070] =	vst v1  }
0x19a: {  	[tilespmem:s23+$0xF030] =	vst v0  }
0x19b: {  	v0 =	vld.idx.msk [tilespmem:v58+s15+$0x0], $0xffff;
	_ =	sdelay $0x1  }
0x19c: {  	s28 =	sor.u32 $0x80, s25  }
0x19d: {  	v59 =	vor.u32 s28, v55;
	_ =	sdelay $0x1  }
0x19e: {  	v0 =	vsub.f32 v0, v1  }
0x19f: {  	[tilespmem:s23+$0xF0F0] =	vst v1  }
0x1a0: {  	[tilespmem:s23+$0xF0B0] =	vst v0  }
0x1a1: {  	v0 =	vld.idx.msk [tilespmem:v59+s15+$0x0], $0xffff;
	_ =	sdelay $0x1  }
0x1a2: {  	s29 =	sor.u32 $0xC0, s25  }
0x1a3: {  	v60 =	vor.u32 s29, v55;
	_ =	sdelay $0x1  }
0x1a4: {  	v0 =	vsub.f32 v0, v1  }
0x1a5: {  	[tilespmem:s23+$0xF170] =	vst v1  }
0x1a6: {  	[tilespmem:s23+$0xF130] =	vst v0  }
0x1a7: {  	v0 =	vld.idx.msk [tilespmem:v60+s15+$0x0], $0xffff;
	_ =	sdelay $0x1  }
0x1a8: {  	s1 =	sor.u32 $0x100, s25  }
0x1a9: {  	v61 =	vor.u32 s1, v55;
	_ =	sdelay $0x1  }
0x1aa: {  	v0 =	vsub.f32 v0, v1  }
0x1ab: {  	[tilespmem:s23+$0xF1F0] =	vst v1  }
0x1ac: {  	[tilespmem:s23+$0xF1B0] =	vst v0  }
0x1ad: {  	v0 =	vld.idx.msk [tilespmem:v61+s15+$0x0], $0xffff;
	_ =	sdelay $0x1  }
0x1ae: {  	s0 =	sor.u32 $0x140, s25  }
0x1af: {  	v62 =	vor.u32 s0, v55;
	_ =	sdelay $0x1  }
0x1b0: {  	v0 =	vsub.f32 v0, v1  }
0x1b1: {  	[tilespmem:s23+$0xF270] =	vst v1  }
0x1b2: {  	[tilespmem:s23+$0xF230] =	vst v0  }
0x1b3: {  	v0 =	vld.idx.msk [tilespmem:v62+s15+$0x0], $0xffff;
	_ =	sdelay $0x1  }
0x1b4: {  	s12 =	sor.u32 $0x180, s25  }
0x1b5: {  	v63 =	vor.u32 s12, v55;
	_ =	sdelay $0x1  }
0x1b6: {  	v0 =	vsub.f32 v0, v1  }
0x1b7: {  	[tilespmem:s23+$0xF2F0] =	vst v1  }
0x1b8: {  	[tilespmem:s23+$0xF2B0] =	vst v0  }
0x1b9: {  	v0 =	vld.idx.msk [tilespmem:v63+s15+$0x0], $0xffff;
	_ =	sdelay $0x1  }
0x1ba: {  	s13 =	sor.u32 $0x1C0, s25  }
0x1bb: {  	v6 =	vor.u32 s13, v55;
	_ =	sdelay $0x1  }
0x1bc: {  	v0 =	vsub.f32 v0, v1  }
0x1bd: {  	[tilespmem:s23+$0xF370] =	vst v1  }
0x1be: {  	[tilespmem:s23+$0xF330] =	vst v0  }
0x1bf: {  	v0 =	vld.idx.msk [tilespmem:v6+s15+$0x0], $0xffff;
	_ =	sdelay $0x1  }
0x1c0: {  	s6 =	sor.u32 $0x200, s25  }
0x1c1: {  	v7 =	vor.u32 s6, v55;
	_ =	sdelay $0x1  }
0x1c2: {  	v0 =	vsub.f32 v0, v1  }
0x1c3: {  	[tilespmem:s23+$0xF3F0] =	vst v1  }
0x1c4: {  	[tilespmem:s23+$0xF3B0] =	vst v0  }
0x1c5: {  	v0 =	vld.idx.msk [tilespmem:v7+s15+$0x0], $0xffff;
	_ =	sdelay $0x1  }
0x1c6: {  	s7 =	sor.u32 $0x240, s25  }
0x1c7: {  	v8 =	vor.u32 s7, v55;
	_ =	sdelay $0x1  }
0x1c8: {  	v0 =	vsub.f32 v0, v1  }
0x1c9: {  	[tilespmem:s23+$0xF470] =	vst v1  }
0x1ca: {  	[tilespmem:s23+$0xF430] =	vst v0  }
0x1cb: {  	v0 =	vld.idx.msk [tilespmem:v8+s15+$0x0], $0xffff;
	_ =	sdelay $0x1  }
0x1cc: {  	s8 =	sor.u32 $0x280, s25  }
0x1cd: {  	v9 =	vor.u32 s8, v55;
	_ =	sdelay $0x1  }
0x1ce: {  	v0 =	vsub.f32 v0, v1  }
0x1cf: {  	[tilespmem:s23+$0xF4F0] =	vst v1  }
0x1d0: {  	[tilespmem:s23+$0xF4B0] =	vst v0  }
0x1d1: {  	v0 =	vld.idx.msk [tilespmem:v9+s15+$0x0], $0xffff;
	_ =	sdelay $0x1  }
0x1d2: {  	s10 =	sor.u32 $0x2C0, s25  }
0x1d3: {  	v10 =	vor.u32 s10, v55;
	_ =	sdelay $0x1  }
0x1d4: {  	v0 =	vsub.f32 v0, v1  }
0x1d5: {  	[tilespmem:s23+$0xF570] =	vst v1  }
0x1d6: {  	[tilespmem:s23+$0xF530] =	vst v0  }
0x1d7: {  	v0 =	vld.idx.msk [tilespmem:v10+s15+$0x0], $0xffff;
	_ =	sdelay $0x1  }
0x1d8: {  	s11 =	sor.u32 $0x300, s25  }
0x1d9: {  	v11 =	vor.u32 s11, v55;
	_ =	sdelay $0x1  }
0x1da: {  	v0 =	vsub.f32 v0, v1  }
0x1db: {  	[tilespmem:s23+$0xF5F0] =	vst v1  }
0x1dc: {  	[tilespmem:s23+$0xF5B0] =	vst v0  }
0x1dd: {  	v0 =	vld.idx.msk [tilespmem:v11+s15+$0x0], $0xffff;
	_ =	sdelay $0x1  }
0x1de: {  	s16 =	sor.u32 $0x340, s25  }
0x1df: {  	v12 =	vor.u32 s16, v55;
	_ =	sdelay $0x1  }
0x1e0: {  	v0 =	vsub.f32 v0, v1  }
0x1e1: {  	[tilespmem:s23+$0xF670] =	vst v1  }
0x1e2: {  	[tilespmem:s23+$0xF630] =	vst v0  }
0x1e3: {  	v0 =	vld.idx.msk [tilespmem:v12+s15+$0x0], $0xffff;
	_ =	sdelay $0x1  }
0x1e4: {  	s20 =	sor.u32 $0x380, s25  }
0x1e5: {  	v13 =	vor.u32 s20, v55;
	_ =	sdelay $0x1  }
0x1e6: {  	v0 =	vsub.f32 v0, v1  }
0x1e7: {  	[tilespmem:s23+$0xF6F0] =	vst v1  }
0x1e8: {  	[tilespmem:s23+$0xF6B0] =	vst v0  }
0x1e9: {  	v0 =	vld.idx.msk [tilespmem:v13+s15+$0x0], $0xffff;
	_ =	sdelay $0x1  }
0x1ea: {  	s31 =	sor.u32 $0x3C0, s25  }
0x1eb: {  	v14 =	vor.u32 s31, v55;
	_ =	sdelay $0x1  }
0x1ec: {  	v0 =	vsub.f32 v0, v1  }
0x1ed: {  	[tilespmem:s23+$0xF770] =	vst v1  }
0x1ee: {  	[tilespmem:s23+$0xF730] =	vst v0  }
0x1ef: {  	v0 =	vld.idx.msk [tilespmem:v14+s15+$0x0], $0xffff;
	_ =	sdelay $0x3  }
0x1f0: {  	v15 =	vor.u32 s25, v3  }
0x1f1: {  	v0 =	vsub.f32 v0, v1  }
0x1f2: {  	[tilespmem:s23+$0xF7F0] =	vst v1  }
0x1f3: {  	[tilespmem:s23+$0xF7B0] =	vst v0  }
0x1f4: {  	v0 =	vld [tilespmem:s24+$0x6010]  }
0x1f5: {  	v1 =	vld.idx.msk [tilespmem:v15+s15+$0x0], $0xffff;
	_ =	sdelay $0x2  }
0x1f6: {  	v16 =	vor.u32 s26, v3;
	_ =	sdelay $0x1  }
0x1f7: {  	v1 =	vsub.f32 v1, v0  }
0x1f8: {  	[tilespmem:s23+$0xF080] =	vst v0  }
0x1f9: {  	[tilespmem:s23+$0xF040] =	vst v1  }
0x1fa: {  	v1 =	vld.idx.msk [tilespmem:v16+s15+$0x0], $0xffff;
	_ =	sdelay $0x2  }
0x1fb: {  	v17 =	vor.u32 s28, v3;
	_ =	sdelay $0x1  }
0x1fc: {  	v1 =	vsub.f32 v1, v0  }
0x1fd: {  	[tilespmem:s23+$0xF100] =	vst v0  }
0x1fe: {  	[tilespmem:s23+$0xF0C0] =	vst v1  }
0x1ff: {  	v1 =	vld.idx.msk [tilespmem:v17+s15+$0x0], $0xffff;
	_ =	sdelay $0x2  }
0x200: {  	v18 =	vor.u32 s29, v3;
	_ =	sdelay $0x1  }
0x201: {  	v1 =	vsub.f32 v1, v0  }
0x202: {  	[tilespmem:s23+$0xF180] =	vst v0  }
0x203: {  	[tilespmem:s23+$0xF140] =	vst v1  }
0x204: {  	v1 =	vld.idx.msk [tilespmem:v18+s15+$0x0], $0xffff;
	_ =	sdelay $0x2  }
0x205: {  	v19 =	vor.u32 s1, v3;
	_ =	sdelay $0x1  }
0x206: {  	v1 =	vsub.f32 v1, v0  }
0x207: {  	[tilespmem:s23+$0xF200] =	vst v0  }
0x208: {  	[tilespmem:s23+$0xF1C0] =	vst v1  }
0x209: {  	v1 =	vld.idx.msk [tilespmem:v19+s15+$0x0], $0xffff;
	_ =	sdelay $0x2  }
0x20a: {  	v20 =	vor.u32 s0, v3;
	_ =	sdelay $0x1  }
0x20b: {  	v1 =	vsub.f32 v1, v0  }
0x20c: {  	[tilespmem:s23+$0xF280] =	vst v0  }
0x20d: {  	[tilespmem:s23+$0xF240] =	vst v1  }
0x20e: {  	v1 =	vld.idx.msk [tilespmem:v20+s15+$0x0], $0xffff;
	_ =	sdelay $0x2  }
0x20f: {  	v21 =	vor.u32 s12, v3;
	_ =	sdelay $0x1  }
0x210: {  	v1 =	vsub.f32 v1, v0  }
0x211: {  	[tilespmem:s23+$0xF300] =	vst v0  }
0x212: {  	[tilespmem:s23+$0xF2C0] =	vst v1  }
0x213: {  	v1 =	vld.idx.msk [tilespmem:v21+s15+$0x0], $0xffff;
	_ =	sdelay $0x2  }
0x214: {  	v22 =	vor.u32 s13, v3;
	_ =	sdelay $0x1  }
0x215: {  	v1 =	vsub.f32 v1, v0  }
0x216: {  	[tilespmem:s23+$0xF380] =	vst v0  }
0x217: {  	[tilespmem:s23+$0xF340] =	vst v1  }
0x218: {  	v1 =	vld.idx.msk [tilespmem:v22+s15+$0x0], $0xffff;
	_ =	sdelay $0x2  }
0x219: {  	v23 =	vor.u32 s6, v3;
	_ =	sdelay $0x1  }
0x21a: {  	v1 =	vsub.f32 v1, v0  }
0x21b: {  	[tilespmem:s23+$0xF400] =	vst v0  }
0x21c: {  	[tilespmem:s23+$0xF3C0] =	vst v1  }
0x21d: {  	v1 =	vld.idx.msk [tilespmem:v23+s15+$0x0], $0xffff;
	_ =	sdelay $0x2  }
0x21e: {  	v24 =	vor.u32 s7, v3;
	_ =	sdelay $0x1  }
0x21f: {  	v1 =	vsub.f32 v1, v0  }
0x220: {  	[tilespmem:s23+$0xF480] =	vst v0  }
0x221: {  	[tilespmem:s23+$0xF440] =	vst v1  }
0x222: {  	v1 =	vld.idx.msk [tilespmem:v24+s15+$0x0], $0xffff;
	_ =	sdelay $0x2  }
0x223: {  	v25 =	vor.u32 s8, v3;
	_ =	sdelay $0x1  }
0x224: {  	v1 =	vsub.f32 v1, v0  }
0x225: {  	[tilespmem:s23+$0xF500] =	vst v0  }
0x226: {  	[tilespmem:s23+$0xF4C0] =	vst v1  }
0x227: {  	v1 =	vld.idx.msk [tilespmem:v25+s15+$0x0], $0xffff;
	_ =	sdelay $0x2  }
0x228: {  	v26 =	vor.u32 s10, v3;
	_ =	sdelay $0x1  }
0x229: {  	v1 =	vsub.f32 v1, v0  }
0x22a: {  	[tilespmem:s23+$0xF580] =	vst v0  }
0x22b: {  	[tilespmem:s23+$0xF540] =	vst v1  }
0x22c: {  	v1 =	vld.idx.msk [tilespmem:v26+s15+$0x0], $0xffff;
	_ =	sdelay $0x2  }
0x22d: {  	v27 =	vor.u32 s11, v3;
	_ =	sdelay $0x1  }
0x22e: {  	v1 =	vsub.f32 v1, v0  }
0x22f: {  	[tilespmem:s23+$0xF600] =	vst v0  }
0x230: {  	[tilespmem:s23+$0xF5C0] =	vst v1  }
0x231: {  	v1 =	vld.idx.msk [tilespmem:v27+s15+$0x0], $0xffff;
	_ =	sdelay $0x2  }
0x232: {  	v28 =	vor.u32 s16, v3;
	_ =	sdelay $0x1  }
0x233: {  	v1 =	vsub.f32 v1, v0  }
0x234: {  	[tilespmem:s23+$0xF680] =	vst v0  }
0x235: {  	[tilespmem:s23+$0xF640] =	vst v1  }
0x236: {  	v1 =	vld.idx.msk [tilespmem:v28+s15+$0x0], $0xffff;
	_ =	sdelay $0x2  }
0x237: {  	v29 =	vor.u32 s20, v3;
	_ =	sdelay $0x1  }
0x238: {  	v1 =	vsub.f32 v1, v0  }
0x239: {  	[tilespmem:s23+$0xF700] =	vst v0  }
0x23a: {  	[tilespmem:s23+$0xF6C0] =	vst v1  }
0x23b: {  	v1 =	vld.idx.msk [tilespmem:v29+s15+$0x0], $0xffff;
	_ =	sdelay $0x2  }
0x23c: {  	v30 =	vor.u32 s31, v3;
	_ =	sdelay $0x1  }
0x23d: {  	v1 =	vsub.f32 v1, v0  }
0x23e: {  	[tilespmem:s23+$0xF780] =	vst v0  }
0x23f: {  	[tilespmem:s23+$0xF740] =	vst v1  }
0x240: {  	v1 =	vld.idx.msk [tilespmem:v30+s15+$0x0], $0xffff;
	_ =	sdelay $0x3  }
0x241: {  	v31 =	vor.u32 s25, v4  }
0x242: {  	v1 =	vsub.f32 v1, v0  }
0x243: {  	[tilespmem:s23+$0xF800] =	vst v0  }
0x244: {  	[tilespmem:s23+$0xF7C0] =	vst v1  }
0x245: {  	v0 =	vld [tilespmem:s24+$0x6020]  }
0x246: {  	v1 =	vld.idx.msk [tilespmem:v31+s15+$0x0], $0xffff;
	_ =	sdelay $0x2  }
0x247: {  	v32 =	vor.u32 s26, v4;
	_ =	sdelay $0x1  }
0x248: {  	v1 =	vsub.f32 v1, v0  }
0x249: {  	[tilespmem:s23+$0xF090] =	vst v0  }
0x24a: {  	[tilespmem:s23+$0xF050] =	vst v1  }
0x24b: {  	v1 =	vld.idx.msk [tilespmem:v32+s15+$0x0], $0xffff;
	_ =	sdelay $0x2  }
0x24c: {  	v33 =	vor.u32 s28, v4;
	_ =	sdelay $0x1  }
0x24d: {  	v1 =	vsub.f32 v1, v0  }
0x24e: {  	[tilespmem:s23+$0xF110] =	vst v0  }
0x24f: {  	[tilespmem:s23+$0xF0D0] =	vst v1  }
0x250: {  	v1 =	vld.idx.msk [tilespmem:v33+s15+$0x0], $0xffff;
	_ =	sdelay $0x2  }
0x251: {  	v34 =	vor.u32 s29, v4;
	_ =	sdelay $0x1  }
0x252: {  	v1 =	vsub.f32 v1, v0  }
0x253: {  	[tilespmem:s23+$0xF190] =	vst v0  }
0x254: {  	[tilespmem:s23+$0xF150] =	vst v1  }
0x255: {  	v1 =	vld.idx.msk [tilespmem:v34+s15+$0x0], $0xffff;
	_ =	sdelay $0x2  }
0x256: {  	v35 =	vor.u32 s1, v4;
	_ =	sdelay $0x1  }
0x257: {  	v1 =	vsub.f32 v1, v0  }
0x258: {  	[tilespmem:s23+$0xF210] =	vst v0  }
0x259: {  	[tilespmem:s23+$0xF1D0] =	vst v1  }
0x25a: {  	v1 =	vld.idx.msk [tilespmem:v35+s15+$0x0], $0xffff;
	_ =	sdelay $0x2  }
0x25b: {  	v36 =	vor.u32 s0, v4;
	_ =	sdelay $0x1  }
0x25c: {  	v1 =	vsub.f32 v1, v0  }
0x25d: {  	[tilespmem:s23+$0xF290] =	vst v0  }
0x25e: {  	[tilespmem:s23+$0xF250] =	vst v1  }
0x25f: {  	v1 =	vld.idx.msk [tilespmem:v36+s15+$0x0], $0xffff;
	_ =	sdelay $0x2  }
0x260: {  	v37 =	vor.u32 s12, v4;
	_ =	sdelay $0x1  }
0x261: {  	v1 =	vsub.f32 v1, v0  }
0x262: {  	[tilespmem:s23+$0xF310] =	vst v0  }
0x263: {  	[tilespmem:s23+$0xF2D0] =	vst v1  }
0x264: {  	v1 =	vld.idx.msk [tilespmem:v37+s15+$0x0], $0xffff;
	_ =	sdelay $0x2  }
0x265: {  	v38 =	vor.u32 s13, v4;
	_ =	sdelay $0x1  }
0x266: {  	v1 =	vsub.f32 v1, v0  }
0x267: {  	[tilespmem:s23+$0xF390] =	vst v0  }
0x268: {  	[tilespmem:s23+$0xF350] =	vst v1  }
0x269: {  	v1 =	vld.idx.msk [tilespmem:v38+s15+$0x0], $0xffff;
	_ =	sdelay $0x2  }
0x26a: {  	v39 =	vor.u32 s6, v4;
	_ =	sdelay $0x1  }
0x26b: {  	v1 =	vsub.f32 v1, v0  }
0x26c: {  	[tilespmem:s23+$0xF410] =	vst v0  }
0x26d: {  	[tilespmem:s23+$0xF3D0] =	vst v1  }
0x26e: {  	v1 =	vld.idx.msk [tilespmem:v39+s15+$0x0], $0xffff;
	_ =	sdelay $0x2  }
0x26f: {  	v40 =	vor.u32 s7, v4;
	_ =	sdelay $0x1  }
0x270: {  	v1 =	vsub.f32 v1, v0  }
0x271: {  	[tilespmem:s23+$0xF490] =	vst v0  }
0x272: {  	[tilespmem:s23+$0xF450] =	vst v1  }
0x273: {  	v1 =	vld.idx.msk [tilespmem:v40+s15+$0x0], $0xffff;
	_ =	sdelay $0x2  }
0x274: {  	v41 =	vor.u32 s8, v4;
	_ =	sdelay $0x1  }
0x275: {  	v1 =	vsub.f32 v1, v0  }
0x276: {  	[tilespmem:s23+$0xF510] =	vst v0  }
0x277: {  	[tilespmem:s23+$0xF4D0] =	vst v1  }
0x278: {  	v1 =	vld.idx.msk [tilespmem:v41+s15+$0x0], $0xffff;
	_ =	sdelay $0x2  }
0x279: {  	v42 =	vor.u32 s10, v4;
	_ =	sdelay $0x1  }
0x27a: {  	v1 =	vsub.f32 v1, v0  }
0x27b: {  	[tilespmem:s23+$0xF590] =	vst v0  }
0x27c: {  	[tilespmem:s23+$0xF550] =	vst v1  }
0x27d: {  	v1 =	vld.idx.msk [tilespmem:v42+s15+$0x0], $0xffff;
	_ =	sdelay $0x2  }
0x27e: {  	v43 =	vor.u32 s11, v4;
	_ =	sdelay $0x1  }
0x27f: {  	v1 =	vsub.f32 v1, v0  }
0x280: {  	[tilespmem:s23+$0xF610] =	vst v0  }
0x281: {  	[tilespmem:s23+$0xF5D0] =	vst v1  }
0x282: {  	v1 =	vld.idx.msk [tilespmem:v43+s15+$0x0], $0xffff;
	_ =	sdelay $0x2  }
0x283: {  	v44 =	vor.u32 s16, v4;
	_ =	sdelay $0x1  }
0x284: {  	v1 =	vsub.f32 v1, v0  }
0x285: {  	[tilespmem:s23+$0xF690] =	vst v0  }
0x286: {  	[tilespmem:s23+$0xF650] =	vst v1  }
0x287: {  	v1 =	vld.idx.msk [tilespmem:v44+s15+$0x0], $0xffff;
	_ =	sdelay $0x2  }
0x288: {  	v45 =	vor.u32 s20, v4;
	_ =	sdelay $0x1  }
0x289: {  	v1 =	vsub.f32 v1, v0  }
0x28a: {  	[tilespmem:s23+$0xF710] =	vst v0  }
0x28b: {  	[tilespmem:s23+$0xF6D0] =	vst v1  }
0x28c: {  	v1 =	vld.idx.msk [tilespmem:v45+s15+$0x0], $0xffff;
	_ =	sdelay $0x2  }
0x28d: {  	v46 =	vor.u32 s31, v4;
	_ =	sdelay $0x1  }
0x28e: {  	v1 =	vsub.f32 v1, v0  }
0x28f: {  	[tilespmem:s23+$0xF790] =	vst v0  }
0x290: {  	[tilespmem:s23+$0xF750] =	vst v1  }
0x291: {  	v1 =	vld.idx.msk [tilespmem:v46+s15+$0x0], $0xffff;
	_ =	sdelay $0x3  }
0x292: {  	v47 =	vor.u32 s25, v5  }
0x293: {  	v1 =	vsub.f32 v1, v0  }
0x294: {  	[tilespmem:s23+$0xF810] =	vst v0  }
0x295: {  	[tilespmem:s23+$0xF7D0] =	vst v1  }
0x296: {  	v0 =	vld [tilespmem:s24+$0x6030]  }
0x297: {  	v1 =	vld.idx.msk [tilespmem:v47+s15+$0x0], $0xffff;
	_ =	sdelay $0x2  }
0x298: {  	v48 =	vor.u32 s26, v5;
	_ =	sdelay $0x1  }
0x299: {  	v1 =	vsub.f32 v1, v0  }
0x29a: {  	[tilespmem:s23+$0xF0A0] =	vst v0  }
0x29b: {  	[tilespmem:s23+$0xF060] =	vst v1  }
0x29c: {  	v1 =	vld.idx.msk [tilespmem:v48+s15+$0x0], $0xffff;
	_ =	sdelay $0x2  }
0x29d: {  	v49 =	vor.u32 s28, v5;
	_ =	sdelay $0x1  }
0x29e: {  	v1 =	vsub.f32 v1, v0  }
0x29f: {  	[tilespmem:s23+$0xF120] =	vst v0  }
0x2a0: {  	[tilespmem:s23+$0xF0E0] =	vst v1  }
0x2a1: {  	v1 =	vld.idx.msk [tilespmem:v49+s15+$0x0], $0xffff;
	_ =	sdelay $0x2  }
0x2a2: {  	v50 =	vor.u32 s29, v5;
	_ =	sdelay $0x1  }
0x2a3: {  	v1 =	vsub.f32 v1, v0  }
0x2a4: {  	[tilespmem:s23+$0xF1A0] =	vst v0  }
0x2a5: {  	[tilespmem:s23+$0xF160] =	vst v1  }
0x2a6: {  	v1 =	vld.idx.msk [tilespmem:v50+s15+$0x0], $0xffff;
	_ =	sdelay $0x2  }
0x2a7: {  	v51 =	vor.u32 s1, v5;
	_ =	sdelay $0x1  }
0x2a8: {  	v1 =	vsub.f32 v1, v0  }
0x2a9: {  	[tilespmem:s23+$0xF220] =	vst v0  }
0x2aa: {  	[tilespmem:s23+$0xF1E0] =	vst v1  }
0x2ab: {  	v1 =	vld.idx.msk [tilespmem:v51+s15+$0x0], $0xffff;
	_ =	sdelay $0x2  }
0x2ac: {  	v52 =	vor.u32 s0, v5;
	_ =	sdelay $0x1  }
0x2ad: {  	v1 =	vsub.f32 v1, v0  }
0x2ae: {  	[tilespmem:s23+$0xF2A0] =	vst v0  }
0x2af: {  	[tilespmem:s23+$0xF260] =	vst v1  }
0x2b0: {  	v1 =	vld.idx.msk [tilespmem:v52+s15+$0x0], $0xffff;
	_ =	sdelay $0x2  }
0x2b1: {  	v53 =	vor.u32 s12, v5;
	_ =	sdelay $0x1  }
0x2b2: {  	v1 =	vsub.f32 v1, v0  }
0x2b3: {  	[tilespmem:s23+$0xF320] =	vst v0  }
0x2b4: {  	[tilespmem:s23+$0xF2E0] =	vst v1  }
0x2b5: {  	v1 =	vld.idx.msk [tilespmem:v53+s15+$0x0], $0xffff;
	_ =	sdelay $0x2  }
0x2b6: {  	v54 =	vor.u32 s13, v5;
	_ =	sdelay $0x1  }
0x2b7: {  	v1 =	vsub.f32 v1, v0  }
0x2b8: {  	[tilespmem:s23+$0xF3A0] =	vst v0  }
0x2b9: {  	[tilespmem:s23+$0xF360] =	vst v1  }
0x2ba: {  	v1 =	vld.idx.msk [tilespmem:v54+s15+$0x0], $0xffff;
	_ =	sdelay $0x2  }
0x2bb: {  	v56 =	vor.u32 s6, v5;
	_ =	sdelay $0x1  }
0x2bc: {  	v1 =	vsub.f32 v1, v0  }
0x2bd: {  	[tilespmem:s23+$0xF420] =	vst v0  }
0x2be: {  	[tilespmem:s23+$0xF3E0] =	vst v1  }
0x2bf: {  	v1 =	vld.idx.msk [tilespmem:v56+s15+$0x0], $0xffff;
	_ =	sdelay $0x2  }
0x2c0: {  	v57 =	vor.u32 s7, v5;
	_ =	sdelay $0x1  }
0x2c1: {  	v1 =	vsub.f32 v1, v0  }
0x2c2: {  	[tilespmem:s23+$0xF4A0] =	vst v0  }
0x2c3: {  	[tilespmem:s23+$0xF460] =	vst v1  }
0x2c4: {  	v1 =	vld.idx.msk [tilespmem:v57+s15+$0x0], $0xffff;
	_ =	sdelay $0x2  }
0x2c5: {  	v58 =	vor.u32 s8, v5;
	_ =	sdelay $0x1  }
0x2c6: {  	v1 =	vsub.f32 v1, v0  }
0x2c7: {  	[tilespmem:s23+$0xF520] =	vst v0  }
0x2c8: {  	[tilespmem:s23+$0xF4E0] =	vst v1  }
0x2c9: {  	v1 =	vld.idx.msk [tilespmem:v58+s15+$0x0], $0xffff;
	_ =	sdelay $0x2  }
0x2ca: {  	v59 =	vor.u32 s10, v5;
	_ =	sdelay $0x1  }
0x2cb: {  	v1 =	vsub.f32 v1, v0  }
0x2cc: {  	[tilespmem:s23+$0xF5A0] =	vst v0  }
0x2cd: {  	[tilespmem:s23+$0xF560] =	vst v1  }
0x2ce: {  	v1 =	vld.idx.msk [tilespmem:v59+s15+$0x0], $0xffff;
	_ =	sdelay $0x2  }
0x2cf: {  	v60 =	vor.u32 s11, v5;
	_ =	sdelay $0x1  }
0x2d0: {  	v1 =	vsub.f32 v1, v0  }
0x2d1: {  	[tilespmem:s23+$0xF620] =	vst v0  }
0x2d2: {  	[tilespmem:s23+$0xF5E0] =	vst v1  }
0x2d3: {  	v1 =	vld.idx.msk [tilespmem:v60+s15+$0x0], $0xffff;
	_ =	sdelay $0x2  }
0x2d4: {  	v61 =	vor.u32 s16, v5;
	_ =	sdelay $0x1  }
0x2d5: {  	v1 =	vsub.f32 v1, v0  }
0x2d6: {  	[tilespmem:s23+$0xF6A0] =	vst v0  }
0x2d7: {  	[tilespmem:s23+$0xF660] =	vst v1  }
0x2d8: {  	v1 =	vld.idx.msk [tilespmem:v61+s15+$0x0], $0xffff;
	_ =	sdelay $0x2  }
0x2d9: {  	v62 =	vor.u32 s20, v5;
	_ =	sdelay $0x1  }
0x2da: {  	v1 =	vsub.f32 v1, v0  }
0x2db: {  	[tilespmem:s23+$0xF720] =	vst v0  }
0x2dc: {  	[tilespmem:s23+$0xF6E0] =	vst v1  }
0x2dd: {  	v1 =	vld.idx.msk [tilespmem:v62+s15+$0x0], $0xffff;
	_ =	sdelay $0x2  }
0x2de: {  	v63 =	vor.u32 s31, v5;
	_ =	sdelay $0x1  }
0x2df: {  	v1 =	vsub.f32 v1, v0  }
0x2e0: {  	[tilespmem:s23+$0xF7A0] =	vst v0  }
0x2e1: {  	[tilespmem:s23+$0xF760] =	vst v1  }
0x2e2: {  	v1 =	vld.idx.msk [tilespmem:v63+s15+$0x0], $0xffff;
	_ =	sdelay $0x2  }
0x2e3: {  	s30 =	sadd.s32 s5, s22  }
0x2e4: {  	s0 =	sshll.u32 s30, $0xB  }
0x2e5: {  	s0 =	sadd.s32 s9, s0;
	v1 =	vsub.f32 v1, v0  }
0x2e6: {  	s0 =	sshrl.u32 s0, $0x3;
	[tilespmem:s23+$0xF820] =	vst v0  }
0x2e7: {  	s0 =	sadd.s32 s2, s0;
	s31 =	sadd.s32 $0xF030, s23;
	[tilespmem:s23+$0xF7E0] =	vst v1  }
0x2e8: {  	[hbm4b:s0+s3] =	stream.linear.scatter [tilespmem:s31], [sflag:$0x2], $0x800, $0x38;
	[tilespmem:$0x11030] =	vst v63  }
.LBB2_28:
0x2e9: {  	s21 =	sadd.s32 $0x1, s21  }
0x2ea: {  	p0 =	sne.s32 s21, $0x81  }
.Ltmp3:
0x2eb: {  	_ = 	snop;
	(pc) =	sbr.rel @!p0 .LBB2_29-.Ltmp3, $1  }
0x2ec: {  	_ =	sdelay $0x3  }
.LBB2_2:
0x2ed: {  	p0 =	seq.s32 s21, $0x80  }
.Ltmp4:
0x2ee: {  	_ = 	snop;
	(pc) =	sbr.rel @p0 .LBB2_27-.Ltmp4, $1  }
0x2ef: {  	_ =	sdelay $0x3  }
0x2f0: {  	s31 =	simm.s32 $0x1080  }
0x2f1: {  	v0 =	vld [tilespmem:s31+$0x1060];
	_ =	sdelay $0x4  }
0x2f2: {  	v38 =	vld [tilespmem:s31+$0x1070];
	[tilespmem:$0x1FF60] =	vst v0  }
0x2f3: {  	s0 =	smul.u32 $0x180, s21;
	v2 =	vld [tilespmem:s31+$0x1050];
	_ =	sdelay $0x1  }
0x2f4: {  	s1 =	sshra.s32 s0, $0x2  }
0x2f5: {  	v13 =	vld [tilespmem:s1+$0x3000]  }
0x2f6: {  	v14 =	vld [tilespmem:s1+$0x3010]  }
0x2f7: {  	v23 =	vld [tilespmem:s1+$0x3020];
	[tilespmem:$0x1FF70] =	vst v2  }
0x2f8: {  	v3 =	vld [tilespmem:s31+$0x1040]  }
0x2f9: {  	v33 =	vld [tilespmem:s1+$0x3030]  }
0x2fa: {  	v1 =	vld [tilespmem:s31+$0xFFFFF070]  }
0x2fb: {  	v4 =	vld [tilespmem:s31+$0x70]  }
0x2fc: {  	v45 =	vld [tilespmem:s1+$0x3040]  }
0x2fd: {  	[tilespmem:$0x1FF80] =	vst v3  }
0x2fe: {  	v5 =	vld [tilespmem:s31+$0xFFFFF060]  }
0x2ff: {  	v27 =	vsub.f32 v0, v23;
	v0 =	vsub.f32 v2, v23;
	v6 =	vld [tilespmem:s31+$0x60]  }
0x300: {  	v16 =	vsub.f32 v1, v13;
	v17 =	vsub.f32 v4, v14;
	v24 =	vld [tilespmem:s31+$0x1030]  }
0x301: {  	v1 =	vsub.f32 v1, v33;
	v4 =	vsub.f32 v4, v45;
	v7 =	vld [tilespmem:s31+$0xFFFFF050]  }
0x302: {  	v9 =	vld [tilespmem:s31+$0x50];
	[tilespmem:$0x1FF40] =	vst v0  }
0x303: {  	v63 =	vld [tilespmem:s31+$0x1020];
	v1 =	vmul.f32 v1, v1;
	v4 =	vmul.f32 v4, v4  }
0x304: {  	v31 =	vsub.f32 v38, v23;
	v18 =	vld [tilespmem:s31+$0xFFFFF040]  }
0x305: {  	v40 =	vsub.f32 v3, v23;
	v19 =	vld [tilespmem:s31+$0x40];
	v52 =	vadd.f32 v4, v1  }
0x306: {  	v28 =	vld [tilespmem:s31+$0x1010];
	v29 =	vsub.f32 v5, v13;
	v34 =	vsub.f32 v6, v14  }
0x307: {  	v37 =	vld [tilespmem:s31+$0xFFFFF030];
	v5 =	vsub.f32 v5, v33;
	v35 =	vsub.f32 v24, v23  }
0x308: {  	v39 =	vld [tilespmem:s31+$0x30];
	v6 =	vsub.f32 v6, v45;
	v43 =	vsub.f32 v7, v13  }
0x309: {  	v21 =	vld [tilespmem:s31+$0x1000];
	v22 =	vsub.f32 v9, v14;
	v7 =	vsub.f32 v7, v33  }
0x30a: {  	v41 =	vld [tilespmem:s31+$0xFFFFF020];
	v9 =	vsub.f32 v9, v45;
	v25 =	vsub.f32 v63, v23  }
0x30b: {  	v42 =	vld [tilespmem:s31+$0x20];
	v26 =	vsub.f32 v18, v13;
	v12 =	vsub.f32 v19, v14  }
0x30c: {  	v32 =	vld [tilespmem:s31+$0xFF0];
	v61 =	vsub.f32 v18, v33;
	v36 =	vsub.f32 v28, v23  }
0x30d: {  	v44 =	vld [tilespmem:s31+$0x10];
	v19 =	vsub.f32 v19, v45;
	v47 =	vsub.f32 v37, v13  }
0x30e: {  	v2 =	vld [tilespmem:s31+$0xFFFFF000];
	v48 =	vsub.f32 v39, v14;
	v49 =	vsub.f32 v37, v33  }
0x30f: {  	v54 =	vld [tilespmem:s31+$0x0];
	v37 =	vsub.f32 v21, v23;
	v50 =	vsub.f32 v39, v45  }
0x310: {  	v57 =	vld [tilespmem:s31+$0xFFFFEFF0];
	v10 =	vsub.f32 v41, v13;
	v53 =	vsub.f32 v42, v14  }
0x311: {  	v27 =	vmul.f32 v27, v27;
	v41 =	vsub.f32 v41, v33;
	v39 =	vsub.f32 v32, v23  }
0x312: {  	v16 =	vmul.f32 v16, v16;
	v58 =	vld [tilespmem:s31+$0xFFFFEFE0];
	v11 =	vsub.f32 v42, v45;
	v0 =	vsub.f32 v44, v14  }
0x313: {  	v17 =	vmul.f32 v17, v17;
	v60 =	vsub.f32 v44, v45;
	v20 =	vsub.f32 v2, v13  }
0x314: {  	v55 =	vsub.f32 v54, v14;
	v62 =	vmul.f32 v29, v29;
	v1 =	vmul.f32 v5, v5  }
0x315: {  	v18 =	vld [tilespmem:s31+$0xFFFFF010];
	v44 =	vsub.f32 v57, v13;
	v5 =	vmul.f32 v6, v6;
	v7 =	vmul.f32 v7, v7  }
0x316: {  	v42 =	vadd.f32 v17, v16;
	v9 =	vmul.f32 v9, v9;
	v35 =	vmul.f32 v35, v35  }
0x317: {  	v4 =	vsub.f32 v58, v13;
	v6 =	vld [tilespmem:s31+$0xFFFFEFD0];
	v46 =	vmul.f32 v26, v26;
	v19 =	vmul.f32 v19, v19  }
0x318: {  	v16 =	vsub.f32 v58, v33;
	v51 =	vmul.f32 v48, v48;
	v58 =	vmul.f32 v50, v50  }
0x319: {  	v8 =	vsub.f32 v2, v33;
	v26 =	vld [tilespmem:s31+$0xFFFFFFC0];
	v53 =	vmul.f32 v53, v53;
	v44 =	vmul.f32 v44, v44  }
0x31a: {  	v4 =	vmul.f32 v4, v4;
	v56 =	vsub.f32 v18, v13;
	v59 =	vsub.f32 v18, v33;
	v18 =	vld [tilespmem:s31+$0xFFFFFFF0]  }
0x31b: {  	v54 =	vsub.f32 v54, v45;
	v36 =	vmul.f32 v36, v36;
	v39 =	vmul.f32 v39, v39  }
0x31c: {  	v30 =	vadd.f32 v9, v7;
	v9 =	vmul.f32 v61, v61;
	v7 =	vsub.f32 v6, v13  }
0x31d: {  	v2 =	vld [tilespmem:s31+$0xFFFFFFE0];
	v61 =	vmul.f32 v10, v10;
	v10 =	vmul.f32 v41, v41;
	v6 =	vsub.f32 v6, v33  }
0x31e: {  	v41 =	vmul.f32 v59, v59;
	v59 =	vsub.f32 v26, v45;
	v7 =	vmul.f32 v7, v7  }
0x31f: {  	v3 =	vsub.f32 v18, v14;
	v15 =	vsub.f32 v18, v45;
	v18 =	vmul.f32 v34, v34  }
0x320: {  	v57 =	vsub.f32 v57, v33;
	v6 =	vmul.f32 v6, v6;
	v59 =	vmul.f32 v59, v59;
	v34 =	vld [tilespmem:s31+$0xFFFFFFD0]  }
0x321: {  	v29 =	vadd.f32 v18, v62;
	v18 =	vmul.f32 v43, v43;
	v43 =	vmul.f32 v22, v22  }
0x322: {  	v62 =	vadd.f32 v5, v1;
	v5 =	vsub.f32 v2, v14;
	v3 =	vmul.f32 v3, v3  }
0x323: {  	v2 =	vsub.f32 v2, v45;
	v15 =	vmul.f32 v15, v15;
	v1 =	vadd.f32 v43, v18  }
0x324: {  	v18 =	vmul.f32 v12, v12;
	v43 =	vadd.f32 v19, v9;
	v3 =	vadd.f32 v3, v44  }
0x325: {  	v5 =	vmul.f32 v5, v5;
	v29 =	vadd.f32 v27, v29;
	v9 =	vsub.f32 v34, v14  }
0x326: {  	v48 =	vsub.f32 v34, v45;
	v12 =	vadd.f32 v18, v46;
	v18 =	vmul.f32 v47, v47  }
0x327: {  	v2 =	vmul.f32 v2, v2;
	v5 =	vadd.f32 v5, v4;
	v39 =	vadd.f32 v39, v3  }
0x328: {  	v46 =	vld [tilespmem:s31+$0xFFFFEFC0];
	v9 =	vmul.f32 v9, v9;
	v48 =	vmul.f32 v48, v48;
	v17 =	vadd.f32 v51, v18  }
0x329: {  	v18 =	vmul.f32 v49, v49;
	v49 =	vadd.f32 v53, v61;
	v61 =	vmul.f32 v0, v0  }
0x32a: {  	v50 =	vld [tilespmem:s31+$0xFFFFEFB0];
	v51 =	vmul.f32 v55, v55;
	v55 =	vmul.f32 v16, v16;
	v6 =	vadd.f32 v48, v6  }
0x32b: {  	v34 =	vadd.f32 v58, v18;
	v58 =	vmul.f32 v11, v11;
	v11 =	vsub.f32 v26, v14  }
0x32c: {  	v18 =	vmul.f32 v56, v56;
	v4 =	vadd.f32 v2, v55;
	v2 =	vadd.f32 v9, v7  }
0x32d: {  	v53 =	vld [tilespmem:s31+$0xFFFFFFB0];
	v56 =	vmul.f32 v60, v60;
	v47 =	vsub.f32 v46, v13;
	v0 =	vsub.f32 v46, v33  }
0x32e: {  	v22 =	vmul.f32 v25, v25;
	v19 =	vadd.f32 v58, v10;
	v10 =	vadd.f32 v61, v18  }
0x32f: {  	v60 =	vld [tilespmem:s31+$0xFFFFEFA0];
	v18 =	vmul.f32 v20, v20;
	v46 =	vadd.f32 v56, v41;
	v56 =	vsub.f32 v50, v13  }
0x330: {  	v58 =	vmul.f32 v8, v8;
	v8 =	vmul.f32 v54, v54;
	v50 =	vsub.f32 v50, v33  }
0x331: {  	v20 =	vmul.f32 v11, v11;
	v47 =	vmul.f32 v47, v47;
	v54 =	vadd.f32 v51, v18  }
0x332: {  	v61 =	vld [tilespmem:s31+$0xFFFFFFA0];
	v0 =	vmul.f32 v0, v0;
	v41 =	vadd.f32 v8, v58;
	v18 =	vsub.f32 v53, v14  }
0x333: {  	v53 =	vsub.f32 v53, v45;
	v58 =	vmul.f32 v37, v37;
	v37 =	vadd.f32 v22, v49  }
0x334: {  	v48 =	vld [tilespmem:s31+$0xFFFFEF80];
	v8 =	vmul.f32 v57, v57;
	v36 =	vadd.f32 v36, v10;
	v57 =	vsub.f32 v60, v33  }
0x335: {  	v7 =	vld [tilespmem:s31+$0xFFFFFF90];
	v50 =	vmul.f32 v50, v50;
	v47 =	vadd.f32 v20, v47;
	v0 =	vadd.f32 v59, v0  }
0x336: {  	v51 =	vadd.f32 v15, v8;
	v15 =	vsub.f32 v60, v13;
	v8 =	vld [tilespmem:s31+$0xFFFFEF90];
	v53 =	vmul.f32 v53, v53  }
0x337: {  	v56 =	vmul.f32 v56, v56;
	v9 =	vsub.f32 v61, v14;
	v44 =	vsub.f32 v61, v45  }
0x338: {  	v59 =	vld [tilespmem:s31+$0xFFFFFF80];
	v61 =	vmul.f32 v18, v18;
	v57 =	vmul.f32 v57, v57;
	v50 =	vadd.f32 v53, v50  }
0x339: {  	v15 =	vmul.f32 v15, v15;
	v53 =	vsub.f32 v48, v13;
	v48 =	vsub.f32 v48, v33  }
0x33a: {  	v18 =	vadd.f32 v61, v56;
	v56 =	vsub.f32 v7, v14;
	v9 =	vmul.f32 v9, v9  }
0x33b: {  	[tilespmem:$0x1FF00] =	vst v13;
	v7 =	vsub.f32 v7, v45;
	v44 =	vmul.f32 v44, v44;
	v20 =	vsub.f32 v8, v13  }
0x33c: {  	v26 =	vld [tilespmem:s1+$0x3050];
	[tilespmem:$0x1FF10] =	vst v14;
	v53 =	vmul.f32 v53, v53;
	v60 =	vsub.f32 v8, v33;
	v9 =	vadd.f32 v9, v15  }
0x33d: {  	v15 =	vsub.f32 v59, v14;
	v44 =	vadd.f32 v44, v57;
	v57 =	vld [tilespmem:s31+$0xFE0];
	[tilespmem:$0x1FF20] =	vst v33;
	v56 =	vmul.f32 v56, v56  }
0x33e: {  	[tilespmem:$0x1FF30] =	vst v45;
	v59 =	vsub.f32 v59, v45;
	v7 =	vmul.f32 v7, v7;
	v14 =	vld [tilespmem:$0x1FF40];
	v8 =	vmul.f32 v20, v20  }
0x33f: {  	v16 =	vadd.f32 v58, v54;
	v11 =	vld [tilespmem:s31+$0xFA0];
	v60 =	vmul.f32 v60, v60;
	v15 =	vmul.f32 v15, v15  }
0x340: {  	v48 =	vmul.f32 v48, v48;
	v59 =	vmul.f32 v59, v59;
	v20 =	vadd.f32 v56, v8;
	v56 =	vld [tilespmem:s31+$0xFD0]  }
0x341: {  	v45 =	vmul.f32 v31, v31;
	v7 =	vadd.f32 v7, v60;
	v60 =	vld [tilespmem:s31+$0xFC0];
	v53 =	vadd.f32 v15, v53  }
0x342: {  	v13 =	vadd.f32 v59, v48;
	v59 =	vld [tilespmem:s31+$0xFB0];
	v15 =	vmul.f32 v40, v40;
	v8 =	vsub.f32 v57, v23  }
0x343: {  	v31 =	vadd.f32 v45, v42;
	v40 =	vadd.f32 v35, v17;
	v27 =	vmul.f32 v14, v14;
	v14 =	vld [tilespmem:s31+$0xF80]  }
0x344: {  	v25 =	vadd.f32 v15, v12;
	v61 =	vsub.f32 v11, v23;
	v45 =	vmul.f32 v8, v8;
	v8 =	vld [tilespmem:s31+$0xF90]  }
0x345: {  	v54 =	vsub.f32 v11, v26;
	v27 =	vadd.f32 v27, v1  }
0x346: {  	v35 =	vmul.f32 v61, v61;
	v42 =	vsub.f32 v56, v23;
	v12 =	vsub.f32 v60, v23  }
0x347: {  	v1 =	vsub.f32 v59, v23;
	v5 =	vadd.f32 v45, v5  }
0x348: {  	v58 =	vsub.f32 v56, v26;
	v9 =	vadd.f32 v35, v9  }
0x349: {  	v49 =	vmovc v52;
	v48 =	vsub.f32 v14, v23;
	v10 =	vmul.f32 v12, v12;
	v52 =	vsub.f32 v8, v23  }
0x34a: {  	v11 =	vsub.f32 v8, v26;
	v8 =	vsub.f32 v59, v26  }
0x34b: {  	v42 =	vmul.f32 v42, v42;
	v3 =	vadd.f32 v10, v47;
	v10 =	vsub.f32 v14, v26  }
0x34c: {  	v1 =	vmul.f32 v1, v1;
	v12 =	vsub.f32 v60, v26;
	v35 =	vmul.f32 v48, v48  }
0x34d: {  	s22 =	simm.s32 $0xB000;
	[tilespmem:$0x1FF50] =	vst v23;
	v2 =	vadd.f32 v42, v2;
	v8 =	vmul.f32 v8, v8;
	v10 =	vmul.f32 v10, v10  }
0x34e: {  	[tilespmem:s22+$0xFFFFF080] =	vst v16;
	v42 =	vmul.f32 v52, v52;
	v35 =	vadd.f32 v35, v53;
	v11 =	vmul.f32 v11, v11  }
0x34f: {  	[tilespmem:s22+$0xFFFFF060] =	vst v5;
	v55 =	vadd.f32 v8, v50;
	v8 =	vimm.f32 $+Inf;
	v10 =	vadd.f32 v10, v13  }
0x350: {  	v42 =	vadd.f32 v42, v20;
	v7 =	vadd.f32 v11, v7;
	[tilespmem:s22+$0xFFFFF000] =	vst v35;
	v35 =	vmin.f32 v8, v35  }
0x351: {  	v11 =	vmin.f32 v8, v10;
	[tilespmem:s22+$0x0] =	vst v10;
	v8 =	vsub.f32 v57, v26;
	v10 =	vmul.f32 v12, v12  }
0x352: {  	[tilespmem:s22+$0xFFFFF020] =	vst v9;
	v59 =	vmul.f32 v58, v58;
	v1 =	vadd.f32 v1, v18;
	v47 =	vmul.f32 v54, v54  }
0x353: {  	[tilespmem:s22+$0xFFFFF040] =	vst v3;
	v35 =	vmin.f32 v35, v42;
	v60 =	vadd.f32 v10, v0;
	v0 =	vmul.f32 v8, v8  }
0x354: {  	v32 =	vsub.f32 v32, v26;
	v44 =	vadd.f32 v47, v44;
	[tilespmem:s22+$0xFFFFF030] =	vst v1;
	v9 =	vmin.f32 v35, v9  }
0x355: {  	[tilespmem:s22+$0xFFFFF050] =	vst v2;
	v35 =	vadd.f32 v59, v6;
	v6 =	vadd.f32 v0, v4;
	v4 =	vmin.f32 v9, v1  }
0x356: {  	[tilespmem:s22+$0x20] =	vst v44;
	v8 =	vmin.f32 v11, v7;
	v3 =	vmin.f32 v4, v3  }
0x357: {  	[tilespmem:s22+$0x10] =	vst v7;
	v7 =	vmul.f32 v32, v32;
	v0 =	vsub.f32 v21, v26;
	v3 =	vmin.f32 v3, v2  }
0x358: {  	[tilespmem:s22+$0xFFFFF010] =	vst v42;
	v1 =	vsub.f32 v28, v26;
	v3 =	vmin.f32 v3, v5;
	v5 =	vsub.f32 v24, v26  }
0x359: {  	[tilespmem:s22+$0x30] =	vst v55;
	v4 =	vadd.f32 v7, v51;
	v9 =	vmul.f32 v0, v0  }
0x35a: {  	[tilespmem:s22+$0x50] =	vst v35;
	v7 =	vsub.f32 v63, v26;
	v1 =	vmul.f32 v1, v1;
	v0 =	vmul.f32 v5, v5  }
0x35b: {  	[tilespmem:s22+$0x40] =	vst v60;
	v32 =	vadd.f32 v9, v41  }
0x35c: {  	v9 =	vmul.f32 v7, v7;
	v7 =	vadd.f32 v1, v46;
	v1 =	vadd.f32 v0, v34;
	v0 =	vld [tilespmem:$0x1FF60];
	_ =	sdelay $0x3  }
0x35d: {  	v61 =	vmin.f32 v8, v44;
	v8 =	vld [tilespmem:$0x1FF80]  }
0x35e: {  	v24 =	vmin.f32 v61, v55;
	v20 =	vsub.f32 v0, v26;
	v0 =	vld [tilespmem:$0x1FF70]  }
0x35f: {  	v24 =	vmin.f32 v24, v60  }
0x360: {  	v2 =	vsub.f32 v38, v26;
	v5 =	vadd.f32 v9, v19;
	v9 =	vmin.f32 v24, v35  }
0x361: {  	v9 =	vmin.f32 v9, v6  }
0x362: {  	v3 =	vmin.f32 v3, v39;
	v10 =	vmul.f32 v2, v2;
	v2 =	vmin.f32 v9, v4  }
0x363: {  	v8 =	vsub.f32 v8, v26;
	v2 =	vmin.f32 v2, v32;
	[tilespmem:s22+$0xFFFFF0E0] =	vst v29;
	v0 =	vsub.f32 v0, v26  }
0x364: {  	v3 =	vmin.f32 v3, v16;
	v9 =	vmin.f32 v2, v7;
	[tilespmem:s22+$0xFFFFF0C0] =	vst v25;
	v11 =	vmul.f32 v20, v20  }
0x365: {  	s23 =	simm.s32 $0x0;
	s24 =	simm.s32 $0x1180;
	[tilespmem:s22+$0xFFFFF0A0] =	vst v37;
	v20 =	vmin.f32 v3, v36;
	v12 =	vmul.f32 v0, v0;
	v0 =	vmul.f32 v8, v8  }
.LBB2_4:
0x366: {  	v2 =	vld [tilespmem:s24+$0x1070]  }
0x367: {  	v19 =	vld [tilespmem:s24+$0x1060]  }
0x368: {  	v24 =	vld [tilespmem:s24+$0x1050]  }
0x369: {  	v23 =	vld [tilespmem:s24+$0x1040]  }
0x36a: {  	v13 =	vld [tilespmem:$0x1FF50]  }
0x36b: {  	[tilespmem:s22+$0x90] =	vst v7;
	v7 =	vld [tilespmem:s24+$0x60]  }
0x36c: {  	[tilespmem:s22+$0x60] =	vst v6;
	v15 =	vld [tilespmem:$0x1FF10]  }
0x36d: {  	v3 =	vmin.f32 v20, v37;
	[tilespmem:s22+$0xFFFFF0B0] =	vst v40;
	v48 =	vld [tilespmem:$0x1FF20]  }
0x36e: {  	[tilespmem:s22+$0xFFFFF070] =	vst v39;
	v6 =	vmin.f32 v9, v5;
	v3 =	vmin.f32 v3, v40;
	v28 =	vld [tilespmem:s24+$0x1030]  }
0x36f: {  	[tilespmem:s22+$0xB0] =	vst v1;
	v6 =	vmin.f32 v6, v1;
	v3 =	vmin.f32 v3, v25;
	v1 =	vld [tilespmem:s24+$0xFFFFF050];
	v9 =	vadd.f32 v0, v43  }
0x370: {  	[tilespmem:s22+$0xA0] =	vst v5;
	v3 =	vmin.f32 v3, v27;
	v18 =	vadd.f32 v12, v30;
	v16 =	vadd.f32 v10, v49;
	v49 =	vld [tilespmem:$0x1FF30]  }
0x371: {  	[tilespmem:s22+$0x70] =	vst v4;
	v56 =	vld [tilespmem:s24+$0x1020];
	v3 =	vmin.f32 v3, v29;
	v4 =	vmin.f32 v6, v9;
	v6 =	vadd.f32 v11, v62  }
0x372: {  	v0 =	vmin.f32 v3, v31;
	v3 =	vld [tilespmem:s24+$0xFFFFF060];
	[tilespmem:s22+$0xC0] =	vst v9;
	v4 =	vmin.f32 v4, v18  }
0x373: {  	v39 =	vsub.f32 v19, v13;
	v53 =	vsub.f32 v19, v26;
	v21 =	vmin.f32 v4, v6;
	[tilespmem:s22+$0xE0] =	vst v6;
	v6 =	vld [tilespmem:s24+$0x40]  }
0x374: {  	[tilespmem:s22+$0xFFFFF090] =	vst v36;
	v19 =	vld [tilespmem:$0x1FF00];
	v41 =	vsub.f32 v23, v26;
	v43 =	vsub.f32 v7, v15  }
0x375: {  	[tilespmem:$0x1FE40] =	vst v0;
	v0 =	vmin.f32 v21, v16;
	v21 =	vsub.f32 v23, v13;
	v23 =	vsub.f32 v7, v49;
	v7 =	vld [tilespmem:s24+$0x1010]  }
0x376: {  	v57 =	vld [tilespmem:s24+$0xFFFFF030]  }
0x377: {  	v9 =	vld [tilespmem:s24+$0x50]  }
0x378: {  	v20 =	vsub.f32 v6, v15;
	v63 =	vsub.f32 v6, v49;
	v6 =	vld [tilespmem:s24+$0xFF0]  }
0x379: {  	v14 =	vsub.f32 v1, v48;
	v47 =	vsub.f32 v1, v19;
	v1 =	vld [tilespmem:s24+$0x30]  }
0x37a: {  	v4 =	vsub.f32 v7, v13;
	v11 =	vsub.f32 v7, v26;
	v7 =	vld [tilespmem:s24+$0xFFFFF010]  }
0x37b: {  	v59 =	vsub.f32 v2, v13;
	[tilespmem:s22+$0xFFFFF0D0] =	vst v27;
	v27 =	vld [tilespmem:s24+$0x10]  }
0x37c: {  	v17 =	vld [tilespmem:s24+$0xFFFFF070];
	[tilespmem:s22+$0x80] =	vst v32;
	v35 =	vsub.f32 v2, v26;
	v2 =	vsub.f32 v56, v13  }
0x37d: {  	v36 =	vsub.f32 v56, v26;
	v56 =	vld [tilespmem:s24+$0x0];
	[tilespmem:$0x1FE50] =	vst v0;
	v0 =	vsub.f32 v6, v13  }
0x37e: {  	v22 =	vld [tilespmem:s24+$0x70];
	[tilespmem:s22+$0xFFFFF0F0] =	vst v31;
	v31 =	vsub.f32 v57, v48  }
0x37f: {  	v54 =	vld [tilespmem:s24+$0xFFFFF000];
	v38 =	vsub.f32 v1, v15;
	[tilespmem:$0x1FBB0] =	vst v0;
	v0 =	vsub.f32 v7, v19  }
0x380: {  	v29 =	vld [tilespmem:s24+$0xFE0];
	v40 =	vsub.f32 v1, v49;
	v1 =	vsub.f32 v27, v49  }
0x381: {  	v30 =	vsub.f32 v57, v19;
	v57 =	vld [tilespmem:s24+$0xFD0];
	[tilespmem:$0x1FBC0] =	vst v0;
	v0 =	vsub.f32 v27, v15  }
0x382: {  	[tilespmem:$0x1FBF0] =	vst v1;
	v55 =	vsub.f32 v6, v26;
	v6 =	vsub.f32 v56, v15  }
0x383: {  	v60 =	vld [tilespmem:s24+$0xFFFFEFF0];
	[tilespmem:$0x1FBD0] =	vst v0;
	v0 =	vsub.f32 v7, v48  }
0x384: {  	[tilespmem:$0x1FC20] =	vst v6;
	v6 =	vsub.f32 v54, v48  }
0x385: {  	v1 =	vsub.f32 v29, v26;
	[tilespmem:$0x1FBE0] =	vst v0;
	v0 =	vld [tilespmem:s24+$0xFFFFFFF0]  }
0x386: {  	[tilespmem:$0x1FC30] =	vst v6;
	v6 =	vsub.f32 v57, v26  }
0x387: {  	[tilespmem:$0x1FC00] =	vst v1;
	v1 =	vsub.f32 v54, v19  }
0x388: {  	v10 =	vld [tilespmem:s24+$0xFC0];
	[tilespmem:$0x1FD10] =	vst v6;
	v6 =	vsub.f32 v60, v19  }
0x389: {  	[tilespmem:$0x1FC10] =	vst v1  }
0x38a: {  	v1 =	vld [tilespmem:s24+$0xFFFFEFE0];
	[tilespmem:$0x1FC40] =	vst v6;
	v6 =	vsub.f32 v0, v15;
	_ =	sdelay $0x1  }
0x38b: {  	[tilespmem:$0x1FC50] =	vst v6;
	v6 =	vsub.f32 v60, v48  }
0x38c: {  	v60 =	vsub.f32 v0, v49;
	v0 =	vsub.f32 v10, v26;
	_ =	sdelay $0x1  }
0x38d: {  	[tilespmem:$0x1FD30] =	vst v0;
	v0 =	vsub.f32 v1, v19;
	_ =	sdelay $0x1  }
0x38e: {  	[tilespmem:$0x1FC70] =	vst v0;
	v0 =	vmul.f32 v59, v59;
	_ =	sdelay $0x1  }
0x38f: {  	[tilespmem:$0x1FD50] =	vst v0;
	v0 =	vmul.f32 v39, v39;
	_ =	sdelay $0x1  }
0x390: {  	v44 =	vsub.f32 v24, v13;
	[tilespmem:$0x1FD40] =	vst v0;
	v0 =	vmul.f32 v35, v35;
	_ =	sdelay $0x1  }
0x391: {  	[tilespmem:$0x1FEC0] =	vst v0;
	v0 =	vmul.f32 v44, v44;
	_ =	sdelay $0x1  }
0x392: {  	v5 =	vsub.f32 v24, v26;
	[tilespmem:$0x1FD80] =	vst v0;
	v0 =	vmul.f32 v53, v53  }
0x393: {  	v33 =	vsub.f32 v57, v13;
	v57 =	vld [tilespmem:s24+$0xFB0]  }
0x394: {  	v61 =	vsub.f32 v17, v19;
	[tilespmem:$0x1FE90] =	vst v0;
	v0 =	vmul.f32 v5, v5;
	_ =	sdelay $0x1  }
0x395: {  	[tilespmem:$0x1FE80] =	vst v0;
	v0 =	vmul.f32 v61, v61;
	_ =	sdelay $0x1  }
0x396: {  	v32 =	vsub.f32 v22, v15;
	[tilespmem:$0x1FC80] =	vst v0;
	v0 =	vsub.f32 v57, v13;
	_ =	sdelay $0x1  }
0x397: {  	v34 =	vsub.f32 v17, v48;
	[tilespmem:$0x1FD60] =	vst v0;
	v0 =	vmul.f32 v32, v32;
	_ =	sdelay $0x1  }
0x398: {  	[tilespmem:$0x1FC90] =	vst v0;
	v0 =	vmul.f32 v34, v34;
	_ =	sdelay $0x1  }
0x399: {  	[tilespmem:$0x1FCA0] =	vst v0;
	v0 =	vsub.f32 v57, v26;
	_ =	sdelay $0x1  }
0x39a: {  	v22 =	vsub.f32 v22, v49;
	[tilespmem:$0x1FE30] =	vst v0;
	v0 =	vmul.f32 v21, v21;
	_ =	sdelay $0x1  }
0x39b: {  	[tilespmem:$0x1FD70] =	vst v0;
	v0 =	vmul.f32 v22, v22;
	_ =	sdelay $0x1  }
0x39c: {  	v42 =	vsub.f32 v3, v19;
	[tilespmem:$0x1FCB0] =	vst v0;
	v0 =	vmul.f32 v41, v41;
	_ =	sdelay $0x1  }
0x39d: {  	v3 =	vsub.f32 v3, v48;
	[tilespmem:$0x1FEE0] =	vst v0;
	v0 =	vmul.f32 v42, v42;
	_ =	sdelay $0x1  }
0x39e: {  	v45 =	vsub.f32 v28, v13;
	[tilespmem:$0x1FCC0] =	vst v0;
	v0 =	vmul.f32 v3, v3;
	_ =	sdelay $0x1  }
0x39f: {  	v24 =	vsub.f32 v28, v26;
	[tilespmem:$0x1FCD0] =	vst v0;
	v0 =	vmul.f32 v45, v45  }
0x3a0: {  	[tilespmem:s22+$0xF0] =	vst v16;
	v16 =	vld [tilespmem:s24+$0xFA0]  }
0x3a1: {  	[tilespmem:$0x1FDB0] =	vst v0;
	v0 =	vmul.f32 v24, v24;
	_ =	sdelay $0x1  }
0x3a2: {  	[tilespmem:$0x1FEF0] =	vst v0;
	v0 =	vmul.f32 v47, v47;
	_ =	sdelay $0x1  }
0x3a3: {  	[tilespmem:$0x1FCE0] =	vst v0;
	v0 =	vsub.f32 v16, v13;
	_ =	sdelay $0x1  }
0x3a4: {  	v12 =	vsub.f32 v9, v15;
	v8 =	vsub.f32 v9, v49;
	[tilespmem:$0x1FD90] =	vst v0;
	v0 =	vmul.f32 v14, v14  }
0x3a5: {  	v9 =	vld [tilespmem:s24+$0x1000];
	v35 =	vsub.f32 v1, v48;
	v1 =	vsub.f32 v16, v26  }
0x3a6: {  	[tilespmem:$0x1FCF0] =	vst v0;
	v0 =	vld [tilespmem:s24+$0xF90]  }
0x3a7: {  	[tilespmem:$0x1FE20] =	vst v1;
	v1 =	vmul.f32 v2, v2;
	v2 =	vmul.f32 v4, v4;
	_ =	sdelay $0x1  }
0x3a8: {  	[tilespmem:$0x1FDE0] =	vst v2;
	v2 =	vmul.f32 v11, v11  }
0x3a9: {  	v50 =	vsub.f32 v9, v13  }
0x3aa: {  	[tilespmem:$0x1FEB0] =	vst v2;
	v2 =	vsub.f32 v0, v13;
	v0 =	vsub.f32 v0, v26;
	_ =	sdelay $0x1  }
0x3ab: {  	v37 =	vsub.f32 v9, v26;
	[tilespmem:$0x1FE10] =	vst v0;
	v0 =	vmul.f32 v50, v50;
	_ =	sdelay $0x1  }
0x3ac: {  	v58 =	vld [tilespmem:s24+$0xFFFFF020];
	[tilespmem:$0x1FDD0] =	vst v0;
	v0 =	vmul.f32 v37, v37;
	_ =	sdelay $0x1  }
0x3ad: {  	[tilespmem:$0x1FEA0] =	vst v0;
	v0 =	vld [tilespmem:$0x1FBB0];
	_ =	sdelay $0x2  }
0x3ae: {  	v25 =	vsub.f32 v58, v19;
	v17 =	vsub.f32 v58, v48;
	v58 =	vld [tilespmem:s24+$0xFFFFFFE0];
	_ =	sdelay $0x1  }
0x3af: {  	v0 =	vmul.f32 v0, v0;
	_ =	sdelay $0x1  }
0x3b0: {  	[tilespmem:$0x1FE00] =	vst v0;
	v0 =	vmul.f32 v55, v55  }
0x3b1: {  	v54 =	vsub.f32 v58, v15;
	v44 =	vsub.f32 v58, v49;
	v58 =	vld [tilespmem:s24+$0xF80]  }
0x3b2: {  	[tilespmem:$0x1FE70] =	vst v0;
	v0 =	vld [tilespmem:$0x1FBC0];
	_ =	sdelay $0x3  }
0x3b3: {  	[tilespmem:s22+$0xD0] =	vst v18;
	v18 =	vld [tilespmem:s24+$0xFFFFF040]  }
0x3b4: {  	[tilespmem:$0x1FC60] =	vst v6;
	v6 =	vsub.f32 v10, v13;
	v39 =	vld [tilespmem:s24+$0xFFFFFFD0];
	v10 =	vmul.f32 v0, v0;
	v0 =	vsub.f32 v58, v13;
	_ =	sdelay $0x1  }
0x3b5: {  	[tilespmem:$0x1FDF0] =	vst v0;
	v0 =	vld [tilespmem:$0x1FBD0];
	_ =	sdelay $0x1  }
0x3b6: {  	v51 =	vsub.f32 v18, v19;
	v62 =	vsub.f32 v18, v48;
	v18 =	vld [tilespmem:s24+$0x20]  }
0x3b7: {  	v42 =	vsub.f32 v39, v15  }
0x3b8: {  	v45 =	vmul.f32 v23, v23;
	v23 =	vsub.f32 v39, v49;
	v39 =	vmul.f32 v8, v8;
	v8 =	vld [tilespmem:s24+$0xFFFFFFB0]  }
0x3b9: {  	v5 =	vmul.f32 v0, v0;
	v0 =	vld [tilespmem:$0x1FBE0];
	_ =	sdelay $0x1  }
0x3ba: {  	v52 =	vsub.f32 v18, v49  }
0x3bb: {  	v34 =	vmul.f32 v20, v20  }
0x3bc: {  	v20 =	vmul.f32 v17, v17;
	v17 =	vmul.f32 v52, v52  }
0x3bd: {  	v52 =	vsub.f32 v8, v49;
	v50 =	vsub.f32 v8, v15;
	v8 =	vmul.f32 v0, v0;
	v0 =	vld [tilespmem:$0x1FBF0];
	_ =	sdelay $0x4  }
0x3be: {  	v4 =	vmul.f32 v0, v0;
	v0 =	vld [tilespmem:$0x1FC00];
	_ =	sdelay $0x4  }
0x3bf: {  	v0 =	vmul.f32 v0, v0  }
0x3c0: {  	v61 =	vld [tilespmem:s24+$0xFFFFEFC0]  }
0x3c1: {  	[tilespmem:$0x1FE60] =	vst v0;
	v0 =	vld [tilespmem:$0x1FC10];
	_ =	sdelay $0x2  }
0x3c2: {  	v7 =	vsub.f32 v29, v13  }
0x3c3: {  	v9 =	vsub.f32 v61, v48;
	v21 =	vsub.f32 v61, v19  }
0x3c4: {  	v61 =	vsub.f32 v58, v26;
	v58 =	vmul.f32 v7, v7;
	v7 =	vmul.f32 v0, v0;
	v0 =	vld [tilespmem:$0x1FC20];
	_ =	sdelay $0x4  }
0x3c5: {  	v22 =	vmul.f32 v38, v38;
	v38 =	vmul.f32 v0, v0;
	v0 =	vld [tilespmem:$0x1FC30];
	_ =	sdelay $0x2  }
0x3c6: {  	v46 =	vsub.f32 v18, v15;
	_ =	sdelay $0x1  }
0x3c7: {  	v18 =	vmul.f32 v46, v46;
	v46 =	vmul.f32 v0, v0;
	v0 =	vld [tilespmem:$0x1FC40];
	_ =	sdelay $0x3  }
0x3c8: {  	v59 =	vld [tilespmem:s24+$0xFFFFEFD0];
	[tilespmem:$0x1FDA0] =	vst v1;
	v1 =	vmul.f32 v36, v36  }
0x3c9: {  	v32 =	vmul.f32 v31, v31;
	v31 =	vmul.f32 v0, v0;
	v0 =	vld [tilespmem:$0x1FC50]  }
0x3ca: {  	v28 =	vmul.f32 v63, v63;
	v63 =	vld [tilespmem:s24+$0xFFFFFFA0];
	[tilespmem:$0x1FED0] =	vst v1;
	v1 =	vmul.f32 v51, v51  }
0x3cb: {  	v53 =	vmul.f32 v43, v43;
	v43 =	vld [tilespmem:s24+$0xFFFFFFC0]  }
0x3cc: {  	[tilespmem:$0x1FD00] =	vst v1;
	v1 =	vld [tilespmem:s24+$0xFFFFEFB0]  }
0x3cd: {  	v29 =	vsub.f32 v59, v19;
	v57 =	vsub.f32 v59, v48;
	v59 =	vmul.f32 v62, v62;
	v62 =	vld [tilespmem:s24+$0xFFFFFF90]  }
0x3ce: {  	v27 =	vmul.f32 v25, v25;
	v25 =	vmul.f32 v0, v0;
	v0 =	vld [tilespmem:$0x1FC60]  }
0x3cf: {  	v41 =	vmul.f32 v33, v33;
	v33 =	vld [tilespmem:s24+$0xFFFFFF80]  }
0x3d0: {  	v24 =	vmul.f32 v40, v40;
	v40 =	vld [tilespmem:s24+$0xFFFFEF80]  }
0x3d1: {  	v37 =	vld [tilespmem:s24+$0xFFFFEFA0]  }
0x3d2: {  	v55 =	vld [tilespmem:s24+$0xFFFFEF90]  }
0x3d3: {  	[tilespmem:$0x1FD20] =	vst v6;
	v6 =	vsub.f32 v43, v49;
	v47 =	vmul.f32 v12, v12;
	v12 =	vmul.f32 v0, v0;
	v0 =	vld [tilespmem:$0x1FC70]  }
0x3d4: {  	v51 =	vsub.f32 v1, v48;
	v16 =	vsub.f32 v43, v15  }
0x3d5: {  	v43 =	vsub.f32 v63, v15;
	[tilespmem:$0x1FDC0] =	vst v2;
	v2 =	vsub.f32 v1, v19  }
0x3d6: {  	v36 =	vmul.f32 v30, v30;
	v1 =	vsub.f32 v33, v15;
	v30 =	vsub.f32 v37, v19  }
0x3d7: {  	v11 =	vsub.f32 v55, v19;
	v13 =	vsub.f32 v62, v15;
	v15 =	vld [tilespmem:$0x1FC80]  }
0x3d8: {  	v14 =	vmul.f32 v0, v0;
	v0 =	vsub.f32 v40, v19;
	v19 =	vmul.f32 v21, v21;
	v21 =	vld [tilespmem:$0x1FC90];
	_ =	sdelay $0x3  }
0x3d9: {  	v3 =	vsub.f32 v62, v49;
	v62 =	vld [tilespmem:$0x1FCB0]  }
0x3da: {  	v21 =	vadd.f32 v21, v15;
	v15 =	vld [tilespmem:$0x1FCA0];
	_ =	sdelay $0x3  }
0x3db: {  	v56 =	vsub.f32 v56, v49;
	v63 =	vsub.f32 v63, v49  }
0x3dc: {  	v33 =	vsub.f32 v33, v49;
	v49 =	vadd.f32 v62, v15;
	v15 =	vld [tilespmem:$0x1FCC0];
	_ =	sdelay $0x4  }
0x3dd: {  	v53 =	vadd.f32 v53, v15;
	v15 =	vld [tilespmem:$0x1FCD0];
	_ =	sdelay $0x4  }
0x3de: {  	v62 =	vadd.f32 v45, v15;
	v15 =	vld [tilespmem:$0x1FCE0];
	_ =	sdelay $0x4  }
0x3df: {  	v47 =	vadd.f32 v47, v15;
	v15 =	vld [tilespmem:$0x1FCF0];
	_ =	sdelay $0x4  }
0x3e0: {  	v45 =	vmul.f32 v30, v30;
	v30 =	vadd.f32 v39, v15;
	v15 =	vld [tilespmem:$0x1FD00];
	_ =	sdelay $0x4  }
0x3e1: {  	v34 =	vadd.f32 v34, v15  }
0x3e2: {  	v15 =	vadd.f32 v17, v20;
	v20 =	vadd.f32 v25, v31;
	v25 =	vmul.f32 v3, v3;
	v3 =	vld [tilespmem:$0x1FD10];
	_ =	sdelay $0x4  }
0x3e3: {  	v39 =	vmul.f32 v43, v43;
	v43 =	vadd.f32 v28, v59;
	v59 =	vmul.f32 v3, v3;
	v3 =	vld [tilespmem:$0x1FD20]  }
0x3e4: {  	v6 =	vmul.f32 v6, v6;
	v9 =	vmul.f32 v9, v9;
	v40 =	vsub.f32 v40, v48  }
0x3e5: {  	v18 =	vadd.f32 v18, v27;
	v1 =	vmul.f32 v1, v1;
	v27 =	vmul.f32 v33, v33  }
0x3e6: {  	v6 =	vadd.f32 v6, v9;
	v0 =	vmul.f32 v0, v0;
	v9 =	vmul.f32 v40, v40;
	_ =	sdelay $0x1  }
0x3e7: {  	v0 =	vadd.f32 v1, v0;
	v1 =	vadd.f32 v27, v9;
	v9 =	vmul.f32 v3, v3;
	v3 =	vld [tilespmem:$0x1FD30]  }
0x3e8: {  	v37 =	vsub.f32 v37, v48  }
0x3e9: {  	v55 =	vsub.f32 v55, v48  }
0x3ea: {  	v48 =	vadd.f32 v24, v32;
	v24 =	vmul.f32 v63, v63;
	v28 =	vmul.f32 v37, v37;
	_ =	sdelay $0x1  }
0x3eb: {  	v24 =	vadd.f32 v24, v28;
	v28 =	vmul.f32 v3, v3;
	v3 =	vld [tilespmem:$0x1FD40];
	_ =	sdelay $0x1  }
0x3ec: {  	v56 =	vmul.f32 v56, v56  }
0x3ed: {  	v29 =	vmul.f32 v29, v29;
	v42 =	vmul.f32 v42, v42;
	v5 =	vadd.f32 v5, v10  }
0x3ee: {  	v10 =	vadd.f32 v4, v8;
	v4 =	vmul.f32 v13, v13;
	v13 =	vadd.f32 v56, v46  }
0x3ef: {  	v56 =	vadd.f32 v42, v29;
	v29 =	vadd.f32 v3, v53;
	v3 =	vld [tilespmem:$0x1FD50];
	_ =	sdelay $0x4  }
0x3f0: {  	v31 =	vadd.f32 v3, v21;
	v21 =	vld [tilespmem:$0x1FD70];
	_ =	sdelay $0x1  }
0x3f1: {  	v11 =	vmul.f32 v11, v11  }
0x3f2: {  	v55 =	vmul.f32 v55, v55  }
0x3f3: {  	v4 =	vadd.f32 v4, v11  }
0x3f4: {  	v11 =	vadd.f32 v25, v55;
	v25 =	vadd.f32 v21, v34;
	v21 =	vld [tilespmem:$0x1FD80];
	_ =	sdelay $0x4  }
0x3f5: {  	v27 =	vadd.f32 v21, v47;
	v21 =	vld [tilespmem:$0x1FD90];
	_ =	sdelay $0x2  }
0x3f6: {  	v60 =	vmul.f32 v60, v60;
	_ =	sdelay $0x1  }
0x3f7: {  	v12 =	vadd.f32 v60, v12;
	v60 =	vmul.f32 v21, v21;
	v21 =	vld [tilespmem:$0x1FDA0];
	_ =	sdelay $0x4  }
0x3f8: {  	v37 =	vadd.f32 v21, v18;
	v21 =	vld [tilespmem:$0x1FDD0];
	_ =	sdelay $0x1  }
0x3f9: {  	v18 =	vld [tilespmem:$0x1FDB0]  }
0x3fa: {  	v8 =	vadd.f32 v38, v7;
	_ =	sdelay $0x1  }
0x3fb: {  	v22 =	vadd.f32 v22, v36;
	v8 =	vadd.f32 v21, v8;
	v21 =	vld [tilespmem:$0x1FDE0];
	_ =	sdelay $0x1  }
0x3fc: {  	v40 =	vadd.f32 v18, v22;
	v18 =	vld [tilespmem:$0x1FDC0];
	_ =	sdelay $0x2  }
0x3fd: {  	v36 =	vadd.f32 v21, v5;
	v5 =	vld [tilespmem:$0x1FDF0];
	_ =	sdelay $0x1  }
0x3fe: {  	v18 =	vmul.f32 v18, v18;
	v21 =	vld [tilespmem:$0x1FE00]  }
0x3ff: {  	v57 =	vmul.f32 v57, v57;
	v23 =	vmul.f32 v23, v23;
	v3 =	vld [tilespmem:$0x1FD60]  }
0x400: {  	v4 =	vadd.f32 v18, v4;
	v18 =	vld [tilespmem:$0x1FE40]  }
0x401: {  	v23 =	vadd.f32 v23, v57;
	v5 =	vmul.f32 v5, v5  }
0x402: {  	v2 =	vmul.f32 v2, v2;
	v50 =	vmul.f32 v50, v50;
	v57 =	vadd.f32 v39, v45  }
0x403: {  	v39 =	vadd.f32 v21, v20;
	v21 =	vld [tilespmem:$0x1FE10];
	v0 =	vadd.f32 v5, v0  }
0x404: {  	s22 =	sadd.s32 $0x100, s22;
	v2 =	vadd.f32 v50, v2;
	v3 =	vmul.f32 v3, v3  }
0x405: {  	v63 =	vadd.f32 v60, v57;
	[tilespmem:s22+$0xFFFFF000] =	vst v0;
	v0 =	vmin.f32 v18, v0  }
0x406: {  	v2 =	vadd.f32 v3, v2;
	v3 =	vld [tilespmem:$0x1FE20];
	v0 =	vmin.f32 v0, v4  }
0x407: {  	v18 =	vld [tilespmem:$0x1FE50];
	v0 =	vmin.f32 v0, v63  }
0x408: {  	[tilespmem:s22+$0xFFFFF030] =	vst v2;
	v22 =	vmul.f32 v21, v21;
	v0 =	vmin.f32 v0, v2;
	v2 =	vld [tilespmem:$0x1FE70]  }
0x409: {  	v54 =	vmul.f32 v54, v54;
	v20 =	vmul.f32 v61, v61  }
0x40a: {  	v35 =	vmul.f32 v35, v35;
	v44 =	vmul.f32 v44, v44;
	v5 =	vadd.f32 v22, v11;
	v11 =	vld [tilespmem:$0x1FE30]  }
0x40b: {  	v51 =	vmul.f32 v51, v51;
	v3 =	vmul.f32 v3, v3;
	v1 =	vadd.f32 v20, v1  }
0x40c: {  	v52 =	vmul.f32 v52, v52;
	v16 =	vmul.f32 v16, v16  }
0x40d: {  	v3 =	vadd.f32 v3, v24;
	[tilespmem:s22+$0xFFFFF010] =	vst v4;
	v18 =	vmin.f32 v18, v1;
	v4 =	vadd.f32 v2, v12;
	v2 =	vld [tilespmem:$0x1FEA0]  }
0x40e: {  	v14 =	vadd.f32 v54, v14;
	v16 =	vadd.f32 v16, v19;
	[tilespmem:s22+$0x0] =	vst v1;
	v1 =	vmin.f32 v18, v5  }
0x40f: {  	v19 =	vadd.f32 v52, v51;
	[tilespmem:s22+$0x20] =	vst v3;
	v1 =	vmin.f32 v1, v3;
	v3 =	vld [tilespmem:$0x1FE60];
	v11 =	vmul.f32 v11, v11  }
0x410: {  	v7 =	vadd.f32 v44, v35;
	v14 =	vadd.f32 v58, v14  }
0x411: {  	v17 =	vadd.f32 v59, v23;
	v11 =	vadd.f32 v11, v19  }
0x412: {  	v18 =	vadd.f32 v28, v6;
	v32 =	vadd.f32 v2, v13;
	v2 =	vld [tilespmem:$0x1FEB0]  }
0x413: {  	[tilespmem:s22+$0xFFFFF060] =	vst v14;
	v9 =	vadd.f32 v9, v16;
	v1 =	vmin.f32 v1, v11  }
0x414: {  	[tilespmem:s22+$0x50] =	vst v17;
	v6 =	vadd.f32 v3, v7;
	v1 =	vmin.f32 v1, v18  }
0x415: {  	[tilespmem:s22+$0xFFFFF040] =	vst v9;
	v1 =	vmin.f32 v1, v17  }
0x416: {  	[tilespmem:s22+$0xFFFFF0E0] =	vst v29;
	v61 =	vadd.f32 v41, v56;
	v1 =	vmin.f32 v1, v6  }
0x417: {  	[tilespmem:s22+$0xFFFFF0C0] =	vst v25;
	v0 =	vmin.f32 v0, v9;
	v1 =	vmin.f32 v1, v4;
	v7 =	vadd.f32 v2, v10  }
0x418: {  	s23 =	sadd.s32 $0x10, s23;
	[tilespmem:s22+$0xFFFFF020] =	vst v63;
	v0 =	vmin.f32 v0, v61;
	v1 =	vmin.f32 v1, v32;
	v2 =	vld [tilespmem:$0x1FED0]  }
0x419: {  	p0 =	slt.u32 s23, $0xF0;
	[tilespmem:s22+$0xFFFFF0A0] =	vst v37;
	v0 =	vmin.f32 v0, v14;
	v9 =	vmin.f32 v1, v7;
	v1 =	vld [tilespmem:$0x1FEF0]  }
.Ltmp5:
0x41a: {  	[tilespmem:s22+$0xFFFFF080] =	vst v8;
	v0 =	vmin.f32 v0, v39;
	(pc) =	sbr.rel @p0 .LBB2_4-.Ltmp5, $4  }
0x41b: {  	[tilespmem:s22+$0xFFFFF050] =	vst v61;
	v12 =	vld [tilespmem:$0x1FE80];
	v0 =	vmin.f32 v0, v8  }
0x41c: {  	[tilespmem:s22+$0x10] =	vst v5;
	v20 =	vmin.f32 v0, v36;
	v0 =	vld [tilespmem:$0x1FEE0]  }
0x41d: {  	[tilespmem:s22+$0x30] =	vst v11;
	v11 =	vld [tilespmem:$0x1FE90]  }
0x41e: {  	s24 =	sadd.s32 $0x100, s24;
	[tilespmem:s22+$0x40] =	vst v18;
	v10 =	vld [tilespmem:$0x1FEC0];
	v5 =	vadd.f32 v2, v15;
	v1 =	vadd.f32 v1, v48  }
0x41f: {  	[tilespmem:s22+$0x60] =	vst v6  }
0x420: {  	[tilespmem:s22+$0xFFFFF070] =	vst v39  }
0x421: {  	[tilespmem:s22+$0x70] =	vst v4  }
0x422: {  	[tilespmem:s22+$0x80] =	vst v32  }
0x423: {  	[tilespmem:s22+$0xFFFFF090] =	vst v36  }
0x424: {  	[tilespmem:s22+$0x90] =	vst v7  }
0x425: {  	[tilespmem:s22+$0xFFFFF0B0] =	vst v40  }
0x426: {  	[tilespmem:s22+$0xFFFFF0D0] =	vst v27  }
0x427: {  	[tilespmem:s22+$0xFFFFF0F0] =	vst v31  }
0x428: {  	[tilespmem:s22+$0xA0] =	vst v5;
	v3 =	vadd.f32 v12, v30  }
0x429: {  	[tilespmem:s22+$0xB0] =	vst v1;
	v0 =	vadd.f32 v0, v43  }
0x42a: {  	v4 =	vadd.f32 v11, v62;
	[tilespmem:s22+$0xD0] =	vst v3  }
0x42b: {  	[tilespmem:s22+$0xC0] =	vst v0;
	v6 =	vadd.f32 v10, v49  }
0x42c: {  	[tilespmem:s22+$0xE0] =	vst v4  }
0x42d: {  	[tilespmem:s22+$0xF0] =	vst v6  }
0x42e: {  	v8 =	vld [tilespmem:$0x1FFC0]  }
0x42f: {  	v2 =	vmin.f32 v20, v37  }
0x430: {  	v2 =	vmin.f32 v2, v40  }
0x431: {  	v2 =	vmin.f32 v2, v25  }
0x432: {  	v2 =	vmin.f32 v2, v27  }
0x433: {  	v2 =	vmin.f32 v2, v29  }
0x434: {  	v2 =	vmin.f32 v2, v31  }
0x435: {  	[tilespmem:$0xC000] =	vst v2;
	v10 =	vld [tilespmem:$0x1FFD0]  }
0x436: {  	v7 =	vld.idx.msk [tilespmem:v8+s17+$0x0], $0xffff;
	_ =	sdelay $0x4  }
0x437: {  	v2 =	vmax.f32 v2, v7  }
0x438: {  	v11 =	vld [tilespmem:$0x1FFE0];
	[tilespmem:$0xC000] =	vst v2  }
0x439: {  	v7 =	vld.idx.msk [tilespmem:v10+s17+$0x0], $0xffff;
	_ =	sdelay $0x4  }
0x43a: {  	v2 =	vmax.f32 v2, v7  }
0x43b: {  	v46 =	vld [tilespmem:$0x1FFF0];
	[tilespmem:$0xC000] =	vst v2  }
0x43c: {  	v7 =	vld.idx.msk [tilespmem:v11+s17+$0x0], $0xffff  }
0x43d: {  	v5 =	vmin.f32 v9, v5  }
0x43e: {  	v1 =	vmin.f32 v5, v1  }
0x43f: {  	v0 =	vmin.f32 v1, v0  }
0x440: {  	v0 =	vmin.f32 v0, v3  }
0x441: {  	v0 =	vmin.f32 v0, v4;
	v1 =	vmax.f32 v2, v7  }
0x442: {  	v0 =	vmin.f32 v0, v6;
	[tilespmem:$0xC000] =	vst v1  }
0x443: {  	v2 =	vld.idx.msk [tilespmem:v46+s17+$0x0], $0xffff;
	[tilespmem:$0xC000] =	vst v0  }
0x444: {  	v3 =	vld.idx.msk [tilespmem:v8+s17+$0x0], $0xffff;
	_ =	sdelay $0x4  }
0x445: {  	v0 =	vmax.f32 v0, v3  }
0x446: {  	[tilespmem:$0xC000] =	vst v0  }
0x447: {  	v3 =	vld.idx.msk [tilespmem:v10+s17+$0x0], $0xffff;
	_ =	sdelay $0x4  }
0x448: {  	v0 =	vmax.f32 v0, v3  }
0x449: {  	[tilespmem:$0xC000] =	vst v0  }
0x44a: {  	v3 =	vld.idx.msk [tilespmem:v11+s17+$0x0], $0xffff;
	_ =	sdelay $0x4  }
0x44b: {  	v10 =	vmax.f32 v0, v3  }
0x44c: {  	s22 =	simm.s32 $0xA080;
	[tilespmem:$0xC000] =	vst v10  }
0x44d: {  	v0 =	vld [tilespmem:s22+$0xFFFFFF80]  }
0x44e: {  	v4 =	vld [tilespmem:s22+$0xFFFFFF90]  }
0x44f: {  	v17 =	vld [tilespmem:s22+$0xFFFFFFA0]  }
0x450: {  	v16 =	vld [tilespmem:s22+$0xFFFFFFB0]  }
0x451: {  	v14 =	vld [tilespmem:s22+$0xFFFFFFC0]  }
0x452: {  	v13 =	vld [tilespmem:s22+$0xFFFFFFD0]  }
0x453: {  	v12 =	vld [tilespmem:s22+$0xFFFFFFE0]  }
0x454: {  	v25 =	vld [tilespmem:s22+$0xFFFFFFF0]  }
0x455: {  	v56 =	vimm.s32 $0x0;
	v15 =	vmax.f32 v1, v2;
	v1 =	vimm.s32 $0x0;
	v23 =	vld [tilespmem:s22+$0x0]  }
0x456: {  	v21 =	vld [tilespmem:s22+$0x10];
	vm0 =	vle.f32 v0, v15;
	vm14 =	vle.f32 v4, v15;
	vm10 =	vle.f32 v17, v15  }
0x457: {  	v18 =	vld [tilespmem:s22+$0x20];
	vm13 =	vle.f32 v16, v15;
	vm1 =	vle.f32 v14, v15;
	v2 =	vmpcnt.ones.xlane vm0  }
0x458: {  	v19 =	vld [tilespmem:s22+$0x30];
	vm6 =	vle.f32 v13, v15;
	vm2 =	vle.f32 v12, v15;
	v5 =	vmpcnt.ones.xlane vm14  }
0x459: {  	v20 =	vld [tilespmem:s22+$0x40];
	vm11 =	vle.f32 v25, v15;
	v6 =	vmpcnt.ones.xlane vm10;
	v2 =	vadd.s32 v1, v2  }
0x45a: {  	v22 =	vld [tilespmem:s22+$0x50];
	vm5 =	vle.f32 v23, v15;
	v7 =	vadd.s32 v2, v5;
	v5 =	vmpcnt.ones.xlane vm13  }
0x45b: {  	v24 =	vld [tilespmem:s22+$0x60];
	vm7 =	vle.f32 v21, v15;
	v8 =	vmpcnt.ones.xlane vm1;
	v6 =	vadd.s32 v7, v6  }
0x45c: {  	vm8 =	vle.f32 v18, v15;
	v9 =	vadd.s32 v6, v5;
	v5 =	vmpcnt.ones.xlane vm6  }
0x45d: {  	vm3 =	vle.f32 v19, v15;
	v11 =	vmpcnt.ones.xlane vm2;
	v8 =	vadd.s32 v9, v8  }
0x45e: {  	vm12 =	vle.f32 v20, v15;
	v27 =	vadd.s32 v8, v5;
	v5 =	vmpcnt.ones.xlane vm11  }
0x45f: {  	vm15 =	vle.f32 v22, v15;
	v59 =	vadd.s32 v27, v11;
	v11 =	vmpcnt.ones.xlane vm5  }
0x460: {  	vm9 =	vle.f32 v24, v15;
	v60 =	vadd.s32 v59, v5;
	v5 =	vmpcnt.ones.xlane vm7  }
0x461: {  	v3 =	vsel vm0, $0x1, v56;
	v39 =	vadd.s32 v60, v11;
	v11 =	vmpcnt.ones.xlane vm8  }
0x462: {  	v28 =	vsel vm14, $0x1, v56;
	v38 =	vadd.s32 v39, v5;
	v5 =	vmpcnt.ones.xlane vm3  }
0x463: {  	v26 =	vld [tilespmem:s22+$0x70];
	(xrf0) =	vadd.scan.msk.s32 $0xffff, v3;
	v3 =	vmpcnt.ones.xlane vm15;
	v36 =	vadd.s32 v38, v11;
	v11 =	vmpcnt.ones.xlane vm12  }
0x464: {  	(xrf0) =	vadd.scan.msk.s32 $0xffff, v28;
	v28 =	vsel vm13, $0x1, v56;
	v37 =	vadd.s32 v36, v5;
	v5 =	vsel vm10, $0x1, v56  }
0x465: {  	v34 =	vadd.s32 v37, v11;
	v11 =	vmpcnt.ones.xlane vm9;
	(xrf0) =	vadd.scan.msk.s32 $0xffff, v5;
	v5 =	vimm.s32 $0x0  }
0x466: {  	v35 =	vadd.s32 v34, v3;
	v5 =	vsel vm1, $0xFFFFFFFF, v5;
	(xrf0) =	vadd.scan.msk.s32 $0xffff, v28;
	v28 =	vimm.s32 $0x0  }
0x467: {  	[tilespmem:$0x1FB60] =	vst v5;
	v33 =	vadd.s32 v35, v11;
	v11 =	vsel vm6, $0x1, v56;
	v28 =	vsel vm2, $0xFFFFFFFF, v28  }
0x468: {  	vm4 =	vle.f32 v26, v15;
	v5 =	vsel vm1, $0x1, v56;
	[tilespmem:$0x1FB70] =	vst v28;
	v28 =	vsel vm2, $0x1, v56  }
0x469: {  	v41 =	vimm.s32 $0x0;
	v42 =	vimm.s32 $0x0;
	v3 =	vmpcnt.ones.xlane vm4;
	(xrf0) =	vadd.scan.msk.s32 $0xffff, v5  }
0x46a: {  	v55 =	vlaneseq.u32;
	v30 =	vsel vm7, $0x1, v56;
	v31 =	vsel vm8, $0x1, v56;
	(xrf0) =	vadd.scan.msk.s32 $0xffff, v11;
	v11, _, _ =	vpop (xrf0)  }
0x46b: {  	v29 =	vadd.s32 v33, v3;
	v3 =	vsel vm11, $0x1, v56;
	(xrf0) =	vadd.scan.msk.s32 $0xffff, v28;
	v28, _, _ =	vpop (xrf0);
	v1 =	vadd.s32 v11, v1  }
0x46c: {  	v41 =	vsel vm3, $0xFFFFFFFF, v41;
	v5 =	vsel vm5, $0x1, v56;
	(xrf0) =	vadd.scan.msk.s32 $0xffff, v3;
	v2 =	vadd.s32 v28, v2  }
0x46d: {  	v61 =	vsel vm3, $0x1, v56;
	v42 =	vsel vm12, $0xFFFFFFFF, v42;
	(xrf0) =	vadd.scan.msk.s32 $0xffff, v5;
	v5 =	vimm.s32 $0x0  }
0x46e: {  	v62 =	vsel vm12, $0x1, v56;
	v44 =	vadd.s32 $0xFFFFFFFF, v1;
	v5 =	vsel vm4, $0xFFFFFFFF, v5;
	v1, _, _ =	vpop (xrf0)  }
0x46f: {  	v63 =	vsel vm15, $0x1, v56;
	v45 =	vsel vm4, $0x1, v56;
	[tilespmem:$0x1FBA0] =	vst v5;
	v5 =	vadd.s32 $0xFFFFFFFF, v2;
	v2, _, _ =	vpop (xrf0)  }
0x470: {  	[tilespmem:$0x1FB80] =	vst v41;
	vm12 =	vmmov vm15;
	(xrf0) =	vadd.scan.msk.s32 $0xffff, v30;
	v2 =	vadd.s32 v2, v6;
	v6, _, _ =	vpop (xrf0)  }
0x471: {  	vm1 =	vmmov vm6;
	(xrf0) =	vadd.scan.msk.s32 $0xffff, v31;
	v31 =	vadd.s32 $0xFFFFFFFF, v2;
	v2 =	vadd.s32 v6, v9;
	v9, _, _ =	vpop (xrf0)  }
0x472: {  	[tilespmem:$0x1FB90] =	vst v42;
	vm6 =	vmmov vm8;
	v30 =	vadd.s32 $0xFFFFFFFF, v2;
	v2 =	vadd.s32 v9, v8  }
0x473: {  	s0 =	simm.s32 $0x0;
	s31 =	simm.s32 $0x10;
	vm2 =	vmmov vm13;
	v3 =	vsel vm9, $0x1, v56;
	v1 =	vadd.s32 v1, v7;
	(xrf0) =	vadd.scan.msk.s32 $0xffff, v61  }
0x474: {  	v7 =	vor.u32 s0, v55;
	v1 =	vadd.s32 $0xFFFFFFFF, v1;
	(xrf0) =	vadd.scan.msk.s32 $0xffff, v62;
	v6 =	vor.u32 s31, v55;
	v8, _, _ =	vpop (xrf0)  }
0x475: {  	v11 =	vld.idx.msk [tilespmem:v46+s17+$0x0], $0xffff;
	[tilespmem:v44+s18+$0x0] =	vst.idx.msk vm0, v0;
	(xrf0) =	vadd.scan.msk.s32 $0xffff, v63;
	v28 =	vadd.s32 $0xFFFFFFFF, v2;
	v0 =	vadd.s32 v8, v27;
	v2, _, _ =	vpop (xrf0)  }
0x476: {  	[tilespmem:v44+s19+$0x0] =	vst.idx.msk vm0, v7;
	(xrf0) =	vadd.scan.msk.s32 $0xffff, v3;
	v27 =	vadd.s32 $0xFFFFFFFF, v0;
	v0 =	vadd.s32 v2, v59;
	v2, _, _ =	vpop (xrf0)  }
0x477: {  	s23 =	simm.s32 $0xF0;
	s24 =	simm.s32 $0x0;
	[tilespmem:v5+s18+$0x0] =	vst.idx.msk vm14, v4;
	(xrf0) =	vadd.scan.msk.s32 $0xffff, v45;
	v32 =	vadd.s32 $0xFFFFFFFF, v0;
	v4 =	vadd.s32 v2, v60;
	v7, _, _ =	vpop (xrf0)  }
.LBB2_6:
0x478: {  	v3 =	vld [tilespmem:$0x1FB60];
	_ =	sdelay $0x4  }
0x479: {  	vm0 =	vnez.u8 v3  }
0x47a: {  	v3 =	vimm.s32 $0x0;
	vm3 =	vmmov vm0  }
0x47b: {  	v3 =	vsel vm3, $0xFFFFFFFF, v3  }
0x47c: {  	vm0 =	vmmov vm1;
	[tilespmem:$0x1FB20] =	vst v3;
	v3 =	vimm.s32 $0x0  }
0x47d: {  	s0 =	sadd.s32 $0xFFFFFF30, s23;
	[tilespmem:v1+s18+$0x0] =	vst.idx.msk vm10, v17;
	v3 =	vsel vm0, $0xFFFFFFFF, v3  }
0x47e: {  	[tilespmem:$0x1FB30] =	vst v3;
	v3 =	vor.u32 s0, v55  }
0x47f: {  	[tilespmem:v1+s19+$0x0] =	vst.idx.msk vm10, v3;
	v3 =	vld [tilespmem:$0x1FB70];
	_ =	sdelay $0x3  }
0x480: {  	v45 =	vadd.s32 $0xFFFFFFFF, v4;
	v0 =	vadd.s32 v7, v39  }
0x481: {  	v2, _, _ =	vpop (xrf0);
	v4 =	vimm.s32 $0x0;
	v39 =	vadd.s32 $0xFFFFFFFF, v0;
	vm0 =	vnez.u8 v3  }
0x482: {  	v0 =	vadd.s32 v2, v38;
	v2, _, _ =	vpop (xrf0);
	v3 =	vimm.s32 $0x0;
	vm1 =	vmmov vm0  }
0x483: {  	v1 =	vadd.s32 v2, v36;
	v2, _, _ =	vpop (xrf0);
	vm0 =	vmmov vm11;
	v3 =	vsel vm1, $0xFFFFFFFF, v3  }
0x484: {  	v4 =	vsel vm0, $0xFFFFFFFF, v4;
	[tilespmem:$0x1FB40] =	vst v3;
	v3 =	vadd.s32 $0xFFFFFFFF, v1;
	v1 =	vadd.s32 v2, v37;
	v2, _, _ =	vpop (xrf0)  }
0x485: {  	[tilespmem:$0x1FB10] =	vst v4;
	v4 =	vadd.s32 $0xFFFFFFFF, v1;
	v1 =	vadd.s32 v2, v34  }
0x486: {  	v7 =	vadd.s32 $0xFFFFFFFF, v1  }
0x487: {  	v0 =	vadd.s32 $0xFFFFFFFF, v0;
	_ =	sdelay $0x1  }
0x488: {  	[tilespmem:v31+s18+$0x0] =	vst.idx.msk vm2, v16;
	s22 =	sadd.s32 $0x100, s22;
	v16 =	vld [tilespmem:$0x1FB80]  }
0x489: {  	[tilespmem:v5+s19+$0x0] =	vst.idx.msk vm14, v6;
	v42 =	vld [tilespmem:s22+$0xFFFFFF80]  }
0x48a: {  	[tilespmem:v7+s18+$0x0] =	vst.idx.msk vm12, v22;
	v22 =	vld [tilespmem:$0x1FBA0]  }
0x48b: {  	[tilespmem:v0+s18+$0x0] =	vst.idx.msk vm6, v18;
	v18 =	vld [tilespmem:$0x1FB90]  }
0x48c: {  	s8 =	sadd.s32 $0xFFFFFF40, s23;
	s13 =	sadd.s32 $0xFFFFFF90, s23;
	vm15 =	vmmov vm6;
	v40 =	vld [tilespmem:s22+$0xFFFFFF90]  }
0x48d: {  	[tilespmem:v32+s18+$0x0] =	vst.idx.msk vm11, v25;
	s16 =	sadd.s32 $0xFFFFFFA0, s23;
	vm8 =	vmmov vm7;
	v6 =	vor.u32 s8, v55;
	v62 =	vor.u32 s13, v55;
	v46 =	vld [tilespmem:s22+$0xFFFFFFE0];
	v5, _, _ =	vpop (xrf0)  }
0x48e: {  	v63 =	vor.u32 s16, v55;
	v25 =	vld [tilespmem:s22+$0xFFFFFFF0];
	vm10 =	vnez.u8 v16;
	v16 =	vimm.s32 $0x0;
	v8, _, _ =	vpop (xrf0)  }
0x48f: {  	[tilespmem:v45+s18+$0x0] =	vst.idx.msk vm5, v23;
	v17 =	vld [tilespmem:s22+$0xFFFFFFA0];
	vm0 =	vmmov vm5;
	v8 =	vadd.s32 v8, v33;
	vm3 =	vnez.u8 v22  }
0x490: {  	[tilespmem:v39+s18+$0x0] =	vst.idx.msk vm7, v21;
	vm5 =	vnez.u8 v18;
	v16 =	vsel vm0, $0xFFFFFFFF, v16;
	v8 =	vadd.s32 $0xFFFFFFFF, v8  }
0x491: {  	s20 =	sadd.s32 $0xFFFFFFB0, s23;
	v47 =	vld [tilespmem:s22+$0xFFFFFFC0];
	v18 =	vimm.s32 $0x0;
	vm0 =	vle.f32 v42, v15;
	[tilespmem:$0x1FB00] =	vst v16;
	v5 =	vadd.s32 v5, v35  }
0x492: {  	s25 =	sadd.s32 $0xFFFFFFC0, s23;
	v57 =	vor.u32 s20, v55;
	v16 =	vld [tilespmem:s22+$0xFFFFFFB0];
	v18 =	vsel vm0, $0xFFFFFFFF, v18;
	[tilespmem:v31+s19+$0x0] =	vst.idx.msk vm2, v6;
	v5 =	vadd.s32 $0xFFFFFFFF, v5  }
0x493: {  	s26 =	sadd.s32 $0xFFFFFFD0, s23;
	v58 =	vor.u32 s25, v55;
	vm4 =	vle.f32 v40, v15;
	vm6 =	vle.f32 v46, v15;
	[tilespmem:$0x1FB50] =	vst v18  }
0x494: {  	v59 =	vor.u32 s26, v55;
	vm14 =	vle.f32 v17, v15;
	vm11 =	vle.f32 v25, v15;
	[tilespmem:v3+s18+$0x0] =	vst.idx.msk vm10, v19  }
0x495: {  	v48 =	vld [tilespmem:s22+$0xFFFFFFD0];
	v2 =	vor.u32 s23, v55;
	v21 =	vmpcnt.ones.xlane vm0;
	v18 =	vsel vm0, $0x1, v56;
	[tilespmem:v8+s18+$0x0] =	vst.idx.msk vm3, v26  }
0x496: {  	vm1 =	vle.f32 v47, v15;
	v6 =	vld [tilespmem:$0x1FB20];
	(xrf0) =	vadd.scan.msk.s32 $0xffff, v18;
	[tilespmem:v8+s19+$0x0] =	vst.idx.msk vm3, v2;
	vm3 =	vmmov vm12  }
0x497: {  	v41 =	vmovc v29;
	s29 =	sadd.s32 $0xFFFFFFF0, s23;
	v49 =	vadd.s32 v29, v21;
	v18 =	vmpcnt.ones.xlane vm14;
	v29 =	vld [tilespmem:$0x1FB00];
	[tilespmem:v5+s18+$0x0] =	vst.idx.msk vm9, v24;
	v24 =	vmpcnt.ones.xlane vm4  }
0x498: {  	s28 =	sadd.s32 $0xFFFFFFE0, s23;
	v23 =	vld [tilespmem:s22+$0x0];
	v19 =	vor.u32 s29, v55;
	[tilespmem:v4+s18+$0x0] =	vst.idx.msk vm5, v20;
	vm13 =	vle.f32 v16, v15;
	v22 =	vsel vm4, $0x1, v56  }
0x499: {  	v21 =	vld [tilespmem:s22+$0x10];
	v20 =	vor.u32 s28, v55;
	v50 =	vadd.s32 v49, v24;
	(xrf0) =	vadd.scan.msk.s32 $0xffff, v22;
	v22 =	vmpcnt.ones.xlane vm13  }
0x49a: {  	v2 =	vadd.s32 v50, v18;
	v8 =	vmpcnt.ones.xlane vm1;
	vm12 =	vle.f32 v48, v15;
	v18 =	vld [tilespmem:s22+$0x20]  }
0x49b: {  	vm7 =	vnez.u8 v6;
	[tilespmem:v5+s19+$0x0] =	vst.idx.msk vm9, v19;
	v19 =	vld [tilespmem:s22+$0x30];
	v51 =	vadd.s32 v2, v22;
	v5 =	vmpcnt.ones.xlane vm12  }
0x49c: {  	[tilespmem:v7+s19+$0x0] =	vst.idx.msk vm3, v20;
	v7 =	vadd.s32 v51, v8;
	v8 =	vmpcnt.ones.xlane vm6;
	v20 =	vld [tilespmem:s22+$0x40];
	vm3 =	vnez.u8 v29  }
0x49d: {  	vm9 =	vle.f32 v23, v15;
	[tilespmem:v4+s19+$0x0] =	vst.idx.msk vm5, v59;
	v29 =	vld [tilespmem:$0x1FB10];
	v4 =	vadd.s32 v7, v5;
	v5 =	vmpcnt.ones.xlane vm11  }
0x49e: {  	[tilespmem:v3+s19+$0x0] =	vst.idx.msk vm10, v58;
	vm10 =	vle.f32 v21, v15;
	v3 =	vadd.s32 v4, v8;
	v8 =	vmpcnt.ones.xlane vm9  }
0x49f: {  	[tilespmem:v0+s19+$0x0] =	vst.idx.msk vm15, v57;
	vm15 =	vle.f32 v18, v15;
	v22 =	vld [tilespmem:s22+$0x50];
	v0 =	vadd.s32 v3, v5;
	v5 =	vmpcnt.ones.xlane vm10  }
0x4a0: {  	[tilespmem:v39+s19+$0x0] =	vst.idx.msk vm8, v63;
	v24 =	vld [tilespmem:s22+$0x60];
	vm0 =	vle.f32 v19, v15;
	v39 =	vadd.s32 v0, v8;
	v8 =	vmpcnt.ones.xlane vm15  }
0x4a1: {  	v38 =	vadd.s32 v39, v5;
	v5 =	vmpcnt.ones.xlane vm0;
	vm8 =	vle.f32 v20, v15  }
0x4a2: {  	[tilespmem:v45+s19+$0x0] =	vst.idx.msk vm3, v62;
	vm3 =	vnez.u8 v29;
	v36 =	vadd.s32 v38, v8;
	v8 =	vmpcnt.ones.xlane vm8  }
0x4a3: {  	v37 =	vadd.s32 v36, v5  }
0x4a4: {  	vm5 =	vmmov vm12;
	vm12 =	vle.f32 v22, v15;
	v34 =	vadd.s32 v37, v8;
	v8 =	vld [tilespmem:$0x1FB30]  }
0x4a5: {  	s10 =	sadd.s32 $0xFFFFFF50, s23;
	vm2 =	vle.f32 v24, v15;
	v26 =	vld [tilespmem:s22+$0x70];
	v5 =	vmpcnt.ones.xlane vm12  }
0x4a6: {  	s12 =	sadd.s32 $0xFFFFFF80, s23;
	v1 =	vor.u32 s10, v55;
	[tilespmem:v30+s18+$0x0] =	vst.idx.msk vm7, v14;
	v6 =	vmpcnt.ones.xlane vm2  }
0x4a7: {  	v9 =	vor.u32 s12, v55;
	[tilespmem:v30+s19+$0x0] =	vst.idx.msk vm7, v1;
	v1 =	vsel vm14, $0x1, v56;
	v35 =	vadd.s32 v34, v5  }
0x4a8: {  	v52, _, _ =	vpop (xrf0);
	v33 =	vadd.s32 v35, v6;
	v6 =	vimm.s32 $0x0;
	[tilespmem:v32+s19+$0x0] =	vst.idx.msk vm3, v9;
	v9 =	vimm.s32 $0x0  }
0x4a9: {  	v53, _, _ =	vpop (xrf0);
	(xrf0) =	vadd.scan.msk.s32 $0xffff, v1;
	vm7 =	vnez.u8 v8;
	v8 =	vsel vm13, $0x1, v56;
	v9 =	vsel vm1, $0xFFFFFFFF, v9  }
0x4aa: {  	vm3 =	vle.f32 v26, v15;
	[tilespmem:$0x1FB60] =	vst v9;
	v9 =	vsel vm1, $0x1, v56;
	(xrf0) =	vadd.scan.msk.s32 $0xffff, v8  }
0x4ab: {  	v1 =	vsel vm5, $0x1, v56;
	v6 =	vsel vm6, $0xFFFFFFFF, v6;
	v5 =	vmpcnt.ones.xlane vm3;
	(xrf0) =	vadd.scan.msk.s32 $0xffff, v9  }
0x4ac: {  	[tilespmem:$0x1FB70] =	vst v6;
	v6 =	vsel vm6, $0x1, v56;
	(xrf0) =	vadd.scan.msk.s32 $0xffff, v1  }
0x4ad: {  	v29 =	vadd.s32 v33, v5;
	v5 =	vsel vm11, $0x1, v56;
	(xrf0) =	vadd.scan.msk.s32 $0xffff, v6;
	v6 =	vadd.s32 v53, v49  }
0x4ae: {  	(xrf0) =	vadd.scan.msk.s32 $0xffff, v5;
	v5 =	vadd.s32 $0xFFFFFFFF, v6;
	v6 =	vld [tilespmem:$0x1FB40];
	_ =	sdelay $0x1  }
0x4af: {  	v31 =	vimm.s32 $0x0;
	v30 =	vsel vm10, $0x1, v56  }
0x4b0: {  	v31 =	vsel vm0, $0xFFFFFFFF, v31;
	vm1 =	vmmov vm5;
	vm5 =	vmmov vm9  }
0x4b1: {  	[tilespmem:$0x1FB80] =	vst v31;
	v31 =	vimm.s32 $0x0;
	v8 =	vsel vm5, $0x1, v56;
	v9 =	vsel vm15, $0x1, v56;
	v1, _, _ =	vpop (xrf0)  }
0x4b2: {  	v60 =	vsel vm0, $0x1, v56;
	v31 =	vsel vm8, $0xFFFFFFFF, v31;
	(xrf0) =	vadd.scan.msk.s32 $0xffff, v8;
	vm0 =	vnez.u8 v6;
	v6, _, _ =	vpop (xrf0)  }
0x4b3: {  	[tilespmem:$0x1FB90] =	vst v31;
	v31 =	vadd.s32 v52, v41;
	(xrf0) =	vadd.scan.msk.s32 $0xffff, v30;
	v2 =	vadd.s32 v6, v2;
	v6, _, _ =	vpop (xrf0)  }
0x4b4: {  	v41 =	vadd.s32 $0xFFFFFFFF, v31;
	(xrf0) =	vadd.scan.msk.s32 $0xffff, v9;
	v31 =	vadd.s32 $0xFFFFFFFF, v2;
	v2 =	vadd.s32 v6, v51;
	v9, _, _ =	vpop (xrf0)  }
0x4b5: {  	v30 =	vadd.s32 $0xFFFFFFFF, v2;
	v2 =	vadd.s32 v9, v7;
	v9 =	vld [tilespmem:$0x1FB50];
	_ =	sdelay $0x1  }
0x4b6: {  	s11 =	sadd.s32 $0xFFFFFF60, s23;
	s1 =	sadd.s32 $0xFFFFFF70, s23  }
0x4b7: {  	v44 =	vor.u32 s11, v55;
	v43 =	vor.u32 s1, v55;
	v58 =	vimm.s32 $0x0  }
0x4b8: {  	v63 =	vsel vm2, $0x1, v56;
	v61 =	vsel vm8, $0x1, v56;
	v62 =	vsel vm12, $0x1, v56;
	[tilespmem:v27+s18+$0x0] =	vst.idx.msk vm0, v12  }
0x4b9: {  	s23 =	sadd.s32 $0x100, s23;
	vm6 =	vmmov vm15;
	v57 =	vsel vm3, $0xFFFFFFFF, v58;
	[tilespmem:v27+s19+$0x0] =	vst.idx.msk vm0, v43;
	vm0 =	vnez.u8 v9  }
0x4ba: {  	s24 =	sadd.s32 $0x10, s24;
	s30 =	sadd.s32 $0xFFFFFF10, s23;
	v54 =	vsel vm3, $0x1, v56;
	vm9 =	vmmov vm2;
	[tilespmem:$0x1FBA0] =	vst v57;
	v1 =	vadd.s32 v1, v50  }
0x4bb: {  	p0 =	slt.u32 s24, $0xF0;
	v14 =	vmovc v47;
	vm2 =	vmmov vm13;
	v1 =	vadd.s32 $0xFFFFFFFF, v1;
	[tilespmem:v28+s18+$0x0] =	vst.idx.msk vm7, v13;
	v8 =	vor.u32 s30, v55  }
.Ltmp6:
0x4bc: {  	s31 =	sadd.s32 $0xFFFFFF20, s23;
	v13 =	vmovc v48;
	[tilespmem:v28+s19+$0x0] =	vst.idx.msk vm7, v44;
	vm7 =	vmmov vm10;
	vm10 =	vmmov vm14;
	(xrf0) =	vadd.scan.msk.s32 $0xffff, v60;
	(pc) =	sbr.rel @p0 .LBB2_6-.Ltmp6, $4  }
0x4bd: {  	vm14 =	vmmov vm4;
	[tilespmem:v5+s18+$0x0] =	vst.idx.msk vm4, v40;
	v6 =	vor.u32 s31, v55;
	v7, _, _ =	vpop (xrf0);
	(xrf0) =	vadd.scan.msk.s32 $0xffff, v61  }
0x4be: {  	v28 =	vadd.s32 $0xFFFFFFFF, v2;
	v2 =	vadd.s32 v7, v4;
	v4, _, _ =	vpop (xrf0);
	(xrf0) =	vadd.scan.msk.s32 $0xffff, v62;
	v12 =	vmov v46  }
0x4bf: {  	v27 =	vadd.s32 $0xFFFFFFFF, v2;
	v2 =	vadd.s32 v4, v3;
	v3, _, _ =	vpop (xrf0);
	(xrf0) =	vadd.scan.msk.s32 $0xffff, v63;
	[tilespmem:v41+s18+$0x0] =	vst.idx.msk vm0, v42  }
0x4c0: {  	v32 =	vadd.s32 $0xFFFFFFFF, v2;
	v4 =	vadd.s32 v3, v0;
	v7, _, _ =	vpop (xrf0);
	(xrf0) =	vadd.scan.msk.s32 $0xffff, v54;
	[tilespmem:v41+s19+$0x0] =	vst.idx.msk vm0, v8  }
0x4c1: {  	_ =	sdelay $0x4  }
0x4c2: {  	[tilespmem:v5+s19+$0x0] =	vst.idx.msk vm14, v6;
	s0 =	sadd.s32 $0xFFFFFF30, s23;
	v0 =	vadd.s32 $0xFFFFFFFF, v4;
	v2 =	vadd.s32 v7, v39;
	v3, _, _ =	vpop (xrf0)  }
0x4c3: {  	[tilespmem:v1+s18+$0x0] =	vst.idx.msk vm10, v17;
	v4 =	vor.u32 s0, v55;
	v2 =	vadd.s32 $0xFFFFFFFF, v2;
	v3 =	vadd.s32 v3, v38  }
0x4c4: {  	[tilespmem:v1+s19+$0x0] =	vst.idx.msk vm10, v4;
	v1 =	vadd.s32 $0xFFFFFFFF, v3  }
0x4c5: {  	[tilespmem:v31+s18+$0x0] =	vst.idx.msk vm2, v16  }
0x4c6: {  	[tilespmem:v32+s18+$0x0] =	vst.idx.msk vm11, v25  }
0x4c7: {  	[tilespmem:v0+s18+$0x0] =	vst.idx.msk vm5, v23  }
0x4c8: {  	[tilespmem:v2+s18+$0x0] =	vst.idx.msk vm7, v21  }
0x4c9: {  	[tilespmem:v1+s18+$0x0] =	vst.idx.msk vm6, v18  }
0x4ca: {  	v8 =	vld [tilespmem:$0x1FB80];
	_ =	sdelay $0x3  }
0x4cb: {  	v5, _, _ =	vpop (xrf0)  }
0x4cc: {  	v3 =	vadd.s32 v5, v36;
	vm3 =	vnez.u8 v8  }
0x4cd: {  	v3 =	vadd.s32 $0xFFFFFFFF, v3;
	_ =	sdelay $0x4  }
0x4ce: {  	[tilespmem:v3+s18+$0x0] =	vst.idx.msk vm3, v19  }
0x4cf: {  	v8 =	vld [tilespmem:$0x1FB90]  }
0x4d0: {  	v4, _, _ =	vpop (xrf0)  }
0x4d1: {  	v5, _, _ =	vpop (xrf0)  }
0x4d2: {  	v5 =	vadd.s32 v5, v34;
	v6, _, _ =	vpop (xrf0)  }
0x4d3: {  	v5 =	vadd.s32 $0xFFFFFFFF, v5;
	v6 =	vadd.s32 v6, v35  }
0x4d4: {  	v4 =	vadd.s32 v4, v37;
	v6 =	vadd.s32 $0xFFFFFFFF, v6;
	vm15 =	vnez.u8 v8  }
0x4d5: {  	v4 =	vadd.s32 $0xFFFFFFFF, v4;
	_ =	sdelay $0x2  }
0x4d6: {  	[tilespmem:v5+s18+$0x0] =	vst.idx.msk vm12, v22  }
0x4d7: {  	[tilespmem:v6+s18+$0x0] =	vst.idx.msk vm9, v24  }
0x4d8: {  	[tilespmem:v4+s18+$0x0] =	vst.idx.msk vm15, v20  }
0x4d9: {  	v9 =	vld [tilespmem:$0x1FBA0];
	_ =	sdelay $0x3  }
0x4da: {  	v7, _, _ =	vpop (xrf0)  }
0x4db: {  	v7 =	vadd.s32 v7, v33;
	vm4 =	vnez.u8 v9  }
0x4dc: {  	v7 =	vadd.s32 $0xFFFFFFFF, v7  }
0x4dd: {  	s10 =	sadd.s32 $0xFFFFFFF0, s23  }
0x4de: {  	s11 =	sadd.s32 $0xFFFFFFD0, s23;
	v9 =	vor.u32 s10, v55  }
0x4df: {  	[tilespmem:v6+s19+$0x0] =	vst.idx.msk vm9, v9;
	v6 =	vor.u32 s11, v55  }
0x4e0: {  	[tilespmem:v4+s19+$0x0] =	vst.idx.msk vm15, v6  }
0x4e1: {  	s1 =	sadd.s32 $0xFFFFFFE0, s23;
	v8 =	vor.u32 s23, v55;
	[tilespmem:v7+s18+$0x0] =	vst.idx.msk vm4, v26  }
0x4e2: {  	[tilespmem:v7+s19+$0x0] =	vst.idx.msk vm4, v8;
	v7 =	vor.u32 s1, v55  }
0x4e3: {  	[tilespmem:v5+s19+$0x0] =	vst.idx.msk vm12, v7  }
0x4e4: {  	v4 =	vld [tilespmem:$0x1FB60]  }
0x4e5: {  	vm8 =	vmmov vm5  }
0x4e6: {  	s12 =	sadd.s32 $0xFFFFFFC0, s23  }
0x4e7: {  	s16 =	sadd.s32 $0xFFFFFFA0, s23;
	v5 =	vor.u32 s12, v55  }
0x4e8: {  	s13 =	sadd.s32 $0xFFFFFFB0, s23;
	[tilespmem:v3+s19+$0x0] =	vst.idx.msk vm3, v5;
	v3 =	vor.u32 s16, v55  }
0x4e9: {  	s20 =	sadd.s32 $0xFFFFFF90, s23;
	[tilespmem:v2+s19+$0x0] =	vst.idx.msk vm7, v3;
	vm14 =	vnez.u8 v4;
	v4 =	vor.u32 s13, v55  }
0x4ea: {  	[tilespmem:v1+s19+$0x0] =	vst.idx.msk vm6, v4;
	v1 =	vor.u32 s20, v55  }
0x4eb: {  	vm1 =	vmmov vm1;
	vm15 =	vmmov $0x1;
	[tilespmem:v0+s19+$0x0] =	vst.idx.msk vm8, v1  }
0x4ec: {  	v2 =	vnsel vm15, $0x0, v29;
	v0 =	vld [tilespmem:$0x1FB70]  }
0x4ed: {  	vm10 =	vmmov vm2;
	(xrf0) =	vadd.scan.msk.s32 $0xffff, v2;
	vm2 =	vmmov vm14;
	_ =	sdelay $0x1  }
0x4ee: {  	s26 =	sadd.s32 $0xFFFFFF60, s23  }
0x4ef: {  	vm0 =	vmmov vm7;
	v1 =	vor.u32 s26, v55  }
0x4f0: {  	[tilespmem:v28+s18+$0x0] =	vst.idx.msk vm1, v13;
	vm0 =	vnez.u8 v0  }
0x4f1: {  	s24 =	sadd.s32 $0xFFFFFF40, s23;
	[tilespmem:v28+s19+$0x0] =	vst.idx.msk vm1, v1;
	vm0 =	vmmov vm0  }
0x4f2: {  	s25 =	sadd.s32 $0xFFFFFF50, s23;
	v1, _, _ =	vpop (xrf0);
	[tilespmem:v30+s18+$0x0] =	vst.idx.msk vm2, v14;
	v0 =	vor.u32 s24, v55  }
0x4f3: {  	(v2sf) =	vpush v1, $0xF;
	[tilespmem:v31+s19+$0x0] =	vst.idx.msk vm10, v0;
	v0 =	vor.u32 s25, v55  }
0x4f4: {  	s22 =	sadd.s32 $0xFFFFFF80, s23;
	[tilespmem:v30+s19+$0x0] =	vst.idx.msk vm2, v0;
	v0 =	vadd.s32 v55, v29  }
0x4f5: {  	v3 =	vor.u32 s22, v55  }
0x4f6: {  	s28 =	sadd.s32 $0xFFFFFF70, s23;
	[tilespmem:v32+s19+$0x0] =	vst.idx.msk vm11, v3  }
0x4f7: {  	v2 =	vor.u32 s28, v55;
	[tilespmem:v27+s18+$0x0] =	vst.idx.msk vm0, v12  }
0x4f8: {  	v52 =	vimm.f32 $+Inf;
	[tilespmem:v27+s19+$0x0] =	vst.idx.msk vm0, v2  }
0x4f9: {  	[tilespmem:v0+s18+$0x0] =	vst.idx.msk $0xffff, v52  }
0x4fa: {  	[tilespmem:v0+s19+$0x0] =	vst.idx.msk $0xffff, v56  }
0x4fb: {  	v0 =	vld [tilespmem:$0xC010]  }
0x4fc: {  	v1 =	vld [tilespmem:$0xD020];
	_ =	sdelay $0x4  }
0x4fd: {  	(xrf1) =	vsort.ascd.msk.f32 $0xffff, v0, v1  }
0x4fe: {  	s29 =	spop (v2sf)  }
0x4ff: {  	s0 =	sadd.s32 $0xF, s29  }
0x500: {  	s30 =	sand.u32 $0xF, s0  }
0x501: {  	s6 =	sshra.s32 s0, $0x1F;
	p0 =	slt.s32 s0, $0x1;
	p1 =	sne.s32 s30, $0x0  }
0x502: {  	s31 =	sshrl.u32 s6, $0x1C;
	p0 =	por !p0, !p1  }
0x503: {  	s1 =	simm.s32 $0x1;
	s0 =	sadd.s32 s31, s0;
	p0 =	por !p0, !p0  }
0x504: {  	s0 =	sshra.s32 s0, $0x4;
	s1 =	simm.s32 @!p0 $0x0  }
0x505: {  	s1 =	ssub.s32 s0, s1  }
0x506: {  	p1 =	slt.s32 s1, $0x2  }
.Ltmp7:
0x507: {  	_ = 	snop;
	(pc) =	sbr.rel @p1 .LBB2_15-.Ltmp7, $4  }
0x508: {  	_ = 	snop  }
0x509: {  	v0 =	vimm.s32 $0x0  }
0x50a: {  	v0 =	vsel vm15, $0xFFFFFFFF, v0  }
0x50b: {  	vm13 =	vmmov vm11;
	[tilespmem:$0x1FAF0] =	vst v0;
	v4, v1, _ =	vpop (xrf1)  }
0x50c: {  	s1 =	simm.s32 $0xFFFFFFFF  }
0x50d: {  	s1 =	simm.s32 @!p0 $0x0  }
0x50e: {  	s0 =	sadd.s32 s1, s0  }
0x50f: {  	s0 =	sadd.s32 $0xFFFFFFFF, s0  }
0x510: {  	p2 =	sne.s32 s0, $0x1  }
.Ltmp8:
0x511: {  	_ = 	snop;
	(pc) =	sbr.rel @!p2 .LBB2_9-.Ltmp8, $4  }
0x512: {  	_ = 	snop  }
0x513: {  	s31 =	simm.s32 $0xC020  }
0x514: {  	s6 =	simm.s32 $0xD030;
	v6 =	vld [tilespmem:s31+$0x0]  }
0x515: {  	p1 =	por $0x0, $0x0;
	v7 =	vld [tilespmem:s6+$0x0];
	p0 =	por $0x0, $0x0;
	s0 =	sadd.s32 $0xFFFFFFFF, s0  }
0x516: {  	p2 =	sne.s32 s0, $0x1  }
.Ltmp9:
0x517: {  	_ = 	snop;
	(pc) =	sbr.rel @!p2 .LBB2_11-.Ltmp9, $4  }
0x518: {  	_ = 	snop  }
0x519: {  	s1 =	simm.s32 $0xC030  }
0x51a: {  	s31 =	simm.s32 $0xD040;
	(xrf1) =	vsort.ascd.msk.f32 $0xffff, v6, v7;
	v6 =	vld [tilespmem:s1+$0x0]  }
0x51b: {  	s6 =	sadd.s32 $0xFFFFFFFF, s0;
	v5 =	vmul.u32 $0xFFFFFFFF, v55;
	p0 =	por $0x1, $0x1;
	v7 =	vld [tilespmem:s31+$0x0]  }
0x51c: {  	_ =	sdelay $0xb  }
0x51d: {  	v0 =	vadd.s32 $0xF, v5;
	v2, v3, _ =	vpop (xrf1)  }
0x51e: {  	v2 =	vperm.xlane v2, v0  }
0x51f: {  	v0 =	vperm.xlane v3, v0  }
0x520: {  	(xrf1) =	vsort.ascd.msk.f32 $0xffff, v6, v7;
	vm0 =	vle.f32 v4, v2  }
0x521: {  	v2 =	vsel vm0, v4, v2;
	v0 =	vsel vm0, v1, v0  }
0x522: {  	(xrf1) =	vsort.ascd.msk.f32 $0xffff, v2, v0;
	_ =	sdelay $0x4  }
0x523: {  	p2 =	sne.s32 s6, $0x1  }
.Ltmp10:
0x524: {  	_ = 	snop;
	(pc) =	sbr.rel @!p2 .LBB2_14-.Ltmp10, $4  }
0x525: {  	_ = 	snop  }
0x526: {  	s0 =	simm.s32 $0xC040  }
0x527: {  	s1 =	simm.s32 $0xD050;
	v6 =	vld [tilespmem:s0+$0x0]  }
0x528: {  	s6 =	sadd.s32 $0xFFFFFFFF, s6;
	p1 =	por $0x1, $0x1;
	v7 =	vld [tilespmem:s1+$0x0]  }
.LBB2_13:
0x529: {  	p2 =	sne.s32 s6, $0x1  }
0x52a: {  	v0 =	vadd.s32 $0xF, v5;
	v2, v3, _ =	vpop (xrf1)  }
0x52b: {  	v2 =	vperm.xlane v2, v0  }
0x52c: {  	v0 =	vperm.xlane v3, v0;
	v3, v8, _ =	vpop (xrf1)  }
0x52d: {  	(xrf1) =	vsort.ascd.msk.f32 $0xffff, v6, v7;
	vm0 =	vle.f32 v3, v2  }
0x52e: {  	v2 =	vsel vm0, v3, v2;
	v0 =	vsel vm0, v8, v0  }
0x52f: {  	(xrf1) =	vsort.ascd.msk.f32 $0xffff, v2, v0;
	_ =	sdelay $0x5  }
.Ltmp11:
0x530: {  	(pc) =	sbr.rel @p2 .LBB2_13-.Ltmp11, $4  }
0x531: {  	_ = 	snop  }
0x532: {  	s0 =	sadd.s32 $0x10, s0  }
0x533: {  	s1 =	sadd.s32 $0x10, s1;
	v6 =	vld [tilespmem:s0+$0x0]  }
0x534: {  	s6 =	sadd.s32 $0xFFFFFFFF, s6;
	v7 =	vld [tilespmem:s1+$0x0]  }
.LBB2_14:
0x535: {  	_ =	sdelay $0x1  }
0x536: {  	v0 =	vadd.s32 @p0 $0xF, v5;
	v2, v3, _ =	vpop @p0 (xrf1)  }
0x537: {  	v2 =	vperm.xlane @p0 v2, v0;
	v5, v8, _ =	vpop @p1 (xrf1)  }
0x538: {  	v0 =	vperm.xlane @p0 v3, v0;
	v3 =	vpsel p1, v5, v4  }
0x539: {  	v5 =	vpsel p1, v8, v1;
	vm0 =	vle.f32 @p0 v3, v2  }
0x53a: {  	(xrf1) =	vsort.ascd.msk.f32 $0xffff, v6, v7;
	v2 =	vsel @p0 vm0, v3, v2;
	v0 =	vsel @p0 vm0, v5, v0  }
0x53b: {  	(xrf1) =	vsort.ascd.msk.f32 @p0 $0xffff, v2, v0;
	_ =	sdelay $0xa  }
0x53c: {  	v0 =	vmul.u32 $0xFFFFFFFF, v55;
	_ =	sdelay $0x1  }
0x53d: {  	v0 =	vadd.s32 $0xF, v0;
	v2, v3, _ =	vpop (xrf1)  }
0x53e: {  	v2 =	vperm.xlane v2, v0;
	v5, v6, _ =	vpop @p0 (xrf1)  }
0x53f: {  	v0 =	vperm.xlane v3, v0;
	v3 =	vpsel p0, v5, v4  }
0x540: {  	v1 =	vpsel p0, v6, v1;
	vm15 =	vle.f32 v3, v2  }
0x541: {  	v2 =	vsel vm15, v3, v2;
	v0 =	vsel vm15, v1, v0  }
0x542: {  	(xrf1) =	vsort.ascd.msk.f32 $0xffff, v2, v0;
	_ =	sdelay $0xd  }
0x543: {  	v0, v1, _ =	vpop (xrf1)  }
.LBB2_15:
0x544: {  	_ = 	snop  }
0x545: {  	s0 =	sshll.u32 s21, $0xB;
	vm0 =	vmmov $0xffff;
	v0 =	vimm.s32 $0x0  }
0x546: {  	s22 =	sand.u32 $0x800, s0;
	v0 =	vsel vm0, $0xFFFFFFFF, v0  }
0x547: {  	s23 =	simm.s32 $0xB0F0;
	s0 =	sor.u32 $0xE030, s22;
	[tilespmem:$0x1FA90] =	vst v0  }
0x548: {  	[tilespmem:s0], [sflag:$0x1] =	stream.indirect_vreg.gather [hbm4b:s4+s3], $0x40, v1, vm0, $0xb8;
	[tilespmem:$0x11030] =	vst v63  }
0x549: {  	v0 =	vld [tilespmem:s23+$0xFFFFFF10]  }
0x54a: {  	v1 =	vld [tilespmem:s23+$0xFFFFFF20]  }
0x54b: {  	v15 =	vld [tilespmem:s23+$0xFFFFFF30]  }
0x54c: {  	v14 =	vld [tilespmem:s23+$0xFFFFFF40]  }
0x54d: {  	v12 =	vld [tilespmem:s23+$0xFFFFFF50]  }
0x54e: {  	v13 =	vmax.f32 v10, v11;
	v11 =	vld [tilespmem:s23+$0xFFFFFF60]  }
0x54f: {  	v10 =	vld [tilespmem:s23+$0xFFFFFF70]  }
0x550: {  	v22 =	vld [tilespmem:s23+$0xFFFFFF80]  }
0x551: {  	v21 =	vld [tilespmem:s23+$0xFFFFFF90]  }
0x552: {  	v2 =	vimm.s32 $0x0;
	v28 =	vimm.s32 $0x0;
	v18 =	vld [tilespmem:s23+$0xFFFFFFA0];
	vm1 =	vle.f32 v0, v13  }
0x553: {  	vm15 =	vle.f32 v1, v13;
	vm12 =	vle.f32 v15, v13;
	vm0 =	vle.f32 v14, v13  }
0x554: {  	v16 =	vld [tilespmem:s23+$0xFFFFFFB0];
	vm2 =	vle.f32 v12, v13;
	vm8 =	vle.f32 v11, v13;
	v3 =	vmpcnt.ones.xlane vm1  }
0x555: {  	v17 =	vld [tilespmem:s23+$0xFFFFFFC0];
	vm10 =	vle.f32 v10, v13;
	vm13 =	vle.f32 v22, v13;
	v5 =	vmpcnt.ones.xlane vm15  }
0x556: {  	v19 =	vld [tilespmem:s23+$0xFFFFFFD0];
	vm7 =	vle.f32 v21, v13;
	v6 =	vmpcnt.ones.xlane vm12;
	v3 =	vadd.s32 v2, v3  }
0x557: {  	v20 =	vld [tilespmem:s23+$0xFFFFFFE0];
	vm9 =	vle.f32 v18, v13;
	v7 =	vadd.s32 v3, v5;
	v5 =	vmpcnt.ones.xlane vm0  }
0x558: {  	v23 =	vld [tilespmem:s23+$0xFFFFFFF0];
	v4 =	vsel vm1, $0x1, v56;
	v8 =	vmpcnt.ones.xlane vm2;
	v6 =	vadd.s32 v7, v6  }
0x559: {  	v25 =	vld [tilespmem:s23+$0x0];
	vm6 =	vle.f32 v16, v13;
	(xrf0) =	vadd.scan.msk.s32 $0xffff, v4;
	v4 =	vmpcnt.ones.xlane vm8;
	v9 =	vadd.s32 v6, v5  }
0x55a: {  	vm3 =	vle.f32 v17, v13;
	v5 =	vmpcnt.ones.xlane vm10;
	v8 =	vadd.s32 v9, v8  }
0x55b: {  	vm14 =	vle.f32 v19, v13;
	v24 =	vadd.s32 v8, v4;
	v4 =	vmpcnt.ones.xlane vm13  }
0x55c: {  	vm5 =	vle.f32 v20, v13;
	v30 =	vadd.s32 v24, v5;
	v5 =	vmpcnt.ones.xlane vm7  }
0x55d: {  	vm11 =	vle.f32 v23, v13;
	v38 =	vadd.s32 v30, v4;
	v4 =	vmpcnt.ones.xlane vm9  }
0x55e: {  	vm4 =	vle.f32 v25, v13;
	v37 =	vadd.s32 v38, v5;
	v5 =	vmpcnt.ones.xlane vm6  }
0x55f: {  	v26 =	vsel vm15, $0x1, v56;
	v27, _, _ =	vpop (xrf0);
	v34 =	vadd.s32 v37, v4;
	v4 =	vmpcnt.ones.xlane vm3  }
0x560: {  	v2 =	vadd.s32 v27, v2;
	v32 =	vadd.s32 v34, v5;
	v5 =	vmpcnt.ones.xlane vm14  }
0x561: {  	(xrf0) =	vadd.scan.msk.s32 $0xffff, v26;
	v26 =	vsel vm12, $0x1, v56;
	v2 =	vadd.s32 $0xFFFFFFFF, v2;
	v35 =	vadd.s32 v32, v4  }
0x562: {  	(xrf0) =	vadd.scan.msk.s32 $0xffff, v26;
	v4 =	vmpcnt.ones.xlane vm5;
	v31 =	vadd.s32 v35, v5;
	v5 =	vsel vm0, $0x1, v56  }
0x563: {  	v26 =	vmpcnt.ones.xlane vm11;
	v27 =	vsel vm2, $0x1, v56;
	(xrf0) =	vadd.scan.msk.s32 $0xffff, v5;
	v5 =	vimm.s32 $0x0  }
0x564: {  	v33 =	vadd.s32 v31, v4;
	v5 =	vsel vm8, $0xFFFFFFFF, v5;
	(xrf0) =	vadd.scan.msk.s32 $0xffff, v27;
	v27 =	vimm.s32 $0x0  }
0x565: {  	v4 =	vmpcnt.ones.xlane vm4;
	[tilespmem:$0x1FAA0] =	vst v5;
	v5 =	vsel vm8, $0x1, v56;
	v27 =	vsel vm10, $0xFFFFFFFF, v27  }
0x566: {  	s30 =	simm.s32 $0x0;
	v36 =	vadd.s32 v33, v26;
	[tilespmem:$0x1FAB0] =	vst v27;
	v27 =	vsel vm10, $0x1, v56;
	(xrf0) =	vadd.scan.msk.s32 $0xffff, v5  }
0x567: {  	v5 =	vor.u32 s30, v55;
	[tilespmem:v2+s18+$0x0] =	vst.idx.msk vm1, v0;
	v0 =	vsel vm13, $0x1, v56;
	(xrf0) =	vadd.scan.msk.s32 $0xffff, v27  }
0x568: {  	v27 =	vadd.s32 v36, v4;
	v4 =	vsel vm7, $0x1, v56;
	[tilespmem:v2+s19+$0x0] =	vst.idx.msk vm1, v5;
	v2, _, _ =	vpop (xrf0);
	(xrf0) =	vadd.scan.msk.s32 $0xffff, v0  }
0x569: {  	v26 =	vimm.s32 $0x0;
	v5 =	vsel vm9, $0x1, v56;
	v29, _, _ =	vpop (xrf0);
	(xrf0) =	vadd.scan.msk.s32 $0xffff, v4;
	v2 =	vadd.s32 v2, v3  }
0x56a: {  	v26 =	vsel vm3, $0xFFFFFFFF, v26;
	(xrf0) =	vadd.scan.msk.s32 $0xffff, v5;
	v5 =	vadd.s32 $0xFFFFFFFF, v2;
	v2 =	vadd.s32 v29, v7  }
0x56b: {  	v28 =	vsel vm14, $0xFFFFFFFF, v28;
	v39 =	vsel vm5, $0x1, v56;
	[tilespmem:$0x1FAC0] =	vst v26;
	v4 =	vimm.s32 $0x0;
	v3, _, _ =	vpop (xrf0)  }
0x56c: {  	v0 =	vsel vm6, $0x1, v56;
	v26 =	vsel vm3, $0x1, v56;
	[tilespmem:$0x1FAD0] =	vst v28;
	v4 =	vsel vm5, $0xFFFFFFFF, v4;
	v7, _, _ =	vpop (xrf0)  }
0x56d: {  	[tilespmem:$0x1FAE0] =	vst v4;
	(xrf0) =	vadd.scan.msk.s32 $0xffff, v0;
	v4 =	vadd.s32 $0xFFFFFFFF, v2;
	v0 =	vadd.s32 v3, v6;
	v2, _, _ =	vpop (xrf0)  }
0x56e: {  	v28 =	vsel vm14, $0x1, v56;
	(xrf0) =	vadd.scan.msk.s32 $0xffff, v26;
	v29 =	vadd.s32 $0xFFFFFFFF, v0;
	v0 =	vadd.s32 v7, v9;
	v3, _, _ =	vpop (xrf0)  }
0x56f: {  	(xrf0) =	vadd.scan.msk.s32 $0xffff, v28;
	v28 =	vadd.s32 $0xFFFFFFFF, v0;
	v0 =	vadd.s32 v2, v8;
	v2 =	vadd.s32 v3, v24  }
0x570: {  	s31 =	simm.s32 $0x10;
	v40 =	vsel vm11, $0x1, v56;
	v41 =	vsel vm4, $0x1, v56;
	vm10 =	vmmov vm0  }
0x571: {  	vm1 =	vmmov vm2;
	vm14 =	vmmov vm7;
	v6 =	vor.u32 s31, v55;
	(xrf0) =	vadd.scan.msk.s32 $0xffff, v39;
	v3, _, _ =	vpop (xrf0)  }
0x572: {  	v26 =	vadd.s32 $0xFFFFFFFF, v0;
	(xrf0) =	vadd.scan.msk.s32 $0xffff, v40;
	v24 =	vadd.s32 $0xFFFFFFFF, v2;
	v0 =	vadd.s32 v3, v30;
	v2, _, _ =	vpop (xrf0)  }
0x573: {  	s24 =	simm.s32 $0xF0;
	s25 =	simm.s32 $0x0;
	[tilespmem:v5+s18+$0x0] =	vst.idx.msk vm15, v1;
	(xrf0) =	vadd.scan.msk.s32 $0xffff, v41;
	v30 =	vadd.s32 $0xFFFFFFFF, v0;
	v1 =	vadd.s32 v2, v38;
	v7, _, _ =	vpop (xrf0)  }
.LBB2_16:
0x574: {  	vm0 =	vmmov vm1;
	v2 =	vimm.s32 $0x0  }
0x575: {  	s0 =	sadd.s32 $0xFFFFFF30, s24;
	[tilespmem:v4+s18+$0x0] =	vst.idx.msk vm12, v15;
	v2 =	vsel vm0, $0xFFFFFFFF, v2  }
0x576: {  	v3 =	vor.u32 s0, v55;
	[tilespmem:$0x1FA50] =	vst v2;
	v2 =	vld [tilespmem:$0x1FAA0]  }
0x577: {  	v43 =	vadd.s32 $0xFFFFFFFF, v1;
	v0 =	vadd.s32 v7, v37;
	v1, _, _ =	vpop (xrf0);
	[tilespmem:v4+s19+$0x0] =	vst.idx.msk vm12, v3;
	v3 =	vld [tilespmem:$0x1FAB0]  }
0x578: {  	v37 =	vadd.s32 $0xFFFFFFFF, v0;
	v0 =	vadd.s32 v1, v34  }
0x579: {  	v0 =	vadd.s32 $0xFFFFFFFF, v0;
	_ =	sdelay $0x1  }
0x57a: {  	[tilespmem:v29+s18+$0x0] =	vst.idx.msk vm10, v14;
	v14 =	vld [tilespmem:$0x1FAC0];
	vm0 =	vnez.u8 v2  }
0x57b: {  	[tilespmem:v5+s19+$0x0] =	vst.idx.msk vm15, v6;
	v6 =	vimm.s32 $0x0;
	vm1 =	vmmov vm0;
	vm0 =	vnez.u8 v3  }
0x57c: {  	s23 =	sadd.s32 $0x100, s23;
	v3 =	vimm.s32 $0x0;
	v5 =	vsel vm1, $0xFFFFFFFF, v6;
	vm1 =	vmmov vm0  }
0x57d: {  	v1, _, _ =	vpop (xrf0);
	v40 =	vld [tilespmem:s23+$0xFFFFFF10];
	[tilespmem:v0+s18+$0x0] =	vst.idx.msk vm6, v16;
	v3 =	vsel vm1, $0xFFFFFFFF, v3  }
0x57e: {  	v1 =	vadd.s32 v1, v32;
	v16 =	vld [tilespmem:$0x1FAD0];
	[tilespmem:$0x1FA70] =	vst v3;
	v3 =	vimm.s32 $0x0  }
0x57f: {  	v4 =	vimm.s32 $0x0;
	vm5 =	vnez.u8 v14;
	v2, _, _ =	vpop (xrf0);
	v3 =	vsel vm10, $0xFFFFFFFF, v3  }
0x580: {  	vm0 =	vmmov vm13;
	[tilespmem:$0x1FA40] =	vst v3;
	v3 =	vadd.s32 $0xFFFFFFFF, v1;
	v1 =	vadd.s32 v2, v35;
	v2, _, _ =	vpop (xrf0)  }
0x581: {  	v14 =	vimm.s32 $0x0;
	[tilespmem:$0x1FA60] =	vst v5;
	v4 =	vsel vm0, $0xFFFFFFFF, v4;
	vm0 =	vmmov vm14;
	v5, _, _ =	vpop (xrf0)  }
0x582: {  	vm1 =	vle.f32 v40, v13;
	v14 =	vsel vm0, $0xFFFFFFFF, v14;
	v8, _, _ =	vpop (xrf0)  }
0x583: {  	[tilespmem:v37+s18+$0x0] =	vst.idx.msk vm9, v18;
	v18 =	vmpcnt.ones.xlane vm1;
	vm7 =	vnez.u8 v16;
	v16 =	vld [tilespmem:$0x1FAE0];
	v8 =	vadd.s32 v8, v36  }
0x584: {  	v38 =	vld [tilespmem:s23+$0xFFFFFF20];
	[tilespmem:$0x1FA20] =	vst v14;
	v8 =	vadd.s32 $0xFFFFFFFF, v8  }
0x585: {  	v39 =	vmov v27;
	v46 =	vadd.s32 v27, v18;
	v27 =	vld [tilespmem:$0x1FA20]  }
0x586: {  	v15 =	vld [tilespmem:s23+$0xFFFFFF30];
	[tilespmem:$0x1FA30] =	vst v4;
	v4 =	vadd.s32 $0xFFFFFFFF, v1  }
0x587: {  	v14 =	vld [tilespmem:s23+$0xFFFFFF40];
	v5 =	vadd.s32 v5, v33  }
0x588: {  	[tilespmem:v43+s18+$0x0] =	vst.idx.msk vm14, v21;
	v1 =	vadd.s32 v2, v31;
	v5 =	vadd.s32 $0xFFFFFFFF, v5;
	vm0 =	vnez.u8 v16  }
0x589: {  	v2 =	vor.u32 s24, v55;
	v7 =	vadd.s32 $0xFFFFFFFF, v1;
	[tilespmem:v8+s18+$0x0] =	vst.idx.msk vm4, v25  }
0x58a: {  	v16 =	vimm.s32 $0x0;
	[tilespmem:v8+s19+$0x0] =	vst.idx.msk vm4, v2;
	vm4 =	vnez.u8 v27  }
0x58b: {  	s12 =	sadd.s32 $0xFFFFFF90, s24;
	vm2 =	vle.f32 v38, v13;
	v16 =	vsel vm1, $0xFFFFFFFF, v16;
	[tilespmem:v4+s18+$0x0] =	vst.idx.msk vm7, v19;
	v27 =	vld [tilespmem:$0x1FA30]  }
0x58c: {  	s28 =	sadd.s32 $0xFFFFFFE0, s24;
	vm15 =	vle.f32 v15, v13;
	v31 =	vor.u32 s12, v55;
	vm3 =	vle.f32 v14, v13;
	[tilespmem:$0x1FA80] =	vst v16  }
0x58d: {  	v19 =	vor.u32 s28, v55;
	v16 =	vsel vm1, $0x1, v56;
	[tilespmem:v5+s18+$0x0] =	vst.idx.msk vm11, v23;
	v23 =	vmpcnt.ones.xlane vm2  }
0x58e: {  	(xrf0) =	vadd.scan.msk.s32 $0xffff, v16;
	v16 =	vmpcnt.ones.xlane vm15;
	[tilespmem:v7+s18+$0x0] =	vst.idx.msk vm0, v20;
	v20 =	vsel vm2, $0x1, v56  }
0x58f: {  	v47 =	vadd.s32 v46, v23;
	(xrf0) =	vadd.scan.msk.s32 $0xffff, v20;
	v20 =	vmpcnt.ones.xlane vm3;
	[tilespmem:v7+s19+$0x0] =	vst.idx.msk vm0, v19  }
0x590: {  	v21 =	vld [tilespmem:s23+$0xFFFFFF90];
	v2 =	vadd.s32 v47, v16;
	[tilespmem:v43+s19+$0x0] =	vst.idx.msk vm4, v31;
	vm4 =	vnez.u8 v27  }
0x591: {  	v48 =	vadd.s32 v2, v20;
	v20 =	vld [tilespmem:s23+$0xFFFFFFE0]  }
0x592: {  	[tilespmem:v30+s18+$0x0] =	vst.idx.msk vm13, v22;
	s29 =	sadd.s32 $0xFFFFFFF0, s24  }
0x593: {  	s20 =	sadd.s32 $0xFFFFFFC0, s24;
	[tilespmem:v3+s18+$0x0] =	vst.idx.msk vm5, v17;
	v17 =	vor.u32 s29, v55  }
0x594: {  	s11 =	sadd.s32 $0xFFFFFF80, s24;
	v60 =	vor.u32 s20, v55;
	[tilespmem:v5+s19+$0x0] =	vst.idx.msk vm11, v17  }
0x595: {  	v9 =	vor.u32 s11, v55;
	v17 =	vld [tilespmem:s23+$0xFFFFFFC0];
	[tilespmem:v3+s19+$0x0] =	vst.idx.msk vm5, v60  }
0x596: {  	v22 =	vld [tilespmem:s23+$0xFFFFFF80];
	vm5 =	vle.f32 v20, v13;
	[tilespmem:v30+s19+$0x0] =	vst.idx.msk vm4, v9;
	v9 =	vimm.s32 $0x0  }
0x597: {  	v9 =	vsel vm5, $0xFFFFFFFF, v9  }
0x598: {  	[tilespmem:$0x1FAE0] =	vst v9;
	v9 =	vld [tilespmem:$0x1FA40];
	_ =	sdelay $0x2  }
0x599: {  	v59 =	vld [tilespmem:s23+$0xFFFFFF50]  }
0x59a: {  	v45 =	vld [tilespmem:s23+$0xFFFFFF60]  }
0x59b: {  	v44 =	vld [tilespmem:s23+$0xFFFFFF70];
	vm4 =	vnez.u8 v9  }
0x59c: {  	s13 =	sadd.s32 $0xFFFFFFA0, s24  }
0x59d: {  	s16 =	sadd.s32 $0xFFFFFFB0, s24;
	s26 =	sadd.s32 $0xFFFFFFD0, s24;
	vm8 =	vmmov vm9;
	v57 =	vor.u32 s13, v55;
	v18 =	vld [tilespmem:s23+$0xFFFFFFA0]  }
0x59e: {  	s7 =	sadd.s32 $0xFFFFFF40, s24;
	v58 =	vor.u32 s16, v55;
	v61 =	vor.u32 s26, v55;
	vm1 =	vle.f32 v59, v13  }
0x59f: {  	v6 =	vor.u32 s7, v55;
	vm14 =	vle.f32 v45, v13;
	v8 =	vmpcnt.ones.xlane vm1;
	v16 =	vld [tilespmem:s23+$0xFFFFFFB0]  }
0x5a0: {  	vm13 =	vle.f32 v22, v13;
	vm10 =	vle.f32 v44, v13;
	v23 =	vmpcnt.ones.xlane vm14;
	v19 =	vld [tilespmem:s23+$0xFFFFFFD0]  }
0x5a1: {  	vm12 =	vle.f32 v21, v13;
	v7 =	vadd.s32 v48, v8;
	v8 =	vmpcnt.ones.xlane vm10;
	[tilespmem:v29+s19+$0x0] =	vst.idx.msk vm4, v6;
	v6 =	vld [tilespmem:$0x1FA50]  }
0x5a2: {  	vm9 =	vle.f32 v18, v13;
	[tilespmem:v4+s19+$0x0] =	vst.idx.msk vm7, v61;
	v4 =	vmpcnt.ones.xlane vm13;
	v49 =	vadd.s32 v7, v23  }
0x5a3: {  	vm0 =	vle.f32 v17, v13;
	v3 =	vadd.s32 v49, v8;
	v8 =	vmpcnt.ones.xlane vm12  }
0x5a4: {  	[tilespmem:v0+s19+$0x0] =	vst.idx.msk vm6, v58;
	vm6 =	vle.f32 v16, v13;
	v0 =	vadd.s32 v3, v4;
	v4 =	vmpcnt.ones.xlane vm9  }
0x5a5: {  	[tilespmem:v37+s19+$0x0] =	vst.idx.msk vm8, v57;
	vm8 =	vle.f32 v19, v13;
	v37 =	vadd.s32 v0, v8;
	v8 =	vmpcnt.ones.xlane vm6  }
0x5a6: {  	v34 =	vadd.s32 v37, v4;
	v4 =	vmpcnt.ones.xlane vm0;
	vm7 =	vnez.u8 v6  }
0x5a7: {  	v23 =	vld [tilespmem:s23+$0xFFFFFFF0];
	v32 =	vadd.s32 v34, v8;
	v8 =	vmpcnt.ones.xlane vm8  }
0x5a8: {  	v35 =	vadd.s32 v32, v4  }
0x5a9: {  	v31 =	vadd.s32 v35, v8;
	v8 =	vld [tilespmem:$0x1FA60]  }
0x5aa: {  	v4 =	vmpcnt.ones.xlane vm5  }
0x5ab: {  	s8 =	sadd.s32 $0xFFFFFF50, s24  }
0x5ac: {  	v1 =	vor.u32 s8, v55;
	v25 =	vld [tilespmem:s23+$0x0];
	vm11 =	vle.f32 v23, v13;
	v33 =	vadd.s32 v31, v4;
	[tilespmem:v28+s18+$0x0] =	vst.idx.msk vm7, v12  }
0x5ad: {  	v5, _, _ =	vpop (xrf0);
	v9 =	vsel vm1, $0x1, v56;
	v6 =	vmpcnt.ones.xlane vm11;
	[tilespmem:v28+s19+$0x0] =	vst.idx.msk vm7, v1;
	v1 =	vsel vm15, $0x1, v56  }
0x5ae: {  	v50, _, _ =	vpop (xrf0);
	vm7 =	vnez.u8 v8;
	v8 =	vsel vm3, $0x1, v56;
	(xrf0) =	vadd.scan.msk.s32 $0xffff, v1;
	v1 =	vimm.s32 $0x0  }
0x5af: {  	v36 =	vadd.s32 v33, v6;
	v6 =	vimm.s32 $0x0;
	v1 =	vsel vm14, $0xFFFFFFFF, v1;
	(xrf0) =	vadd.scan.msk.s32 $0xffff, v8  }
0x5b0: {  	v6 =	vsel vm10, $0xFFFFFFFF, v6;
	[tilespmem:$0x1FAA0] =	vst v1;
	v1 =	vsel vm14, $0x1, v56;
	(xrf0) =	vadd.scan.msk.s32 $0xffff, v9  }
0x5b1: {  	vm4 =	vle.f32 v25, v13;
	[tilespmem:$0x1FAB0] =	vst v6;
	v6 =	vsel vm10, $0x1, v56;
	(xrf0) =	vadd.scan.msk.s32 $0xffff, v1  }
0x5b2: {  	v5 =	vadd.s32 v5, v39;
	v4 =	vmpcnt.ones.xlane vm4;
	(xrf0) =	vadd.scan.msk.s32 $0xffff, v6;
	v6 =	vadd.s32 v50, v46  }
0x5b3: {  	v39 =	vadd.s32 $0xFFFFFFFF, v5;
	v5 =	vadd.s32 $0xFFFFFFFF, v6;
	v6 =	vld [tilespmem:$0x1FA70]  }
0x5b4: {  	v27 =	vadd.s32 v36, v4;
	v4 =	vsel vm13, $0x1, v56;
	_ =	sdelay $0x1  }
0x5b5: {  	v30 =	vsel vm0, $0x1, v56;
	vm14 =	vmmov vm12  }
0x5b6: {  	v29 =	vimm.s32 $0x0;
	v9 =	vsel vm6, $0x1, v56;
	v8 =	vsel vm14, $0x1, v56;
	(xrf0) =	vadd.scan.msk.s32 $0xffff, v4;
	v4, _, _ =	vpop (xrf0)  }
0x5b7: {  	v29 =	vsel vm0, $0xFFFFFFFF, v29;
	v28 =	vsel vm9, $0x1, v56;
	(xrf0) =	vadd.scan.msk.s32 $0xffff, v8;
	vm0 =	vnez.u8 v6;
	v6, _, _ =	vpop (xrf0)  }
0x5b8: {  	(xrf0) =	vadd.scan.msk.s32 $0xffff, v28;
	v2 =	vadd.s32 v6, v2;
	v6, _, _ =	vpop (xrf0)  }
0x5b9: {  	(xrf0) =	vadd.scan.msk.s32 $0xffff, v9;
	v9, _, _ =	vpop (xrf0)  }
0x5ba: {  	(xrf0) =	vadd.scan.msk.s32 $0xffff, v30;
	v30 =	vadd.s32 v9, v7;
	v9 =	vld [tilespmem:$0x1FA80];
	_ =	sdelay $0x1  }
0x5bb: {  	s10 =	sadd.s32 $0xFFFFFF60, s24;
	s1 =	sadd.s32 $0xFFFFFF70, s24  }
0x5bc: {  	v42 =	vor.u32 s10, v55;
	v41 =	vor.u32 s1, v55;
	[tilespmem:$0x1FAC0] =	vst v29  }
0x5bd: {  	v62 =	vsel vm8, $0x1, v56;
	v63 =	vsel vm11, $0x1, v56;
	v29 =	vimm.s32 $0x0;
	[tilespmem:v24+s18+$0x0] =	vst.idx.msk vm0, v10  }
0x5be: {  	s24 =	sadd.s32 $0x100, s24;
	v51 =	vsel vm4, $0x1, v56;
	v29 =	vsel vm8, $0xFFFFFFFF, v29;
	[tilespmem:v24+s19+$0x0] =	vst.idx.msk vm0, v41;
	vm0 =	vnez.u8 v9  }
0x5bf: {  	s25 =	sadd.s32 $0x10, s25;
	s30 =	sadd.s32 $0xFFFFFF10, s24;
	[tilespmem:$0x1FAD0] =	vst v29;
	vm10 =	vmmov vm3;
	vm12 =	vmmov vm15;
	vm15 =	vmmov vm2  }
0x5c0: {  	p0 =	slt.u32 s25, $0xF0;
	v12 =	vmovc v59;
	v1 =	vsel vm5, $0x1, v56;
	[tilespmem:v26+s18+$0x0] =	vst.idx.msk vm7, v11;
	v8 =	vor.u32 s30, v55;
	v4 =	vadd.s32 v4, v47  }
.Ltmp12:
0x5c1: {  	s31 =	sadd.s32 $0xFFFFFF20, s24;
	v11 =	vmovc v45;
	[tilespmem:v26+s19+$0x0] =	vst.idx.msk vm7, v42;
	v4 =	vadd.s32 $0xFFFFFFFF, v4;
	v29 =	vadd.s32 $0xFFFFFFFF, v2;
	v2 =	vadd.s32 v6, v48;
	(pc) =	sbr.rel @p0 .LBB2_16-.Ltmp12, $4  }
0x5c2: {  	[tilespmem:v5+s18+$0x0] =	vst.idx.msk vm2, v38;
	v6 =	vor.u32 s31, v55;
	v28 =	vadd.s32 $0xFFFFFFFF, v2;
	v7, _, _ =	vpop (xrf0);
	(xrf0) =	vadd.scan.msk.s32 $0xffff, v62  }
0x5c3: {  	v26 =	vadd.s32 $0xFFFFFFFF, v30;
	v10 =	vmov v44;
	v9 =	vadd.s32 v7, v49;
	v7, _, _ =	vpop (xrf0);
	(xrf0) =	vadd.scan.msk.s32 $0xffff, v1  }
0x5c4: {  	v24 =	vadd.s32 $0xFFFFFFFF, v9;
	v1 =	vadd.s32 v7, v3;
	v2, _, _ =	vpop (xrf0);
	(xrf0) =	vadd.scan.msk.s32 $0xffff, v63;
	[tilespmem:v39+s18+$0x0] =	vst.idx.msk vm0, v40  }
0x5c5: {  	v30 =	vadd.s32 $0xFFFFFFFF, v1;
	v1 =	vadd.s32 v2, v0;
	v7, _, _ =	vpop (xrf0);
	(xrf0) =	vadd.scan.msk.s32 $0xffff, v51;
	[tilespmem:v39+s19+$0x0] =	vst.idx.msk vm0, v8  }
0x5c6: {  	_ =	sdelay $0x4  }
0x5c7: {  	[tilespmem:v5+s19+$0x0] =	vst.idx.msk vm15, v6;
	v0 =	vadd.s32 $0xFFFFFFFF, v1;
	v1 =	vadd.s32 v7, v37;
	v2, _, _ =	vpop (xrf0)  }
0x5c8: {  	[tilespmem:v4+s18+$0x0] =	vst.idx.msk vm12, v15;
	v1 =	vadd.s32 $0xFFFFFFFF, v1;
	v2 =	vadd.s32 v2, v34  }
0x5c9: {  	s0 =	sadd.s32 $0xFFFFFF30, s24;
	[tilespmem:v29+s18+$0x0] =	vst.idx.msk vm10, v14;
	v2 =	vadd.s32 $0xFFFFFFFF, v2  }
0x5ca: {  	[tilespmem:v30+s18+$0x0] =	vst.idx.msk vm13, v22;
	v3 =	vor.u32 s0, v55  }
0x5cb: {  	[tilespmem:v4+s19+$0x0] =	vst.idx.msk vm12, v3  }
0x5cc: {  	[tilespmem:v0+s18+$0x0] =	vst.idx.msk vm14, v21  }
0x5cd: {  	[tilespmem:v1+s18+$0x0] =	vst.idx.msk vm9, v18  }
0x5ce: {  	[tilespmem:v2+s18+$0x0] =	vst.idx.msk vm6, v16  }
0x5cf: {  	v8 =	vld [tilespmem:$0x1FAC0];
	_ =	sdelay $0x3  }
0x5d0: {  	v5, _, _ =	vpop (xrf0)  }
0x5d1: {  	v3 =	vadd.s32 v5, v32;
	vm3 =	vnez.u8 v8  }
0x5d2: {  	v3 =	vadd.s32 $0xFFFFFFFF, v3;
	_ =	sdelay $0x4  }
0x5d3: {  	[tilespmem:v3+s18+$0x0] =	vst.idx.msk vm3, v17  }
0x5d4: {  	v61 =	vld [tilespmem:$0x1FAD0];
	_ =	sdelay $0x3  }
0x5d5: {  	v4, _, _ =	vpop (xrf0)  }
0x5d6: {  	v4 =	vadd.s32 v4, v35;
	vm8 =	vnez.u8 v61  }
0x5d7: {  	v4 =	vadd.s32 $0xFFFFFFFF, v4;
	_ =	sdelay $0x2  }
0x5d8: {  	v5, _, _ =	vpop (xrf0)  }
0x5d9: {  	v6, _, _ =	vpop (xrf0)  }
0x5da: {  	v6 =	vadd.s32 v6, v33;
	v7, _, _ =	vpop (xrf0);
	[tilespmem:v4+s18+$0x0] =	vst.idx.msk vm8, v19  }
0x5db: {  	v6 =	vadd.s32 $0xFFFFFFFF, v6;
	v7 =	vadd.s32 v7, v36;
	v62 =	vld [tilespmem:$0x1FAE0]  }
0x5dc: {  	v7 =	vadd.s32 $0xFFFFFFFF, v7;
	_ =	sdelay $0x3  }
0x5dd: {  	v5 =	vadd.s32 v5, v31;
	[tilespmem:v6+s18+$0x0] =	vst.idx.msk vm11, v23;
	vm5 =	vnez.u8 v62  }
0x5de: {  	v63 =	vor.u32 s24, v55;
	s8 =	sadd.s32 $0xFFFFFFF0, s24;
	v5 =	vadd.s32 $0xFFFFFFFF, v5;
	[tilespmem:v7+s18+$0x0] =	vst.idx.msk vm4, v25  }
0x5df: {  	s10 =	sadd.s32 $0xFFFFFFD0, s24;
	v9 =	vor.u32 s8, v55;
	[tilespmem:v7+s19+$0x0] =	vst.idx.msk vm4, v63  }
0x5e0: {  	vm0 =	vmmov vm9;
	s12 =	sadd.s32 $0xFFFFFFB0, s24;
	[tilespmem:v6+s19+$0x0] =	vst.idx.msk vm11, v9;
	v6 =	vor.u32 s10, v55  }
0x5e1: {  	[tilespmem:v4+s19+$0x0] =	vst.idx.msk vm8, v6;
	v4 =	vor.u32 s12, v55  }
0x5e2: {  	s1 =	sadd.s32 $0xFFFFFFE0, s24;
	[tilespmem:v2+s19+$0x0] =	vst.idx.msk vm6, v4  }
0x5e3: {  	s11 =	sadd.s32 $0xFFFFFFC0, s24;
	v7 =	vor.u32 s1, v55;
	[tilespmem:v5+s18+$0x0] =	vst.idx.msk vm5, v20  }
0x5e4: {  	s13 =	sadd.s32 $0xFFFFFFA0, s24;
	[tilespmem:v5+s19+$0x0] =	vst.idx.msk vm5, v7;
	v5 =	vor.u32 s11, v55  }
0x5e5: {  	[tilespmem:v3+s19+$0x0] =	vst.idx.msk vm3, v5;
	v3 =	vor.u32 s13, v55  }
0x5e6: {  	v2 =	vld [tilespmem:$0x1FAA0];
	[tilespmem:v1+s19+$0x0] =	vst.idx.msk vm0, v3  }
0x5e7: {  	v1 =	vld [tilespmem:$0x1FAF0];
	_ =	sdelay $0x2  }
0x5e8: {  	s16 =	sadd.s32 $0xFFFFFF90, s24  }
0x5e9: {  	vm11 =	vnez.u8 v2;
	v2 =	vor.u32 s16, v55  }
0x5ea: {  	vm9 =	vmmov vm1;
	vm12 =	vnez.u8 v1;
	[tilespmem:v0+s19+$0x0] =	vst.idx.msk vm14, v2  }
0x5eb: {  	vm3 =	vmmov vm11;
	v1 =	vnsel vm12, $0x0, v27;
	v0 =	vld [tilespmem:$0x1FAB0]  }
0x5ec: {  	(xrf0) =	vadd.scan.msk.s32 $0xffff, v1;
	_ =	sdelay $0x1  }
0x5ed: {  	s26 =	sadd.s32 $0xFFFFFF60, s24  }
0x5ee: {  	v1 =	vor.u32 s26, v55  }
0x5ef: {  	[tilespmem:v28+s18+$0x0] =	vst.idx.msk vm9, v12;
	vm15 =	vnez.u8 v0  }
0x5f0: {  	s23 =	sadd.s32 $0xFFFFFF40, s24;
	[tilespmem:v26+s18+$0x0] =	vst.idx.msk vm3, v11;
	vm0 =	vmmov vm15  }
0x5f1: {  	s25 =	sadd.s32 $0xFFFFFF50, s24;
	v0 =	vor.u32 s23, v55;
	[tilespmem:v26+s19+$0x0] =	vst.idx.msk vm3, v1;
	v1, _, _ =	vpop (xrf0)  }
0x5f2: {  	[tilespmem:v29+s19+$0x0] =	vst.idx.msk vm10, v0;
	v0 =	vor.u32 s25, v55;
	(v2sf) =	vpush v1, $0xF  }
0x5f3: {  	s20 =	sadd.s32 $0xFFFFFF80, s24;
	[tilespmem:v28+s19+$0x0] =	vst.idx.msk vm9, v0;
	v0 =	vadd.s32 v55, v27  }
0x5f4: {  	v3 =	vor.u32 s20, v55  }
0x5f5: {  	s28 =	sadd.s32 $0xFFFFFF70, s24;
	[tilespmem:v30+s19+$0x0] =	vst.idx.msk vm13, v3  }
0x5f6: {  	v2 =	vor.u32 s28, v55;
	[tilespmem:v24+s18+$0x0] =	vst.idx.msk vm0, v10  }
0x5f7: {  	[tilespmem:v24+s19+$0x0] =	vst.idx.msk vm0, v2  }
0x5f8: {  	[tilespmem:v0+s18+$0x0] =	vst.idx.msk $0xffff, v52  }
0x5f9: {  	[tilespmem:v0+s19+$0x0] =	vst.idx.msk $0xffff, v56  }
0x5fa: {  	v0 =	vld [tilespmem:$0xC010]  }
0x5fb: {  	v1 =	vld [tilespmem:$0xD020];
	_ =	sdelay $0x4  }
0x5fc: {  	(xrf1) =	vsort.ascd.msk.f32 $0xffff, v0, v1  }
0x5fd: {  	s29 =	spop (v2sf)  }
0x5fe: {  	s0 =	sadd.s32 $0xF, s29  }
0x5ff: {  	s30 =	sand.u32 $0xF, s0  }
0x600: {  	s6 =	sshra.s32 s0, $0x1F;
	p0 =	slt.s32 s0, $0x1;
	p1 =	sne.s32 s30, $0x0  }
0x601: {  	s31 =	sshrl.u32 s6, $0x1C;
	p0 =	por !p0, !p1  }
0x602: {  	s1 =	simm.s32 $0x1;
	s0 =	sadd.s32 s31, s0;
	p0 =	por !p0, !p0  }
0x603: {  	s0 =	sshra.s32 s0, $0x4;
	s1 =	simm.s32 @!p0 $0x0  }
0x604: {  	s1 =	ssub.s32 s0, s1  }
0x605: {  	p1 =	slt.s32 s1, $0x2  }
.Ltmp13:
0x606: {  	_ = 	snop;
	(pc) =	sbr.rel @p1 .LBB2_18-.Ltmp13, $2  }
0x607: {  	_ =	sdelay $0x2  }
0x608: {  	vm7 =	vmmov vm14;
	vm2 =	vmmov vm13;
	vm8 =	vmmov vm9;
	v4, v1, _ =	vpop (xrf1)  }
0x609: {  	s1 =	simm.s32 $0xFFFFFFFF  }
0x60a: {  	s1 =	simm.s32 @!p0 $0x0  }
0x60b: {  	s0 =	sadd.s32 s1, s0  }
0x60c: {  	s0 =	sadd.s32 $0xFFFFFFFF, s0  }
0x60d: {  	p2 =	sne.s32 s0, $0x1  }
.Ltmp14:
0x60e: {  	_ = 	snop;
	(pc) =	sbr.rel @!p2 .LBB2_20-.Ltmp14, $4  }
0x60f: {  	_ = 	snop  }
0x610: {  	s31 =	simm.s32 $0xC020  }
0x611: {  	s6 =	simm.s32 $0xD030;
	v6 =	vld [tilespmem:s31+$0x0]  }
0x612: {  	p1 =	por $0x0, $0x0;
	v7 =	vld [tilespmem:s6+$0x0];
	p0 =	por $0x0, $0x0;
	s0 =	sadd.s32 $0xFFFFFFFF, s0  }
0x613: {  	p2 =	sne.s32 s0, $0x1  }
.Ltmp15:
0x614: {  	_ = 	snop;
	(pc) =	sbr.rel @!p2 .LBB2_22-.Ltmp15, $4  }
0x615: {  	_ = 	snop  }
0x616: {  	s1 =	simm.s32 $0xC030  }
0x617: {  	s31 =	simm.s32 $0xD040;
	(xrf1) =	vsort.ascd.msk.f32 $0xffff, v6, v7;
	v6 =	vld [tilespmem:s1+$0x0]  }
0x618: {  	s6 =	sadd.s32 $0xFFFFFFFF, s0;
	v5 =	vmul.u32 $0xFFFFFFFF, v55;
	p0 =	por $0x1, $0x1;
	v7 =	vld [tilespmem:s31+$0x0]  }
0x619: {  	_ =	sdelay $0xb  }
0x61a: {  	v0 =	vadd.s32 $0xF, v5;
	v2, v3, _ =	vpop (xrf1)  }
0x61b: {  	v2 =	vperm.xlane v2, v0  }
0x61c: {  	v0 =	vperm.xlane v3, v0  }
0x61d: {  	(xrf1) =	vsort.ascd.msk.f32 $0xffff, v6, v7;
	vm0 =	vle.f32 v4, v2  }
0x61e: {  	v2 =	vsel vm0, v4, v2;
	v0 =	vsel vm0, v1, v0  }
0x61f: {  	(xrf1) =	vsort.ascd.msk.f32 $0xffff, v2, v0;
	_ =	sdelay $0x4  }
0x620: {  	p2 =	sne.s32 s6, $0x1;
	v0 =	vld [tilespmem:$0x1FA90]  }
.Ltmp16:
0x621: {  	_ = 	snop;
	(pc) =	sbr.rel @!p2 .LBB2_25-.Ltmp16, $4  }
0x622: {  	_ = 	snop  }
0x623: {  	s0 =	simm.s32 $0xC040  }
0x624: {  	s1 =	simm.s32 $0xD050;
	v6 =	vld [tilespmem:s0+$0x0]  }
0x625: {  	s6 =	sadd.s32 $0xFFFFFFFF, s6;
	p1 =	por $0x1, $0x1;
	v7 =	vld [tilespmem:s1+$0x0];
	vm1 =	vnez.u8 v0  }
.LBB2_24:
0x626: {  	p2 =	sne.s32 s6, $0x1  }
0x627: {  	v0 =	vadd.s32 $0xF, v5;
	v2, v3, _ =	vpop (xrf1)  }
0x628: {  	v2 =	vperm.xlane v2, v0  }
0x629: {  	v0 =	vperm.xlane v3, v0;
	v3, v8, _ =	vpop (xrf1)  }
0x62a: {  	(xrf1) =	vsort.ascd.msk.f32 $0xffff, v6, v7;
	vm0 =	vle.f32 v3, v2  }
0x62b: {  	v2 =	vsel vm0, v3, v2;
	v0 =	vsel vm0, v8, v0  }
0x62c: {  	(xrf1) =	vsort.ascd.msk.f32 $0xffff, v2, v0;
	_ =	sdelay $0x5  }
.Ltmp17:
0x62d: {  	(pc) =	sbr.rel @p2 .LBB2_24-.Ltmp17, $4  }
0x62e: {  	_ = 	snop  }
0x62f: {  	s0 =	sadd.s32 $0x10, s0  }
0x630: {  	s1 =	sadd.s32 $0x10, s1;
	v6 =	vld [tilespmem:s0+$0x0]  }
0x631: {  	s6 =	sadd.s32 $0xFFFFFFFF, s6;
	v7 =	vld [tilespmem:s1+$0x0]  }
.LBB2_25:
0x632: {  	_ =	sdelay $0x1  }
0x633: {  	v0 =	vadd.s32 @p0 $0xF, v5;
	v2, v3, _ =	vpop @p0 (xrf1)  }
0x634: {  	v2 =	vperm.xlane @p0 v2, v0;
	v5, v8, _ =	vpop @p1 (xrf1)  }
0x635: {  	v0 =	vperm.xlane @p0 v3, v0;
	v3 =	vpsel p1, v5, v4  }
0x636: {  	v5 =	vpsel p1, v8, v1;
	vm0 =	vle.f32 @p0 v3, v2  }
0x637: {  	(xrf1) =	vsort.ascd.msk.f32 $0xffff, v6, v7;
	v2 =	vsel @p0 vm0, v3, v2;
	v0 =	vsel @p0 vm0, v5, v0  }
0x638: {  	(xrf1) =	vsort.ascd.msk.f32 @p0 $0xffff, v2, v0;
	_ =	sdelay $0xa  }
0x639: {  	v0 =	vmul.u32 $0xFFFFFFFF, v55;
	_ =	sdelay $0x1  }
0x63a: {  	v0 =	vadd.s32 $0xF, v0;
	v2, v3, _ =	vpop (xrf1)  }
0x63b: {  	v2 =	vperm.xlane v2, v0;
	v5, v6, _ =	vpop @p0 (xrf1)  }
0x63c: {  	v0 =	vperm.xlane v3, v0;
	v3 =	vpsel p0, v5, v4  }
0x63d: {  	v1 =	vpsel p0, v6, v1;
	vm0 =	vle.f32 v3, v2  }
0x63e: {  	v2 =	vsel vm0, v3, v2;
	v0 =	vsel vm0, v1, v0  }
0x63f: {  	(xrf1) =	vsort.ascd.msk.f32 $0xffff, v2, v0;
	_ =	sdelay $0x9  }
.Ltmp18:
0x640: {  	_ = 	snop;
	(pc) =	sbr.rel .LBB2_26-.Ltmp18, $2  }
0x641: {  	_ =	sdelay $0x2  }
0x642: {  	v0, v1, _ =	vpop (xrf1)  }
.LBB2_18:
0x643: {  	v0 =	vld [tilespmem:$0x1FA90];
	_ =	sdelay $0x4  }
0x644: {  	vm1 =	vnez.u8 v0  }
.LBB2_26:
0x645: {  	p0 =	seq.s32 s21, $0x0  }
.Ltmp19:
0x646: {  	_ = 	snop;
	(pc) =	sbr.rel @!p0 .LBB2_27-.Ltmp19, $4  }
.Ltmp20:
0x647: {  	_ = 	snop;
	(pc) =	sbr.rel @p0 .LBB2_28-.Ltmp20, $4  }
0x648: {  	_ = 	snop  }
0x649: {  	s0 =	sadd.s32 $0xE430, s22  }
0x64a: {  	[tilespmem:s0], [sflag:$0x1] =	stream.indirect_vreg.gather [hbm4b:s4+s3], $0x40, v1, vm1, $0xb8;
	[tilespmem:$0x11030] =	vst v63  }
0x64b: {  	_ = 	snop  }
.LBB2_9:
.Ltmp21:
0x64c: {  	(pc) =	sbr.rel .LBB2_14-.Ltmp21, $2  }
0x64d: {  	_ =	sdelay $0x2  }
0x64e: {  	_ = 	snop  }
.LBB2_20:
0x64f: {  	v0 =	vld [tilespmem:$0x1FA90]  }
.Ltmp22:
0x650: {  	_ = 	snop;
	(pc) =	sbr.rel .LBB2_25-.Ltmp22, $2  }
0x651: {  	_ =	sdelay $0x2  }
0x652: {  	vm1 =	vnez.u8 v0  }
.LBB2_11:
.Ltmp23:
0x653: {  	(pc) =	sbr.rel .LBB2_14-.Ltmp23, $2  }
0x654: {  	_ =	sdelay $0x2  }
0x655: {  	_ = 	snop  }
.LBB2_22:
0x656: {  	v0 =	vld [tilespmem:$0x1FA90]  }
.Ltmp24:
0x657: {  	_ = 	snop;
	(pc) =	sbr.rel .LBB2_25-.Ltmp24, $2  }
0x658: {  	_ =	sdelay $0x2  }
0x659: {  	vm1 =	vnez.u8 v0  }
.LBB2_30:
0x65a: {  	_ =	sfence.sel $0x180000  }
0x65b: {  	[bflag:$0x0] =	sbarrier.arrive $0xFFFF  }
0x65c: {  	_ =	strace $0x90000047  }
0x65d: {  	s0 =	stileid.u32;
	[bflag:$0x2] =	sbarrier.arrive $0xFFFF  }
0x65e: {  	p0 =	sne.s32 s0, $0x0;
	s0 =	rddreg [dreg:$0x2]  }
0x65f: {  	s0 =	sadd.s32 @!p0 $0x100000, s0  }
0x660: {  	[sflag:s0] =	ssyncadd.tile.s32 @!p0 $0x1;
	_ =	shalt  }
.Lfunc_end2:
_tile_overlayer_lowered:
.L_overlay_start_2:
0x661: {  	(tag) =	ssettag $0x2  }
0x662: {  	s0 =	rddreg [dreg:$0x0];
	s2 =	stileid.u32  }
0x663: {  	s1 =	rddreg [dreg:$0x1];
	p0 =	sne.s32 s2, $0x0  }
0x664: {  	s3 =	rddreg [dreg:$0x2];
	[bflag:$0x3] =	sbarrier.arrive $0xFFFF;
	s2 =	simm.s32 @!p0 $0x1C03  }
0x665: {  	[timem:s3], [sflag:s2] =	dma.local @!p0 [hbm:s0], s1  }
0x666: {  	s0 =	simm.s32 @!p0 $0x3  }
0x667: {  	_ =	swait.ge @!p0 [sflag:s0], s1  }
0x668: {  	s1 =	ssub.s32 @!p0 $0x0, s1;
	[sflag:s0] =	ssyncset.done @!p0 $0x0  }
0x669: {  	[sflag:s0] =	ssyncadd.s32 @!p0 s1  }
0x66a: {  	[bflag:$0x3] =	sbarrier.arrive $0xFFFF  }
0x66b: {  	_ =	shalt  }

</sc_bundles>
